<compile_context>
chip_gen: v7x
topology: tpu7x:2x2x1
jax: 0.10.2.dev20260603
libtpu: 0.0.44.dev20260713+nightly
codegen_flags: <defaults>
</compile_context>

<pallas_src>
import functools

import jax
import jax.numpy as jnp
from jax import lax
from jax.experimental import pallas as pl
from jax.experimental.pallas import tpu as pltpu
from jax.experimental.pallas import tpu_sc as plsc

N = 10000
N_PAD = 10240
E = 320000
E_PAD = 323584
G = 8
EMB = 128
TBL = 256
BN = 1024
BE = 1024


def _dotT(x, w):
    return lax.dot_general(x, w, (((1,), (1,)), ((), ())),
                           preferred_element_type=jnp.float32)


def _silu(x):
    return x * jax.nn.sigmoid(x)


def _artanh(x):
    x = jnp.clip(x, -1.0 + 1e-7, 1.0 - 1e-7)
    return 0.5 * (jnp.log1p(x) - jnp.log1p(-x))


def _rownorm(x):
    return jnp.clip(jnp.sqrt(jnp.sum(x * x, axis=-1, keepdims=True)), 1e-15)


def _prep_body(time_ref, tm0wT, tm0b, tm1w, tm1b, tp0w, tp0b, tp1w, tp1b,
               temb0_o, temb1_o):
    t1 = _silu(time_ref[...] * tm0wT[...] + tm0b[...])
    t = _dotT(t1, tm1w[...]) + tm1b[...]
    st = _silu(t)
    temb0_o[...] = _dotT(st, tp0w[...]) + tp0b[...]
    temb1_o[...] = _dotT(st, tp1w[...]) + tp1b[...]


def _pre_body(x_ref, ex_ref, pos_ref, hypw, feats_o, tab_o):
    xc = jnp.concatenate([x_ref[...], ex_ref[...]], axis=-1)
    un = _rownorm(xc)
    u1 = jnp.tanh(un) * xc / un
    n = _rownorm(u1)
    maxn = 1.0 - 4e-3
    xh = jnp.where(n > maxn, u1 / n * maxn, u1)
    xn = _rownorm(xh)
    mx = _dotT(xh, hypw[...])
    mxn = _rownorm(mx)
    hv = jnp.tanh(mxn / xn * _artanh(xn)) * mx / mxn
    n2 = _rownorm(hv)
    hv = jnp.where(n2 > maxn, hv / n2 * maxn, hv)
    pn = _rownorm(hv)
    h = _artanh(pn) * hv / pn
    feats_o[...] = h
    z = jnp.zeros((h.shape[0], TBL - EMB - 3), jnp.float32)
    tab_o[...] = jnp.concatenate([h, pos_ref[...], z], axis=-1)


def _edge_body(fr_ref, fc_ref, rl_ref, s_ref, we, be, w1, b1, w2, b2, m2_o):
    ea = _dotT(s_ref[...], we[...]) + be[...]
    e_in = jnp.concatenate([fr_ref[0], fc_ref[0], rl_ref[0][:, :1], ea],
                           axis=-1)
    m1 = _dotT(e_in, w1[...]) + b1[...]
    m = _silu(m1)
    m2_o[...] = _silu(_dotT(m, w2[...]) + b2[...])


def _node_body(feats_ref, agga_ref, aggb_ref, coors_ref, batch_ref, temb,
               wn0, bn0, wn1, bn1, wl1, bl1, lng, lnb, wl2, bl2,
               *rest, final):
    feats = feats_ref[...]
    agg = agga_ref[...] + aggb_ref[...]
    hin = jnp.concatenate([feats, agg], axis=-1)
    hm = _silu(_dotT(hin, wn0[...]) + bn0[...])
    h2 = _dotT(hm, wn1[...]) + bn1[...]
    f_out = feats + h2
    coors = coors_ref[...]
    nsq = (jnp.sum(coors * coors, axis=-1, keepdims=True)
           + jnp.sum(f_out * f_out, axis=-1, keepdims=True))
    un = jnp.clip(jnp.sqrt(nsq), 1e-15)
    fac = jnp.tanh(un) / un
    corr = coors * fac
    f2 = f_out * fac
    iot = lax.broadcasted_iota(jnp.int32, (f2.shape[0], G), 1)
    oh = (batch_ref[...] == iot).astype(jnp.float32)
    st = jnp.dot(oh, temb[...], preferred_element_type=jnp.float32,
                 precision=lax.Precision.HIGHEST)
    scale = st[:, :EMB]
    shift = st[:, EMB:]
    f3 = f2 * (scale + 1.0) + shift
    f = _silu(_dotT(f3, wl1[...]) + bl1[...])
    mu = jnp.mean(f, axis=-1, keepdims=True)
    var = jnp.mean((f - mu) * (f - mu), axis=-1, keepdims=True)
    fn = (f - mu) / jnp.sqrt(var + 1e-5) * lng[...] + lnb[...]
    f4 = _dotT(fn, wl2[...]) + bl2[...]
    if final:
        wlin, blin, out_o = rest
        out_o[...] = _dotT(f4, wlin[...]) + blin[...]
    else:
        feats_o, corr_o, tab_o = rest
        feats_o[...] = f4
        corr_o[...] = corr
        z = jnp.zeros((f4.shape[0], TBL - EMB - 3), jnp.float32)
        tab_o[...] = jnp.concatenate([f4, corr, z], axis=-1)


def _full(a):
    return pl.BlockSpec(a.shape, lambda i: (0,) * a.ndim)


def _blk(shape):
    return pl.BlockSpec(shape, lambda i: (i,) + (0,) * (len(shape) - 1))


def _pad_rows(a, n):
    return jnp.pad(a, ((0, n - a.shape[0]),) + ((0, 0),) * (a.ndim - 1))


NC = 2
NS = 16
NW = NC * NS
EPW = E_PAD // NW
EB = 128
NBLK = EPW // EB
GB = 32
GNB = EPW // GB
NPT = N_PAD // NS


def _sc_mesh():
    return plsc.VectorSubcoreMesh(core_axis_name="c", subcore_axis_name="s")


def _gather_pairs(tab, row, col):
    @functools.partial(
        pl.kernel,
        out_type=jax.ShapeDtypeStruct((3, E_PAD, EMB), jnp.float32),
        mesh=_sc_mesh(),
        scratch_types=[
            pltpu.VMEM((EPW,), jnp.int32),
            pltpu.VMEM((EPW,), jnp.int32),
            pltpu.VMEM((GB, TBL), jnp.float32),
            pltpu.VMEM((GB, TBL), jnp.float32),
            pltpu.VMEM((GB, TBL), jnp.float32),
            pltpu.VMEM((GB, TBL), jnp.float32),
            pltpu.VMEM((GB, EMB), jnp.float32),
            pltpu.VMEM((GB, EMB), jnp.float32),
            pltpu.VMEM((GB, EMB), jnp.float32),
            pltpu.VMEM((GB, EMB), jnp.float32),
            pltpu.VMEM((GB, EMB), jnp.float32),
            pltpu.VMEM((GB, EMB), jnp.float32),
            pltpu.SemaphoreType.DMA,
            pltpu.SemaphoreType.DMA,
            pltpu.SemaphoreType.DMA,
            pltpu.SemaphoreType.DMA,
            pltpu.SemaphoreType.DMA,
            pltpu.SemaphoreType.DMA,
        ],
    )
    def gk(tab_h, row_h, col_h, out_h,
           idxr_all, idxc_all, bufr0, bufc0, bufr1, bufc1,
           obr0, obc0, obl0, obr1, obc1, obl1,
           semr0, semc0, semr1, semc1, semo0, semo1):
        wid = lax.axis_index("s") * NC + lax.axis_index("c")
        base = wid * EPW
        pltpu.sync_copy(row_h.at[pl.ds(base, EPW)], idxr_all)
        pltpu.sync_copy(col_h.at[pl.ds(base, EPW)], idxc_all)
        bufs = ((bufr0, bufc0, (obr0, obc0, obl0), semr0, semc0, semo0),
                (bufr1, bufc1, (obr1, obc1, obl1), semr1, semc1, semo1))

        def issue(g, s):
            br, bc, _, sr, sc_, _ = bufs[s]
            pltpu.async_copy(tab_h.at[idxr_all.at[pl.ds(g * GB, GB)]], br, sr)
            pltpu.async_copy(tab_h.at[idxc_all.at[pl.ds(g * GB, GB)]], bc, sc_)

        def wait_in(s):
            br, bc, _, sr, sc_, _ = bufs[s]
            pltpu.make_async_copy(tab_h.at[idxr_all.at[pl.ds(0, GB)]],
                                  br, sr).wait()
            pltpu.make_async_copy(tab_h.at[idxc_all.at[pl.ds(0, GB)]],
                                  bc, sc_).wait()

        def compute(s):
            br, bc, (obr, obc, obl), *_ = bufs[s]

            def edge(e, c2):
                d = br[e, pl.ds(EMB, 16)] - bc[e, pl.ds(EMB, 16)]
                sq = d * d
                rd = sq[0] + sq[1] + sq[2]
                for j in range(8):
                    obr[e, pl.ds(j * 16, 16)] = br[e, pl.ds(j * 16, 16)]
                    obc[e, pl.ds(j * 16, 16)] = bc[e, pl.ds(j * 16, 16)]
                obl[e, pl.ds(0, 16)] = jnp.broadcast_to(rd, (16,))
                return c2

            lax.fori_loop(0, GB, edge, 0, unroll=2)

        def write(g, s):
            (obr, obc, obl), so = bufs[s][2], bufs[s][5]
            pltpu.async_copy(obr, out_h.at[0, pl.ds(base + g * GB, GB)], so)
            pltpu.async_copy(obc, out_h.at[1, pl.ds(base + g * GB, GB)], so)
            pltpu.async_copy(obl, out_h.at[2, pl.ds(base + g * GB, GB)], so)

        def wait_out(s):
            (obr, obc, obl), so = bufs[s][2], bufs[s][5]
            pltpu.make_async_copy(obr, out_h.at[0, pl.ds(0, GB)], so).wait()
            pltpu.make_async_copy(obc, out_h.at[1, pl.ds(0, GB)], so).wait()
            pltpu.make_async_copy(obl, out_h.at[2, pl.ds(0, GB)], so).wait()

        issue(0, 0)
        issue(1, 1)

        def body(it, carry):
            g = it * 2

            def phase(s, gg):
                wait_in(s)

                @pl.when(it > 0)
                def _():
                    wait_out(s)

                compute(s)
                write(gg, s)

                @pl.when(gg + 2 < GNB)
                def _():
                    issue(gg + 2, s)

            phase(0, g)
            phase(1, g + 1)
            return carry

        lax.fori_loop(0, GNB // 2, body, 0)
        wait_out(0)
        wait_out(1)

    return gk(tab, row, col)


def _segsum(m2, row):
    @functools.partial(
        pl.kernel,
        out_type=jax.ShapeDtypeStruct((NC, N_PAD, EMB), jnp.float32),
        mesh=_sc_mesh(),
        scratch_types=[
            pltpu.VMEM((EB,), jnp.int32),
            pltpu.VMEM((EB, EMB), jnp.float32),
            pltpu.VMEM_SHARED((N_PAD, EMB), jnp.float32),
        ],
    )
    def sk(m2_h, row_h, out_h, idx, buf, acc):
        c = lax.axis_index("c")
        s = lax.axis_index("s")
        wid = s * NC + c
        base = wid * EPW

        def zr(r, carry):
            for j in range(8):
                buf[r, pl.ds(j * 16, 16)] = jnp.zeros((16,), jnp.float32)
            return carry

        lax.fori_loop(0, EB, zr, 0)
        for k in range(NPT // EB):
            pltpu.sync_copy(buf, acc.at[pl.ds(s * NPT + k * EB, EB)])
        plsc.subcore_barrier()

        def blk(i, carry):
            off = base + i * EB
            pltpu.sync_copy(row_h.at[pl.ds(off, EB)], idx)
            pltpu.sync_copy(m2_h.at[pl.ds(off, EB)], buf)
            pltpu.sync_copy(buf, acc.at[idx], add=True)
            return carry

        lax.fori_loop(0, NBLK, blk, 0)
        plsc.subcore_barrier()
        pltpu.sync_copy(acc.at[pl.ds(s * NPT, NPT)],
                        out_h.at[c, pl.ds(s * NPT, NPT)])

    out = sk(m2, row)
    return out[0], out[1]


def _segsum_jnp(m2, row):
    agg = jax.ops.segment_sum(m2, row, num_segments=N_PAD)
    return agg, jnp.zeros_like(agg)


def kernel(x, pos, extra_x, edge_index, edge_attr, batch, time, params):
    f32 = jnp.float32
    lyr = params["layers"]
    w1 = [l["edge_mlp"][0]["w"] for l in lyr]
    b1 = [l["edge_mlp"][0]["b"].reshape(1, EMB) for l in lyr]
    w2 = [l["edge_mlp"][1]["w"] for l in lyr]
    b2 = [l["edge_mlp"][1]["b"].reshape(1, EMB) for l in lyr]
    wn0 = [l["node_mlp"][0]["w"] for l in lyr]
    bn0 = [l["node_mlp"][0]["b"].reshape(1, EMB) for l in lyr]
    wn1 = [l["node_mlp"][1]["w"] for l in lyr]
    bn1 = [l["node_mlp"][1]["b"].reshape(1, EMB) for l in lyr]
    wl1 = [l["ff"]["l1"]["w"] for l in lyr]
    bl1 = [l["ff"]["l1"]["b"].reshape(1, EMB) for l in lyr]
    lng = [l["ff"]["ln_g"].reshape(1, EMB) for l in lyr]
    lnb = [l["ff"]["ln_b"].reshape(1, EMB) for l in lyr]
    wl2 = [l["ff"]["l2"]["w"] for l in lyr]
    bl2 = [l["ff"]["l2"]["b"].reshape(1, EMB) for l in lyr]

    temb0, temb1 = pl.pallas_call(
        _prep_body,
        out_shape=[
            jax.ShapeDtypeStruct((G, 2 * EMB), f32),
            jax.ShapeDtypeStruct((G, 2 * EMB), f32),
        ],
    )(time,
      params["time_mlp"][0]["w"].reshape(1, -1),
      params["time_mlp"][0]["b"].reshape(1, -1),
      params["time_mlp"][1]["w"], params["time_mlp"][1]["b"].reshape(1, -1),
      lyr[0]["time_proj"]["w"], lyr[0]["time_proj"]["b"].reshape(1, -1),
      lyr[1]["time_proj"]["w"], lyr[1]["time_proj"]["b"].reshape(1, -1))

    x_p = _pad_rows(x, N_PAD)
    ex_p = _pad_rows(extra_x, N_PAD)
    pos_p = _pad_rows(pos, N_PAD)
    batch_p = _pad_rows(batch.reshape(N, 1), N_PAD)
    npad = E_PAD - E
    fill = N + (jnp.arange(npad, dtype=jnp.int32) % (N_PAD - N))
    row_p = jnp.concatenate([edge_index[0], fill])
    col_p = jnp.concatenate([edge_index[1], fill])
    eattr_p = _pad_rows(edge_attr, E_PAD)

    grid_n = (N_PAD // BN,)
    feats0, tab0 = pl.pallas_call(
        _pre_body,
        grid=grid_n,
        in_specs=[_blk((BN, 12)), _blk((BN, 3)), _blk((BN, 3)),
                  _full(params["hyp_w"])],
        out_specs=[_blk((BN, EMB)), _blk((BN, TBL))],
        out_shape=[
            jax.ShapeDtypeStruct((N_PAD, EMB), f32),
            jax.ShapeDtypeStruct((N_PAD, TBL), f32),
        ],
    )(x_p, ex_p, pos_p, params["hyp_w"])

    grid_e = (E_PAD // BE,)

    def edge_mlp(gpair, s_e, we, be, w1_, b1_, w2_, b2_):
        ds = s_e.shape[1]
        return pl.pallas_call(
            _edge_body,
            grid=grid_e,
            in_specs=[pl.BlockSpec((1, BE, EMB), lambda i: (0, i, 0)),
                      pl.BlockSpec((1, BE, EMB), lambda i: (1, i, 0)),
                      pl.BlockSpec((1, BE, EMB), lambda i: (2, i, 0)),
                      _blk((BE, ds)), _full(we), _full(be),
                      _full(w1_), _full(b1_), _full(w2_), _full(b2_)],
            out_specs=_blk((BE, EMB)),
            out_shape=jax.ShapeDtypeStruct((E_PAD, EMB), f32),
        )(gpair, gpair, gpair, s_e, we, be, w1_, b1_, w2_, b2_)

    def node_update(li, feats, agga, aggb, coors, temb, final):
        body = functools.partial(_node_body, final=final)
        common = [feats, agga, aggb, coors, batch_p, temb,
                  wn0[li], bn0[li], wn1[li], bn1[li], wl1[li], bl1[li],
                  lng[li], lnb[li], wl2[li], bl2[li]]
        common_specs = [_blk((BN, EMB)), _blk((BN, EMB)), _blk((BN, EMB)),
                        _blk((BN, 3)), _blk((BN, 1)), _full(temb)] + \
            [_full(a) for a in common[6:]]
        if final:
            wlin = params["lin"]["w"]
            blin = params["lin"]["b"].reshape(1, -1)
            return pl.pallas_call(
                body, grid=grid_n,
                in_specs=common_specs + [_full(wlin), _full(blin)],
                out_specs=_blk((BN, 4)),
                out_shape=jax.ShapeDtypeStruct((N_PAD, 4), f32),
            )(*common, wlin, blin)
        return pl.pallas_call(
            body, grid=grid_n,
            in_specs=common_specs,
            out_specs=[_blk((BN, EMB)), _blk((BN, 3)), _blk((BN, TBL))],
            out_shape=[
                jax.ShapeDtypeStruct((N_PAD, EMB), f32),
                jax.ShapeDtypeStruct((N_PAD, 3), f32),
                jax.ShapeDtypeStruct((N_PAD, TBL), f32),
            ])(*common)

    gp0 = _gather_pairs(tab0, row_p, col_p)
    m2_0 = edge_mlp(gp0, eattr_p, params["edge_enc"]["w"],
                    params["edge_enc"]["b"].reshape(1, -1),
                    w1[0], b1[0], w2[0], b2[0])
    agg0a, agg0b = _segsum(m2_0, row_p)
    feats1, corr1, tab1 = node_update(
        0, feats0, agg0a, agg0b, pos_p, temb0, final=False)

    gp1 = _gather_pairs(tab1, row_p, col_p)
    m2_1 = edge_mlp(gp1, m2_0, lyr[0]["edge_upd"]["w"],
                    lyr[0]["edge_upd"]["b"].reshape(1, -1),
                    w1[1], b1[1], w2[1], b2[1])
    agg1a, agg1b = _segsum(m2_1, row_p)
    out_p = node_update(1, feats1, agg1a, agg1b, corr1, temb1, final=True)

    return out_p[:N]

# --- scband reference (transcript-rebuilt; emitter-appended) ---
"""Pipeline reference for scband-hegnn-20633022890062 (READ-ONLY COPY).

The authoritative reference and input builder live on the scoring server;
editing this copy changes nothing except your own understanding.
"""

import jax, jax.numpy as jnp
import numpy as np

N = 10000
E = 320000
G = 8
D_X = 12
D_EXTRA = 3
D_IN = 15
EMB = 128
HID = 128
M = 128
D_EDGE = 4
OUT = 4
NL = 2
C = 1.0


def _dense(key, out_f, in_f, scale=0.05):
    k1, k2 = jax.random.split(key)
    return {"w": jax.random.normal(k1, (out_f, in_f), jnp.float32) * scale,
            "b": jax.random.normal(k2, (out_f,), jnp.float32) * scale}


def _make_params(key):
    ks = jax.random.split(key, 5 + NL)
    params = {}
    params["hyp_w"] = jax.random.normal(ks[0], (EMB, D_IN), jnp.float32) * 0.05
    params["time_mlp"] = [_dense(ks[1], HID, 1), _dense(ks[2], EMB, HID)]
    params["edge_enc"] = _dense(ks[3], EMB, D_EDGE)
    params["lin"] = _dense(ks[4], OUT, EMB)
    layers = []
    e_in_dim = 2 * EMB + 1 + EMB
    for i in range(NL):
        lk = jax.random.split(ks[5 + i], 8)
        layers.append({
            "edge_mlp": [_dense(lk[0], M, e_in_dim), _dense(lk[1], M, M)],
            "node_mlp": [_dense(lk[2], EMB, EMB + M), _dense(lk[3], EMB, EMB)],
            "edge_upd": _dense(lk[4], EMB, M),
            "time_proj": _dense(lk[5], 2 * EMB, EMB),
            "ff": {"l1": _dense(lk[6], EMB, EMB),
                   "ln_g": jnp.ones((EMB,), jnp.float32),
                   "ln_b": jnp.zeros((EMB,), jnp.float32),
                   "l2": _dense(lk[7], EMB, EMB)},
        })
    params["layers"] = layers
    return params


def setup_inputs(seed: int = 0):
    key = jax.random.key(seed)
    ks = jax.random.split(key, 10)
    return {
        "x": jax.random.normal(ks[0], (N, D_X), jnp.float32),
        "pos": jax.random.normal(ks[1], (N, 3), jnp.float32),
        "extra_x": jax.random.normal(ks[2], (N, D_EXTRA), jnp.float32),
        "edge_index": jax.random.randint(ks[3], (2, E), 0, N).astype(jnp.int32),
        "edge_attr": jax.random.normal(ks[4], (E, D_EDGE), jnp.float32),
        "batch": jnp.sort(jax.random.randint(ks[5], (N,), 0, G)).astype(jnp.int32),
        "time": jax.random.uniform(ks[6], (G, 1), jnp.float32),
        "params": _make_params(ks[7]),
    }


def _lin(p, x):
    return x @ p["w"].T + p["b"]


def _silu(x):
    return x * jax.nn.sigmoid(x)


def _artanh(x):
    x = jnp.clip(x, -1.0 + 1e-7, 1.0 - 1e-7)
    return 0.5 * (jnp.log1p(x) - jnp.log1p(-x))


def _norm(x):
    return jnp.clip(jnp.linalg.norm(x, axis=-1, keepdims=True), 1e-15)


def _expmap0(u, c):
    sc = c ** 0.5
    un = _norm(u)
    return jnp.tanh(sc * un) * u / (sc * un)


def _logmap0(p, c):
    sc = c ** 0.5
    pn = _norm(p)
    return _artanh(sc * pn) * p / (sc * pn)


def _proj(x, c):
    n = _norm(x)
    maxn = (1.0 - 4e-3) / (c ** 0.5)
    return jnp.where(n > maxn, x / n * maxn, x)


def _mobius_matvec(m, x, c):
    sc = c ** 0.5
    xn = _norm(x)
    mx = x @ m.T
    mxn = _norm(mx)
    return jnp.tanh(mxn / xn * _artanh(sc * xn)) * mx / (mxn * sc)


def _layer_norm(x, g, b, eps=1e-5):
    mu = x.mean(axis=-1, keepdims=True)
    var = x.var(axis=-1, keepdims=True)
    return (x - mu) / jnp.sqrt(var + eps) * g + b


def _egnn(lp, x, edge_index, edge_attr):
    coors, feats = x[:, :3], x[:, 3:]
    row, col = edge_index[0], edge_index[1]
    rel = coors[row] - coors[col]
    rel_dist = (rel * rel).sum(-1, keepdims=True)
    e_in = jnp.concatenate([feats[row], feats[col], rel_dist, edge_attr], axis=-1)
    m = _silu(_lin(lp["edge_mlp"][0], e_in))
    m = _silu(_lin(lp["edge_mlp"][1], m))
    agg = jax.ops.segment_sum(m, row, num_segments=coors.shape[0])
    h = _silu(_lin(lp["node_mlp"][0], jnp.concatenate([feats, agg], axis=-1)))
    h = _lin(lp["node_mlp"][1], h)
    feats_out = feats + h
    edge_out = _lin(lp["edge_upd"], m)
    return jnp.concatenate([coors, feats_out], axis=-1), edge_out


def _forward(x, pos, extra_x, edge_attr, time, params, edge_index, batch):
    c = C
    t = _lin(params["time_mlp"][1], _silu(_lin(params["time_mlp"][0], time)))
    xc = jnp.concatenate([x, extra_x], axis=1)
    x_hyp = _proj(_expmap0(xc, c), c)
    h = _proj(_mobius_matvec(params["hyp_w"], x_hyp, c), c)
    h = _logmap0(h, c)
    ea = _lin(params["edge_enc"], edge_attr)
    xx = jnp.concatenate([pos, h], axis=1)
    for lp in params["layers"]:
        hcat, ea = _egnn(lp, xx, edge_index, ea)
        hcat = _expmap0(hcat, c)
        corr, feats = hcat[:, :3], hcat[:, 3:]
        temb = _lin(lp["time_proj"], _silu(t))
        scale_, shift_ = jnp.split(temb, 2, axis=1)
        scale = scale_[batch]
        shift = shift_[batch]
        feats = feats * (scale + 1.0) + shift
        f = _silu(_lin(lp["ff"]["l1"], feats))
        f = _layer_norm(f, lp["ff"]["ln_g"], lp["ff"]["ln_b"])
        feats = _lin(lp["ff"]["l2"], f)
        xx = jnp.concatenate([corr, feats], axis=-1)
    out = _lin(params["lin"], xx[:, 3:])
    return out


def reference(x, pos, extra_x, edge_index, edge_attr, batch, time, params):
    return _forward(x, pos, extra_x, edge_attr, time, params, edge_index, batch)

if __name__ == "__main__":
    import jax
    _d = setup_inputs()
    print(jax.jit(kernel)(*tuple(_d.values())))

</pallas_src>

<mosaic_0001>
#map = affine_map<(d0, d1) -> (0, 0)>
#map1 = affine_map<(d0, d1) -> (0)>
#map2 = affine_map<(d0, d1) -> (0, 0, 0)>
module attributes {stable_mosaic.version = 14 : i64} {
  func.func @sk(%arg0: i32, %arg1: i32, %arg2: memref<323584x128xf32, #tpu.memory_space<hbm>>, %arg3: memref<323584xi32, #tpu.memory_space<hbm>>, %arg4: memref<2x10240x128xf32, #tpu.memory_space<hbm>>, %arg5: memref<128xi32, #tpu.memory_space<vmem>>, %arg6: memref<128x128xf32, #tpu.memory_space<vmem>>, %arg7: memref<10240x128xf32, #tpu.memory_space<vmem_shared>>) attributes {dimension_semantics = [#tpu.dimension_semantics<core_parallel>, #tpu.dimension_semantics<subcore_parallel>], iteration_bounds = array<i64: 2, 16>, scalar_prefetch = 0 : i64, scratch_operands = 3 : i64, tpu.core_type = #tpu.core_type<sc_vector_subcore>, window_params = [{transform_indices = #map}, {transform_indices = #map1}, {transform_indices = #map2}]} {
    %mul3A = arith.constant 2 : i32
    %mul3A_0 = arith.muli %arg1, %mul3A : i32
    %add3A = arith.addi %mul3A_0, %arg0 : i32
    %mul3A_1 = arith.constant 10112 : i32
    %mul3A_2 = arith.muli %add3A, %mul3A_1 : i32
    %scan3A = arith.constant 0 : i32
    %scan3A_3 = arith.constant 0 : i32
    %scan3A_4 = arith.constant 128 : i32
    %scan3A_5 = arith.addi %scan3A_3, %scan3A_4 : i32
    %scan3A_6 = arith.constant 1 : i32
    scf.for %scan3A_39 = %scan3A_3 to %scan3A_5 step %scan3A_6  : i32 {
      %broadcast_in_dim3A = arith.constant 0.000000e+00 : f32
      %broadcast_in_dim3A_40 = vector.broadcast %broadcast_in_dim3A : f32 to vector<16xf32>
      %swap3A = arith.index_cast %scan3A_39 : i32 to index
      %swap3A_41 = arith.constant 0 : index
      %swap3A_42 = tpu.vector_load %arg6[%swap3A, %swap3A_41] {strides = array<i32>} : memref<128x128xf32, #tpu.memory_space<vmem>>, vector<1x16xf32>,
      %swap3A_43 = vector.shape_cast %swap3A_42 : vector<1x16xf32> to vector<16xf32>
      %swap3A_44 = vector.shape_cast %broadcast_in_dim3A_40 : vector<16xf32> to vector<1x16xf32>
      tpu.vector_store %arg6[%swap3A, %swap3A_41], %swap3A_44 {strides = array<i32>} : memref<128x128xf32, #tpu.memory_space<vmem>>, vector<1x16xf32>,
      %broadcast_in_dim3A_45 = arith.constant 0.000000e+00 : f32
      %broadcast_in_dim3A_46 = vector.broadcast %broadcast_in_dim3A_45 : f32 to vector<16xf32>
      %swap3A_47 = arith.index_cast %scan3A_39 : i32 to index
      %swap3A_48 = arith.constant 16 : index
      %swap3A_49 = tpu.vector_load %arg6[%swap3A_47, %swap3A_48] {strides = array<i32>} : memref<128x128xf32, #tpu.memory_space<vmem>>, vector<1x16xf32>,
      %swap3A_50 = vector.shape_cast %swap3A_49 : vector<1x16xf32> to vector<16xf32>
      %swap3A_51 = vector.shape_cast %broadcast_in_dim3A_46 : vector<16xf32> to vector<1x16xf32>
      tpu.vector_store %arg6[%swap3A_47, %swap3A_48], %swap3A_51 {strides = array<i32>} : memref<128x128xf32, #tpu.memory_space<vmem>>, vector<1x16xf32>,
      %broadcast_in_dim3A_52 = arith.constant 0.000000e+00 : f32
      %broadcast_in_dim3A_53 = vector.broadcast %broadcast_in_dim3A_52 : f32 to vector<16xf32>
      %swap3A_54 = arith.index_cast %scan3A_39 : i32 to index
      %swap3A_55 = arith.constant 32 : index
      %swap3A_56 = tpu.vector_load %arg6[%swap3A_54, %swap3A_55] {strides = array<i32>} : memref<128x128xf32, #tpu.memory_space<vmem>>, vector<1x16xf32>,
      %swap3A_57 = vector.shape_cast %swap3A_56 : vector<1x16xf32> to vector<16xf32>
      %swap3A_58 = vector.shape_cast %broadcast_in_dim3A_53 : vector<16xf32> to vector<1x16xf32>
      tpu.vector_store %arg6[%swap3A_54, %swap3A_55], %swap3A_58 {strides = array<i32>} : memref<128x128xf32, #tpu.memory_space<vmem>>, vector<1x16xf32>,
      %broadcast_in_dim3A_59 = arith.constant 0.000000e+00 : f32
      %broadcast_in_dim3A_60 = vector.broadcast %broadcast_in_dim3A_59 : f32 to vector<16xf32>
      %swap3A_61 = arith.index_cast %scan3A_39 : i32 to index
      %swap3A_62 = arith.constant 48 : index
      %swap3A_63 = tpu.vector_load %arg6[%swap3A_61, %swap3A_62] {strides = array<i32>} : memref<128x128xf32, #tpu.memory_space<vmem>>, vector<1x16xf32>,
      %swap3A_64 = vector.shape_cast %swap3A_63 : vector<1x16xf32> to vector<16xf32>
      %swap3A_65 = vector.shape_cast %broadcast_in_dim3A_60 : vector<16xf32> to vector<1x16xf32>
      tpu.vector_store %arg6[%swap3A_61, %swap3A_62], %swap3A_65 {strides = array<i32>} : memref<128x128xf32, #tpu.memory_space<vmem>>, vector<1x16xf32>,
      %broadcast_in_dim3A_66 = arith.constant 0.000000e+00 : f32
      %broadcast_in_dim3A_67 = vector.broadcast %broadcast_in_dim3A_66 : f32 to vector<16xf32>
      %swap3A_68 = arith.index_cast %scan3A_39 : i32 to index
      %swap3A_69 = arith.constant 64 : index
      %swap3A_70 = tpu.vector_load %arg6[%swap3A_68, %swap3A_69] {strides = array<i32>} : memref<128x128xf32, #tpu.memory_space<vmem>>, vector<1x16xf32>,
      %swap3A_71 = vector.shape_cast %swap3A_70 : vector<1x16xf32> to vector<16xf32>
      %swap3A_72 = vector.shape_cast %broadcast_in_dim3A_67 : vector<16xf32> to vector<1x16xf32>
      tpu.vector_store %arg6[%swap3A_68, %swap3A_69], %swap3A_72 {strides = array<i32>} : memref<128x128xf32, #tpu.memory_space<vmem>>, vector<1x16xf32>,
      %broadcast_in_dim3A_73 = arith.constant 0.000000e+00 : f32
      %broadcast_in_dim3A_74 = vector.broadcast %broadcast_in_dim3A_73 : f32 to vector<16xf32>
      %swap3A_75 = arith.index_cast %scan3A_39 : i32 to index
      %swap3A_76 = arith.constant 80 : index
      %swap3A_77 = tpu.vector_load %arg6[%swap3A_75, %swap3A_76] {strides = array<i32>} : memref<128x128xf32, #tpu.memory_space<vmem>>, vector<1x16xf32>,
      %swap3A_78 = vector.shape_cast %swap3A_77 : vector<1x16xf32> to vector<16xf32>
      %swap3A_79 = vector.shape_cast %broadcast_in_dim3A_74 : vector<16xf32> to vector<1x16xf32>
      tpu.vector_store %arg6[%swap3A_75, %swap3A_76], %swap3A_79 {strides = array<i32>} : memref<128x128xf32, #tpu.memory_space<vmem>>, vector<1x16xf32>,
      %broadcast_in_dim3A_80 = arith.constant 0.000000e+00 : f32
      %broadcast_in_dim3A_81 = vector.broadcast %broadcast_in_dim3A_80 : f32 to vector<16xf32>
      %swap3A_82 = arith.index_cast %scan3A_39 : i32 to index
      %swap3A_83 = arith.constant 96 : index
      %swap3A_84 = tpu.vector_load %arg6[%swap3A_82, %swap3A_83] {strides = array<i32>} : memref<128x128xf32, #tpu.memory_space<vmem>>, vector<1x16xf32>,
      %swap3A_85 = vector.shape_cast %swap3A_84 : vector<1x16xf32> to vector<16xf32>
      %swap3A_86 = vector.shape_cast %broadcast_in_dim3A_81 : vector<16xf32> to vector<1x16xf32>
      tpu.vector_store %arg6[%swap3A_82, %swap3A_83], %swap3A_86 {strides = array<i32>} : memref<128x128xf32, #tpu.memory_space<vmem>>, vector<1x16xf32>,
      %broadcast_in_dim3A_87 = arith.constant 0.000000e+00 : f32
      %broadcast_in_dim3A_88 = vector.broadcast %broadcast_in_dim3A_87 : f32 to vector<16xf32>
      %swap3A_89 = arith.index_cast %scan3A_39 : i32 to index
      %swap3A_90 = arith.constant 112 : index
      %swap3A_91 = tpu.vector_load %arg6[%swap3A_89, %swap3A_90] {strides = array<i32>} : memref<128x128xf32, #tpu.memory_space<vmem>>, vector<1x16xf32>,
      %swap3A_92 = vector.shape_cast %swap3A_91 : vector<1x16xf32> to vector<16xf32>
      %swap3A_93 = vector.shape_cast %broadcast_in_dim3A_88 : vector<16xf32> to vector<1x16xf32>
      tpu.vector_store %arg6[%swap3A_89, %swap3A_90], %swap3A_93 {strides = array<i32>} : memref<128x128xf32, #tpu.memory_space<vmem>>, vector<1x16xf32>,
    }
    %scan3A_7 = arith.constant 128 : i32
    %mul3A_8 = arith.constant 640 : i32
    %mul3A_9 = arith.muli %arg1, %mul3A_8 : i32
    %add3A_10 = arith.constant 0 : i32
    %add3A_11 = arith.addi %mul3A_9, %add3A_10 : i32
    "tpu.region"() ({
      %run_scoped3A = tpu.sem_alloc : memref<!tpu.dma_semaphore, #tpu.memory_space<semaphore_mem>>
      %dma_start3A = arith.constant 0 : i32
      %dma_start3A_39 = tpu.memref_slice %arg7[%add3A_11, %dma_start3A] : memref<10240x128xf32, #tpu.memory_space<vmem_shared>> -> memref<128x128xf32, #tpu.memory_space<vmem_shared>>
      %dma_start3A_40 = arith.constant 0 : i32
      %dma_start3A_41 = tpu.memref_slice %arg7[%add3A_11, %dma_start3A_40] : memref<10240x128xf32, #tpu.memory_space<vmem_shared>> -> memref<128x128xf32, #tpu.memory_space<vmem_shared>>
      tpu.enqueue_dma source(%arg6 : memref<128x128xf32, #tpu.memory_space<vmem>>) target(%dma_start3A_41 : memref<128x128xf32, #tpu.memory_space<vmem_shared>>) target_semaphore(%run_scoped3A : memref<!tpu.dma_semaphore, #tpu.memory_space<semaphore_mem>>)
      %dma_wait3A = arith.constant 0 : i32
      %dma_wait3A_42 = tpu.memref_slice %arg7[%add3A_11, %dma_wait3A] : memref<10240x128xf32, #tpu.memory_space<vmem_shared>> -> memref<128x128xf32, #tpu.memory_space<vmem_shared>>
      %dma_wait3A_43 = arith.constant 0 : i32
      %dma_wait3A_44 = tpu.memref_slice %arg7[%add3A_11, %dma_wait3A_43] : memref<10240x128xf32, #tpu.memory_space<vmem_shared>> -> memref<128x128xf32, #tpu.memory_space<vmem_shared>>
      tpu.wait_dma2 semaphore(%run_scoped3A : memref<!tpu.dma_semaphore, #tpu.memory_space<semaphore_mem>>) src(%arg6 : memref<128x128xf32, #tpu.memory_space<vmem>>) dst(%dma_wait3A_44 : memref<128x128xf32, #tpu.memory_space<vmem_shared>>)
      tpu.yield
    }) : () -> ()
    %mul3A_12 = arith.constant 640 : i32
    %mul3A_13 = arith.muli %arg1, %mul3A_12 : i32
    %add3A_14 = arith.constant 128 : i32
    %add3A_15 = arith.addi %mul3A_13, %add3A_14 : i32
    "tpu.region"() ({
      %run_scoped3A = tpu.sem_alloc : memref<!tpu.dma_semaphore, #tpu.memory_space<semaphore_mem>>
      %dma_start3A = arith.constant 0 : i32
      %dma_start3A_39 = tpu.memref_slice %arg7[%add3A_15, %dma_start3A] : memref<10240x128xf32, #tpu.memory_space<vmem_shared>> -> memref<128x128xf32, #tpu.memory_space<vmem_shared>>
      %dma_start3A_40 = arith.constant 0 : i32
      %dma_start3A_41 = tpu.memref_slice %arg7[%add3A_15, %dma_start3A_40] : memref<10240x128xf32, #tpu.memory_space<vmem_shared>> -> memref<128x128xf32, #tpu.memory_space<vmem_shared>>
      tpu.enqueue_dma source(%arg6 : memref<128x128xf32, #tpu.memory_space<vmem>>) target(%dma_start3A_41 : memref<128x128xf32, #tpu.memory_space<vmem_shared>>) target_semaphore(%run_scoped3A : memref<!tpu.dma_semaphore, #tpu.memory_space<semaphore_mem>>)
      %dma_wait3A = arith.constant 0 : i32
      %dma_wait3A_42 = tpu.memref_slice %arg7[%add3A_15, %dma_wait3A] : memref<10240x128xf32, #tpu.memory_space<vmem_shared>> -> memref<128x128xf32, #tpu.memory_space<vmem_shared>>
      %dma_wait3A_43 = arith.constant 0 : i32
      %dma_wait3A_44 = tpu.memref_slice %arg7[%add3A_15, %dma_wait3A_43] : memref<10240x128xf32, #tpu.memory_space<vmem_shared>> -> memref<128x128xf32, #tpu.memory_space<vmem_shared>>
      tpu.wait_dma2 semaphore(%run_scoped3A : memref<!tpu.dma_semaphore, #tpu.memory_space<semaphore_mem>>) src(%arg6 : memref<128x128xf32, #tpu.memory_space<vmem>>) dst(%dma_wait3A_44 : memref<128x128xf32, #tpu.memory_space<vmem_shared>>)
      tpu.yield
    }) : () -> ()
    %mul3A_16 = arith.constant 640 : i32
    %mul3A_17 = arith.muli %arg1, %mul3A_16 : i32
    %add3A_18 = arith.constant 256 : i32
    %add3A_19 = arith.addi %mul3A_17, %add3A_18 : i32
    "tpu.region"() ({
      %run_scoped3A = tpu.sem_alloc : memref<!tpu.dma_semaphore, #tpu.memory_space<semaphore_mem>>
      %dma_start3A = arith.constant 0 : i32
      %dma_start3A_39 = tpu.memref_slice %arg7[%add3A_19, %dma_start3A] : memref<10240x128xf32, #tpu.memory_space<vmem_shared>> -> memref<128x128xf32, #tpu.memory_space<vmem_shared>>
      %dma_start3A_40 = arith.constant 0 : i32
      %dma_start3A_41 = tpu.memref_slice %arg7[%add3A_19, %dma_start3A_40] : memref<10240x128xf32, #tpu.memory_space<vmem_shared>> -> memref<128x128xf32, #tpu.memory_space<vmem_shared>>
      tpu.enqueue_dma source(%arg6 : memref<128x128xf32, #tpu.memory_space<vmem>>) target(%dma_start3A_41 : memref<128x128xf32, #tpu.memory_space<vmem_shared>>) target_semaphore(%run_scoped3A : memref<!tpu.dma_semaphore, #tpu.memory_space<semaphore_mem>>)
      %dma_wait3A = arith.constant 0 : i32
      %dma_wait3A_42 = tpu.memref_slice %arg7[%add3A_19, %dma_wait3A] : memref<10240x128xf32, #tpu.memory_space<vmem_shared>> -> memref<128x128xf32, #tpu.memory_space<vmem_shared>>
      %dma_wait3A_43 = arith.constant 0 : i32
      %dma_wait3A_44 = tpu.memref_slice %arg7[%add3A_19, %dma_wait3A_43] : memref<10240x128xf32, #tpu.memory_space<vmem_shared>> -> memref<128x128xf32, #tpu.memory_space<vmem_shared>>
      tpu.wait_dma2 semaphore(%run_scoped3A : memref<!tpu.dma_semaphore, #tpu.memory_space<semaphore_mem>>) src(%arg6 : memref<128x128xf32, #tpu.memory_space<vmem>>) dst(%dma_wait3A_44 : memref<128x128xf32, #tpu.memory_space<vmem_shared>>)
      tpu.yield
    }) : () -> ()
    %mul3A_20 = arith.constant 640 : i32
    %mul3A_21 = arith.muli %arg1, %mul3A_20 : i32
    %add3A_22 = arith.constant 384 : i32
    %add3A_23 = arith.addi %mul3A_21, %add3A_22 : i32
    "tpu.region"() ({
      %run_scoped3A = tpu.sem_alloc : memref<!tpu.dma_semaphore, #tpu.memory_space<semaphore_mem>>
      %dma_start3A = arith.constant 0 : i32
      %dma_start3A_39 = tpu.memref_slice %arg7[%add3A_23, %dma_start3A] : memref<10240x128xf32, #tpu.memory_space<vmem_shared>> -> memref<128x128xf32, #tpu.memory_space<vmem_shared>>
      %dma_start3A_40 = arith.constant 0 : i32
      %dma_start3A_41 = tpu.memref_slice %arg7[%add3A_23, %dma_start3A_40] : memref<10240x128xf32, #tpu.memory_space<vmem_shared>> -> memref<128x128xf32, #tpu.memory_space<vmem_shared>>
      tpu.enqueue_dma source(%arg6 : memref<128x128xf32, #tpu.memory_space<vmem>>) target(%dma_start3A_41 : memref<128x128xf32, #tpu.memory_space<vmem_shared>>) target_semaphore(%run_scoped3A : memref<!tpu.dma_semaphore, #tpu.memory_space<semaphore_mem>>)
      %dma_wait3A = arith.constant 0 : i32
      %dma_wait3A_42 = tpu.memref_slice %arg7[%add3A_23, %dma_wait3A] : memref<10240x128xf32, #tpu.memory_space<vmem_shared>> -> memref<128x128xf32, #tpu.memory_space<vmem_shared>>
      %dma_wait3A_43 = arith.constant 0 : i32
      %dma_wait3A_44 = tpu.memref_slice %arg7[%add3A_23, %dma_wait3A_43] : memref<10240x128xf32, #tpu.memory_space<vmem_shared>> -> memref<128x128xf32, #tpu.memory_space<vmem_shared>>
      tpu.wait_dma2 semaphore(%run_scoped3A : memref<!tpu.dma_semaphore, #tpu.memory_space<semaphore_mem>>) src(%arg6 : memref<128x128xf32, #tpu.memory_space<vmem>>) dst(%dma_wait3A_44 : memref<128x128xf32, #tpu.memory_space<vmem_shared>>)
      tpu.yield
    }) : () -> ()
    %mul3A_24 = arith.constant 640 : i32
    %mul3A_25 = arith.muli %arg1, %mul3A_24 : i32
    %add3A_26 = arith.constant 512 : i32
    %add3A_27 = arith.addi %mul3A_25, %add3A_26 : i32
    "tpu.region"() ({
      %run_scoped3A = tpu.sem_alloc : memref<!tpu.dma_semaphore, #tpu.memory_space<semaphore_mem>>
      %dma_start3A = arith.constant 0 : i32
      %dma_start3A_39 = tpu.memref_slice %arg7[%add3A_27, %dma_start3A] : memref<10240x128xf32, #tpu.memory_space<vmem_shared>> -> memref<128x128xf32, #tpu.memory_space<vmem_shared>>
      %dma_start3A_40 = arith.constant 0 : i32
      %dma_start3A_41 = tpu.memref_slice %arg7[%add3A_27, %dma_start3A_40] : memref<10240x128xf32, #tpu.memory_space<vmem_shared>> -> memref<128x128xf32, #tpu.memory_space<vmem_shared>>
      tpu.enqueue_dma source(%arg6 : memref<128x128xf32, #tpu.memory_space<vmem>>) target(%dma_start3A_41 : memref<128x128xf32, #tpu.memory_space<vmem_shared>>) target_semaphore(%run_scoped3A : memref<!tpu.dma_semaphore, #tpu.memory_space<semaphore_mem>>)
      %dma_wait3A = arith.constant 0 : i32
      %dma_wait3A_42 = tpu.memref_slice %arg7[%add3A_27, %dma_wait3A] : memref<10240x128xf32, #tpu.memory_space<vmem_shared>> -> memref<128x128xf32, #tpu.memory_space<vmem_shared>>
      %dma_wait3A_43 = arith.constant 0 : i32
      %dma_wait3A_44 = tpu.memref_slice %arg7[%add3A_27, %dma_wait3A_43] : memref<10240x128xf32, #tpu.memory_space<vmem_shared>> -> memref<128x128xf32, #tpu.memory_space<vmem_shared>>
      tpu.wait_dma2 semaphore(%run_scoped3A : memref<!tpu.dma_semaphore, #tpu.memory_space<semaphore_mem>>) src(%arg6 : memref<128x128xf32, #tpu.memory_space<vmem>>) dst(%dma_wait3A_44 : memref<128x128xf32, #tpu.memory_space<vmem_shared>>)
      tpu.yield
    }) : () -> ()
    %barrier3A = arith.constant 0 : index
    tpu.barrier barrier_id(%barrier3A)
    %scan3A_28 = arith.constant 0 : i32
    %scan3A_29 = arith.constant 0 : i32
    %scan3A_30 = arith.constant 79 : i32
    %scan3A_31 = arith.addi %scan3A_29, %scan3A_30 : i32
    %scan3A_32 = arith.constant 1 : i32
    scf.for %scan3A_39 = %scan3A_29 to %scan3A_31 step %scan3A_32  : i32 {
      %mul3A_40 = arith.constant 128 : i32
      %mul3A_41 = arith.muli %scan3A_39, %mul3A_40 : i32
      %add3A_42 = arith.addi %mul3A_2, %mul3A_41 : i32
      "tpu.region"() ({
        %run_scoped3A = tpu.sem_alloc : memref<!tpu.dma_semaphore, #tpu.memory_space<semaphore_mem>>
        %dma_start3A = tpu.memref_slice %arg3[%add3A_42] : memref<323584xi32, #tpu.memory_space<hbm>> -> memref<128xi32, #tpu.memory_space<hbm>>
        %dma_start3A_43 = tpu.memref_slice %arg3[%add3A_42] : memref<323584xi32, #tpu.memory_space<hbm>> -> memref<128xi32, #tpu.memory_space<hbm>>
        tpu.enqueue_dma source(%dma_start3A_43 : memref<128xi32, #tpu.memory_space<hbm>>) target(%arg5 : memref<128xi32, #tpu.memory_space<vmem>>) target_semaphore(%run_scoped3A : memref<!tpu.dma_semaphore, #tpu.memory_space<semaphore_mem>>)
        %dma_wait3A = tpu.memref_slice %arg3[%add3A_42] : memref<323584xi32, #tpu.memory_space<hbm>> -> memref<128xi32, #tpu.memory_space<hbm>>
        %dma_wait3A_44 = tpu.memref_slice %arg3[%add3A_42] : memref<323584xi32, #tpu.memory_space<hbm>> -> memref<128xi32, #tpu.memory_space<hbm>>
        tpu.wait_dma2 semaphore(%run_scoped3A : memref<!tpu.dma_semaphore, #tpu.memory_space<semaphore_mem>>) src(%dma_wait3A_44 : memref<128xi32, #tpu.memory_space<hbm>>) dst(%arg5 : memref<128xi32, #tpu.memory_space<vmem>>)
        tpu.yield
      }) : () -> ()
      "tpu.region"() ({
        %run_scoped3A = tpu.sem_alloc : memref<!tpu.dma_semaphore, #tpu.memory_space<semaphore_mem>>
        %dma_start3A = arith.constant 0 : i32
        %dma_start3A_43 = tpu.memref_slice %arg2[%add3A_42, %dma_start3A] : memref<323584x128xf32, #tpu.memory_space<hbm>> -> memref<128x128xf32, #tpu.memory_space<hbm>>
        %dma_start3A_44 = arith.constant 0 : i32
        %dma_start3A_45 = tpu.memref_slice %arg2[%add3A_42, %dma_start3A_44] : memref<323584x128xf32, #tpu.memory_space<hbm>> -> memref<128x128xf32, #tpu.memory_space<hbm>>
        tpu.enqueue_dma source(%dma_start3A_45 : memref<128x128xf32, #tpu.memory_space<hbm>>) target(%arg6 : memref<128x128xf32, #tpu.memory_space<vmem>>) target_semaphore(%run_scoped3A : memref<!tpu.dma_semaphore, #tpu.memory_space<semaphore_mem>>)
        %dma_wait3A = arith.constant 0 : i32
        %dma_wait3A_46 = tpu.memref_slice %arg2[%add3A_42, %dma_wait3A] : memref<323584x128xf32, #tpu.memory_space<hbm>> -> memref<128x128xf32, #tpu.memory_space<hbm>>
        %dma_wait3A_47 = arith.constant 0 : i32
        %dma_wait3A_48 = tpu.memref_slice %arg2[%add3A_42, %dma_wait3A_47] : memref<323584x128xf32, #tpu.memory_space<hbm>> -> memref<128x128xf32, #tpu.memory_space<hbm>>
        tpu.wait_dma2 semaphore(%run_scoped3A : memref<!tpu.dma_semaphore, #tpu.memory_space<semaphore_mem>>) src(%dma_wait3A_48 : memref<128x128xf32, #tpu.memory_space<hbm>>) dst(%arg6 : memref<128x128xf32, #tpu.memory_space<vmem>>)
        tpu.yield
      }) : () -> ()
      "tpu.region"() ({
        %run_scoped3A = tpu.sem_alloc : memref<!tpu.dma_semaphore, #tpu.memory_space<semaphore_mem>>
        %dma_start3A = arith.constant 0 : i32
        %dma_start3A_43 = arith.constant 0 : i32
        %dma_start3A_44 = tpu.memref_slice %arg7[%dma_start3A, %dma_start3A_43] : memref<10240x128xf32, #tpu.memory_space<vmem_shared>> -> memref<10240x128xf32, #tpu.memory_space<vmem_shared>>
        tpu.enqueue_indirect_dma source(%arg6 : memref<128x128xf32, #tpu.memory_space<vmem>>) target(%dma_start3A_44 : memref<10240x128xf32, #tpu.memory_space<vmem_shared>>) offsets(%arg5 : memref<128xi32, #tpu.memory_space<vmem>>) semaphore(%run_scoped3A : memref<!tpu.dma_semaphore, #tpu.memory_space<semaphore_mem>>) {add = true}
        %dma_wait3A = arith.constant 0 : i32
        %dma_wait3A_45 = arith.constant 0 : i32
        %dma_wait3A_46 = tpu.memref_slice %arg7[%dma_wait3A, %dma_wait3A_45] : memref<10240x128xf32, #tpu.memory_space<vmem_shared>> -> memref<10240x128xf32, #tpu.memory_space<vmem_shared>>
        tpu.wait_indirect_dma semaphore(%run_scoped3A : memref<!tpu.dma_semaphore, #tpu.memory_space<semaphore_mem>>) src(%arg6 : memref<128x128xf32, #tpu.memory_space<vmem>>) dst(%dma_wait3A_46 : memref<10240x128xf32, #tpu.memory_space<vmem_shared>>)
        tpu.yield
      }) : () -> ()
    }
    %scan3A_33 = arith.constant 79 : i32
    %barrier3A_34 = arith.constant 0 : index
    tpu.barrier barrier_id(%barrier3A_34)
    %mul3A_35 = arith.constant 640 : i32
    %mul3A_36 = arith.muli %arg1, %mul3A_35 : i32
    %mul3A_37 = arith.constant 640 : i32
    %mul3A_38 = arith.muli %arg1, %mul3A_37 : i32
    "tpu.region"() ({
      %run_scoped3A = tpu.sem_alloc : memref<!tpu.dma_semaphore, #tpu.memory_space<semaphore_mem>>
      %dma_start3A = arith.constant 0 : i32
      %dma_start3A_39 = tpu.memref_slice %arg4[%arg0, %mul3A_38, %dma_start3A] : memref<2x10240x128xf32, #tpu.memory_space<hbm>> -> memref<1x640x128xf32, #tpu.memory_space<hbm>>
      %dma_start3A_40 = tpu.memref_squeeze %dma_start3A_39 : memref<1x640x128xf32, #tpu.memory_space<hbm>> -> memref<640x128xf32, #tpu.memory_space<hbm>>
      %dma_start3A_41 = arith.constant 0 : i32
      %dma_start3A_42 = tpu.memref_slice %arg7[%mul3A_36, %dma_start3A_41] : memref<10240x128xf32, #tpu.memory_space<vmem_shared>> -> memref<640x128xf32, #tpu.memory_space<vmem_shared>>
      tpu.enqueue_dma source(%dma_start3A_42 : memref<640x128xf32, #tpu.memory_space<vmem_shared>>) target(%dma_start3A_40 : memref<640x128xf32, #tpu.memory_space<hbm>>) target_semaphore(%run_scoped3A : memref<!tpu.dma_semaphore, #tpu.memory_space<semaphore_mem>>)
      %dma_wait3A = arith.constant 0 : i32
      %dma_wait3A_43 = tpu.memref_slice %arg4[%arg0, %mul3A_38, %dma_wait3A] : memref<2x10240x128xf32, #tpu.memory_space<hbm>> -> memref<1x640x128xf32, #tpu.memory_space<hbm>>
      %dma_wait3A_44 = tpu.memref_squeeze %dma_wait3A_43 : memref<1x640x128xf32, #tpu.memory_space<hbm>> -> memref<640x128xf32, #tpu.memory_space<hbm>>
      %dma_wait3A_45 = arith.constant 0 : i32
      %dma_wait3A_46 = tpu.memref_slice %arg7[%mul3A_36, %dma_wait3A_45] : memref<10240x128xf32, #tpu.memory_space<vmem_shared>> -> memref<640x128xf32, #tpu.memory_space<vmem_shared>>
      tpu.wait_dma2 semaphore(%run_scoped3A : memref<!tpu.dma_semaphore, #tpu.memory_space<semaphore_mem>>) src(%dma_wait3A_46 : memref<640x128xf32, #tpu.memory_space<vmem_shared>>) dst(%dma_wait3A_44 : memref<640x128xf32, #tpu.memory_space<hbm>>)
      tpu.yield
    }) : () -> ()
    return
  }
}

#map = affine_map<(d0, d1) -> (0, 0)>
#map1 = affine_map<(d0, d1) -> (0)>
#map2 = affine_map<(d0, d1) -> (0, 0, 0)>
module attributes {stable_mosaic.version = 14 : i64} {
  func.func @gk(%arg0: i32, %arg1: i32, %arg2: memref<10240x256xf32, #tpu.memory_space<hbm>>, %arg3: memref<323584xi32, #tpu.memory_space<hbm>>, %arg4: memref<323584xi32, #tpu.memory_space<hbm>>, %arg5: memref<3x323584x128xf32, #tpu.memory_space<hbm>>, %arg6: memref<10112xi32, #tpu.memory_space<vmem>>, %arg7: memref<10112xi32, #tpu.memory_space<vmem>>, %arg8: memref<32x256xf32, #tpu.memory_space<vmem>>, %arg9: memref<32x256xf32, #tpu.memory_space<vmem>>, %arg10: memref<32x256xf32, #tpu.memory_space<vmem>>, %arg11: memref<32x256xf32, #tpu.memory_space<vmem>>, %arg12: memref<32x128xf32, #tpu.memory_space<vmem>>, %arg13: memref<32x128xf32, #tpu.memory_space<vmem>>, %arg14: memref<32x128xf32, #tpu.memory_space<vmem>>, %arg15: memref<32x128xf32, #tpu.memory_space<vmem>>, %arg16: memref<32x128xf32, #tpu.memory_space<vmem>>, %arg17: memref<32x128xf32, #tpu.memory_space<vmem>>, %arg18: memref<!tpu.dma_semaphore, #tpu.memory_space<semaphore_mem>>, %arg19: memref<!tpu.dma_semaphore, #tpu.memory_space<semaphore_mem>>, %arg20: memref<!tpu.dma_semaphore, #tpu.memory_space<semaphore_mem>>, %arg21: memref<!tpu.dma_semaphore, #tpu.memory_space<semaphore_mem>>, %arg22: memref<!tpu.dma_semaphore, #tpu.memory_space<semaphore_mem>>, %arg23: memref<!tpu.dma_semaphore, #tpu.memory_space<semaphore_mem>>) attributes {dimension_semantics = [#tpu.dimension_semantics<core_parallel>, #tpu.dimension_semantics<subcore_parallel>], iteration_bounds = array<i64: 2, 16>, scalar_prefetch = 0 : i64, scratch_operands = 18 : i64, tpu.core_type = #tpu.core_type<sc_vector_subcore>, window_params = [{transform_indices = #map}, {transform_indices = #map1}, {transform_indices = #map1}, {transform_indices = #map2}]} {
    %mul3A = arith.constant 2 : i32
    %mul3A_0 = arith.muli %arg1, %mul3A : i32
    %add3A = arith.addi %mul3A_0, %arg0 : i32
    %mul3A_1 = arith.constant 10112 : i32
    %mul3A_2 = arith.muli %add3A, %mul3A_1 : i32
    "tpu.region"() ({
      %run_scoped3A = tpu.sem_alloc : memref<!tpu.dma_semaphore, #tpu.memory_space<semaphore_mem>>
      %dma_start3A_80 = tpu.memref_slice %arg3[%mul3A_2] : memref<323584xi32, #tpu.memory_space<hbm>> -> memref<10112xi32, #tpu.memory_space<hbm>>
      %dma_start3A_81 = tpu.memref_slice %arg3[%mul3A_2] : memref<323584xi32, #tpu.memory_space<hbm>> -> memref<10112xi32, #tpu.memory_space<hbm>>
      tpu.enqueue_dma source(%dma_start3A_81 : memref<10112xi32, #tpu.memory_space<hbm>>) target(%arg6 : memref<10112xi32, #tpu.memory_space<vmem>>) target_semaphore(%run_scoped3A : memref<!tpu.dma_semaphore, #tpu.memory_space<semaphore_mem>>)
      %dma_wait3A_82 = tpu.memref_slice %arg3[%mul3A_2] : memref<323584xi32, #tpu.memory_space<hbm>> -> memref<10112xi32, #tpu.memory_space<hbm>>
      %dma_wait3A_83 = tpu.memref_slice %arg3[%mul3A_2] : memref<323584xi32, #tpu.memory_space<hbm>> -> memref<10112xi32, #tpu.memory_space<hbm>>
      tpu.wait_dma2 semaphore(%run_scoped3A : memref<!tpu.dma_semaphore, #tpu.memory_space<semaphore_mem>>) src(%dma_wait3A_83 : memref<10112xi32, #tpu.memory_space<hbm>>) dst(%arg6 : memref<10112xi32, #tpu.memory_space<vmem>>)
      tpu.yield
    }) : () -> ()
    "tpu.region"() ({
      %run_scoped3A = tpu.sem_alloc : memref<!tpu.dma_semaphore, #tpu.memory_space<semaphore_mem>>
      %dma_start3A_80 = tpu.memref_slice %arg4[%mul3A_2] : memref<323584xi32, #tpu.memory_space<hbm>> -> memref<10112xi32, #tpu.memory_space<hbm>>
      %dma_start3A_81 = tpu.memref_slice %arg4[%mul3A_2] : memref<323584xi32, #tpu.memory_space<hbm>> -> memref<10112xi32, #tpu.memory_space<hbm>>
      tpu.enqueue_dma source(%dma_start3A_81 : memref<10112xi32, #tpu.memory_space<hbm>>) target(%arg7 : memref<10112xi32, #tpu.memory_space<vmem>>) target_semaphore(%run_scoped3A : memref<!tpu.dma_semaphore, #tpu.memory_space<semaphore_mem>>)
      %dma_wait3A_82 = tpu.memref_slice %arg4[%mul3A_2] : memref<323584xi32, #tpu.memory_space<hbm>> -> memref<10112xi32, #tpu.memory_space<hbm>>
      %dma_wait3A_83 = tpu.memref_slice %arg4[%mul3A_2] : memref<323584xi32, #tpu.memory_space<hbm>> -> memref<10112xi32, #tpu.memory_space<hbm>>
      tpu.wait_dma2 semaphore(%run_scoped3A : memref<!tpu.dma_semaphore, #tpu.memory_space<semaphore_mem>>) src(%dma_wait3A_83 : memref<10112xi32, #tpu.memory_space<hbm>>) dst(%arg7 : memref<10112xi32, #tpu.memory_space<vmem>>)
      tpu.yield
    }) : () -> ()
    %dma_start3A = arith.constant 0 : i32
    %dma_start3A_3 = tpu.memref_slice %arg6[%dma_start3A] : memref<10112xi32, #tpu.memory_space<vmem>> -> memref<32xi32, #tpu.memory_space<vmem>>
    %dma_start3A_4 = arith.constant 0 : i32
    %dma_start3A_5 = arith.constant 0 : i32
    %dma_start3A_6 = tpu.memref_slice %arg2[%dma_start3A_4, %dma_start3A_5] : memref<10240x256xf32, #tpu.memory_space<hbm>> -> memref<10240x256xf32, #tpu.memory_space<hbm>>
    tpu.enqueue_indirect_dma source(%dma_start3A_6 : memref<10240x256xf32, #tpu.memory_space<hbm>>) target(%arg8 : memref<32x256xf32, #tpu.memory_space<vmem>>) offsets(%dma_start3A_3 : memref<32xi32, #tpu.memory_space<vmem>>) semaphore(%arg18 : memref<!tpu.dma_semaphore, #tpu.memory_space<semaphore_mem>>)
    %dma_start3A_7 = arith.constant 0 : i32
    %dma_start3A_8 = tpu.memref_slice %arg7[%dma_start3A_7] : memref<10112xi32, #tpu.memory_space<vmem>> -> memref<32xi32, #tpu.memory_space<vmem>>
    %dma_start3A_9 = arith.constant 0 : i32
    %dma_start3A_10 = arith.constant 0 : i32
    %dma_start3A_11 = tpu.memref_slice %arg2[%dma_start3A_9, %dma_start3A_10] : memref<10240x256xf32, #tpu.memory_space<hbm>> -> memref<10240x256xf32, #tpu.memory_space<hbm>>
    tpu.enqueue_indirect_dma source(%dma_start3A_11 : memref<10240x256xf32, #tpu.memory_space<hbm>>) target(%arg9 : memref<32x256xf32, #tpu.memory_space<vmem>>) offsets(%dma_start3A_8 : memref<32xi32, #tpu.memory_space<vmem>>) semaphore(%arg19 : memref<!tpu.dma_semaphore, #tpu.memory_space<semaphore_mem>>)
    %dma_start3A_12 = arith.constant 32 : i32
    %dma_start3A_13 = tpu.memref_slice %arg6[%dma_start3A_12] : memref<10112xi32, #tpu.memory_space<vmem>> -> memref<32xi32, #tpu.memory_space<vmem>>
    %dma_start3A_14 = arith.constant 0 : i32
    %dma_start3A_15 = arith.constant 0 : i32
    %dma_start3A_16 = tpu.memref_slice %arg2[%dma_start3A_14, %dma_start3A_15] : memref<10240x256xf32, #tpu.memory_space<hbm>> -> memref<10240x256xf32, #tpu.memory_space<hbm>>
    tpu.enqueue_indirect_dma source(%dma_start3A_16 : memref<10240x256xf32, #tpu.memory_space<hbm>>) target(%arg10 : memref<32x256xf32, #tpu.memory_space<vmem>>) offsets(%dma_start3A_13 : memref<32xi32, #tpu.memory_space<vmem>>) semaphore(%arg20 : memref<!tpu.dma_semaphore, #tpu.memory_space<semaphore_mem>>)
    %dma_start3A_17 = arith.constant 32 : i32
    %dma_start3A_18 = tpu.memref_slice %arg7[%dma_start3A_17] : memref<10112xi32, #tpu.memory_space<vmem>> -> memref<32xi32, #tpu.memory_space<vmem>>
    %dma_start3A_19 = arith.constant 0 : i32
    %dma_start3A_20 = arith.constant 0 : i32
    %dma_start3A_21 = tpu.memref_slice %arg2[%dma_start3A_19, %dma_start3A_20] : memref<10240x256xf32, #tpu.memory_space<hbm>> -> memref<10240x256xf32, #tpu.memory_space<hbm>>
    tpu.enqueue_indirect_dma source(%dma_start3A_21 : memref<10240x256xf32, #tpu.memory_space<hbm>>) target(%arg11 : memref<32x256xf32, #tpu.memory_space<vmem>>) offsets(%dma_start3A_18 : memref<32xi32, #tpu.memory_space<vmem>>) semaphore(%arg21 : memref<!tpu.dma_semaphore, #tpu.memory_space<semaphore_mem>>)
    %scan3A = arith.constant 0 : i32
    %scan3A_22 = arith.constant 0 : i32
    %scan3A_23 = arith.constant 158 : i32
    %scan3A_24 = arith.addi %scan3A_22, %scan3A_23 : i32
    %scan3A_25 = arith.constant 1 : i32
    scf.for %scan3A_80 = %scan3A_22 to %scan3A_24 step %scan3A_25  : i32 {
      %mul3A_81 = arith.constant 2 : i32
      %mul3A_82 = arith.muli %scan3A_80, %mul3A_81 : i32
      %dma_wait3A_83 = arith.constant 0 : i32
      %dma_wait3A_84 = tpu.memref_slice %arg6[%dma_wait3A_83] : memref<10112xi32, #tpu.memory_space<vmem>> -> memref<32xi32, #tpu.memory_space<vmem>>
      %dma_wait3A_85 = arith.constant 0 : i32
      %dma_wait3A_86 = arith.constant 0 : i32
      %dma_wait3A_87 = tpu.memref_slice %arg2[%dma_wait3A_85, %dma_wait3A_86] : memref<10240x256xf32, #tpu.memory_space<hbm>> -> memref<10240x256xf32, #tpu.memory_space<hbm>>
      tpu.wait_indirect_dma semaphore(%arg18 : memref<!tpu.dma_semaphore, #tpu.memory_space<semaphore_mem>>) src(%dma_wait3A_87 : memref<10240x256xf32, #tpu.memory_space<hbm>>) dst(%arg8 : memref<32x256xf32, #tpu.memory_space<vmem>>)
      %dma_wait3A_88 = arith.constant 0 : i32
      %dma_wait3A_89 = tpu.memref_slice %arg7[%dma_wait3A_88] : memref<10112xi32, #tpu.memory_space<vmem>> -> memref<32xi32, #tpu.memory_space<vmem>>
      %dma_wait3A_90 = arith.constant 0 : i32
      %dma_wait3A_91 = arith.constant 0 : i32
      %dma_wait3A_92 = tpu.memref_slice %arg2[%dma_wait3A_90, %dma_wait3A_91] : memref<10240x256xf32, #tpu.memory_space<hbm>> -> memref<10240x256xf32, #tpu.memory_space<hbm>>
      tpu.wait_indirect_dma semaphore(%arg19 : memref<!tpu.dma_semaphore, #tpu.memory_space<semaphore_mem>>) src(%dma_wait3A_92 : memref<10240x256xf32, #tpu.memory_space<hbm>>) dst(%arg9 : memref<32x256xf32, #tpu.memory_space<vmem>>)
      %gt3A = arith.constant 0 : i32
      %gt3A_93 = arith.cmpi sgt, %scan3A_80, %gt3A : i32
      %convert_element_type3A = arith.extui %gt3A_93 : i1 to i32
      %cond3A = arith.constant 0 : i32
      %cond3A_94 = arith.cmpi ne, %convert_element_type3A, %cond3A : i32
      scf.if %cond3A_94 {
        %dma_wait3A_197 = arith.constant 0 : i32
        %dma_wait3A_198 = arith.constant 0 : i32
        %dma_wait3A_199 = arith.constant 0 : i32
        %dma_wait3A_200 = tpu.memref_slice %arg5[%dma_wait3A_197, %dma_wait3A_198, %dma_wait3A_199] : memref<3x323584x128xf32, #tpu.memory_space<hbm>> -> memref<1x32x128xf32, #tpu.memory_space<hbm>>
        %dma_wait3A_201 = tpu.memref_squeeze %dma_wait3A_200 : memref<1x32x128xf32, #tpu.memory_space<hbm>> -> memref<32x128xf32, #tpu.memory_space<hbm>>
        %dma_wait3A_202 = arith.constant 0 : i32
        %dma_wait3A_203 = arith.constant 0 : i32
        %dma_wait3A_204 = tpu.memref_slice %arg5[%dma_wait3A_197, %dma_wait3A_202, %dma_wait3A_203] : memref<3x323584x128xf32, #tpu.memory_space<hbm>> -> memref<1x32x128xf32, #tpu.memory_space<hbm>>
        %dma_wait3A_205 = tpu.memref_squeeze %dma_wait3A_204 : memref<1x32x128xf32, #tpu.memory_space<hbm>> -> memref<32x128xf32, #tpu.memory_space<hbm>>
        tpu.wait_dma2 semaphore(%arg22 : memref<!tpu.dma_semaphore, #tpu.memory_space<semaphore_mem>>) src(%arg12 : memref<32x128xf32, #tpu.memory_space<vmem>>) dst(%dma_wait3A_205 : memref<32x128xf32, #tpu.memory_space<hbm>>)
        %dma_wait3A_206 = arith.constant 1 : i32
        %dma_wait3A_207 = arith.constant 0 : i32
        %dma_wait3A_208 = arith.constant 0 : i32
        %dma_wait3A_209 = tpu.memref_slice %arg5[%dma_wait3A_206, %dma_wait3A_207, %dma_wait3A_208] : memref<3x323584x128xf32, #tpu.memory_space<hbm>> -> memref<1x32x128xf32, #tpu.memory_space<hbm>>
        %dma_wait3A_210 = tpu.memref_squeeze %dma_wait3A_209 : memref<1x32x128xf32, #tpu.memory_space<hbm>> -> memref<32x128xf32, #tpu.memory_space<hbm>>
        %dma_wait3A_211 = arith.constant 0 : i32
        %dma_wait3A_212 = arith.constant 0 : i32
        %dma_wait3A_213 = tpu.memref_slice %arg5[%dma_wait3A_206, %dma_wait3A_211, %dma_wait3A_212] : memref<3x323584x128xf32, #tpu.memory_space<hbm>> -> memref<1x32x128xf32, #tpu.memory_space<hbm>>
        %dma_wait3A_214 = tpu.memref_squeeze %dma_wait3A_213 : memref<1x32x128xf32, #tpu.memory_space<hbm>> -> memref<32x128xf32, #tpu.memory_space<hbm>>
        tpu.wait_dma2 semaphore(%arg22 : memref<!tpu.dma_semaphore, #tpu.memory_space<semaphore_mem>>) src(%arg13 : memref<32x128xf32, #tpu.memory_space<vmem>>) dst(%dma_wait3A_214 : memref<32x128xf32, #tpu.memory_space<hbm>>)
        %dma_wait3A_215 = arith.constant 2 : i32
        %dma_wait3A_216 = arith.constant 0 : i32
        %dma_wait3A_217 = arith.constant 0 : i32
        %dma_wait3A_218 = tpu.memref_slice %arg5[%dma_wait3A_215, %dma_wait3A_216, %dma_wait3A_217] : memref<3x323584x128xf32, #tpu.memory_space<hbm>> -> memref<1x32x128xf32, #tpu.memory_space<hbm>>
        %dma_wait3A_219 = tpu.memref_squeeze %dma_wait3A_218 : memref<1x32x128xf32, #tpu.memory_space<hbm>> -> memref<32x128xf32, #tpu.memory_space<hbm>>
        %dma_wait3A_220 = arith.constant 0 : i32
        %dma_wait3A_221 = arith.constant 0 : i32
        %dma_wait3A_222 = tpu.memref_slice %arg5[%dma_wait3A_215, %dma_wait3A_220, %dma_wait3A_221] : memref<3x323584x128xf32, #tpu.memory_space<hbm>> -> memref<1x32x128xf32, #tpu.memory_space<hbm>>
        %dma_wait3A_223 = tpu.memref_squeeze %dma_wait3A_222 : memref<1x32x128xf32, #tpu.memory_space<hbm>> -> memref<32x128xf32, #tpu.memory_space<hbm>>
        tpu.wait_dma2 semaphore(%arg22 : memref<!tpu.dma_semaphore, #tpu.memory_space<semaphore_mem>>) src(%arg14 : memref<32x128xf32, #tpu.memory_space<vmem>>) dst(%dma_wait3A_223 : memref<32x128xf32, #tpu.memory_space<hbm>>)
      } else {
      }
      %scan3A_95 = arith.constant 0 : i32
      %scan3A_96 = arith.constant 0 : i32
      %scan3A_97 = arith.constant 32 : i32
      %scan3A_98 = arith.addi %scan3A_96, %scan3A_97 : i32
      %scan3A_99 = arith.constant 2 : i32
      scf.for %scan3A_197 = %scan3A_96 to %scan3A_98 step %scan3A_99  : i32 {
        %get3A = arith.index_cast %scan3A_197 : i32 to index
        %get3A_198 = arith.constant 128 : index
        %get3A_199 = tpu.vector_load %arg8[%get3A, %get3A_198] {strides = array<i32>} : memref<32x256xf32, #tpu.memory_space<vmem>>, vector<1x16xf32>,
        %get3A_200 = vector.shape_cast %get3A_199 : vector<1x16xf32> to vector<16xf32>
        %get3A_201 = arith.index_cast %scan3A_197 : i32 to index
        %get3A_202 = arith.constant 128 : index
        %get3A_203 = tpu.vector_load %arg9[%get3A_201, %get3A_202] {strides = array<i32>} : memref<32x256xf32, #tpu.memory_space<vmem>>, vector<1x16xf32>,
        %get3A_204 = vector.shape_cast %get3A_203 : vector<1x16xf32> to vector<16xf32>
        %sub3A = arith.subf %get3A_200, %get3A_204 : vector<16xf32>
        %mul3A_205 = arith.mulf %sub3A, %sub3A : vector<16xf32>
        %slice3A = vector.extract_strided_slice %mul3A_205 {offsets = [0], sizes = [1], strides = [1]} : vector<16xf32> to vector<1xf32>
        %squeeze3A = vector.extract %slice3A[0] : f32 from vector<1xf32>
        %slice3A_206 = vector.extract_strided_slice %mul3A_205 {offsets = [1], sizes = [1], strides = [1]} : vector<16xf32> to vector<1xf32>
        %squeeze3A_207 = vector.extract %slice3A_206[0] : f32 from vector<1xf32>
        %add3A_208 = arith.addf %squeeze3A, %squeeze3A_207 : f32
        %slice3A_209 = vector.extract_strided_slice %mul3A_205 {offsets = [2], sizes = [1], strides = [1]} : vector<16xf32> to vector<1xf32>
        %squeeze3A_210 = vector.extract %slice3A_209[0] : f32 from vector<1xf32>
        %add3A_211 = arith.addf %add3A_208, %squeeze3A_210 : f32
        %get3A_212 = arith.index_cast %scan3A_197 : i32 to index
        %get3A_213 = arith.constant 0 : index
        %get3A_214 = tpu.vector_load %arg8[%get3A_212, %get3A_213] {strides = array<i32>} : memref<32x256xf32, #tpu.memory_space<vmem>>, vector<1x16xf32>,
        %get3A_215 = vector.shape_cast %get3A_214 : vector<1x16xf32> to vector<16xf32>
        %swap3A = arith.index_cast %scan3A_197 : i32 to index
        %swap3A_216 = arith.constant 0 : index
        %swap3A_217 = tpu.vector_load %arg12[%swap3A, %swap3A_216] {strides = array<i32>} : memref<32x128xf32, #tpu.memory_space<vmem>>, vector<1x16xf32>,
        %swap3A_218 = vector.shape_cast %swap3A_217 : vector<1x16xf32> to vector<16xf32>
        %swap3A_219 = vector.shape_cast %get3A_215 : vector<16xf32> to vector<1x16xf32>
        tpu.vector_store %arg12[%swap3A, %swap3A_216], %swap3A_219 {strides = array<i32>} : memref<32x128xf32, #tpu.memory_space<vmem>>, vector<1x16xf32>,
        %get3A_220 = arith.index_cast %scan3A_197 : i32 to index
        %get3A_221 = arith.constant 0 : index
        %get3A_222 = tpu.vector_load %arg9[%get3A_220, %get3A_221] {strides = array<i32>} : memref<32x256xf32, #tpu.memory_space<vmem>>, vector<1x16xf32>,
        %get3A_223 = vector.shape_cast %get3A_222 : vector<1x16xf32> to vector<16xf32>
        %swap3A_224 = arith.index_cast %scan3A_197 : i32 to index
        %swap3A_225 = arith.constant 0 : index
        %swap3A_226 = tpu.vector_load %arg13[%swap3A_224, %swap3A_225] {strides = array<i32>} : memref<32x128xf32, #tpu.memory_space<vmem>>, vector<1x16xf32>,
        %swap3A_227 = vector.shape_cast %swap3A_226 : vector<1x16xf32> to vector<16xf32>
        %swap3A_228 = vector.shape_cast %get3A_223 : vector<16xf32> to vector<1x16xf32>
        tpu.vector_store %arg13[%swap3A_224, %swap3A_225], %swap3A_228 {strides = array<i32>} : memref<32x128xf32, #tpu.memory_space<vmem>>, vector<1x16xf32>,
        %get3A_229 = arith.index_cast %scan3A_197 : i32 to index
        %get3A_230 = arith.constant 16 : index
        %get3A_231 = tpu.vector_load %arg8[%get3A_229, %get3A_230] {strides = array<i32>} : memref<32x256xf32, #tpu.memory_space<vmem>>, vector<1x16xf32>,
        %get3A_232 = vector.shape_cast %get3A_231 : vector<1x16xf32> to vector<16xf32>
        %swap3A_233 = arith.index_cast %scan3A_197 : i32 to index
        %swap3A_234 = arith.constant 16 : index
        %swap3A_235 = tpu.vector_load %arg12[%swap3A_233, %swap3A_234] {strides = array<i32>} : memref<32x128xf32, #tpu.memory_space<vmem>>, vector<1x16xf32>,
        %swap3A_236 = vector.shape_cast %swap3A_235 : vector<1x16xf32> to vector<16xf32>
        %swap3A_237 = vector.shape_cast %get3A_232 : vector<16xf32> to vector<1x16xf32>
        tpu.vector_store %arg12[%swap3A_233, %swap3A_234], %swap3A_237 {strides = array<i32>} : memref<32x128xf32, #tpu.memory_space<vmem>>, vector<1x16xf32>,
        %get3A_238 = arith.index_cast %scan3A_197 : i32 to index
        %get3A_239 = arith.constant 16 : index
        %get3A_240 = tpu.vector_load %arg9[%get3A_238, %get3A_239] {strides = array<i32>} : memref<32x256xf32, #tpu.memory_space<vmem>>, vector<1x16xf32>,
        %get3A_241 = vector.shape_cast %get3A_240 : vector<1x16xf32> to vector<16xf32>
        %swap3A_242 = arith.index_cast %scan3A_197 : i32 to index
        %swap3A_243 = arith.constant 16 : index
        %swap3A_244 = tpu.vector_load %arg13[%swap3A_242, %swap3A_243] {strides = array<i32>} : memref<32x128xf32, #tpu.memory_space<vmem>>, vector<1x16xf32>,
        %swap3A_245 = vector.shape_cast %swap3A_244 : vector<1x16xf32> to vector<16xf32>
        %swap3A_246 = vector.shape_cast %get3A_241 : vector<16xf32> to vector<1x16xf32>
        tpu.vector_store %arg13[%swap3A_242, %swap3A_243], %swap3A_246 {strides = array<i32>} : memref<32x128xf32, #tpu.memory_space<vmem>>, vector<1x16xf32>,
        %get3A_247 = arith.index_cast %scan3A_197 : i32 to index
        %get3A_248 = arith.constant 32 : index
        %get3A_249 = tpu.vector_load %arg8[%get3A_247, %get3A_248] {strides = array<i32>} : memref<32x256xf32, #tpu.memory_space<vmem>>, vector<1x16xf32>,
        %get3A_250 = vector.shape_cast %get3A_249 : vector<1x16xf32> to vector<16xf32>
        %swap3A_251 = arith.index_cast %scan3A_197 : i32 to index
        %swap3A_252 = arith.constant 32 : index
        %swap3A_253 = tpu.vector_load %arg12[%swap3A_251, %swap3A_252] {strides = array<i32>} : memref<32x128xf32, #tpu.memory_space<vmem>>, vector<1x16xf32>,
        %swap3A_254 = vector.shape_cast %swap3A_253 : vector<1x16xf32> to vector<16xf32>
        %swap3A_255 = vector.shape_cast %get3A_250 : vector<16xf32> to vector<1x16xf32>
        tpu.vector_store %arg12[%swap3A_251, %swap3A_252], %swap3A_255 {strides = array<i32>} : memref<32x128xf32, #tpu.memory_space<vmem>>, vector<1x16xf32>,
        %get3A_256 = arith.index_cast %scan3A_197 : i32 to index
        %get3A_257 = arith.constant 32 : index
        %get3A_258 = tpu.vector_load %arg9[%get3A_256, %get3A_257] {strides = array<i32>} : memref<32x256xf32, #tpu.memory_space<vmem>>, vector<1x16xf32>,
        %get3A_259 = vector.shape_cast %get3A_258 : vector<1x16xf32> to vector<16xf32>
        %swap3A_260 = arith.index_cast %scan3A_197 : i32 to index
        %swap3A_261 = arith.constant 32 : index
        %swap3A_262 = tpu.vector_load %arg13[%swap3A_260, %swap3A_261] {strides = array<i32>} : memref<32x128xf32, #tpu.memory_space<vmem>>, vector<1x16xf32>,
        %swap3A_263 = vector.shape_cast %swap3A_262 : vector<1x16xf32> to vector<16xf32>
        %swap3A_264 = vector.shape_cast %get3A_259 : vector<16xf32> to vector<1x16xf32>
        tpu.vector_store %arg13[%swap3A_260, %swap3A_261], %swap3A_264 {strides = array<i32>} : memref<32x128xf32, #tpu.memory_space<vmem>>, vector<1x16xf32>,
        %get3A_265 = arith.index_cast %scan3A_197 : i32 to index
        %get3A_266 = arith.constant 48 : index
        %get3A_267 = tpu.vector_load %arg8[%get3A_265, %get3A_266] {strides = array<i32>} : memref<32x256xf32, #tpu.memory_space<vmem>>, vector<1x16xf32>,
        %get3A_268 = vector.shape_cast %get3A_267 : vector<1x16xf32> to vector<16xf32>
        %swap3A_269 = arith.index_cast %scan3A_197 : i32 to index
        %swap3A_270 = arith.constant 48 : index
        %swap3A_271 = tpu.vector_load %arg12[%swap3A_269, %swap3A_270] {strides = array<i32>} : memref<32x128xf32, #tpu.memory_space<vmem>>, vector<1x16xf32>,
        %swap3A_272 = vector.shape_cast %swap3A_271 : vector<1x16xf32> to vector<16xf32>
        %swap3A_273 = vector.shape_cast %get3A_268 : vector<16xf32> to vector<1x16xf32>
        tpu.vector_store %arg12[%swap3A_269, %swap3A_270], %swap3A_273 {strides = array<i32>} : memref<32x128xf32, #tpu.memory_space<vmem>>, vector<1x16xf32>,
        %get3A_274 = arith.index_cast %scan3A_197 : i32 to index
        %get3A_275 = arith.constant 48 : index
        %get3A_276 = tpu.vector_load %arg9[%get3A_274, %get3A_275] {strides = array<i32>} : memref<32x256xf32, #tpu.memory_space<vmem>>, vector<1x16xf32>,
        %get3A_277 = vector.shape_cast %get3A_276 : vector<1x16xf32> to vector<16xf32>
        %swap3A_278 = arith.index_cast %scan3A_197 : i32 to index
        %swap3A_279 = arith.constant 48 : index
        %swap3A_280 = tpu.vector_load %arg13[%swap3A_278, %swap3A_279] {strides = array<i32>} : memref<32x128xf32, #tpu.memory_space<vmem>>, vector<1x16xf32>,
        %swap3A_281 = vector.shape_cast %swap3A_280 : vector<1x16xf32> to vector<16xf32>
        %swap3A_282 = vector.shape_cast %get3A_277 : vector<16xf32> to vector<1x16xf32>
        tpu.vector_store %arg13[%swap3A_278, %swap3A_279], %swap3A_282 {strides = array<i32>} : memref<32x128xf32, #tpu.memory_space<vmem>>, vector<1x16xf32>,
        %get3A_283 = arith.index_cast %scan3A_197 : i32 to index
        %get3A_284 = arith.constant 64 : index
        %get3A_285 = tpu.vector_load %arg8[%get3A_283, %get3A_284] {strides = array<i32>} : memref<32x256xf32, #tpu.memory_space<vmem>>, vector<1x16xf32>,
        %get3A_286 = vector.shape_cast %get3A_285 : vector<1x16xf32> to vector<16xf32>
        %swap3A_287 = arith.index_cast %scan3A_197 : i32 to index
        %swap3A_288 = arith.constant 64 : index
        %swap3A_289 = tpu.vector_load %arg12[%swap3A_287, %swap3A_288] {strides = array<i32>} : memref<32x128xf32, #tpu.memory_space<vmem>>, vector<1x16xf32>,
        %swap3A_290 = vector.shape_cast %swap3A_289 : vector<1x16xf32> to vector<16xf32>
        %swap3A_291 = vector.shape_cast %get3A_286 : vector<16xf32> to vector<1x16xf32>
        tpu.vector_store %arg12[%swap3A_287, %swap3A_288], %swap3A_291 {strides = array<i32>} : memref<32x128xf32, #tpu.memory_space<vmem>>, vector<1x16xf32>,
        %get3A_292 = arith.index_cast %scan3A_197 : i32 to index
        %get3A_293 = arith.constant 64 : index
        %get3A_294 = tpu.vector_load %arg9[%get3A_292, %get3A_293] {strides = array<i32>} : memref<32x256xf32, #tpu.memory_space<vmem>>, vector<1x16xf32>,
        %get3A_295 = vector.shape_cast %get3A_294 : vector<1x16xf32> to vector<16xf32>
        %swap3A_296 = arith.index_cast %scan3A_197 : i32 to index
        %swap3A_297 = arith.constant 64 : index
        %swap3A_298 = tpu.vector_load %arg13[%swap3A_296, %swap3A_297] {strides = array<i32>} : memref<32x128xf32, #tpu.memory_space<vmem>>, vector<1x16xf32>,
        %swap3A_299 = vector.shape_cast %swap3A_298 : vector<1x16xf32> to vector<16xf32>
        %swap3A_300 = vector.shape_cast %get3A_295 : vector<16xf32> to vector<1x16xf32>
        tpu.vector_store %arg13[%swap3A_296, %swap3A_297], %swap3A_300 {strides = array<i32>} : memref<32x128xf32, #tpu.memory_space<vmem>>, vector<1x16xf32>,
        %get3A_301 = arith.index_cast %scan3A_197 : i32 to index
        %get3A_302 = arith.constant 80 : index
        %get3A_303 = tpu.vector_load %arg8[%get3A_301, %get3A_302] {strides = array<i32>} : memref<32x256xf32, #tpu.memory_space<vmem>>, vector<1x16xf32>,
        %get3A_304 = vector.shape_cast %get3A_303 : vector<1x16xf32> to vector<16xf32>
        %swap3A_305 = arith.index_cast %scan3A_197 : i32 to index
        %swap3A_306 = arith.constant 80 : index
        %swap3A_307 = tpu.vector_load %arg12[%swap3A_305, %swap3A_306] {strides = array<i32>} : memref<32x128xf32, #tpu.memory_space<vmem>>, vector<1x16xf32>,
        %swap3A_308 = vector.shape_cast %swap3A_307 : vector<1x16xf32> to vector<16xf32>
        %swap3A_309 = vector.shape_cast %get3A_304 : vector<16xf32> to vector<1x16xf32>
        tpu.vector_store %arg12[%swap3A_305, %swap3A_306], %swap3A_309 {strides = array<i32>} : memref<32x128xf32, #tpu.memory_space<vmem>>, vector<1x16xf32>,
        %get3A_310 = arith.index_cast %scan3A_197 : i32 to index
        %get3A_311 = arith.constant 80 : index
        %get3A_312 = tpu.vector_load %arg9[%get3A_310, %get3A_311] {strides = array<i32>} : memref<32x256xf32, #tpu.memory_space<vmem>>, vector<1x16xf32>,
        %get3A_313 = vector.shape_cast %get3A_312 : vector<1x16xf32> to vector<16xf32>
        %swap3A_314 = arith.index_cast %scan3A_197 : i32 to index
        %swap3A_315 = arith.constant 80 : index
        %swap3A_316 = tpu.vector_load %arg13[%swap3A_314, %swap3A_315] {strides = array<i32>} : memref<32x128xf32, #tpu.memory_space<vmem>>, vector<1x16xf32>,
        %swap3A_317 = vector.shape_cast %swap3A_316 : vector<1x16xf32> to vector<16xf32>
        %swap3A_318 = vector.shape_cast %get3A_313 : vector<16xf32> to vector<1x16xf32>
        tpu.vector_store %arg13[%swap3A_314, %swap3A_315], %swap3A_318 {strides = array<i32>} : memref<32x128xf32, #tpu.memory_space<vmem>>, vector<1x16xf32>,
        %get3A_319 = arith.index_cast %scan3A_197 : i32 to index
        %get3A_320 = arith.constant 96 : index
        %get3A_321 = tpu.vector_load %arg8[%get3A_319, %get3A_320] {strides = array<i32>} : memref<32x256xf32, #tpu.memory_space<vmem>>, vector<1x16xf32>,
        %get3A_322 = vector.shape_cast %get3A_321 : vector<1x16xf32> to vector<16xf32>
        %swap3A_323 = arith.index_cast %scan3A_197 : i32 to index
        %swap3A_324 = arith.constant 96 : index
        %swap3A_325 = tpu.vector_load %arg12[%swap3A_323, %swap3A_324] {strides = array<i32>} : memref<32x128xf32, #tpu.memory_space<vmem>>, vector<1x16xf32>,
        %swap3A_326 = vector.shape_cast %swap3A_325 : vector<1x16xf32> to vector<16xf32>
        %swap3A_327 = vector.shape_cast %get3A_322 : vector<16xf32> to vector<1x16xf32>
        tpu.vector_store %arg12[%swap3A_323, %swap3A_324], %swap3A_327 {strides = array<i32>} : memref<32x128xf32, #tpu.memory_space<vmem>>, vector<1x16xf32>,
        %get3A_328 = arith.index_cast %scan3A_197 : i32 to index
        %get3A_329 = arith.constant 96 : index
        %get3A_330 = tpu.vector_load %arg9[%get3A_328, %get3A_329] {strides = array<i32>} : memref<32x256xf32, #tpu.memory_space<vmem>>, vector<1x16xf32>,
        %get3A_331 = vector.shape_cast %get3A_330 : vector<1x16xf32> to vector<16xf32>
        %swap3A_332 = arith.index_cast %scan3A_197 : i32 to index
        %swap3A_333 = arith.constant 96 : index
        %swap3A_334 = tpu.vector_load %arg13[%swap3A_332, %swap3A_333] {strides = array<i32>} : memref<32x128xf32, #tpu.memory_space<vmem>>, vector<1x16xf32>,
        %swap3A_335 = vector.shape_cast %swap3A_334 : vector<1x16xf32> to vector<16xf32>
        %swap3A_336 = vector.shape_cast %get3A_331 : vector<16xf32> to vector<1x16xf32>
        tpu.vector_store %arg13[%swap3A_332, %swap3A_333], %swap3A_336 {strides = array<i32>} : memref<32x128xf32, #tpu.memory_space<vmem>>, vector<1x16xf32>,
        %get3A_337 = arith.index_cast %scan3A_197 : i32 to index
        %get3A_338 = arith.constant 112 : index
        %get3A_339 = tpu.vector_load %arg8[%get3A_337, %get3A_338] {strides = array<i32>} : memref<32x256xf32, #tpu.memory_space<vmem>>, vector<1x16xf32>,
        %get3A_340 = vector.shape_cast %get3A_339 : vector<1x16xf32> to vector<16xf32>
        %swap3A_341 = arith.index_cast %scan3A_197 : i32 to index
        %swap3A_342 = arith.constant 112 : index
        %swap3A_343 = tpu.vector_load %arg12[%swap3A_341, %swap3A_342] {strides = array<i32>} : memref<32x128xf32, #tpu.memory_space<vmem>>, vector<1x16xf32>,
        %swap3A_344 = vector.shape_cast %swap3A_343 : vector<1x16xf32> to vector<16xf32>
        %swap3A_345 = vector.shape_cast %get3A_340 : vector<16xf32> to vector<1x16xf32>
        tpu.vector_store %arg12[%swap3A_341, %swap3A_342], %swap3A_345 {strides = array<i32>} : memref<32x128xf32, #tpu.memory_space<vmem>>, vector<1x16xf32>,
        %get3A_346 = arith.index_cast %scan3A_197 : i32 to index
        %get3A_347 = arith.constant 112 : index
        %get3A_348 = tpu.vector_load %arg9[%get3A_346, %get3A_347] {strides = array<i32>} : memref<32x256xf32, #tpu.memory_space<vmem>>, vector<1x16xf32>,
        %get3A_349 = vector.shape_cast %get3A_348 : vector<1x16xf32> to vector<16xf32>
        %swap3A_350 = arith.index_cast %scan3A_197 : i32 to index
        %swap3A_351 = arith.constant 112 : index
        %swap3A_352 = tpu.vector_load %arg13[%swap3A_350, %swap3A_351] {strides = array<i32>} : memref<32x128xf32, #tpu.memory_space<vmem>>, vector<1x16xf32>,
        %swap3A_353 = vector.shape_cast %swap3A_352 : vector<1x16xf32> to vector<16xf32>
        %swap3A_354 = vector.shape_cast %get3A_349 : vector<16xf32> to vector<1x16xf32>
        tpu.vector_store %arg13[%swap3A_350, %swap3A_351], %swap3A_354 {strides = array<i32>} : memref<32x128xf32, #tpu.memory_space<vmem>>, vector<1x16xf32>,
        %broadcast_in_dim3A = vector.broadcast %add3A_211 : f32 to vector<16xf32>
        %swap3A_355 = arith.index_cast %scan3A_197 : i32 to index
        %swap3A_356 = arith.constant 0 : index
        %swap3A_357 = tpu.vector_load %arg14[%swap3A_355, %swap3A_356] {strides = array<i32>} : memref<32x128xf32, #tpu.memory_space<vmem>>, vector<1x16xf32>,
        %swap3A_358 = vector.shape_cast %swap3A_357 : vector<1x16xf32> to vector<16xf32>
        %swap3A_359 = vector.shape_cast %broadcast_in_dim3A : vector<16xf32> to vector<1x16xf32>
        tpu.vector_store %arg14[%swap3A_355, %swap3A_356], %swap3A_359 {strides = array<i32>} : memref<32x128xf32, #tpu.memory_space<vmem>>, vector<1x16xf32>,
        %scan3A_360 = arith.constant 1 : i32
        %scan3A_361 = arith.addi %scan3A_197, %scan3A_360 : i32
        %get3A_362 = arith.index_cast %scan3A_361 : i32 to index
        %get3A_363 = arith.constant 128 : index
        %get3A_364 = tpu.vector_load %arg8[%get3A_362, %get3A_363] {strides = array<i32>} : memref<32x256xf32, #tpu.memory_space<vmem>>, vector<1x16xf32>,
        %get3A_365 = vector.shape_cast %get3A_364 : vector<1x16xf32> to vector<16xf32>
        %get3A_366 = arith.index_cast %scan3A_361 : i32 to index
        %get3A_367 = arith.constant 128 : index
        %get3A_368 = tpu.vector_load %arg9[%get3A_366, %get3A_367] {strides = array<i32>} : memref<32x256xf32, #tpu.memory_space<vmem>>, vector<1x16xf32>,
        %get3A_369 = vector.shape_cast %get3A_368 : vector<1x16xf32> to vector<16xf32>
        %sub3A_370 = arith.subf %get3A_365, %get3A_369 : vector<16xf32>
        %mul3A_371 = arith.mulf %sub3A_370, %sub3A_370 : vector<16xf32>
        %slice3A_372 = vector.extract_strided_slice %mul3A_371 {offsets = [0], sizes = [1], strides = [1]} : vector<16xf32> to vector<1xf32>
        %squeeze3A_373 = vector.extract %slice3A_372[0] : f32 from vector<1xf32>
        %slice3A_374 = vector.extract_strided_slice %mul3A_371 {offsets = [1], sizes = [1], strides = [1]} : vector<16xf32> to vector<1xf32>
        %squeeze3A_375 = vector.extract %slice3A_374[0] : f32 from vector<1xf32>
        %add3A_376 = arith.addf %squeeze3A_373, %squeeze3A_375 : f32
        %slice3A_377 = vector.extract_strided_slice %mul3A_371 {offsets = [2], sizes = [1], strides = [1]} : vector<16xf32> to vector<1xf32>
        %squeeze3A_378 = vector.extract %slice3A_377[0] : f32 from vector<1xf32>
        %add3A_379 = arith.addf %add3A_376, %squeeze3A_378 : f32
        %get3A_380 = arith.index_cast %scan3A_361 : i32 to index
        %get3A_381 = arith.constant 0 : index
        %get3A_382 = tpu.vector_load %arg8[%get3A_380, %get3A_381] {strides = array<i32>} : memref<32x256xf32, #tpu.memory_space<vmem>>, vector<1x16xf32>,
        %get3A_383 = vector.shape_cast %get3A_382 : vector<1x16xf32> to vector<16xf32>
        %swap3A_384 = arith.index_cast %scan3A_361 : i32 to index
        %swap3A_385 = arith.constant 0 : index
        %swap3A_386 = tpu.vector_load %arg12[%swap3A_384, %swap3A_385] {strides = array<i32>} : memref<32x128xf32, #tpu.memory_space<vmem>>, vector<1x16xf32>,
        %swap3A_387 = vector.shape_cast %swap3A_386 : vector<1x16xf32> to vector<16xf32>
        %swap3A_388 = vector.shape_cast %get3A_383 : vector<16xf32> to vector<1x16xf32>
        tpu.vector_store %arg12[%swap3A_384, %swap3A_385], %swap3A_388 {strides = array<i32>} : memref<32x128xf32, #tpu.memory_space<vmem>>, vector<1x16xf32>,
        %get3A_389 = arith.index_cast %scan3A_361 : i32 to index
        %get3A_390 = arith.constant 0 : index
        %get3A_391 = tpu.vector_load %arg9[%get3A_389, %get3A_390] {strides = array<i32>} : memref<32x256xf32, #tpu.memory_space<vmem>>, vector<1x16xf32>,
        %get3A_392 = vector.shape_cast %get3A_391 : vector<1x16xf32> to vector<16xf32>
        %swap3A_393 = arith.index_cast %scan3A_361 : i32 to index
        %swap3A_394 = arith.constant 0 : index
        %swap3A_395 = tpu.vector_load %arg13[%swap3A_393, %swap3A_394] {strides = array<i32>} : memref<32x128xf32, #tpu.memory_space<vmem>>, vector<1x16xf32>,
        %swap3A_396 = vector.shape_cast %swap3A_395 : vector<1x16xf32> to vector<16xf32>
        %swap3A_397 = vector.shape_cast %get3A_392 : vector<16xf32> to vector<1x16xf32>
        tpu.vector_store %arg13[%swap3A_393, %swap3A_394], %swap3A_397 {strides = array<i32>} : memref<32x128xf32, #tpu.memory_space<vmem>>, vector<1x16xf32>,
        %get3A_398 = arith.index_cast %scan3A_361 : i32 to index
        %get3A_399 = arith.constant 16 : index
        %get3A_400 = tpu.vector_load %arg8[%get3A_398, %get3A_399] {strides = array<i32>} : memref<32x256xf32, #tpu.memory_space<vmem>>, vector<1x16xf32>,
        %get3A_401 = vector.shape_cast %get3A_400 : vector<1x16xf32> to vector<16xf32>
        %swap3A_402 = arith.index_cast %scan3A_361 : i32 to index
        %swap3A_403 = arith.constant 16 : index
        %swap3A_404 = tpu.vector_load %arg12[%swap3A_402, %swap3A_403] {strides = array<i32>} : memref<32x128xf32, #tpu.memory_space<vmem>>, vector<1x16xf32>,
        %swap3A_405 = vector.shape_cast %swap3A_404 : vector<1x16xf32> to vector<16xf32>
        %swap3A_406 = vector.shape_cast %get3A_401 : vector<16xf32> to vector<1x16xf32>
        tpu.vector_store %arg12[%swap3A_402, %swap3A_403], %swap3A_406 {strides = array<i32>} : memref<32x128xf32, #tpu.memory_space<vmem>>, vector<1x16xf32>,
        %get3A_407 = arith.index_cast %scan3A_361 : i32 to index
        %get3A_408 = arith.constant 16 : index
        %get3A_409 = tpu.vector_load %arg9[%get3A_407, %get3A_408] {strides = array<i32>} : memref<32x256xf32, #tpu.memory_space<vmem>>, vector<1x16xf32>,
        %get3A_410 = vector.shape_cast %get3A_409 : vector<1x16xf32> to vector<16xf32>
        %swap3A_411 = arith.index_cast %scan3A_361 : i32 to index
        %swap3A_412 = arith.constant 16 : index
        %swap3A_413 = tpu.vector_load %arg13[%swap3A_411, %swap3A_412] {strides = array<i32>} : memref<32x128xf32, #tpu.memory_space<vmem>>, vector<1x16xf32>,
        %swap3A_414 = vector.shape_cast %swap3A_413 : vector<1x16xf32> to vector<16xf32>
        %swap3A_415 = vector.shape_cast %get3A_410 : vector<16xf32> to vector<1x16xf32>
        tpu.vector_store %arg13[%swap3A_411, %swap3A_412], %swap3A_415 {strides = array<i32>} : memref<32x128xf32, #tpu.memory_space<vmem>>, vector<1x16xf32>,
        %get3A_416 = arith.index_cast %scan3A_361 : i32 to index
        %get3A_417 = arith.constant 32 : index
        %get3A_418 = tpu.vector_load %arg8[%get3A_416, %get3A_417] {strides = array<i32>} : memref<32x256xf32, #tpu.memory_space<vmem>>, vector<1x16xf32>,
        %get3A_419 = vector.shape_cast %get3A_418 : vector<1x16xf32> to vector<16xf32>
        %swap3A_420 = arith.index_cast %scan3A_361 : i32 to index
        %swap3A_421 = arith.constant 32 : index
        %swap3A_422 = tpu.vector_load %arg12[%swap3A_420, %swap3A_421] {strides = array<i32>} : memref<32x128xf32, #tpu.memory_space<vmem>>, vector<1x16xf32>,
        %swap3A_423 = vector.shape_cast %swap3A_422 : vector<1x16xf32> to vector<16xf32>
        %swap3A_424 = vector.shape_cast %get3A_419 : vector<16xf32> to vector<1x16xf32>
        tpu.vector_store %arg12[%swap3A_420, %swap3A_421], %swap3A_424 {strides = array<i32>} : memref<32x128xf32, #tpu.memory_space<vmem>>, vector<1x16xf32>,
        %get3A_425 = arith.index_cast %scan3A_361 : i32 to index
        %get3A_426 = arith.constant 32 : index
        %get3A_427 = tpu.vector_load %arg9[%get3A_425, %get3A_426] {strides = array<i32>} : memref<32x256xf32, #tpu.memory_space<vmem>>, vector<1x16xf32>,
        %get3A_428 = vector.shape_cast %get3A_427 : vector<1x16xf32> to vector<16xf32>
        %swap3A_429 = arith.index_cast %scan3A_361 : i32 to index
        %swap3A_430 = arith.constant 32 : index
        %swap3A_431 = tpu.vector_load %arg13[%swap3A_429, %swap3A_430] {strides = array<i32>} : memref<32x128xf32, #tpu.memory_space<vmem>>, vector<1x16xf32>,
        %swap3A_432 = vector.shape_cast %swap3A_431 : vector<1x16xf32> to vector<16xf32>
        %swap3A_433 = vector.shape_cast %get3A_428 : vector<16xf32> to vector<1x16xf32>
        tpu.vector_store %arg13[%swap3A_429, %swap3A_430], %swap3A_433 {strides = array<i32>} : memref<32x128xf32, #tpu.memory_space<vmem>>, vector<1x16xf32>,
        %get3A_434 = arith.index_cast %scan3A_361 : i32 to index
        %get3A_435 = arith.constant 48 : index
        %get3A_436 = tpu.vector_load %arg8[%get3A_434, %get3A_435] {strides = array<i32>} : memref<32x256xf32, #tpu.memory_space<vmem>>, vector<1x16xf32>,
        %get3A_437 = vector.shape_cast %get3A_436 : vector<1x16xf32> to vector<16xf32>
        %swap3A_438 = arith.index_cast %scan3A_361 : i32 to index
        %swap3A_439 = arith.constant 48 : index
        %swap3A_440 = tpu.vector_load %arg12[%swap3A_438, %swap3A_439] {strides = array<i32>} : memref<32x128xf32, #tpu.memory_space<vmem>>, vector<1x16xf32>,
        %swap3A_441 = vector.shape_cast %swap3A_440 : vector<1x16xf32> to vector<16xf32>
        %swap3A_442 = vector.shape_cast %get3A_437 : vector<16xf32> to vector<1x16xf32>
        tpu.vector_store %arg12[%swap3A_438, %swap3A_439], %swap3A_442 {strides = array<i32>} : memref<32x128xf32, #tpu.memory_space<vmem>>, vector<1x16xf32>,
        %get3A_443 = arith.index_cast %scan3A_361 : i32 to index
        %get3A_444 = arith.constant 48 : index
        %get3A_445 = tpu.vector_load %arg9[%get3A_443, %get3A_444] {strides = array<i32>} : memref<32x256xf32, #tpu.memory_space<vmem>>, vector<1x16xf32>,
        %get3A_446 = vector.shape_cast %get3A_445 : vector<1x16xf32> to vector<16xf32>
        %swap3A_447 = arith.index_cast %scan3A_361 : i32 to index
        %swap3A_448 = arith.constant 48 : index
        %swap3A_449 = tpu.vector_load %arg13[%swap3A_447, %swap3A_448] {strides = array<i32>} : memref<32x128xf32, #tpu.memory_space<vmem>>, vector<1x16xf32>,
        %swap3A_450 = vector.shape_cast %swap3A_449 : vector<1x16xf32> to vector<16xf32>
        %swap3A_451 = vector.shape_cast %get3A_446 : vector<16xf32> to vector<1x16xf32>
        tpu.vector_store %arg13[%swap3A_447, %swap3A_448], %swap3A_451 {strides = array<i32>} : memref<32x128xf32, #tpu.memory_space<vmem>>, vector<1x16xf32>,
        %get3A_452 = arith.index_cast %scan3A_361 : i32 to index
        %get3A_453 = arith.constant 64 : index
        %get3A_454 = tpu.vector_load %arg8[%get3A_452, %get3A_453] {strides = array<i32>} : memref<32x256xf32, #tpu.memory_space<vmem>>, vector<1x16xf32>,
        %get3A_455 = vector.shape_cast %get3A_454 : vector<1x16xf32> to vector<16xf32>
        %swap3A_456 = arith.index_cast %scan3A_361 : i32 to index
        %swap3A_457 = arith.constant 64 : index
        %swap3A_458 = tpu.vector_load %arg12[%swap3A_456, %swap3A_457] {strides = array<i32>} : memref<32x128xf32, #tpu.memory_space<vmem>>, vector<1x16xf32>,
        %swap3A_459 = vector.shape_cast %swap3A_458 : vector<1x16xf32> to vector<16xf32>
        %swap3A_460 = vector.shape_cast %get3A_455 : vector<16xf32> to vector<1x16xf32>
        tpu.vector_store %arg12[%swap3A_456, %swap3A_457], %swap3A_460 {strides = array<i32>} : memref<32x128xf32, #tpu.memory_space<vmem>>, vector<1x16xf32>,
        %get3A_461 = arith.index_cast %scan3A_361 : i32 to index
        %get3A_462 = arith.constant 64 : index
        %get3A_463 = tpu.vector_load %arg9[%get3A_461, %get3A_462] {strides = array<i32>} : memref<32x256xf32, #tpu.memory_space<vmem>>, vector<1x16xf32>,
        %get3A_464 = vector.shape_cast %get3A_463 : vector<1x16xf32> to vector<16xf32>
        %swap3A_465 = arith.index_cast %scan3A_361 : i32 to index
        %swap3A_466 = arith.constant 64 : index
        %swap3A_467 = tpu.vector_load %arg13[%swap3A_465, %swap3A_466] {strides = array<i32>} : memref<32x128xf32, #tpu.memory_space<vmem>>, vector<1x16xf32>,
        %swap3A_468 = vector.shape_cast %swap3A_467 : vector<1x16xf32> to vector<16xf32>
        %swap3A_469 = vector.shape_cast %get3A_464 : vector<16xf32> to vector<1x16xf32>
        tpu.vector_store %arg13[%swap3A_465, %swap3A_466], %swap3A_469 {strides = array<i32>} : memref<32x128xf32, #tpu.memory_space<vmem>>, vector<1x16xf32>,
        %get3A_470 = arith.index_cast %scan3A_361 : i32 to index
        %get3A_471 = arith.constant 80 : index
        %get3A_472 = tpu.vector_load %arg8[%get3A_470, %get3A_471] {strides = array<i32>} : memref<32x256xf32, #tpu.memory_space<vmem>>, vector<1x16xf32>,
        %get3A_473 = vector.shape_cast %get3A_472 : vector<1x16xf32> to vector<16xf32>
        %swap3A_474 = arith.index_cast %scan3A_361 : i32 to index
        %swap3A_475 = arith.constant 80 : index
        %swap3A_476 = tpu.vector_load %arg12[%swap3A_474, %swap3A_475] {strides = array<i32>} : memref<32x128xf32, #tpu.memory_space<vmem>>, vector<1x16xf32>,
        %swap3A_477 = vector.shape_cast %swap3A_476 : vector<1x16xf32> to vector<16xf32>
        %swap3A_478 = vector.shape_cast %get3A_473 : vector<16xf32> to vector<1x16xf32>
        tpu.vector_store %arg12[%swap3A_474, %swap3A_475], %swap3A_478 {strides = array<i32>} : memref<32x128xf32, #tpu.memory_space<vmem>>, vector<1x16xf32>,
        %get3A_479 = arith.index_cast %scan3A_361 : i32 to index
        %get3A_480 = arith.constant 80 : index
        %get3A_481 = tpu.vector_load %arg9[%get3A_479, %get3A_480] {strides = array<i32>} : memref<32x256xf32, #tpu.memory_space<vmem>>, vector<1x16xf32>,
        %get3A_482 = vector.shape_cast %get3A_481 : vector<1x16xf32> to vector<16xf32>
        %swap3A_483 = arith.index_cast %scan3A_361 : i32 to index
        %swap3A_484 = arith.constant 80 : index
        %swap3A_485 = tpu.vector_load %arg13[%swap3A_483, %swap3A_484] {strides = array<i32>} : memref<32x128xf32, #tpu.memory_space<vmem>>, vector<1x16xf32>,
        %swap3A_486 = vector.shape_cast %swap3A_485 : vector<1x16xf32> to vector<16xf32>
        %swap3A_487 = vector.shape_cast %get3A_482 : vector<16xf32> to vector<1x16xf32>
        tpu.vector_store %arg13[%swap3A_483, %swap3A_484], %swap3A_487 {strides = array<i32>} : memref<32x128xf32, #tpu.memory_space<vmem>>, vector<1x16xf32>,
        %get3A_488 = arith.index_cast %scan3A_361 : i32 to index
        %get3A_489 = arith.constant 96 : index
        %get3A_490 = tpu.vector_load %arg8[%get3A_488, %get3A_489] {strides = array<i32>} : memref<32x256xf32, #tpu.memory_space<vmem>>, vector<1x16xf32>,
        %get3A_491 = vector.shape_cast %get3A_490 : vector<1x16xf32> to vector<16xf32>
        %swap3A_492 = arith.index_cast %scan3A_361 : i32 to index
        %swap3A_493 = arith.constant 96 : index
        %swap3A_494 = tpu.vector_load %arg12[%swap3A_492, %swap3A_493] {strides = array<i32>} : memref<32x128xf32, #tpu.memory_space<vmem>>, vector<1x16xf32>,
        %swap3A_495 = vector.shape_cast %swap3A_494 : vector<1x16xf32> to vector<16xf32>
        %swap3A_496 = vector.shape_cast %get3A_491 : vector<16xf32> to vector<1x16xf32>
        tpu.vector_store %arg12[%swap3A_492, %swap3A_493], %swap3A_496 {strides = array<i32>} : memref<32x128xf32, #tpu.memory_space<vmem>>, vector<1x16xf32>,
        %get3A_497 = arith.index_cast %scan3A_361 : i32 to index
        %get3A_498 = arith.constant 96 : index
        %get3A_499 = tpu.vector_load %arg9[%get3A_497, %get3A_498] {strides = array<i32>} : memref<32x256xf32, #tpu.memory_space<vmem>>, vector<1x16xf32>,
        %get3A_500 = vector.shape_cast %get3A_499 : vector<1x16xf32> to vector<16xf32>
        %swap3A_501 = arith.index_cast %scan3A_361 : i32 to index
        %swap3A_502 = arith.constant 96 : index
        %swap3A_503 = tpu.vector_load %arg13[%swap3A_501, %swap3A_502] {strides = array<i32>} : memref<32x128xf32, #tpu.memory_space<vmem>>, vector<1x16xf32>,
        %swap3A_504 = vector.shape_cast %swap3A_503 : vector<1x16xf32> to vector<16xf32>
        %swap3A_505 = vector.shape_cast %get3A_500 : vector<16xf32> to vector<1x16xf32>
        tpu.vector_store %arg13[%swap3A_501, %swap3A_502], %swap3A_505 {strides = array<i32>} : memref<32x128xf32, #tpu.memory_space<vmem>>, vector<1x16xf32>,
        %get3A_506 = arith.index_cast %scan3A_361 : i32 to index
        %get3A_507 = arith.constant 112 : index
        %get3A_508 = tpu.vector_load %arg8[%get3A_506, %get3A_507] {strides = array<i32>} : memref<32x256xf32, #tpu.memory_space<vmem>>, vector<1x16xf32>,
        %get3A_509 = vector.shape_cast %get3A_508 : vector<1x16xf32> to vector<16xf32>
        %swap3A_510 = arith.index_cast %scan3A_361 : i32 to index
        %swap3A_511 = arith.constant 112 : index
        %swap3A_512 = tpu.vector_load %arg12[%swap3A_510, %swap3A_511] {strides = array<i32>} : memref<32x128xf32, #tpu.memory_space<vmem>>, vector<1x16xf32>,
        %swap3A_513 = vector.shape_cast %swap3A_512 : vector<1x16xf32> to vector<16xf32>
        %swap3A_514 = vector.shape_cast %get3A_509 : vector<16xf32> to vector<1x16xf32>
        tpu.vector_store %arg12[%swap3A_510, %swap3A_511], %swap3A_514 {strides = array<i32>} : memref<32x128xf32, #tpu.memory_space<vmem>>, vector<1x16xf32>,
        %get3A_515 = arith.index_cast %scan3A_361 : i32 to index
        %get3A_516 = arith.constant 112 : index
        %get3A_517 = tpu.vector_load %arg9[%get3A_515, %get3A_516] {strides = array<i32>} : memref<32x256xf32, #tpu.memory_space<vmem>>, vector<1x16xf32>,
        %get3A_518 = vector.shape_cast %get3A_517 : vector<1x16xf32> to vector<16xf32>
        %swap3A_519 = arith.index_cast %scan3A_361 : i32 to index
        %swap3A_520 = arith.constant 112 : index
        %swap3A_521 = tpu.vector_load %arg13[%swap3A_519, %swap3A_520] {strides = array<i32>} : memref<32x128xf32, #tpu.memory_space<vmem>>, vector<1x16xf32>,
        %swap3A_522 = vector.shape_cast %swap3A_521 : vector<1x16xf32> to vector<16xf32>
        %swap3A_523 = vector.shape_cast %get3A_518 : vector<16xf32> to vector<1x16xf32>
        tpu.vector_store %arg13[%swap3A_519, %swap3A_520], %swap3A_523 {strides = array<i32>} : memref<32x128xf32, #tpu.memory_space<vmem>>, vector<1x16xf32>,
        %broadcast_in_dim3A_524 = vector.broadcast %add3A_379 : f32 to vector<16xf32>
        %swap3A_525 = arith.index_cast %scan3A_361 : i32 to index
        %swap3A_526 = arith.constant 0 : index
        %swap3A_527 = tpu.vector_load %arg14[%swap3A_525, %swap3A_526] {strides = array<i32>} : memref<32x128xf32, #tpu.memory_space<vmem>>, vector<1x16xf32>,
        %swap3A_528 = vector.shape_cast %swap3A_527 : vector<1x16xf32> to vector<16xf32>
        %swap3A_529 = vector.shape_cast %broadcast_in_dim3A_524 : vector<16xf32> to vector<1x16xf32>
        tpu.vector_store %arg14[%swap3A_525, %swap3A_526], %swap3A_529 {strides = array<i32>} : memref<32x128xf32, #tpu.memory_space<vmem>>, vector<1x16xf32>,
      }
      %scan3A_100 = arith.constant 32 : i32
      %mul3A_101 = arith.constant 32 : i32
      %mul3A_102 = arith.muli %mul3A_82, %mul3A_101 : i32
      %add3A_103 = arith.addi %mul3A_2, %mul3A_102 : i32
      %dma_start3A_104 = arith.constant 0 : i32
      %dma_start3A_105 = arith.constant 0 : i32
      %dma_start3A_106 = tpu.memref_slice %arg5[%dma_start3A_104, %add3A_103, %dma_start3A_105] : memref<3x323584x128xf32, #tpu.memory_space<hbm>> -> memref<1x32x128xf32, #tpu.memory_space<hbm>>
      %dma_start3A_107 = tpu.memref_squeeze %dma_start3A_106 : memref<1x32x128xf32, #tpu.memory_space<hbm>> -> memref<32x128xf32, #tpu.memory_space<hbm>>
      %dma_start3A_108 = arith.constant 0 : i32
      %dma_start3A_109 = tpu.memref_slice %arg5[%dma_start3A_104, %add3A_103, %dma_start3A_108] : memref<3x323584x128xf32, #tpu.memory_space<hbm>> -> memref<1x32x128xf32, #tpu.memory_space<hbm>>
      %dma_start3A_110 = tpu.memref_squeeze %dma_start3A_109 : memref<1x32x128xf32, #tpu.memory_space<hbm>> -> memref<32x128xf32, #tpu.memory_space<hbm>>
      tpu.enqueue_dma source(%arg12 : memref<32x128xf32, #tpu.memory_space<vmem>>) target(%dma_start3A_110 : memref<32x128xf32, #tpu.memory_space<hbm>>) target_semaphore(%arg22 : memref<!tpu.dma_semaphore, #tpu.memory_space<semaphore_mem>>)
      %mul3A_111 = arith.constant 32 : i32
      %mul3A_112 = arith.muli %mul3A_82, %mul3A_111 : i32
      %add3A_113 = arith.addi %mul3A_2, %mul3A_112 : i32
      %dma_start3A_114 = arith.constant 1 : i32
      %dma_start3A_115 = arith.constant 0 : i32
      %dma_start3A_116 = tpu.memref_slice %arg5[%dma_start3A_114, %add3A_113, %dma_start3A_115] : memref<3x323584x128xf32, #tpu.memory_space<hbm>> -> memref<1x32x128xf32, #tpu.memory_space<hbm>>
      %dma_start3A_117 = tpu.memref_squeeze %dma_start3A_116 : memref<1x32x128xf32, #tpu.memory_space<hbm>> -> memref<32x128xf32, #tpu.memory_space<hbm>>
      %dma_start3A_118 = arith.constant 0 : i32
      %dma_start3A_119 = tpu.memref_slice %arg5[%dma_start3A_114, %add3A_113, %dma_start3A_118] : memref<3x323584x128xf32, #tpu.memory_space<hbm>> -> memref<1x32x128xf32, #tpu.memory_space<hbm>>
      %dma_start3A_120 = tpu.memref_squeeze %dma_start3A_119 : memref<1x32x128xf32, #tpu.memory_space<hbm>> -> memref<32x128xf32, #tpu.memory_space<hbm>>
      tpu.enqueue_dma source(%arg13 : memref<32x128xf32, #tpu.memory_space<vmem>>) target(%dma_start3A_120 : memref<32x128xf32, #tpu.memory_space<hbm>>) target_semaphore(%arg22 : memref<!tpu.dma_semaphore, #tpu.memory_space<semaphore_mem>>)
      %mul3A_121 = arith.constant 32 : i32
      %mul3A_122 = arith.muli %mul3A_82, %mul3A_121 : i32
      %add3A_123 = arith.addi %mul3A_2, %mul3A_122 : i32
      %dma_start3A_124 = arith.constant 2 : i32
      %dma_start3A_125 = arith.constant 0 : i32
      %dma_start3A_126 = tpu.memref_slice %arg5[%dma_start3A_124, %add3A_123, %dma_start3A_125] : memref<3x323584x128xf32, #tpu.memory_space<hbm>> -> memref<1x32x128xf32, #tpu.memory_space<hbm>>
      %dma_start3A_127 = tpu.memref_squeeze %dma_start3A_126 : memref<1x32x128xf32, #tpu.memory_space<hbm>> -> memref<32x128xf32, #tpu.memory_space<hbm>>
      %dma_start3A_128 = arith.constant 0 : i32
      %dma_start3A_129 = tpu.memref_slice %arg5[%dma_start3A_124, %add3A_123, %dma_start3A_128] : memref<3x323584x128xf32, #tpu.memory_space<hbm>> -> memref<1x32x128xf32, #tpu.memory_space<hbm>>
      %dma_start3A_130 = tpu.memref_squeeze %dma_start3A_129 : memref<1x32x128xf32, #tpu.memory_space<hbm>> -> memref<32x128xf32, #tpu.memory_space<hbm>>
      tpu.enqueue_dma source(%arg14 : memref<32x128xf32, #tpu.memory_space<vmem>>) target(%dma_start3A_130 : memref<32x128xf32, #tpu.memory_space<hbm>>) target_semaphore(%arg22 : memref<!tpu.dma_semaphore, #tpu.memory_space<semaphore_mem>>)
      %add3A_131 = arith.constant 2 : i32
      %add3A_132 = arith.addi %mul3A_82, %add3A_131 : i32
      %lt3A = arith.constant 316 : i32
      %lt3A_133 = arith.cmpi slt, %add3A_132, %lt3A : i32
      %convert_element_type3A_134 = arith.extui %lt3A_133 : i1 to i32
      %cond3A_135 = arith.constant 0 : i32
      %cond3A_136 = arith.cmpi ne, %convert_element_type3A_134, %cond3A_135 : i32
      scf.if %cond3A_136 {
        %add3A_197 = arith.constant 2 : i32
        %add3A_198 = arith.addi %mul3A_82, %add3A_197 : i32
        %mul3A_199 = arith.constant 32 : i32
        %mul3A_200 = arith.muli %add3A_198, %mul3A_199 : i32
        %dma_start3A_201 = tpu.memref_slice %arg6[%mul3A_200] : memref<10112xi32, #tpu.memory_space<vmem>> -> memref<32xi32, #tpu.memory_space<vmem>>
        %dma_start3A_202 = arith.constant 0 : i32
        %dma_start3A_203 = arith.constant 0 : i32
        %dma_start3A_204 = tpu.memref_slice %arg2[%dma_start3A_202, %dma_start3A_203] : memref<10240x256xf32, #tpu.memory_space<hbm>> -> memref<10240x256xf32, #tpu.memory_space<hbm>>
        tpu.enqueue_indirect_dma source(%dma_start3A_204 : memref<10240x256xf32, #tpu.memory_space<hbm>>) target(%arg8 : memref<32x256xf32, #tpu.memory_space<vmem>>) offsets(%dma_start3A_201 : memref<32xi32, #tpu.memory_space<vmem>>) semaphore(%arg18 : memref<!tpu.dma_semaphore, #tpu.memory_space<semaphore_mem>>)
        %mul3A_205 = arith.constant 32 : i32
        %mul3A_206 = arith.muli %add3A_198, %mul3A_205 : i32
        %dma_start3A_207 = tpu.memref_slice %arg7[%mul3A_206] : memref<10112xi32, #tpu.memory_space<vmem>> -> memref<32xi32, #tpu.memory_space<vmem>>
        %dma_start3A_208 = arith.constant 0 : i32
        %dma_start3A_209 = arith.constant 0 : i32
        %dma_start3A_210 = tpu.memref_slice %arg2[%dma_start3A_208, %dma_start3A_209] : memref<10240x256xf32, #tpu.memory_space<hbm>> -> memref<10240x256xf32, #tpu.memory_space<hbm>>
        tpu.enqueue_indirect_dma source(%dma_start3A_210 : memref<10240x256xf32, #tpu.memory_space<hbm>>) target(%arg9 : memref<32x256xf32, #tpu.memory_space<vmem>>) offsets(%dma_start3A_207 : memref<32xi32, #tpu.memory_space<vmem>>) semaphore(%arg19 : memref<!tpu.dma_semaphore, #tpu.memory_space<semaphore_mem>>)
      } else {
      }
      %add3A_137 = arith.constant 1 : i32
      %add3A_138 = arith.addi %mul3A_82, %add3A_137 : i32
      %dma_wait3A_139 = arith.constant 0 : i32
      %dma_wait3A_140 = tpu.memref_slice %arg6[%dma_wait3A_139] : memref<10112xi32, #tpu.memory_space<vmem>> -> memref<32xi32, #tpu.memory_space<vmem>>
      %dma_wait3A_141 = arith.constant 0 : i32
      %dma_wait3A_142 = arith.constant 0 : i32
      %dma_wait3A_143 = tpu.memref_slice %arg2[%dma_wait3A_141, %dma_wait3A_142] : memref<10240x256xf32, #tpu.memory_space<hbm>> -> memref<10240x256xf32, #tpu.memory_space<hbm>>
      tpu.wait_indirect_dma semaphore(%arg20 : memref<!tpu.dma_semaphore, #tpu.memory_space<semaphore_mem>>) src(%dma_wait3A_143 : memref<10240x256xf32, #tpu.memory_space<hbm>>) dst(%arg10 : memref<32x256xf32, #tpu.memory_space<vmem>>)
      %dma_wait3A_144 = arith.constant 0 : i32
      %dma_wait3A_145 = tpu.memref_slice %arg7[%dma_wait3A_144] : memref<10112xi32, #tpu.memory_space<vmem>> -> memref<32xi32, #tpu.memory_space<vmem>>
      %dma_wait3A_146 = arith.constant 0 : i32
      %dma_wait3A_147 = arith.constant 0 : i32
      %dma_wait3A_148 = tpu.memref_slice %arg2[%dma_wait3A_146, %dma_wait3A_147] : memref<10240x256xf32, #tpu.memory_space<hbm>> -> memref<10240x256xf32, #tpu.memory_space<hbm>>
      tpu.wait_indirect_dma semaphore(%arg21 : memref<!tpu.dma_semaphore, #tpu.memory_space<semaphore_mem>>) src(%dma_wait3A_148 : memref<10240x256xf32, #tpu.memory_space<hbm>>) dst(%arg11 : memref<32x256xf32, #tpu.memory_space<vmem>>)
      %gt3A_149 = arith.constant 0 : i32
      %gt3A_150 = arith.cmpi sgt, %scan3A_80, %gt3A_149 : i32
      %convert_element_type3A_151 = arith.extui %gt3A_150 : i1 to i32
      %cond3A_152 = arith.constant 0 : i32
      %cond3A_153 = arith.cmpi ne, %convert_element_type3A_151, %cond3A_152 : i32
      scf.if %cond3A_153 {
        %dma_wait3A_197 = arith.constant 0 : i32
        %dma_wait3A_198 = arith.constant 0 : i32
        %dma_wait3A_199 = arith.constant 0 : i32
        %dma_wait3A_200 = tpu.memref_slice %arg5[%dma_wait3A_197, %dma_wait3A_198, %dma_wait3A_199] : memref<3x323584x128xf32, #tpu.memory_space<hbm>> -> memref<1x32x128xf32, #tpu.memory_space<hbm>>
        %dma_wait3A_201 = tpu.memref_squeeze %dma_wait3A_200 : memref<1x32x128xf32, #tpu.memory_space<hbm>> -> memref<32x128xf32, #tpu.memory_space<hbm>>
        %dma_wait3A_202 = arith.constant 0 : i32
        %dma_wait3A_203 = arith.constant 0 : i32
        %dma_wait3A_204 = tpu.memref_slice %arg5[%dma_wait3A_197, %dma_wait3A_202, %dma_wait3A_203] : memref<3x323584x128xf32, #tpu.memory_space<hbm>> -> memref<1x32x128xf32, #tpu.memory_space<hbm>>
        %dma_wait3A_205 = tpu.memref_squeeze %dma_wait3A_204 : memref<1x32x128xf32, #tpu.memory_space<hbm>> -> memref<32x128xf32, #tpu.memory_space<hbm>>
        tpu.wait_dma2 semaphore(%arg23 : memref<!tpu.dma_semaphore, #tpu.memory_space<semaphore_mem>>) src(%arg15 : memref<32x128xf32, #tpu.memory_space<vmem>>) dst(%dma_wait3A_205 : memref<32x128xf32, #tpu.memory_space<hbm>>)
        %dma_wait3A_206 = arith.constant 1 : i32
        %dma_wait3A_207 = arith.constant 0 : i32
        %dma_wait3A_208 = arith.constant 0 : i32
        %dma_wait3A_209 = tpu.memref_slice %arg5[%dma_wait3A_206, %dma_wait3A_207, %dma_wait3A_208] : memref<3x323584x128xf32, #tpu.memory_space<hbm>> -> memref<1x32x128xf32, #tpu.memory_space<hbm>>
        %dma_wait3A_210 = tpu.memref_squeeze %dma_wait3A_209 : memref<1x32x128xf32, #tpu.memory_space<hbm>> -> memref<32x128xf32, #tpu.memory_space<hbm>>
        %dma_wait3A_211 = arith.constant 0 : i32
        %dma_wait3A_212 = arith.constant 0 : i32
        %dma_wait3A_213 = tpu.memref_slice %arg5[%dma_wait3A_206, %dma_wait3A_211, %dma_wait3A_212] : memref<3x323584x128xf32, #tpu.memory_space<hbm>> -> memref<1x32x128xf32, #tpu.memory_space<hbm>>
        %dma_wait3A_214 = tpu.memref_squeeze %dma_wait3A_213 : memref<1x32x128xf32, #tpu.memory_space<hbm>> -> memref<32x128xf32, #tpu.memory_space<hbm>>
        tpu.wait_dma2 semaphore(%arg23 : memref<!tpu.dma_semaphore, #tpu.memory_space<semaphore_mem>>) src(%arg16 : memref<32x128xf32, #tpu.memory_space<vmem>>) dst(%dma_wait3A_214 : memref<32x128xf32, #tpu.memory_space<hbm>>)
        %dma_wait3A_215 = arith.constant 2 : i32
        %dma_wait3A_216 = arith.constant 0 : i32
        %dma_wait3A_217 = arith.constant 0 : i32
        %dma_wait3A_218 = tpu.memref_slice %arg5[%dma_wait3A_215, %dma_wait3A_216, %dma_wait3A_217] : memref<3x323584x128xf32, #tpu.memory_space<hbm>> -> memref<1x32x128xf32, #tpu.memory_space<hbm>>
        %dma_wait3A_219 = tpu.memref_squeeze %dma_wait3A_218 : memref<1x32x128xf32, #tpu.memory_space<hbm>> -> memref<32x128xf32, #tpu.memory_space<hbm>>
        %dma_wait3A_220 = arith.constant 0 : i32
        %dma_wait3A_221 = arith.constant 0 : i32
        %dma_wait3A_222 = tpu.memref_slice %arg5[%dma_wait3A_215, %dma_wait3A_220, %dma_wait3A_221] : memref<3x323584x128xf32, #tpu.memory_space<hbm>> -> memref<1x32x128xf32, #tpu.memory_space<hbm>>
        %dma_wait3A_223 = tpu.memref_squeeze %dma_wait3A_222 : memref<1x32x128xf32, #tpu.memory_space<hbm>> -> memref<32x128xf32, #tpu.memory_space<hbm>>
        tpu.wait_dma2 semaphore(%arg23 : memref<!tpu.dma_semaphore, #tpu.memory_space<semaphore_mem>>) src(%arg17 : memref<32x128xf32, #tpu.memory_space<vmem>>) dst(%dma_wait3A_223 : memref<32x128xf32, #tpu.memory_space<hbm>>)
      } else {
      }
      %scan3A_154 = arith.constant 0 : i32
      %scan3A_155 = arith.constant 0 : i32
      %scan3A_156 = arith.constant 32 : i32
      %scan3A_157 = arith.addi %scan3A_155, %scan3A_156 : i32
      %scan3A_158 = arith.constant 2 : i32
      scf.for %scan3A_197 = %scan3A_155 to %scan3A_157 step %scan3A_158  : i32 {
        %get3A = arith.index_cast %scan3A_197 : i32 to index
        %get3A_198 = arith.constant 128 : index
        %get3A_199 = tpu.vector_load %arg10[%get3A, %get3A_198] {strides = array<i32>} : memref<32x256xf32, #tpu.memory_space<vmem>>, vector<1x16xf32>,
        %get3A_200 = vector.shape_cast %get3A_199 : vector<1x16xf32> to vector<16xf32>
        %get3A_201 = arith.index_cast %scan3A_197 : i32 to index
        %get3A_202 = arith.constant 128 : index
        %get3A_203 = tpu.vector_load %arg11[%get3A_201, %get3A_202] {strides = array<i32>} : memref<32x256xf32, #tpu.memory_space<vmem>>, vector<1x16xf32>,
        %get3A_204 = vector.shape_cast %get3A_203 : vector<1x16xf32> to vector<16xf32>
        %sub3A = arith.subf %get3A_200, %get3A_204 : vector<16xf32>
        %mul3A_205 = arith.mulf %sub3A, %sub3A : vector<16xf32>
        %slice3A = vector.extract_strided_slice %mul3A_205 {offsets = [0], sizes = [1], strides = [1]} : vector<16xf32> to vector<1xf32>
        %squeeze3A = vector.extract %slice3A[0] : f32 from vector<1xf32>
        %slice3A_206 = vector.extract_strided_slice %mul3A_205 {offsets = [1], sizes = [1], strides = [1]} : vector<16xf32> to vector<1xf32>
        %squeeze3A_207 = vector.extract %slice3A_206[0] : f32 from vector<1xf32>
        %add3A_208 = arith.addf %squeeze3A, %squeeze3A_207 : f32
        %slice3A_209 = vector.extract_strided_slice %mul3A_205 {offsets = [2], sizes = [1], strides = [1]} : vector<16xf32> to vector<1xf32>
        %squeeze3A_210 = vector.extract %slice3A_209[0] : f32 from vector<1xf32>
        %add3A_211 = arith.addf %add3A_208, %squeeze3A_210 : f32
        %get3A_212 = arith.index_cast %scan3A_197 : i32 to index
        %get3A_213 = arith.constant 0 : index
        %get3A_214 = tpu.vector_load %arg10[%get3A_212, %get3A_213] {strides = array<i32>} : memref<32x256xf32, #tpu.memory_space<vmem>>, vector<1x16xf32>,
        %get3A_215 = vector.shape_cast %get3A_214 : vector<1x16xf32> to vector<16xf32>
        %swap3A = arith.index_cast %scan3A_197 : i32 to index
        %swap3A_216 = arith.constant 0 : index
        %swap3A_217 = tpu.vector_load %arg15[%swap3A, %swap3A_216] {strides = array<i32>} : memref<32x128xf32, #tpu.memory_space<vmem>>, vector<1x16xf32>,
        %swap3A_218 = vector.shape_cast %swap3A_217 : vector<1x16xf32> to vector<16xf32>
        %swap3A_219 = vector.shape_cast %get3A_215 : vector<16xf32> to vector<1x16xf32>
        tpu.vector_store %arg15[%swap3A, %swap3A_216], %swap3A_219 {strides = array<i32>} : memref<32x128xf32, #tpu.memory_space<vmem>>, vector<1x16xf32>,
        %get3A_220 = arith.index_cast %scan3A_197 : i32 to index
        %get3A_221 = arith.constant 0 : index
        %get3A_222 = tpu.vector_load %arg11[%get3A_220, %get3A_221] {strides = array<i32>} : memref<32x256xf32, #tpu.memory_space<vmem>>, vector<1x16xf32>,
        %get3A_223 = vector.shape_cast %get3A_222 : vector<1x16xf32> to vector<16xf32>
        %swap3A_224 = arith.index_cast %scan3A_197 : i32 to index
        %swap3A_225 = arith.constant 0 : index
        %swap3A_226 = tpu.vector_load %arg16[%swap3A_224, %swap3A_225] {strides = array<i32>} : memref<32x128xf32, #tpu.memory_space<vmem>>, vector<1x16xf32>,
        %swap3A_227 = vector.shape_cast %swap3A_226 : vector<1x16xf32> to vector<16xf32>
        %swap3A_228 = vector.shape_cast %get3A_223 : vector<16xf32> to vector<1x16xf32>
        tpu.vector_store %arg16[%swap3A_224, %swap3A_225], %swap3A_228 {strides = array<i32>} : memref<32x128xf32, #tpu.memory_space<vmem>>, vector<1x16xf32>,
        %get3A_229 = arith.index_cast %scan3A_197 : i32 to index
        %get3A_230 = arith.constant 16 : index
        %get3A_231 = tpu.vector_load %arg10[%get3A_229, %get3A_230] {strides = array<i32>} : memref<32x256xf32, #tpu.memory_space<vmem>>, vector<1x16xf32>,
        %get3A_232 = vector.shape_cast %get3A_231 : vector<1x16xf32> to vector<16xf32>
        %swap3A_233 = arith.index_cast %scan3A_197 : i32 to index
        %swap3A_234 = arith.constant 16 : index
        %swap3A_235 = tpu.vector_load %arg15[%swap3A_233, %swap3A_234] {strides = array<i32>} : memref<32x128xf32, #tpu.memory_space<vmem>>, vector<1x16xf32>,
        %swap3A_236 = vector.shape_cast %swap3A_235 : vector<1x16xf32> to vector<16xf32>
        %swap3A_237 = vector.shape_cast %get3A_232 : vector<16xf32> to vector<1x16xf32>
        tpu.vector_store %arg15[%swap3A_233, %swap3A_234], %swap3A_237 {strides = array<i32>} : memref<32x128xf32, #tpu.memory_space<vmem>>, vector<1x16xf32>,
        %get3A_238 = arith.index_cast %scan3A_197 : i32 to index
        %get3A_239 = arith.constant 16 : index
        %get3A_240 = tpu.vector_load %arg11[%get3A_238, %get3A_239] {strides = array<i32>} : memref<32x256xf32, #tpu.memory_space<vmem>>, vector<1x16xf32>,
        %get3A_241 = vector.shape_cast %get3A_240 : vector<1x16xf32> to vector<16xf32>
        %swap3A_242 = arith.index_cast %scan3A_197 : i32 to index
        %swap3A_243 = arith.constant 16 : index
        %swap3A_244 = tpu.vector_load %arg16[%swap3A_242, %swap3A_243] {strides = array<i32>} : memref<32x128xf32, #tpu.memory_space<vmem>>, vector<1x16xf32>,
        %swap3A_245 = vector.shape_cast %swap3A_244 : vector<1x16xf32> to vector<16xf32>
        %swap3A_246 = vector.shape_cast %get3A_241 : vector<16xf32> to vector<1x16xf32>
        tpu.vector_store %arg16[%swap3A_242, %swap3A_243], %swap3A_246 {strides = array<i32>} : memref<32x128xf32, #tpu.memory_space<vmem>>, vector<1x16xf32>,
        %get3A_247 = arith.index_cast %scan3A_197 : i32 to index
        %get3A_248 = arith.constant 32 : index
        %get3A_249 = tpu.vector_load %arg10[%get3A_247, %get3A_248] {strides = array<i32>} : memref<32x256xf32, #tpu.memory_space<vmem>>, vector<1x16xf32>,
        %get3A_250 = vector.shape_cast %get3A_249 : vector<1x16xf32> to vector<16xf32>
        %swap3A_251 = arith.index_cast %scan3A_197 : i32 to index
        %swap3A_252 = arith.constant 32 : index
        %swap3A_253 = tpu.vector_load %arg15[%swap3A_251, %swap3A_252] {strides = array<i32>} : memref<32x128xf32, #tpu.memory_space<vmem>>, vector<1x16xf32>,
        %swap3A_254 = vector.shape_cast %swap3A_253 : vector<1x16xf32> to vector<16xf32>
        %swap3A_255 = vector.shape_cast %get3A_250 : vector<16xf32> to vector<1x16xf32>
        tpu.vector_store %arg15[%swap3A_251, %swap3A_252], %swap3A_255 {strides = array<i32>} : memref<32x128xf32, #tpu.memory_space<vmem>>, vector<1x16xf32>,
        %get3A_256 = arith.index_cast %scan3A_197 : i32 to index
        %get3A_257 = arith.constant 32 : index
        %get3A_258 = tpu.vector_load %arg11[%get3A_256, %get3A_257] {strides = array<i32>} : memref<32x256xf32, #tpu.memory_space<vmem>>, vector<1x16xf32>,
        %get3A_259 = vector.shape_cast %get3A_258 : vector<1x16xf32> to vector<16xf32>
        %swap3A_260 = arith.index_cast %scan3A_197 : i32 to index
        %swap3A_261 = arith.constant 32 : index
        %swap3A_262 = tpu.vector_load %arg16[%swap3A_260, %swap3A_261] {strides = array<i32>} : memref<32x128xf32, #tpu.memory_space<vmem>>, vector<1x16xf32>,
        %swap3A_263 = vector.shape_cast %swap3A_262 : vector<1x16xf32> to vector<16xf32>
        %swap3A_264 = vector.shape_cast %get3A_259 : vector<16xf32> to vector<1x16xf32>
        tpu.vector_store %arg16[%swap3A_260, %swap3A_261], %swap3A_264 {strides = array<i32>} : memref<32x128xf32, #tpu.memory_space<vmem>>, vector<1x16xf32>,
        %get3A_265 = arith.index_cast %scan3A_197 : i32 to index
        %get3A_266 = arith.constant 48 : index
        %get3A_267 = tpu.vector_load %arg10[%get3A_265, %get3A_266] {strides = array<i32>} : memref<32x256xf32, #tpu.memory_space<vmem>>, vector<1x16xf32>,
        %get3A_268 = vector.shape_cast %get3A_267 : vector<1x16xf32> to vector<16xf32>
        %swap3A_269 = arith.index_cast %scan3A_197 : i32 to index
        %swap3A_270 = arith.constant 48 : index
        %swap3A_271 = tpu.vector_load %arg15[%swap3A_269, %swap3A_270] {strides = array<i32>} : memref<32x128xf32, #tpu.memory_space<vmem>>, vector<1x16xf32>,
        %swap3A_272 = vector.shape_cast %swap3A_271 : vector<1x16xf32> to vector<16xf32>
        %swap3A_273 = vector.shape_cast %get3A_268 : vector<16xf32> to vector<1x16xf32>
        tpu.vector_store %arg15[%swap3A_269, %swap3A_270], %swap3A_273 {strides = array<i32>} : memref<32x128xf32, #tpu.memory_space<vmem>>, vector<1x16xf32>,
        %get3A_274 = arith.index_cast %scan3A_197 : i32 to index
        %get3A_275 = arith.constant 48 : index
        %get3A_276 = tpu.vector_load %arg11[%get3A_274, %get3A_275] {strides = array<i32>} : memref<32x256xf32, #tpu.memory_space<vmem>>, vector<1x16xf32>,
        %get3A_277 = vector.shape_cast %get3A_276 : vector<1x16xf32> to vector<16xf32>
        %swap3A_278 = arith.index_cast %scan3A_197 : i32 to index
        %swap3A_279 = arith.constant 48 : index
        %swap3A_280 = tpu.vector_load %arg16[%swap3A_278, %swap3A_279] {strides = array<i32>} : memref<32x128xf32, #tpu.memory_space<vmem>>, vector<1x16xf32>,
        %swap3A_281 = vector.shape_cast %swap3A_280 : vector<1x16xf32> to vector<16xf32>
        %swap3A_282 = vector.shape_cast %get3A_277 : vector<16xf32> to vector<1x16xf32>
        tpu.vector_store %arg16[%swap3A_278, %swap3A_279], %swap3A_282 {strides = array<i32>} : memref<32x128xf32, #tpu.memory_space<vmem>>, vector<1x16xf32>,
        %get3A_283 = arith.index_cast %scan3A_197 : i32 to index
        %get3A_284 = arith.constant 64 : index
        %get3A_285 = tpu.vector_load %arg10[%get3A_283, %get3A_284] {strides = array<i32>} : memref<32x256xf32, #tpu.memory_space<vmem>>, vector<1x16xf32>,
        %get3A_286 = vector.shape_cast %get3A_285 : vector<1x16xf32> to vector<16xf32>
        %swap3A_287 = arith.index_cast %scan3A_197 : i32 to index
        %swap3A_288 = arith.constant 64 : index
        %swap3A_289 = tpu.vector_load %arg15[%swap3A_287, %swap3A_288] {strides = array<i32>} : memref<32x128xf32, #tpu.memory_space<vmem>>, vector<1x16xf32>,
        %swap3A_290 = vector.shape_cast %swap3A_289 : vector<1x16xf32> to vector<16xf32>
        %swap3A_291 = vector.shape_cast %get3A_286 : vector<16xf32> to vector<1x16xf32>
        tpu.vector_store %arg15[%swap3A_287, %swap3A_288], %swap3A_291 {strides = array<i32>} : memref<32x128xf32, #tpu.memory_space<vmem>>, vector<1x16xf32>,
        %get3A_292 = arith.index_cast %scan3A_197 : i32 to index
        %get3A_293 = arith.constant 64 : index
        %get3A_294 = tpu.vector_load %arg11[%get3A_292, %get3A_293] {strides = array<i32>} : memref<32x256xf32, #tpu.memory_space<vmem>>, vector<1x16xf32>,
        %get3A_295 = vector.shape_cast %get3A_294 : vector<1x16xf32> to vector<16xf32>
        %swap3A_296 = arith.index_cast %scan3A_197 : i32 to index
        %swap3A_297 = arith.constant 64 : index
        %swap3A_298 = tpu.vector_load %arg16[%swap3A_296, %swap3A_297] {strides = array<i32>} : memref<32x128xf32, #tpu.memory_space<vmem>>, vector<1x16xf32>,
        %swap3A_299 = vector.shape_cast %swap3A_298 : vector<1x16xf32> to vector<16xf32>
        %swap3A_300 = vector.shape_cast %get3A_295 : vector<16xf32> to vector<1x16xf32>
        tpu.vector_store %arg16[%swap3A_296, %swap3A_297], %swap3A_300 {strides = array<i32>} : memref<32x128xf32, #tpu.memory_space<vmem>>, vector<1x16xf32>,
        %get3A_301 = arith.index_cast %scan3A_197 : i32 to index
        %get3A_302 = arith.constant 80 : index
        %get3A_303 = tpu.vector_load %arg10[%get3A_301, %get3A_302] {strides = array<i32>} : memref<32x256xf32, #tpu.memory_space<vmem>>, vector<1x16xf32>,
        %get3A_304 = vector.shape_cast %get3A_303 : vector<1x16xf32> to vector<16xf32>
        %swap3A_305 = arith.index_cast %scan3A_197 : i32 to index
        %swap3A_306 = arith.constant 80 : index
        %swap3A_307 = tpu.vector_load %arg15[%swap3A_305, %swap3A_306] {strides = array<i32>} : memref<32x128xf32, #tpu.memory_space<vmem>>, vector<1x16xf32>,
        %swap3A_308 = vector.shape_cast %swap3A_307 : vector<1x16xf32> to vector<16xf32>
        %swap3A_309 = vector.shape_cast %get3A_304 : vector<16xf32> to vector<1x16xf32>
        tpu.vector_store %arg15[%swap3A_305, %swap3A_306], %swap3A_309 {strides = array<i32>} : memref<32x128xf32, #tpu.memory_space<vmem>>, vector<1x16xf32>,
        %get3A_310 = arith.index_cast %scan3A_197 : i32 to index
        %get3A_311 = arith.constant 80 : index
        %get3A_312 = tpu.vector_load %arg11[%get3A_310, %get3A_311] {strides = array<i32>} : memref<32x256xf32, #tpu.memory_space<vmem>>, vector<1x16xf32>,
        %get3A_313 = vector.shape_cast %get3A_312 : vector<1x16xf32> to vector<16xf32>
        %swap3A_314 = arith.index_cast %scan3A_197 : i32 to index
        %swap3A_315 = arith.constant 80 : index
        %swap3A_316 = tpu.vector_load %arg16[%swap3A_314, %swap3A_315] {strides = array<i32>} : memref<32x128xf32, #tpu.memory_space<vmem>>, vector<1x16xf32>,
        %swap3A_317 = vector.shape_cast %swap3A_316 : vector<1x16xf32> to vector<16xf32>
        %swap3A_318 = vector.shape_cast %get3A_313 : vector<16xf32> to vector<1x16xf32>
        tpu.vector_store %arg16[%swap3A_314, %swap3A_315], %swap3A_318 {strides = array<i32>} : memref<32x128xf32, #tpu.memory_space<vmem>>, vector<1x16xf32>,
        %get3A_319 = arith.index_cast %scan3A_197 : i32 to index
        %get3A_320 = arith.constant 96 : index
        %get3A_321 = tpu.vector_load %arg10[%get3A_319, %get3A_320] {strides = array<i32>} : memref<32x256xf32, #tpu.memory_space<vmem>>, vector<1x16xf32>,
        %get3A_322 = vector.shape_cast %get3A_321 : vector<1x16xf32> to vector<16xf32>
        %swap3A_323 = arith.index_cast %scan3A_197 : i32 to index
        %swap3A_324 = arith.constant 96 : index
        %swap3A_325 = tpu.vector_load %arg15[%swap3A_323, %swap3A_324] {strides = array<i32>} : memref<32x128xf32, #tpu.memory_space<vmem>>, vector<1x16xf32>,
        %swap3A_326 = vector.shape_cast %swap3A_325 : vector<1x16xf32> to vector<16xf32>
        %swap3A_327 = vector.shape_cast %get3A_322 : vector<16xf32> to vector<1x16xf32>
        tpu.vector_store %arg15[%swap3A_323, %swap3A_324], %swap3A_327 {strides = array<i32>} : memref<32x128xf32, #tpu.memory_space<vmem>>, vector<1x16xf32>,
        %get3A_328 = arith.index_cast %scan3A_197 : i32 to index
        %get3A_329 = arith.constant 96 : index
        %get3A_330 = tpu.vector_load %arg11[%get3A_328, %get3A_329] {strides = array<i32>} : memref<32x256xf32, #tpu.memory_space<vmem>>, vector<1x16xf32>,
        %get3A_331 = vector.shape_cast %get3A_330 : vector<1x16xf32> to vector<16xf32>
        %swap3A_332 = arith.index_cast %scan3A_197 : i32 to index
        %swap3A_333 = arith.constant 96 : index
        %swap3A_334 = tpu.vector_load %arg16[%swap3A_332, %swap3A_333] {strides = array<i32>} : memref<32x128xf32, #tpu.memory_space<vmem>>, vector<1x16xf32>,
        %swap3A_335 = vector.shape_cast %swap3A_334 : vector<1x16xf32> to vector<16xf32>
        %swap3A_336 = vector.shape_cast %get3A_331 : vector<16xf32> to vector<1x16xf32>
        tpu.vector_store %arg16[%swap3A_332, %swap3A_333], %swap3A_336 {strides = array<i32>} : memref<32x128xf32, #tpu.memory_space<vmem>>, vector<1x16xf32>,
        %get3A_337 = arith.index_cast %scan3A_197 : i32 to index
        %get3A_338 = arith.constant 112 : index
        %get3A_339 = tpu.vector_load %arg10[%get3A_337, %get3A_338] {strides = array<i32>} : memref<32x256xf32, #tpu.memory_space<vmem>>, vector<1x16xf32>,
        %get3A_340 = vector.shape_cast %get3A_339 : vector<1x16xf32> to vector<16xf32>
        %swap3A_341 = arith.index_cast %scan3A_197 : i32 to index
        %swap3A_342 = arith.constant 112 : index
        %swap3A_343 = tpu.vector_load %arg15[%swap3A_341, %swap3A_342] {strides = array<i32>} : memref<32x128xf32, #tpu.memory_space<vmem>>, vector<1x16xf32>,
        %swap3A_344 = vector.shape_cast %swap3A_343 : vector<1x16xf32> to vector<16xf32>
        %swap3A_345 = vector.shape_cast %get3A_340 : vector<16xf32> to vector<1x16xf32>
        tpu.vector_store %arg15[%swap3A_341, %swap3A_342], %swap3A_345 {strides = array<i32>} : memref<32x128xf32, #tpu.memory_space<vmem>>, vector<1x16xf32>,
        %get3A_346 = arith.index_cast %scan3A_197 : i32 to index
        %get3A_347 = arith.constant 112 : index
        %get3A_348 = tpu.vector_load %arg11[%get3A_346, %get3A_347] {strides = array<i32>} : memref<32x256xf32, #tpu.memory_space<vmem>>, vector<1x16xf32>,
        %get3A_349 = vector.shape_cast %get3A_348 : vector<1x16xf32> to vector<16xf32>
        %swap3A_350 = arith.index_cast %scan3A_197 : i32 to index
        %swap3A_351 = arith.constant 112 : index
        %swap3A_352 = tpu.vector_load %arg16[%swap3A_350, %swap3A_351] {strides = array<i32>} : memref<32x128xf32, #tpu.memory_space<vmem>>, vector<1x16xf32>,
        %swap3A_353 = vector.shape_cast %swap3A_352 : vector<1x16xf32> to vector<16xf32>
        %swap3A_354 = vector.shape_cast %get3A_349 : vector<16xf32> to vector<1x16xf32>
        tpu.vector_store %arg16[%swap3A_350, %swap3A_351], %swap3A_354 {strides = array<i32>} : memref<32x128xf32, #tpu.memory_space<vmem>>, vector<1x16xf32>,
        %broadcast_in_dim3A = vector.broadcast %add3A_211 : f32 to vector<16xf32>
        %swap3A_355 = arith.index_cast %scan3A_197 : i32 to index
        %swap3A_356 = arith.constant 0 : index
        %swap3A_357 = tpu.vector_load %arg17[%swap3A_355, %swap3A_356] {strides = array<i32>} : memref<32x128xf32, #tpu.memory_space<vmem>>, vector<1x16xf32>,
        %swap3A_358 = vector.shape_cast %swap3A_357 : vector<1x16xf32> to vector<16xf32>
        %swap3A_359 = vector.shape_cast %broadcast_in_dim3A : vector<16xf32> to vector<1x16xf32>
        tpu.vector_store %arg17[%swap3A_355, %swap3A_356], %swap3A_359 {strides = array<i32>} : memref<32x128xf32, #tpu.memory_space<vmem>>, vector<1x16xf32>,
        %scan3A_360 = arith.constant 1 : i32
        %scan3A_361 = arith.addi %scan3A_197, %scan3A_360 : i32
        %get3A_362 = arith.index_cast %scan3A_361 : i32 to index
        %get3A_363 = arith.constant 128 : index
        %get3A_364 = tpu.vector_load %arg10[%get3A_362, %get3A_363] {strides = array<i32>} : memref<32x256xf32, #tpu.memory_space<vmem>>, vector<1x16xf32>,
        %get3A_365 = vector.shape_cast %get3A_364 : vector<1x16xf32> to vector<16xf32>
        %get3A_366 = arith.index_cast %scan3A_361 : i32 to index
        %get3A_367 = arith.constant 128 : index
        %get3A_368 = tpu.vector_load %arg11[%get3A_366, %get3A_367] {strides = array<i32>} : memref<32x256xf32, #tpu.memory_space<vmem>>, vector<1x16xf32>,
        %get3A_369 = vector.shape_cast %get3A_368 : vector<1x16xf32> to vector<16xf32>
        %sub3A_370 = arith.subf %get3A_365, %get3A_369 : vector<16xf32>
        %mul3A_371 = arith.mulf %sub3A_370, %sub3A_370 : vector<16xf32>
        %slice3A_372 = vector.extract_strided_slice %mul3A_371 {offsets = [0], sizes = [1], strides = [1]} : vector<16xf32> to vector<1xf32>
        %squeeze3A_373 = vector.extract %slice3A_372[0] : f32 from vector<1xf32>
        %slice3A_374 = vector.extract_strided_slice %mul3A_371 {offsets = [1], sizes = [1], strides = [1]} : vector<16xf32> to vector<1xf32>
        %squeeze3A_375 = vector.extract %slice3A_374[0] : f32 from vector<1xf32>
        %add3A_376 = arith.addf %squeeze3A_373, %squeeze3A_375 : f32
        %slice3A_377 = vector.extract_strided_slice %mul3A_371 {offsets = [2], sizes = [1], strides = [1]} : vector<16xf32> to vector<1xf32>
        %squeeze3A_378 = vector.extract %slice3A_377[0] : f32 from vector<1xf32>
        %add3A_379 = arith.addf %add3A_376, %squeeze3A_378 : f32
        %get3A_380 = arith.index_cast %scan3A_361 : i32 to index
        %get3A_381 = arith.constant 0 : index
        %get3A_382 = tpu.vector_load %arg10[%get3A_380, %get3A_381] {strides = array<i32>} : memref<32x256xf32, #tpu.memory_space<vmem>>, vector<1x16xf32>,
        %get3A_383 = vector.shape_cast %get3A_382 : vector<1x16xf32> to vector<16xf32>
        %swap3A_384 = arith.index_cast %scan3A_361 : i32 to index
        %swap3A_385 = arith.constant 0 : index
        %swap3A_386 = tpu.vector_load %arg15[%swap3A_384, %swap3A_385] {strides = array<i32>} : memref<32x128xf32, #tpu.memory_space<vmem>>, vector<1x16xf32>,
        %swap3A_387 = vector.shape_cast %swap3A_386 : vector<1x16xf32> to vector<16xf32>
        %swap3A_388 = vector.shape_cast %get3A_383 : vector<16xf32> to vector<1x16xf32>
        tpu.vector_store %arg15[%swap3A_384, %swap3A_385], %swap3A_388 {strides = array<i32>} : memref<32x128xf32, #tpu.memory_space<vmem>>, vector<1x16xf32>,
        %get3A_389 = arith.index_cast %scan3A_361 : i32 to index
        %get3A_390 = arith.constant 0 : index
        %get3A_391 = tpu.vector_load %arg11[%get3A_389, %get3A_390] {strides = array<i32>} : memref<32x256xf32, #tpu.memory_space<vmem>>, vector<1x16xf32>,
        %get3A_392 = vector.shape_cast %get3A_391 : vector<1x16xf32> to vector<16xf32>
        %swap3A_393 = arith.index_cast %scan3A_361 : i32 to index
        %swap3A_394 = arith.constant 0 : index
        %swap3A_395 = tpu.vector_load %arg16[%swap3A_393, %swap3A_394] {strides = array<i32>} : memref<32x128xf32, #tpu.memory_space<vmem>>, vector<1x16xf32>,
        %swap3A_396 = vector.shape_cast %swap3A_395 : vector<1x16xf32> to vector<16xf32>
        %swap3A_397 = vector.shape_cast %get3A_392 : vector<16xf32> to vector<1x16xf32>
        tpu.vector_store %arg16[%swap3A_393, %swap3A_394], %swap3A_397 {strides = array<i32>} : memref<32x128xf32, #tpu.memory_space<vmem>>, vector<1x16xf32>,
        %get3A_398 = arith.index_cast %scan3A_361 : i32 to index
        %get3A_399 = arith.constant 16 : index
        %get3A_400 = tpu.vector_load %arg10[%get3A_398, %get3A_399] {strides = array<i32>} : memref<32x256xf32, #tpu.memory_space<vmem>>, vector<1x16xf32>,
        %get3A_401 = vector.shape_cast %get3A_400 : vector<1x16xf32> to vector<16xf32>
        %swap3A_402 = arith.index_cast %scan3A_361 : i32 to index
        %swap3A_403 = arith.constant 16 : index
        %swap3A_404 = tpu.vector_load %arg15[%swap3A_402, %swap3A_403] {strides = array<i32>} : memref<32x128xf32, #tpu.memory_space<vmem>>, vector<1x16xf32>,
        %swap3A_405 = vector.shape_cast %swap3A_404 : vector<1x16xf32> to vector<16xf32>
        %swap3A_406 = vector.shape_cast %get3A_401 : vector<16xf32> to vector<1x16xf32>
        tpu.vector_store %arg15[%swap3A_402, %swap3A_403], %swap3A_406 {strides = array<i32>} : memref<32x128xf32, #tpu.memory_space<vmem>>, vector<1x16xf32>,
        %get3A_407 = arith.index_cast %scan3A_361 : i32 to index
        %get3A_408 = arith.constant 16 : index
        %get3A_409 = tpu.vector_load %arg11[%get3A_407, %get3A_408] {strides = array<i32>} : memref<32x256xf32, #tpu.memory_space<vmem>>, vector<1x16xf32>,
        %get3A_410 = vector.shape_cast %get3A_409 : vector<1x16xf32> to vector<16xf32>
        %swap3A_411 = arith.index_cast %scan3A_361 : i32 to index
        %swap3A_412 = arith.constant 16 : index
        %swap3A_413 = tpu.vector_load %arg16[%swap3A_411, %swap3A_412] {strides = array<i32>} : memref<32x128xf32, #tpu.memory_space<vmem>>, vector<1x16xf32>,
        %swap3A_414 = vector.shape_cast %swap3A_413 : vector<1x16xf32> to vector<16xf32>
        %swap3A_415 = vector.shape_cast %get3A_410 : vector<16xf32> to vector<1x16xf32>
        tpu.vector_store %arg16[%swap3A_411, %swap3A_412], %swap3A_415 {strides = array<i32>} : memref<32x128xf32, #tpu.memory_space<vmem>>, vector<1x16xf32>,
        %get3A_416 = arith.index_cast %scan3A_361 : i32 to index
        %get3A_417 = arith.constant 32 : index
        %get3A_418 = tpu.vector_load %arg10[%get3A_416, %get3A_417] {strides = array<i32>} : memref<32x256xf32, #tpu.memory_space<vmem>>, vector<1x16xf32>,
        %get3A_419 = vector.shape_cast %get3A_418 : vector<1x16xf32> to vector<16xf32>
        %swap3A_420 = arith.index_cast %scan3A_361 : i32 to index
        %swap3A_421 = arith.constant 32 : index
        %swap3A_422 = tpu.vector_load %arg15[%swap3A_420, %swap3A_421] {strides = array<i32>} : memref<32x128xf32, #tpu.memory_space<vmem>>, vector<1x16xf32>,
        %swap3A_423 = vector.shape_cast %swap3A_422 : vector<1x16xf32> to vector<16xf32>
        %swap3A_424 = vector.shape_cast %get3A_419 : vector<16xf32> to vector<1x16xf32>
        tpu.vector_store %arg15[%swap3A_420, %swap3A_421], %swap3A_424 {strides = array<i32>} : memref<32x128xf32, #tpu.memory_space<vmem>>, vector<1x16xf32>,
        %get3A_425 = arith.index_cast %scan3A_361 : i32 to index
        %get3A_426 = arith.constant 32 : index
        %get3A_427 = tpu.vector_load %arg11[%get3A_425, %get3A_426] {strides = array<i32>} : memref<32x256xf32, #tpu.memory_space<vmem>>, vector<1x16xf32>,
        %get3A_428 = vector.shape_cast %get3A_427 : vector<1x16xf32> to vector<16xf32>
        %swap3A_429 = arith.index_cast %scan3A_361 : i32 to index
        %swap3A_430 = arith.constant 32 : index
        %swap3A_431 = tpu.vector_load %arg16[%swap3A_429, %swap3A_430] {strides = array<i32>} : memref<32x128xf32, #tpu.memory_space<vmem>>, vector<1x16xf32>,
        %swap3A_432 = vector.shape_cast %swap3A_431 : vector<1x16xf32> to vector<16xf32>
        %swap3A_433 = vector.shape_cast %get3A_428 : vector<16xf32> to vector<1x16xf32>
        tpu.vector_store %arg16[%swap3A_429, %swap3A_430], %swap3A_433 {strides = array<i32>} : memref<32x128xf32, #tpu.memory_space<vmem>>, vector<1x16xf32>,
        %get3A_434 = arith.index_cast %scan3A_361 : i32 to index
        %get3A_435 = arith.constant 48 : index
        %get3A_436 = tpu.vector_load %arg10[%get3A_434, %get3A_435] {strides = array<i32>} : memref<32x256xf32, #tpu.memory_space<vmem>>, vector<1x16xf32>,
        %get3A_437 = vector.shape_cast %get3A_436 : vector<1x16xf32> to vector<16xf32>
        %swap3A_438 = arith.index_cast %scan3A_361 : i32 to index
        %swap3A_439 = arith.constant 48 : index
        %swap3A_440 = tpu.vector_load %arg15[%swap3A_438, %swap3A_439] {strides = array<i32>} : memref<32x128xf32, #tpu.memory_space<vmem>>, vector<1x16xf32>,
        %swap3A_441 = vector.shape_cast %swap3A_440 : vector<1x16xf32> to vector<16xf32>
        %swap3A_442 = vector.shape_cast %get3A_437 : vector<16xf32> to vector<1x16xf32>
        tpu.vector_store %arg15[%swap3A_438, %swap3A_439], %swap3A_442 {strides = array<i32>} : memref<32x128xf32, #tpu.memory_space<vmem>>, vector<1x16xf32>,
        %get3A_443 = arith.index_cast %scan3A_361 : i32 to index
        %get3A_444 = arith.constant 48 : index
        %get3A_445 = tpu.vector_load %arg11[%get3A_443, %get3A_444] {strides = array<i32>} : memref<32x256xf32, #tpu.memory_space<vmem>>, vector<1x16xf32>,
        %get3A_446 = vector.shape_cast %get3A_445 : vector<1x16xf32> to vector<16xf32>
        %swap3A_447 = arith.index_cast %scan3A_361 : i32 to index
        %swap3A_448 = arith.constant 48 : index
        %swap3A_449 = tpu.vector_load %arg16[%swap3A_447, %swap3A_448] {strides = array<i32>} : memref<32x128xf32, #tpu.memory_space<vmem>>, vector<1x16xf32>,
        %swap3A_450 = vector.shape_cast %swap3A_449 : vector<1x16xf32> to vector<16xf32>
        %swap3A_451 = vector.shape_cast %get3A_446 : vector<16xf32> to vector<1x16xf32>
        tpu.vector_store %arg16[%swap3A_447, %swap3A_448], %swap3A_451 {strides = array<i32>} : memref<32x128xf32, #tpu.memory_space<vmem>>, vector<1x16xf32>,
        %get3A_452 = arith.index_cast %scan3A_361 : i32 to index
        %get3A_453 = arith.constant 64 : index
        %get3A_454 = tpu.vector_load %arg10[%get3A_452, %get3A_453] {strides = array<i32>} : memref<32x256xf32, #tpu.memory_space<vmem>>, vector<1x16xf32>,
        %get3A_455 = vector.shape_cast %get3A_454 : vector<1x16xf32> to vector<16xf32>
        %swap3A_456 = arith.index_cast %scan3A_361 : i32 to index
        %swap3A_457 = arith.constant 64 : index
        %swap3A_458 = tpu.vector_load %arg15[%swap3A_456, %swap3A_457] {strides = array<i32>} : memref<32x128xf32, #tpu.memory_space<vmem>>, vector<1x16xf32>,
        %swap3A_459 = vector.shape_cast %swap3A_458 : vector<1x16xf32> to vector<16xf32>
        %swap3A_460 = vector.shape_cast %get3A_455 : vector<16xf32> to vector<1x16xf32>
        tpu.vector_store %arg15[%swap3A_456, %swap3A_457], %swap3A_460 {strides = array<i32>} : memref<32x128xf32, #tpu.memory_space<vmem>>, vector<1x16xf32>,
        %get3A_461 = arith.index_cast %scan3A_361 : i32 to index
        %get3A_462 = arith.constant 64 : index
        %get3A_463 = tpu.vector_load %arg11[%get3A_461, %get3A_462] {strides = array<i32>} : memref<32x256xf32, #tpu.memory_space<vmem>>, vector<1x16xf32>,
        %get3A_464 = vector.shape_cast %get3A_463 : vector<1x16xf32> to vector<16xf32>
        %swap3A_465 = arith.index_cast %scan3A_361 : i32 to index
        %swap3A_466 = arith.constant 64 : index
        %swap3A_467 = tpu.vector_load %arg16[%swap3A_465, %swap3A_466] {strides = array<i32>} : memref<32x128xf32, #tpu.memory_space<vmem>>, vector<1x16xf32>,
        %swap3A_468 = vector.shape_cast %swap3A_467 : vector<1x16xf32> to vector<16xf32>
        %swap3A_469 = vector.shape_cast %get3A_464 : vector<16xf32> to vector<1x16xf32>
        tpu.vector_store %arg16[%swap3A_465, %swap3A_466], %swap3A_469 {strides = array<i32>} : memref<32x128xf32, #tpu.memory_space<vmem>>, vector<1x16xf32>,
        %get3A_470 = arith.index_cast %scan3A_361 : i32 to index
        %get3A_471 = arith.constant 80 : index
        %get3A_472 = tpu.vector_load %arg10[%get3A_470, %get3A_471] {strides = array<i32>} : memref<32x256xf32, #tpu.memory_space<vmem>>, vector<1x16xf32>,
        %get3A_473 = vector.shape_cast %get3A_472 : vector<1x16xf32> to vector<16xf32>
        %swap3A_474 = arith.index_cast %scan3A_361 : i32 to index
        %swap3A_475 = arith.constant 80 : index
        %swap3A_476 = tpu.vector_load %arg15[%swap3A_474, %swap3A_475] {strides = array<i32>} : memref<32x128xf32, #tpu.memory_space<vmem>>, vector<1x16xf32>,
        %swap3A_477 = vector.shape_cast %swap3A_476 : vector<1x16xf32> to vector<16xf32>
        %swap3A_478 = vector.shape_cast %get3A_473 : vector<16xf32> to vector<1x16xf32>
        tpu.vector_store %arg15[%swap3A_474, %swap3A_475], %swap3A_478 {strides = array<i32>} : memref<32x128xf32, #tpu.memory_space<vmem>>, vector<1x16xf32>,
        %get3A_479 = arith.index_cast %scan3A_361 : i32 to index
        %get3A_480 = arith.constant 80 : index
        %get3A_481 = tpu.vector_load %arg11[%get3A_479, %get3A_480] {strides = array<i32>} : memref<32x256xf32, #tpu.memory_space<vmem>>, vector<1x16xf32>,
        %get3A_482 = vector.shape_cast %get3A_481 : vector<1x16xf32> to vector<16xf32>
        %swap3A_483 = arith.index_cast %scan3A_361 : i32 to index
        %swap3A_484 = arith.constant 80 : index
        %swap3A_485 = tpu.vector_load %arg16[%swap3A_483, %swap3A_484] {strides = array<i32>} : memref<32x128xf32, #tpu.memory_space<vmem>>, vector<1x16xf32>,
        %swap3A_486 = vector.shape_cast %swap3A_485 : vector<1x16xf32> to vector<16xf32>
        %swap3A_487 = vector.shape_cast %get3A_482 : vector<16xf32> to vector<1x16xf32>
        tpu.vector_store %arg16[%swap3A_483, %swap3A_484], %swap3A_487 {strides = array<i32>} : memref<32x128xf32, #tpu.memory_space<vmem>>, vector<1x16xf32>,
        %get3A_488 = arith.index_cast %scan3A_361 : i32 to index
        %get3A_489 = arith.constant 96 : index
        %get3A_490 = tpu.vector_load %arg10[%get3A_488, %get3A_489] {strides = array<i32>} : memref<32x256xf32, #tpu.memory_space<vmem>>, vector<1x16xf32>,
        %get3A_491 = vector.shape_cast %get3A_490 : vector<1x16xf32> to vector<16xf32>
        %swap3A_492 = arith.index_cast %scan3A_361 : i32 to index
        %swap3A_493 = arith.constant 96 : index
        %swap3A_494 = tpu.vector_load %arg15[%swap3A_492, %swap3A_493] {strides = array<i32>} : memref<32x128xf32, #tpu.memory_space<vmem>>, vector<1x16xf32>,
        %swap3A_495 = vector.shape_cast %swap3A_494 : vector<1x16xf32> to vector<16xf32>
        %swap3A_496 = vector.shape_cast %get3A_491 : vector<16xf32> to vector<1x16xf32>
        tpu.vector_store %arg15[%swap3A_492, %swap3A_493], %swap3A_496 {strides = array<i32>} : memref<32x128xf32, #tpu.memory_space<vmem>>, vector<1x16xf32>,
        %get3A_497 = arith.index_cast %scan3A_361 : i32 to index
        %get3A_498 = arith.constant 96 : index
        %get3A_499 = tpu.vector_load %arg11[%get3A_497, %get3A_498] {strides = array<i32>} : memref<32x256xf32, #tpu.memory_space<vmem>>, vector<1x16xf32>,
        %get3A_500 = vector.shape_cast %get3A_499 : vector<1x16xf32> to vector<16xf32>
        %swap3A_501 = arith.index_cast %scan3A_361 : i32 to index
        %swap3A_502 = arith.constant 96 : index
        %swap3A_503 = tpu.vector_load %arg16[%swap3A_501, %swap3A_502] {strides = array<i32>} : memref<32x128xf32, #tpu.memory_space<vmem>>, vector<1x16xf32>,
        %swap3A_504 = vector.shape_cast %swap3A_503 : vector<1x16xf32> to vector<16xf32>
        %swap3A_505 = vector.shape_cast %get3A_500 : vector<16xf32> to vector<1x16xf32>
        tpu.vector_store %arg16[%swap3A_501, %swap3A_502], %swap3A_505 {strides = array<i32>} : memref<32x128xf32, #tpu.memory_space<vmem>>, vector<1x16xf32>,
        %get3A_506 = arith.index_cast %scan3A_361 : i32 to index
        %get3A_507 = arith.constant 112 : index
        %get3A_508 = tpu.vector_load %arg10[%get3A_506, %get3A_507] {strides = array<i32>} : memref<32x256xf32, #tpu.memory_space<vmem>>, vector<1x16xf32>,
        %get3A_509 = vector.shape_cast %get3A_508 : vector<1x16xf32> to vector<16xf32>
        %swap3A_510 = arith.index_cast %scan3A_361 : i32 to index
        %swap3A_511 = arith.constant 112 : index
        %swap3A_512 = tpu.vector_load %arg15[%swap3A_510, %swap3A_511] {strides = array<i32>} : memref<32x128xf32, #tpu.memory_space<vmem>>, vector<1x16xf32>,
        %swap3A_513 = vector.shape_cast %swap3A_512 : vector<1x16xf32> to vector<16xf32>
        %swap3A_514 = vector.shape_cast %get3A_509 : vector<16xf32> to vector<1x16xf32>
        tpu.vector_store %arg15[%swap3A_510, %swap3A_511], %swap3A_514 {strides = array<i32>} : memref<32x128xf32, #tpu.memory_space<vmem>>, vector<1x16xf32>,
        %get3A_515 = arith.index_cast %scan3A_361 : i32 to index
        %get3A_516 = arith.constant 112 : index
        %get3A_517 = tpu.vector_load %arg11[%get3A_515, %get3A_516] {strides = array<i32>} : memref<32x256xf32, #tpu.memory_space<vmem>>, vector<1x16xf32>,
        %get3A_518 = vector.shape_cast %get3A_517 : vector<1x16xf32> to vector<16xf32>
        %swap3A_519 = arith.index_cast %scan3A_361 : i32 to index
        %swap3A_520 = arith.constant 112 : index
        %swap3A_521 = tpu.vector_load %arg16[%swap3A_519, %swap3A_520] {strides = array<i32>} : memref<32x128xf32, #tpu.memory_space<vmem>>, vector<1x16xf32>,
        %swap3A_522 = vector.shape_cast %swap3A_521 : vector<1x16xf32> to vector<16xf32>
        %swap3A_523 = vector.shape_cast %get3A_518 : vector<16xf32> to vector<1x16xf32>
        tpu.vector_store %arg16[%swap3A_519, %swap3A_520], %swap3A_523 {strides = array<i32>} : memref<32x128xf32, #tpu.memory_space<vmem>>, vector<1x16xf32>,
        %broadcast_in_dim3A_524 = vector.broadcast %add3A_379 : f32 to vector<16xf32>
        %swap3A_525 = arith.index_cast %scan3A_361 : i32 to index
        %swap3A_526 = arith.constant 0 : index
        %swap3A_527 = tpu.vector_load %arg17[%swap3A_525, %swap3A_526] {strides = array<i32>} : memref<32x128xf32, #tpu.memory_space<vmem>>, vector<1x16xf32>,
        %swap3A_528 = vector.shape_cast %swap3A_527 : vector<1x16xf32> to vector<16xf32>
        %swap3A_529 = vector.shape_cast %broadcast_in_dim3A_524 : vector<16xf32> to vector<1x16xf32>
        tpu.vector_store %arg17[%swap3A_525, %swap3A_526], %swap3A_529 {strides = array<i32>} : memref<32x128xf32, #tpu.memory_space<vmem>>, vector<1x16xf32>,
      }
      %scan3A_159 = arith.constant 32 : i32
      %mul3A_160 = arith.constant 32 : i32
      %mul3A_161 = arith.muli %add3A_138, %mul3A_160 : i32
      %add3A_162 = arith.addi %mul3A_2, %mul3A_161 : i32
      %dma_start3A_163 = arith.constant 0 : i32
      %dma_start3A_164 = arith.constant 0 : i32
      %dma_start3A_165 = tpu.memref_slice %arg5[%dma_start3A_163, %add3A_162, %dma_start3A_164] : memref<3x323584x128xf32, #tpu.memory_space<hbm>> -> memref<1x32x128xf32, #tpu.memory_space<hbm>>
      %dma_start3A_166 = tpu.memref_squeeze %dma_start3A_165 : memref<1x32x128xf32, #tpu.memory_space<hbm>> -> memref<32x128xf32, #tpu.memory_space<hbm>>
      %dma_start3A_167 = arith.constant 0 : i32
      %dma_start3A_168 = tpu.memref_slice %arg5[%dma_start3A_163, %add3A_162, %dma_start3A_167] : memref<3x323584x128xf32, #tpu.memory_space<hbm>> -> memref<1x32x128xf32, #tpu.memory_space<hbm>>
      %dma_start3A_169 = tpu.memref_squeeze %dma_start3A_168 : memref<1x32x128xf32, #tpu.memory_space<hbm>> -> memref<32x128xf32, #tpu.memory_space<hbm>>
      tpu.enqueue_dma source(%arg15 : memref<32x128xf32, #tpu.memory_space<vmem>>) target(%dma_start3A_169 : memref<32x128xf32, #tpu.memory_space<hbm>>) target_semaphore(%arg23 : memref<!tpu.dma_semaphore, #tpu.memory_space<semaphore_mem>>)
      %mul3A_170 = arith.constant 32 : i32
      %mul3A_171 = arith.muli %add3A_138, %mul3A_170 : i32
      %add3A_172 = arith.addi %mul3A_2, %mul3A_171 : i32
      %dma_start3A_173 = arith.constant 1 : i32
      %dma_start3A_174 = arith.constant 0 : i32
      %dma_start3A_175 = tpu.memref_slice %arg5[%dma_start3A_173, %add3A_172, %dma_start3A_174] : memref<3x323584x128xf32, #tpu.memory_space<hbm>> -> memref<1x32x128xf32, #tpu.memory_space<hbm>>
      %dma_start3A_176 = tpu.memref_squeeze %dma_start3A_175 : memref<1x32x128xf32, #tpu.memory_space<hbm>> -> memref<32x128xf32, #tpu.memory_space<hbm>>
      %dma_start3A_177 = arith.constant 0 : i32
      %dma_start3A_178 = tpu.memref_slice %arg5[%dma_start3A_173, %add3A_172, %dma_start3A_177] : memref<3x323584x128xf32, #tpu.memory_space<hbm>> -> memref<1x32x128xf32, #tpu.memory_space<hbm>>
      %dma_start3A_179 = tpu.memref_squeeze %dma_start3A_178 : memref<1x32x128xf32, #tpu.memory_space<hbm>> -> memref<32x128xf32, #tpu.memory_space<hbm>>
      tpu.enqueue_dma source(%arg16 : memref<32x128xf32, #tpu.memory_space<vmem>>) target(%dma_start3A_179 : memref<32x128xf32, #tpu.memory_space<hbm>>) target_semaphore(%arg23 : memref<!tpu.dma_semaphore, #tpu.memory_space<semaphore_mem>>)
      %mul3A_180 = arith.constant 32 : i32
      %mul3A_181 = arith.muli %add3A_138, %mul3A_180 : i32
      %add3A_182 = arith.addi %mul3A_2, %mul3A_181 : i32
      %dma_start3A_183 = arith.constant 2 : i32
      %dma_start3A_184 = arith.constant 0 : i32
      %dma_start3A_185 = tpu.memref_slice %arg5[%dma_start3A_183, %add3A_182, %dma_start3A_184] : memref<3x323584x128xf32, #tpu.memory_space<hbm>> -> memref<1x32x128xf32, #tpu.memory_space<hbm>>
      %dma_start3A_186 = tpu.memref_squeeze %dma_start3A_185 : memref<1x32x128xf32, #tpu.memory_space<hbm>> -> memref<32x128xf32, #tpu.memory_space<hbm>>
      %dma_start3A_187 = arith.constant 0 : i32
      %dma_start3A_188 = tpu.memref_slice %arg5[%dma_start3A_183, %add3A_182, %dma_start3A_187] : memref<3x323584x128xf32, #tpu.memory_space<hbm>> -> memref<1x32x128xf32, #tpu.memory_space<hbm>>
      %dma_start3A_189 = tpu.memref_squeeze %dma_start3A_188 : memref<1x32x128xf32, #tpu.memory_space<hbm>> -> memref<32x128xf32, #tpu.memory_space<hbm>>
      tpu.enqueue_dma source(%arg17 : memref<32x128xf32, #tpu.memory_space<vmem>>) target(%dma_start3A_189 : memref<32x128xf32, #tpu.memory_space<hbm>>) target_semaphore(%arg23 : memref<!tpu.dma_semaphore, #tpu.memory_space<semaphore_mem>>)
      %add3A_190 = arith.constant 2 : i32
      %add3A_191 = arith.addi %add3A_138, %add3A_190 : i32
      %lt3A_192 = arith.constant 316 : i32
      %lt3A_193 = arith.cmpi slt, %add3A_191, %lt3A_192 : i32
      %convert_element_type3A_194 = arith.extui %lt3A_193 : i1 to i32
      %cond3A_195 = arith.constant 0 : i32
      %cond3A_196 = arith.cmpi ne, %convert_element_type3A_194, %cond3A_195 : i32
      scf.if %cond3A_196 {
        %add3A_197 = arith.constant 2 : i32
        %add3A_198 = arith.addi %add3A_138, %add3A_197 : i32
        %mul3A_199 = arith.constant 32 : i32
        %mul3A_200 = arith.muli %add3A_198, %mul3A_199 : i32
        %dma_start3A_201 = tpu.memref_slice %arg6[%mul3A_200] : memref<10112xi32, #tpu.memory_space<vmem>> -> memref<32xi32, #tpu.memory_space<vmem>>
        %dma_start3A_202 = arith.constant 0 : i32
        %dma_start3A_203 = arith.constant 0 : i32
        %dma_start3A_204 = tpu.memref_slice %arg2[%dma_start3A_202, %dma_start3A_203] : memref<10240x256xf32, #tpu.memory_space<hbm>> -> memref<10240x256xf32, #tpu.memory_space<hbm>>
        tpu.enqueue_indirect_dma source(%dma_start3A_204 : memref<10240x256xf32, #tpu.memory_space<hbm>>) target(%arg10 : memref<32x256xf32, #tpu.memory_space<vmem>>) offsets(%dma_start3A_201 : memref<32xi32, #tpu.memory_space<vmem>>) semaphore(%arg20 : memref<!tpu.dma_semaphore, #tpu.memory_space<semaphore_mem>>)
        %mul3A_205 = arith.constant 32 : i32
        %mul3A_206 = arith.muli %add3A_198, %mul3A_205 : i32
        %dma_start3A_207 = tpu.memref_slice %arg7[%mul3A_206] : memref<10112xi32, #tpu.memory_space<vmem>> -> memref<32xi32, #tpu.memory_space<vmem>>
        %dma_start3A_208 = arith.constant 0 : i32
        %dma_start3A_209 = arith.constant 0 : i32
        %dma_start3A_210 = tpu.memref_slice %arg2[%dma_start3A_208, %dma_start3A_209] : memref<10240x256xf32, #tpu.memory_space<hbm>> -> memref<10240x256xf32, #tpu.memory_space<hbm>>
        tpu.enqueue_indirect_dma source(%dma_start3A_210 : memref<10240x256xf32, #tpu.memory_space<hbm>>) target(%arg11 : memref<32x256xf32, #tpu.memory_space<vmem>>) offsets(%dma_start3A_207 : memref<32xi32, #tpu.memory_space<vmem>>) semaphore(%arg21 : memref<!tpu.dma_semaphore, #tpu.memory_space<semaphore_mem>>)
      } else {
      }
    }
    %scan3A_26 = arith.constant 158 : i32
    %dma_wait3A = arith.constant 0 : i32
    %dma_wait3A_27 = arith.constant 0 : i32
    %dma_wait3A_28 = arith.constant 0 : i32
    %dma_wait3A_29 = tpu.memref_slice %arg5[%dma_wait3A, %dma_wait3A_27, %dma_wait3A_28] : memref<3x323584x128xf32, #tpu.memory_space<hbm>> -> memref<1x32x128xf32, #tpu.memory_space<hbm>>
    %dma_wait3A_30 = tpu.memref_squeeze %dma_wait3A_29 : memref<1x32x128xf32, #tpu.memory_space<hbm>> -> memref<32x128xf32, #tpu.memory_space<hbm>>
    %dma_wait3A_31 = arith.constant 0 : i32
    %dma_wait3A_32 = arith.constant 0 : i32
    %dma_wait3A_33 = tpu.memref_slice %arg5[%dma_wait3A, %dma_wait3A_31, %dma_wait3A_32] : memref<3x323584x128xf32, #tpu.memory_space<hbm>> -> memref<1x32x128xf32, #tpu.memory_space<hbm>>
    %dma_wait3A_34 = tpu.memref_squeeze %dma_wait3A_33 : memref<1x32x128xf32, #tpu.memory_space<hbm>> -> memref<32x128xf32, #tpu.memory_space<hbm>>
    tpu.wait_dma2 semaphore(%arg22 : memref<!tpu.dma_semaphore, #tpu.memory_space<semaphore_mem>>) src(%arg12 : memref<32x128xf32, #tpu.memory_space<vmem>>) dst(%dma_wait3A_34 : memref<32x128xf32, #tpu.memory_space<hbm>>)
    %dma_wait3A_35 = arith.constant 1 : i32
    %dma_wait3A_36 = arith.constant 0 : i32
    %dma_wait3A_37 = arith.constant 0 : i32
    %dma_wait3A_38 = tpu.memref_slice %arg5[%dma_wait3A_35, %dma_wait3A_36, %dma_wait3A_37] : memref<3x323584x128xf32, #tpu.memory_space<hbm>> -> memref<1x32x128xf32, #tpu.memory_space<hbm>>
    %dma_wait3A_39 = tpu.memref_squeeze %dma_wait3A_38 : memref<1x32x128xf32, #tpu.memory_space<hbm>> -> memref<32x128xf32, #tpu.memory_space<hbm>>
    %dma_wait3A_40 = arith.constant 0 : i32
    %dma_wait3A_41 = arith.constant 0 : i32
    %dma_wait3A_42 = tpu.memref_slice %arg5[%dma_wait3A_35, %dma_wait3A_40, %dma_wait3A_41] : memref<3x323584x128xf32, #tpu.memory_space<hbm>> -> memref<1x32x128xf32, #tpu.memory_space<hbm>>
    %dma_wait3A_43 = tpu.memref_squeeze %dma_wait3A_42 : memref<1x32x128xf32, #tpu.memory_space<hbm>> -> memref<32x128xf32, #tpu.memory_space<hbm>>
    tpu.wait_dma2 semaphore(%arg22 : memref<!tpu.dma_semaphore, #tpu.memory_space<semaphore_mem>>) src(%arg13 : memref<32x128xf32, #tpu.memory_space<vmem>>) dst(%dma_wait3A_43 : memref<32x128xf32, #tpu.memory_space<hbm>>)
    %dma_wait3A_44 = arith.constant 2 : i32
    %dma_wait3A_45 = arith.constant 0 : i32
    %dma_wait3A_46 = arith.constant 0 : i32
    %dma_wait3A_47 = tpu.memref_slice %arg5[%dma_wait3A_44, %dma_wait3A_45, %dma_wait3A_46] : memref<3x323584x128xf32, #tpu.memory_space<hbm>> -> memref<1x32x128xf32, #tpu.memory_space<hbm>>
    %dma_wait3A_48 = tpu.memref_squeeze %dma_wait3A_47 : memref<1x32x128xf32, #tpu.memory_space<hbm>> -> memref<32x128xf32, #tpu.memory_space<hbm>>
    %dma_wait3A_49 = arith.constant 0 : i32
    %dma_wait3A_50 = arith.constant 0 : i32
    %dma_wait3A_51 = tpu.memref_slice %arg5[%dma_wait3A_44, %dma_wait3A_49, %dma_wait3A_50] : memref<3x323584x128xf32, #tpu.memory_space<hbm>> -> memref<1x32x128xf32, #tpu.memory_space<hbm>>
    %dma_wait3A_52 = tpu.memref_squeeze %dma_wait3A_51 : memref<1x32x128xf32, #tpu.memory_space<hbm>> -> memref<32x128xf32, #tpu.memory_space<hbm>>
    tpu.wait_dma2 semaphore(%arg22 : memref<!tpu.dma_semaphore, #tpu.memory_space<semaphore_mem>>) src(%arg14 : memref<32x128xf32, #tpu.memory_space<vmem>>) dst(%dma_wait3A_52 : memref<32x128xf32, #tpu.memory_space<hbm>>)
    %dma_wait3A_53 = arith.constant 0 : i32
    %dma_wait3A_54 = arith.constant 0 : i32
    %dma_wait3A_55 = arith.constant 0 : i32
    %dma_wait3A_56 = tpu.memref_slice %arg5[%dma_wait3A_53, %dma_wait3A_54, %dma_wait3A_55] : memref<3x323584x128xf32, #tpu.memory_space<hbm>> -> memref<1x32x128xf32, #tpu.memory_space<hbm>>
    %dma_wait3A_57 = tpu.memref_squeeze %dma_wait3A_56 : memref<1x32x128xf32, #tpu.memory_space<hbm>> -> memref<32x128xf32, #tpu.memory_space<hbm>>
    %dma_wait3A_58 = arith.constant 0 : i32
    %dma_wait3A_59 = arith.constant 0 : i32
    %dma_wait3A_60 = tpu.memref_slice %arg5[%dma_wait3A_53, %dma_wait3A_58, %dma_wait3A_59] : memref<3x323584x128xf32, #tpu.memory_space<hbm>> -> memref<1x32x128xf32, #tpu.memory_space<hbm>>
    %dma_wait3A_61 = tpu.memref_squeeze %dma_wait3A_60 : memref<1x32x128xf32, #tpu.memory_space<hbm>> -> memref<32x128xf32, #tpu.memory_space<hbm>>
    tpu.wait_dma2 semaphore(%arg23 : memref<!tpu.dma_semaphore, #tpu.memory_space<semaphore_mem>>) src(%arg15 : memref<32x128xf32, #tpu.memory_space<vmem>>) dst(%dma_wait3A_61 : memref<32x128xf32, #tpu.memory_space<hbm>>)
    %dma_wait3A_62 = arith.constant 1 : i32
    %dma_wait3A_63 = arith.constant 0 : i32
    %dma_wait3A_64 = arith.constant 0 : i32
    %dma_wait3A_65 = tpu.memref_slice %arg5[%dma_wait3A_62, %dma_wait3A_63, %dma_wait3A_64] : memref<3x323584x128xf32, #tpu.memory_space<hbm>> -> memref<1x32x128xf32, #tpu.memory_space<hbm>>
    %dma_wait3A_66 = tpu.memref_squeeze %dma_wait3A_65 : memref<1x32x128xf32, #tpu.memory_space<hbm>> -> memref<32x128xf32, #tpu.memory_space<hbm>>
    %dma_wait3A_67 = arith.constant 0 : i32
    %dma_wait3A_68 = arith.constant 0 : i32
    %dma_wait3A_69 = tpu.memref_slice %arg5[%dma_wait3A_62, %dma_wait3A_67, %dma_wait3A_68] : memref<3x323584x128xf32, #tpu.memory_space<hbm>> -> memref<1x32x128xf32, #tpu.memory_space<hbm>>
    %dma_wait3A_70 = tpu.memref_squeeze %dma_wait3A_69 : memref<1x32x128xf32, #tpu.memory_space<hbm>> -> memref<32x128xf32, #tpu.memory_space<hbm>>
    tpu.wait_dma2 semaphore(%arg23 : memref<!tpu.dma_semaphore, #tpu.memory_space<semaphore_mem>>) src(%arg16 : memref<32x128xf32, #tpu.memory_space<vmem>>) dst(%dma_wait3A_70 : memref<32x128xf32, #tpu.memory_space<hbm>>)
    %dma_wait3A_71 = arith.constant 2 : i32
    %dma_wait3A_72 = arith.constant 0 : i32
    %dma_wait3A_73 = arith.constant 0 : i32
    %dma_wait3A_74 = tpu.memref_slice %arg5[%dma_wait3A_71, %dma_wait3A_72, %dma_wait3A_73] : memref<3x323584x128xf32, #tpu.memory_space<hbm>> -> memref<1x32x128xf32, #tpu.memory_space<hbm>>
    %dma_wait3A_75 = tpu.memref_squeeze %dma_wait3A_74 : memref<1x32x128xf32, #tpu.memory_space<hbm>> -> memref<32x128xf32, #tpu.memory_space<hbm>>
    %dma_wait3A_76 = arith.constant 0 : i32
    %dma_wait3A_77 = arith.constant 0 : i32
    %dma_wait3A_78 = tpu.memref_slice %arg5[%dma_wait3A_71, %dma_wait3A_76, %dma_wait3A_77] : memref<3x323584x128xf32, #tpu.memory_space<hbm>> -> memref<1x32x128xf32, #tpu.memory_space<hbm>>
    %dma_wait3A_79 = tpu.memref_squeeze %dma_wait3A_78 : memref<1x32x128xf32, #tpu.memory_space<hbm>> -> memref<32x128xf32, #tpu.memory_space<hbm>>
    tpu.wait_dma2 semaphore(%arg23 : memref<!tpu.dma_semaphore, #tpu.memory_space<semaphore_mem>>) src(%arg17 : memref<32x128xf32, #tpu.memory_space<vmem>>) dst(%dma_wait3A_79 : memref<32x128xf32, #tpu.memory_space<hbm>>)
    return
  }
}

#map = affine_map<(d0, d1) -> (0, 0)>
#map1 = affine_map<(d0, d1) -> (0)>
#map2 = affine_map<(d0, d1) -> (0, 0, 0)>
module attributes {stable_mosaic.version = 14 : i64} {
  func.func @gk(%arg0: i32, %arg1: i32, %arg2: memref<10240x256xf32, #tpu.memory_space<hbm>>, %arg3: memref<323584xi32, #tpu.memory_space<hbm>>, %arg4: memref<323584xi32, #tpu.memory_space<hbm>>, %arg5: memref<3x323584x128xf32, #tpu.memory_space<hbm>>, %arg6: memref<10112xi32, #tpu.memory_space<vmem>>, %arg7: memref<10112xi32, #tpu.memory_space<vmem>>, %arg8: memref<32x256xf32, #tpu.memory_space<vmem>>, %arg9: memref<32x256xf32, #tpu.memory_space<vmem>>, %arg10: memref<32x256xf32, #tpu.memory_space<vmem>>, %arg11: memref<32x256xf32, #tpu.memory_space<vmem>>, %arg12: memref<32x128xf32, #tpu.memory_space<vmem>>, %arg13: memref<32x128xf32, #tpu.memory_space<vmem>>, %arg14: memref<32x128xf32, #tpu.memory_space<vmem>>, %arg15: memref<32x128xf32, #tpu.memory_space<vmem>>, %arg16: memref<32x128xf32, #tpu.memory_space<vmem>>, %arg17: memref<32x128xf32, #tpu.memory_space<vmem>>, %arg18: memref<!tpu.dma_semaphore, #tpu.memory_space<semaphore_mem>>, %arg19: memref<!tpu.dma_semaphore, #tpu.memory_space<semaphore_mem>>, %arg20: memref<!tpu.dma_semaphore, #tpu.memory_space<semaphore_mem>>, %arg21: memref<!tpu.dma_semaphore, #tpu.memory_space<semaphore_mem>>, %arg22: memref<!tpu.dma_semaphore, #tpu.memory_space<semaphore_mem>>, %arg23: memref<!tpu.dma_semaphore, #tpu.memory_space<semaphore_mem>>) attributes {dimension_semantics = [#tpu.dimension_semantics<core_parallel>, #tpu.dimension_semantics<subcore_parallel>], iteration_bounds = array<i64: 2, 16>, scalar_prefetch = 0 : i64, scratch_operands = 18 : i64, tpu.core_type = #tpu.core_type<sc_vector_subcore>, window_params = [{transform_indices = #map}, {transform_indices = #map1}, {transform_indices = #map1}, {transform_indices = #map2}]} {
    %mul3A = arith.constant 2 : i32
    %mul3A_0 = arith.muli %arg1, %mul3A : i32
    %add3A = arith.addi %mul3A_0, %arg0 : i32
    %mul3A_1 = arith.constant 10112 : i32
    %mul3A_2 = arith.muli %add3A, %mul3A_1 : i32
    "tpu.region"() ({
      %run_scoped3A = tpu.sem_alloc : memref<!tpu.dma_semaphore, #tpu.memory_space<semaphore_mem>>
      %dma_start3A_80 = tpu.memref_slice %arg3[%mul3A_2] : memref<323584xi32, #tpu.memory_space<hbm>> -> memref<10112xi32, #tpu.memory_space<hbm>>
      %dma_start3A_81 = tpu.memref_slice %arg3[%mul3A_2] : memref<323584xi32, #tpu.memory_space<hbm>> -> memref<10112xi32, #tpu.memory_space<hbm>>
      tpu.enqueue_dma source(%dma_start3A_81 : memref<10112xi32, #tpu.memory_space<hbm>>) target(%arg6 : memref<10112xi32, #tpu.memory_space<vmem>>) target_semaphore(%run_scoped3A : memref<!tpu.dma_semaphore, #tpu.memory_space<semaphore_mem>>)
      %dma_wait3A_82 = tpu.memref_slice %arg3[%mul3A_2] : memref<323584xi32, #tpu.memory_space<hbm>> -> memref<10112xi32, #tpu.memory_space<hbm>>
      %dma_wait3A_83 = tpu.memref_slice %arg3[%mul3A_2] : memref<323584xi32, #tpu.memory_space<hbm>> -> memref<10112xi32, #tpu.memory_space<hbm>>
      tpu.wait_dma2 semaphore(%run_scoped3A : memref<!tpu.dma_semaphore, #tpu.memory_space<semaphore_mem>>) src(%dma_wait3A_83 : memref<10112xi32, #tpu.memory_space<hbm>>) dst(%arg6 : memref<10112xi32, #tpu.memory_space<vmem>>)
      tpu.yield
    }) : () -> ()
    "tpu.region"() ({
      %run_scoped3A = tpu.sem_alloc : memref<!tpu.dma_semaphore, #tpu.memory_space<semaphore_mem>>
      %dma_start3A_80 = tpu.memref_slice %arg4[%mul3A_2] : memref<323584xi32, #tpu.memory_space<hbm>> -> memref<10112xi32, #tpu.memory_space<hbm>>
      %dma_start3A_81 = tpu.memref_slice %arg4[%mul3A_2] : memref<323584xi32, #tpu.memory_space<hbm>> -> memref<10112xi32, #tpu.memory_space<hbm>>
      tpu.enqueue_dma source(%dma_start3A_81 : memref<10112xi32, #tpu.memory_space<hbm>>) target(%arg7 : memref<10112xi32, #tpu.memory_space<vmem>>) target_semaphore(%run_scoped3A : memref<!tpu.dma_semaphore, #tpu.memory_space<semaphore_mem>>)
      %dma_wait3A_82 = tpu.memref_slice %arg4[%mul3A_2] : memref<323584xi32, #tpu.memory_space<hbm>> -> memref<10112xi32, #tpu.memory_space<hbm>>
      %dma_wait3A_83 = tpu.memref_slice %arg4[%mul3A_2] : memref<323584xi32, #tpu.memory_space<hbm>> -> memref<10112xi32, #tpu.memory_space<hbm>>
      tpu.wait_dma2 semaphore(%run_scoped3A : memref<!tpu.dma_semaphore, #tpu.memory_space<semaphore_mem>>) src(%dma_wait3A_83 : memref<10112xi32, #tpu.memory_space<hbm>>) dst(%arg7 : memref<10112xi32, #tpu.memory_space<vmem>>)
      tpu.yield
    }) : () -> ()
    %dma_start3A = arith.constant 0 : i32
    %dma_start3A_3 = tpu.memref_slice %arg6[%dma_start3A] : memref<10112xi32, #tpu.memory_space<vmem>> -> memref<32xi32, #tpu.memory_space<vmem>>
    %dma_start3A_4 = arith.constant 0 : i32
    %dma_start3A_5 = arith.constant 0 : i32
    %dma_start3A_6 = tpu.memref_slice %arg2[%dma_start3A_4, %dma_start3A_5] : memref<10240x256xf32, #tpu.memory_space<hbm>> -> memref<10240x256xf32, #tpu.memory_space<hbm>>
    tpu.enqueue_indirect_dma source(%dma_start3A_6 : memref<10240x256xf32, #tpu.memory_space<hbm>>) target(%arg8 : memref<32x256xf32, #tpu.memory_space<vmem>>) offsets(%dma_start3A_3 : memref<32xi32, #tpu.memory_space<vmem>>) semaphore(%arg18 : memref<!tpu.dma_semaphore, #tpu.memory_space<semaphore_mem>>)
    %dma_start3A_7 = arith.constant 0 : i32
    %dma_start3A_8 = tpu.memref_slice %arg7[%dma_start3A_7] : memref<10112xi32, #tpu.memory_space<vmem>> -> memref<32xi32, #tpu.memory_space<vmem>>
    %dma_start3A_9 = arith.constant 0 : i32
    %dma_start3A_10 = arith.constant 0 : i32
    %dma_start3A_11 = tpu.memref_slice %arg2[%dma_start3A_9, %dma_start3A_10] : memref<10240x256xf32, #tpu.memory_space<hbm>> -> memref<10240x256xf32, #tpu.memory_space<hbm>>
    tpu.enqueue_indirect_dma source(%dma_start3A_11 : memref<10240x256xf32, #tpu.memory_space<hbm>>) target(%arg9 : memref<32x256xf32, #tpu.memory_space<vmem>>) offsets(%dma_start3A_8 : memref<32xi32, #tpu.memory_space<vmem>>) semaphore(%arg19 : memref<!tpu.dma_semaphore, #tpu.memory_space<semaphore_mem>>)
    %dma_start3A_12 = arith.constant 32 : i32
    %dma_start3A_13 = tpu.memref_slice %arg6[%dma_start3A_12] : memref<10112xi32, #tpu.memory_space<vmem>> -> memref<32xi32, #tpu.memory_space<vmem>>
    %dma_start3A_14 = arith.constant 0 : i32
    %dma_start3A_15 = arith.constant 0 : i32
    %dma_start3A_16 = tpu.memref_slice %arg2[%dma_start3A_14, %dma_start3A_15] : memref<10240x256xf32, #tpu.memory_space<hbm>> -> memref<10240x256xf32, #tpu.memory_space<hbm>>
    tpu.enqueue_indirect_dma source(%dma_start3A_16 : memref<10240x256xf32, #tpu.memory_space<hbm>>) target(%arg10 : memref<32x256xf32, #tpu.memory_space<vmem>>) offsets(%dma_start3A_13 : memref<32xi32, #tpu.memory_space<vmem>>) semaphore(%arg20 : memref<!tpu.dma_semaphore, #tpu.memory_space<semaphore_mem>>)
    %dma_start3A_17 = arith.constant 32 : i32
    %dma_start3A_18 = tpu.memref_slice %arg7[%dma_start3A_17] : memref<10112xi32, #tpu.memory_space<vmem>> -> memref<32xi32, #tpu.memory_space<vmem>>
    %dma_start3A_19 = arith.constant 0 : i32
    %dma_start3A_20 = arith.constant 0 : i32
    %dma_start3A_21 = tpu.memref_slice %arg2[%dma_start3A_19, %dma_start3A_20] : memref<10240x256xf32, #tpu.memory_space<hbm>> -> memref<10240x256xf32, #tpu.memory_space<hbm>>
    tpu.enqueue_indirect_dma source(%dma_start3A_21 : memref<10240x256xf32, #tpu.memory_space<hbm>>) target(%arg11 : memref<32x256xf32, #tpu.memory_space<vmem>>) offsets(%dma_start3A_18 : memref<32xi32, #tpu.memory_space<vmem>>) semaphore(%arg21 : memref<!tpu.dma_semaphore, #tpu.memory_space<semaphore_mem>>)
    %scan3A = arith.constant 0 : i32
    %scan3A_22 = arith.constant 0 : i32
    %scan3A_23 = arith.constant 158 : i32
    %scan3A_24 = arith.addi %scan3A_22, %scan3A_23 : i32
    %scan3A_25 = arith.constant 1 : i32
    scf.for %scan3A_80 = %scan3A_22 to %scan3A_24 step %scan3A_25  : i32 {
      %mul3A_81 = arith.constant 2 : i32
      %mul3A_82 = arith.muli %scan3A_80, %mul3A_81 : i32
      %dma_wait3A_83 = arith.constant 0 : i32
      %dma_wait3A_84 = tpu.memref_slice %arg6[%dma_wait3A_83] : memref<10112xi32, #tpu.memory_space<vmem>> -> memref<32xi32, #tpu.memory_space<vmem>>
      %dma_wait3A_85 = arith.constant 0 : i32
      %dma_wait3A_86 = arith.constant 0 : i32
      %dma_wait3A_87 = tpu.memref_slice %arg2[%dma_wait3A_85, %dma_wait3A_86] : memref<10240x256xf32, #tpu.memory_space<hbm>> -> memref<10240x256xf32, #tpu.memory_space<hbm>>
      tpu.wait_indirect_dma semaphore(%arg18 : memref<!tpu.dma_semaphore, #tpu.memory_space<semaphore_mem>>) src(%dma_wait3A_87 : memref<10240x256xf32, #tpu.memory_space<hbm>>) dst(%arg8 : memref<32x256xf32, #tpu.memory_space<vmem>>)
      %dma_wait3A_88 = arith.constant 0 : i32
      %dma_wait3A_89 = tpu.memref_slice %arg7[%dma_wait3A_88] : memref<10112xi32, #tpu.memory_space<vmem>> -> memref<32xi32, #tpu.memory_space<vmem>>
      %dma_wait3A_90 = arith.constant 0 : i32
      %dma_wait3A_91 = arith.constant 0 : i32
      %dma_wait3A_92 = tpu.memref_slice %arg2[%dma_wait3A_90, %dma_wait3A_91] : memref<10240x256xf32, #tpu.memory_space<hbm>> -> memref<10240x256xf32, #tpu.memory_space<hbm>>
      tpu.wait_indirect_dma semaphore(%arg19 : memref<!tpu.dma_semaphore, #tpu.memory_space<semaphore_mem>>) src(%dma_wait3A_92 : memref<10240x256xf32, #tpu.memory_space<hbm>>) dst(%arg9 : memref<32x256xf32, #tpu.memory_space<vmem>>)
      %gt3A = arith.constant 0 : i32
      %gt3A_93 = arith.cmpi sgt, %scan3A_80, %gt3A : i32
      %convert_element_type3A = arith.extui %gt3A_93 : i1 to i32
      %cond3A = arith.constant 0 : i32
      %cond3A_94 = arith.cmpi ne, %convert_element_type3A, %cond3A : i32
      scf.if %cond3A_94 {
        %dma_wait3A_197 = arith.constant 0 : i32
        %dma_wait3A_198 = arith.constant 0 : i32
        %dma_wait3A_199 = arith.constant 0 : i32
        %dma_wait3A_200 = tpu.memref_slice %arg5[%dma_wait3A_197, %dma_wait3A_198, %dma_wait3A_199] : memref<3x323584x128xf32, #tpu.memory_space<hbm>> -> memref<1x32x128xf32, #tpu.memory_space<hbm>>
        %dma_wait3A_201 = tpu.memref_squeeze %dma_wait3A_200 : memref<1x32x128xf32, #tpu.memory_space<hbm>> -> memref<32x128xf32, #tpu.memory_space<hbm>>
        %dma_wait3A_202 = arith.constant 0 : i32
        %dma_wait3A_203 = arith.constant 0 : i32
        %dma_wait3A_204 = tpu.memref_slice %arg5[%dma_wait3A_197, %dma_wait3A_202, %dma_wait3A_203] : memref<3x323584x128xf32, #tpu.memory_space<hbm>> -> memref<1x32x128xf32, #tpu.memory_space<hbm>>
        %dma_wait3A_205 = tpu.memref_squeeze %dma_wait3A_204 : memref<1x32x128xf32, #tpu.memory_space<hbm>> -> memref<32x128xf32, #tpu.memory_space<hbm>>
        tpu.wait_dma2 semaphore(%arg22 : memref<!tpu.dma_semaphore, #tpu.memory_space<semaphore_mem>>) src(%arg12 : memref<32x128xf32, #tpu.memory_space<vmem>>) dst(%dma_wait3A_205 : memref<32x128xf32, #tpu.memory_space<hbm>>)
        %dma_wait3A_206 = arith.constant 1 : i32
        %dma_wait3A_207 = arith.constant 0 : i32
        %dma_wait3A_208 = arith.constant 0 : i32
        %dma_wait3A_209 = tpu.memref_slice %arg5[%dma_wait3A_206, %dma_wait3A_207, %dma_wait3A_208] : memref<3x323584x128xf32, #tpu.memory_space<hbm>> -> memref<1x32x128xf32, #tpu.memory_space<hbm>>
        %dma_wait3A_210 = tpu.memref_squeeze %dma_wait3A_209 : memref<1x32x128xf32, #tpu.memory_space<hbm>> -> memref<32x128xf32, #tpu.memory_space<hbm>>
        %dma_wait3A_211 = arith.constant 0 : i32
        %dma_wait3A_212 = arith.constant 0 : i32
        %dma_wait3A_213 = tpu.memref_slice %arg5[%dma_wait3A_206, %dma_wait3A_211, %dma_wait3A_212] : memref<3x323584x128xf32, #tpu.memory_space<hbm>> -> memref<1x32x128xf32, #tpu.memory_space<hbm>>
        %dma_wait3A_214 = tpu.memref_squeeze %dma_wait3A_213 : memref<1x32x128xf32, #tpu.memory_space<hbm>> -> memref<32x128xf32, #tpu.memory_space<hbm>>
        tpu.wait_dma2 semaphore(%arg22 : memref<!tpu.dma_semaphore, #tpu.memory_space<semaphore_mem>>) src(%arg13 : memref<32x128xf32, #tpu.memory_space<vmem>>) dst(%dma_wait3A_214 : memref<32x128xf32, #tpu.memory_space<hbm>>)
        %dma_wait3A_215 = arith.constant 2 : i32
        %dma_wait3A_216 = arith.constant 0 : i32
        %dma_wait3A_217 = arith.constant 0 : i32
        %dma_wait3A_218 = tpu.memref_slice %arg5[%dma_wait3A_215, %dma_wait3A_216, %dma_wait3A_217] : memref<3x323584x128xf32, #tpu.memory_space<hbm>> -> memref<1x32x128xf32, #tpu.memory_space<hbm>>
        %dma_wait3A_219 = tpu.memref_squeeze %dma_wait3A_218 : memref<1x32x128xf32, #tpu.memory_space<hbm>> -> memref<32x128xf32, #tpu.memory_space<hbm>>
        %dma_wait3A_220 = arith.constant 0 : i32
        %dma_wait3A_221 = arith.constant 0 : i32
        %dma_wait3A_222 = tpu.memref_slice %arg5[%dma_wait3A_215, %dma_wait3A_220, %dma_wait3A_221] : memref<3x323584x128xf32, #tpu.memory_space<hbm>> -> memref<1x32x128xf32, #tpu.memory_space<hbm>>
        %dma_wait3A_223 = tpu.memref_squeeze %dma_wait3A_222 : memref<1x32x128xf32, #tpu.memory_space<hbm>> -> memref<32x128xf32, #tpu.memory_space<hbm>>
        tpu.wait_dma2 semaphore(%arg22 : memref<!tpu.dma_semaphore, #tpu.memory_space<semaphore_mem>>) src(%arg14 : memref<32x128xf32, #tpu.memory_space<vmem>>) dst(%dma_wait3A_223 : memref<32x128xf32, #tpu.memory_space<hbm>>)
      } else {
      }
      %scan3A_95 = arith.constant 0 : i32
      %scan3A_96 = arith.constant 0 : i32
      %scan3A_97 = arith.constant 32 : i32
      %scan3A_98 = arith.addi %scan3A_96, %scan3A_97 : i32
      %scan3A_99 = arith.constant 2 : i32
      scf.for %scan3A_197 = %scan3A_96 to %scan3A_98 step %scan3A_99  : i32 {
        %get3A = arith.index_cast %scan3A_197 : i32 to index
        %get3A_198 = arith.constant 128 : index
        %get3A_199 = tpu.vector_load %arg8[%get3A, %get3A_198] {strides = array<i32>} : memref<32x256xf32, #tpu.memory_space<vmem>>, vector<1x16xf32>,
        %get3A_200 = vector.shape_cast %get3A_199 : vector<1x16xf32> to vector<16xf32>
        %get3A_201 = arith.index_cast %scan3A_197 : i32 to index
        %get3A_202 = arith.constant 128 : index
        %get3A_203 = tpu.vector_load %arg9[%get3A_201, %get3A_202] {strides = array<i32>} : memref<32x256xf32, #tpu.memory_space<vmem>>, vector<1x16xf32>,
        %get3A_204 = vector.shape_cast %get3A_203 : vector<1x16xf32> to vector<16xf32>
        %sub3A = arith.subf %get3A_200, %get3A_204 : vector<16xf32>
        %mul3A_205 = arith.mulf %sub3A, %sub3A : vector<16xf32>
        %slice3A = vector.extract_strided_slice %mul3A_205 {offsets = [0], sizes = [1], strides = [1]} : vector<16xf32> to vector<1xf32>
        %squeeze3A = vector.extract %slice3A[0] : f32 from vector<1xf32>
        %slice3A_206 = vector.extract_strided_slice %mul3A_205 {offsets = [1], sizes = [1], strides = [1]} : vector<16xf32> to vector<1xf32>
        %squeeze3A_207 = vector.extract %slice3A_206[0] : f32 from vector<1xf32>
        %add3A_208 = arith.addf %squeeze3A, %squeeze3A_207 : f32
        %slice3A_209 = vector.extract_strided_slice %mul3A_205 {offsets = [2], sizes = [1], strides = [1]} : vector<16xf32> to vector<1xf32>
        %squeeze3A_210 = vector.extract %slice3A_209[0] : f32 from vector<1xf32>
        %add3A_211 = arith.addf %add3A_208, %squeeze3A_210 : f32
        %get3A_212 = arith.index_cast %scan3A_197 : i32 to index
        %get3A_213 = arith.constant 0 : index
        %get3A_214 = tpu.vector_load %arg8[%get3A_212, %get3A_213] {strides = array<i32>} : memref<32x256xf32, #tpu.memory_space<vmem>>, vector<1x16xf32>,
        %get3A_215 = vector.shape_cast %get3A_214 : vector<1x16xf32> to vector<16xf32>
        %swap3A = arith.index_cast %scan3A_197 : i32 to index
        %swap3A_216 = arith.constant 0 : index
        %swap3A_217 = tpu.vector_load %arg12[%swap3A, %swap3A_216] {strides = array<i32>} : memref<32x128xf32, #tpu.memory_space<vmem>>, vector<1x16xf32>,
        %swap3A_218 = vector.shape_cast %swap3A_217 : vector<1x16xf32> to vector<16xf32>
        %swap3A_219 = vector.shape_cast %get3A_215 : vector<16xf32> to vector<1x16xf32>
        tpu.vector_store %arg12[%swap3A, %swap3A_216], %swap3A_219 {strides = array<i32>} : memref<32x128xf32, #tpu.memory_space<vmem>>, vector<1x16xf32>,
        %get3A_220 = arith.index_cast %scan3A_197 : i32 to index
        %get3A_221 = arith.constant 0 : index
        %get3A_222 = tpu.vector_load %arg9[%get3A_220, %get3A_221] {strides = array<i32>} : memref<32x256xf32, #tpu.memory_space<vmem>>, vector<1x16xf32>,
        %get3A_223 = vector.shape_cast %get3A_222 : vector<1x16xf32> to vector<16xf32>
        %swap3A_224 = arith.index_cast %scan3A_197 : i32 to index
        %swap3A_225 = arith.constant 0 : index
        %swap3A_226 = tpu.vector_load %arg13[%swap3A_224, %swap3A_225] {strides = array<i32>} : memref<32x128xf32, #tpu.memory_space<vmem>>, vector<1x16xf32>,
        %swap3A_227 = vector.shape_cast %swap3A_226 : vector<1x16xf32> to vector<16xf32>
        %swap3A_228 = vector.shape_cast %get3A_223 : vector<16xf32> to vector<1x16xf32>
        tpu.vector_store %arg13[%swap3A_224, %swap3A_225], %swap3A_228 {strides = array<i32>} : memref<32x128xf32, #tpu.memory_space<vmem>>, vector<1x16xf32>,
        %get3A_229 = arith.index_cast %scan3A_197 : i32 to index
        %get3A_230 = arith.constant 16 : index
        %get3A_231 = tpu.vector_load %arg8[%get3A_229, %get3A_230] {strides = array<i32>} : memref<32x256xf32, #tpu.memory_space<vmem>>, vector<1x16xf32>,
        %get3A_232 = vector.shape_cast %get3A_231 : vector<1x16xf32> to vector<16xf32>
        %swap3A_233 = arith.index_cast %scan3A_197 : i32 to index
        %swap3A_234 = arith.constant 16 : index
        %swap3A_235 = tpu.vector_load %arg12[%swap3A_233, %swap3A_234] {strides = array<i32>} : memref<32x128xf32, #tpu.memory_space<vmem>>, vector<1x16xf32>,
        %swap3A_236 = vector.shape_cast %swap3A_235 : vector<1x16xf32> to vector<16xf32>
        %swap3A_237 = vector.shape_cast %get3A_232 : vector<16xf32> to vector<1x16xf32>
        tpu.vector_store %arg12[%swap3A_233, %swap3A_234], %swap3A_237 {strides = array<i32>} : memref<32x128xf32, #tpu.memory_space<vmem>>, vector<1x16xf32>,
        %get3A_238 = arith.index_cast %scan3A_197 : i32 to index
        %get3A_239 = arith.constant 16 : index
        %get3A_240 = tpu.vector_load %arg9[%get3A_238, %get3A_239] {strides = array<i32>} : memref<32x256xf32, #tpu.memory_space<vmem>>, vector<1x16xf32>,
        %get3A_241 = vector.shape_cast %get3A_240 : vector<1x16xf32> to vector<16xf32>
        %swap3A_242 = arith.index_cast %scan3A_197 : i32 to index
        %swap3A_243 = arith.constant 16 : index
        %swap3A_244 = tpu.vector_load %arg13[%swap3A_242, %swap3A_243] {strides = array<i32>} : memref<32x128xf32, #tpu.memory_space<vmem>>, vector<1x16xf32>,
        %swap3A_245 = vector.shape_cast %swap3A_244 : vector<1x16xf32> to vector<16xf32>
        %swap3A_246 = vector.shape_cast %get3A_241 : vector<16xf32> to vector<1x16xf32>
        tpu.vector_store %arg13[%swap3A_242, %swap3A_243], %swap3A_246 {strides = array<i32>} : memref<32x128xf32, #tpu.memory_space<vmem>>, vector<1x16xf32>,
        %get3A_247 = arith.index_cast %scan3A_197 : i32 to index
        %get3A_248 = arith.constant 32 : index
        %get3A_249 = tpu.vector_load %arg8[%get3A_247, %get3A_248] {strides = array<i32>} : memref<32x256xf32, #tpu.memory_space<vmem>>, vector<1x16xf32>,
        %get3A_250 = vector.shape_cast %get3A_249 : vector<1x16xf32> to vector<16xf32>
        %swap3A_251 = arith.index_cast %scan3A_197 : i32 to index
        %swap3A_252 = arith.constant 32 : index
        %swap3A_253 = tpu.vector_load %arg12[%swap3A_251, %swap3A_252] {strides = array<i32>} : memref<32x128xf32, #tpu.memory_space<vmem>>, vector<1x16xf32>,
        %swap3A_254 = vector.shape_cast %swap3A_253 : vector<1x16xf32> to vector<16xf32>
        %swap3A_255 = vector.shape_cast %get3A_250 : vector<16xf32> to vector<1x16xf32>
        tpu.vector_store %arg12[%swap3A_251, %swap3A_252], %swap3A_255 {strides = array<i32>} : memref<32x128xf32, #tpu.memory_space<vmem>>, vector<1x16xf32>,
        %get3A_256 = arith.index_cast %scan3A_197 : i32 to index
        %get3A_257 = arith.constant 32 : index
        %get3A_258 = tpu.vector_load %arg9[%get3A_256, %get3A_257] {strides = array<i32>} : memref<32x256xf32, #tpu.memory_space<vmem>>, vector<1x16xf32>,
        %get3A_259 = vector.shape_cast %get3A_258 : vector<1x16xf32> to vector<16xf32>
        %swap3A_260 = arith.index_cast %scan3A_197 : i32 to index
        %swap3A_261 = arith.constant 32 : index
        %swap3A_262 = tpu.vector_load %arg13[%swap3A_260, %swap3A_261] {strides = array<i32>} : memref<32x128xf32, #tpu.memory_space<vmem>>, vector<1x16xf32>,
        %swap3A_263 = vector.shape_cast %swap3A_262 : vector<1x16xf32> to vector<16xf32>
        %swap3A_264 = vector.shape_cast %get3A_259 : vector<16xf32> to vector<1x16xf32>
        tpu.vector_store %arg13[%swap3A_260, %swap3A_261], %swap3A_264 {strides = array<i32>} : memref<32x128xf32, #tpu.memory_space<vmem>>, vector<1x16xf32>,
        %get3A_265 = arith.index_cast %scan3A_197 : i32 to index
        %get3A_266 = arith.constant 48 : index
        %get3A_267 = tpu.vector_load %arg8[%get3A_265, %get3A_266] {strides = array<i32>} : memref<32x256xf32, #tpu.memory_space<vmem>>, vector<1x16xf32>,
        %get3A_268 = vector.shape_cast %get3A_267 : vector<1x16xf32> to vector<16xf32>
        %swap3A_269 = arith.index_cast %scan3A_197 : i32 to index
        %swap3A_270 = arith.constant 48 : index
        %swap3A_271 = tpu.vector_load %arg12[%swap3A_269, %swap3A_270] {strides = array<i32>} : memref<32x128xf32, #tpu.memory_space<vmem>>, vector<1x16xf32>,
        %swap3A_272 = vector.shape_cast %swap3A_271 : vector<1x16xf32> to vector<16xf32>
        %swap3A_273 = vector.shape_cast %get3A_268 : vector<16xf32> to vector<1x16xf32>
        tpu.vector_store %arg12[%swap3A_269, %swap3A_270], %swap3A_273 {strides = array<i32>} : memref<32x128xf32, #tpu.memory_space<vmem>>, vector<1x16xf32>,
        %get3A_274 = arith.index_cast %scan3A_197 : i32 to index
        %get3A_275 = arith.constant 48 : index
        %get3A_276 = tpu.vector_load %arg9[%get3A_274, %get3A_275] {strides = array<i32>} : memref<32x256xf32, #tpu.memory_space<vmem>>, vector<1x16xf32>,
        %get3A_277 = vector.shape_cast %get3A_276 : vector<1x16xf32> to vector<16xf32>
        %swap3A_278 = arith.index_cast %scan3A_197 : i32 to index
        %swap3A_279 = arith.constant 48 : index
        %swap3A_280 = tpu.vector_load %arg13[%swap3A_278, %swap3A_279] {strides = array<i32>} : memref<32x128xf32, #tpu.memory_space<vmem>>, vector<1x16xf32>,
        %swap3A_281 = vector.shape_cast %swap3A_280 : vector<1x16xf32> to vector<16xf32>
        %swap3A_282 = vector.shape_cast %get3A_277 : vector<16xf32> to vector<1x16xf32>
        tpu.vector_store %arg13[%swap3A_278, %swap3A_279], %swap3A_282 {strides = array<i32>} : memref<32x128xf32, #tpu.memory_space<vmem>>, vector<1x16xf32>,
        %get3A_283 = arith.index_cast %scan3A_197 : i32 to index
        %get3A_284 = arith.constant 64 : index
        %get3A_285 = tpu.vector_load %arg8[%get3A_283, %get3A_284] {strides = array<i32>} : memref<32x256xf32, #tpu.memory_space<vmem>>, vector<1x16xf32>,
        %get3A_286 = vector.shape_cast %get3A_285 : vector<1x16xf32> to vector<16xf32>
        %swap3A_287 = arith.index_cast %scan3A_197 : i32 to index
        %swap3A_288 = arith.constant 64 : index
        %swap3A_289 = tpu.vector_load %arg12[%swap3A_287, %swap3A_288] {strides = array<i32>} : memref<32x128xf32, #tpu.memory_space<vmem>>, vector<1x16xf32>,
        %swap3A_290 = vector.shape_cast %swap3A_289 : vector<1x16xf32> to vector<16xf32>
        %swap3A_291 = vector.shape_cast %get3A_286 : vector<16xf32> to vector<1x16xf32>
        tpu.vector_store %arg12[%swap3A_287, %swap3A_288], %swap3A_291 {strides = array<i32>} : memref<32x128xf32, #tpu.memory_space<vmem>>, vector<1x16xf32>,
        %get3A_292 = arith.index_cast %scan3A_197 : i32 to index
        %get3A_293 = arith.constant 64 : index
        %get3A_294 = tpu.vector_load %arg9[%get3A_292, %get3A_293] {strides = array<i32>} : memref<32x256xf32, #tpu.memory_space<vmem>>, vector<1x16xf32>,
        %get3A_295 = vector.shape_cast %get3A_294 : vector<1x16xf32> to vector<16xf32>
        %swap3A_296 = arith.index_cast %scan3A_197 : i32 to index
        %swap3A_297 = arith.constant 64 : index
        %swap3A_298 = tpu.vector_load %arg13[%swap3A_296, %swap3A_297] {strides = array<i32>} : memref<32x128xf32, #tpu.memory_space<vmem>>, vector<1x16xf32>,
        %swap3A_299 = vector.shape_cast %swap3A_298 : vector<1x16xf32> to vector<16xf32>
        %swap3A_300 = vector.shape_cast %get3A_295 : vector<16xf32> to vector<1x16xf32>
        tpu.vector_store %arg13[%swap3A_296, %swap3A_297], %swap3A_300 {strides = array<i32>} : memref<32x128xf32, #tpu.memory_space<vmem>>, vector<1x16xf32>,
        %get3A_301 = arith.index_cast %scan3A_197 : i32 to index
        %get3A_302 = arith.constant 80 : index
        %get3A_303 = tpu.vector_load %arg8[%get3A_301, %get3A_302] {strides = array<i32>} : memref<32x256xf32, #tpu.memory_space<vmem>>, vector<1x16xf32>,
        %get3A_304 = vector.shape_cast %get3A_303 : vector<1x16xf32> to vector<16xf32>
        %swap3A_305 = arith.index_cast %scan3A_197 : i32 to index
        %swap3A_306 = arith.constant 80 : index
        %swap3A_307 = tpu.vector_load %arg12[%swap3A_305, %swap3A_306] {strides = array<i32>} : memref<32x128xf32, #tpu.memory_space<vmem>>, vector<1x16xf32>,
        %swap3A_308 = vector.shape_cast %swap3A_307 : vector<1x16xf32> to vector<16xf32>
        %swap3A_309 = vector.shape_cast %get3A_304 : vector<16xf32> to vector<1x16xf32>
        tpu.vector_store %arg12[%swap3A_305, %swap3A_306], %swap3A_309 {strides = array<i32>} : memref<32x128xf32, #tpu.memory_space<vmem>>, vector<1x16xf32>,
        %get3A_310 = arith.index_cast %scan3A_197 : i32 to index
        %get3A_311 = arith.constant 80 : index
        %get3A_312 = tpu.vector_load %arg9[%get3A_310, %get3A_311] {strides = array<i32>} : memref<32x256xf32, #tpu.memory_space<vmem>>, vector<1x16xf32>,
        %get3A_313 = vector.shape_cast %get3A_312 : vector<1x16xf32> to vector<16xf32>
        %swap3A_314 = arith.index_cast %scan3A_197 : i32 to index
        %swap3A_315 = arith.constant 80 : index
        %swap3A_316 = tpu.vector_load %arg13[%swap3A_314, %swap3A_315] {strides = array<i32>} : memref<32x128xf32, #tpu.memory_space<vmem>>, vector<1x16xf32>,
        %swap3A_317 = vector.shape_cast %swap3A_316 : vector<1x16xf32> to vector<16xf32>
        %swap3A_318 = vector.shape_cast %get3A_313 : vector<16xf32> to vector<1x16xf32>
        tpu.vector_store %arg13[%swap3A_314, %swap3A_315], %swap3A_318 {strides = array<i32>} : memref<32x128xf32, #tpu.memory_space<vmem>>, vector<1x16xf32>,
        %get3A_319 = arith.index_cast %scan3A_197 : i32 to index
        %get3A_320 = arith.constant 96 : index
        %get3A_321 = tpu.vector_load %arg8[%get3A_319, %get3A_320] {strides = array<i32>} : memref<32x256xf32, #tpu.memory_space<vmem>>, vector<1x16xf32>,
        %get3A_322 = vector.shape_cast %get3A_321 : vector<1x16xf32> to vector<16xf32>
        %swap3A_323 = arith.index_cast %scan3A_197 : i32 to index
        %swap3A_324 = arith.constant 96 : index
        %swap3A_325 = tpu.vector_load %arg12[%swap3A_323, %swap3A_324] {strides = array<i32>} : memref<32x128xf32, #tpu.memory_space<vmem>>, vector<1x16xf32>,
        %swap3A_326 = vector.shape_cast %swap3A_325 : vector<1x16xf32> to vector<16xf32>
        %swap3A_327 = vector.shape_cast %get3A_322 : vector<16xf32> to vector<1x16xf32>
        tpu.vector_store %arg12[%swap3A_323, %swap3A_324], %swap3A_327 {strides = array<i32>} : memref<32x128xf32, #tpu.memory_space<vmem>>, vector<1x16xf32>,
        %get3A_328 = arith.index_cast %scan3A_197 : i32 to index
        %get3A_329 = arith.constant 96 : index
        %get3A_330 = tpu.vector_load %arg9[%get3A_328, %get3A_329] {strides = array<i32>} : memref<32x256xf32, #tpu.memory_space<vmem>>, vector<1x16xf32>,
        %get3A_331 = vector.shape_cast %get3A_330 : vector<1x16xf32> to vector<16xf32>
        %swap3A_332 = arith.index_cast %scan3A_197 : i32 to index
        %swap3A_333 = arith.constant 96 : index
        %swap3A_334 = tpu.vector_load %arg13[%swap3A_332, %swap3A_333] {strides = array<i32>} : memref<32x128xf32, #tpu.memory_space<vmem>>, vector<1x16xf32>,
        %swap3A_335 = vector.shape_cast %swap3A_334 : vector<1x16xf32> to vector<16xf32>
        %swap3A_336 = vector.shape_cast %get3A_331 : vector<16xf32> to vector<1x16xf32>
        tpu.vector_store %arg13[%swap3A_332, %swap3A_333], %swap3A_336 {strides = array<i32>} : memref<32x128xf32, #tpu.memory_space<vmem>>, vector<1x16xf32>,
        %get3A_337 = arith.index_cast %scan3A_197 : i32 to index
        %get3A_338 = arith.constant 112 : index
        %get3A_339 = tpu.vector_load %arg8[%get3A_337, %get3A_338] {strides = array<i32>} : memref<32x256xf32, #tpu.memory_space<vmem>>, vector<1x16xf32>,
        %get3A_340 = vector.shape_cast %get3A_339 : vector<1x16xf32> to vector<16xf32>
        %swap3A_341 = arith.index_cast %scan3A_197 : i32 to index
        %swap3A_342 = arith.constant 112 : index
        %swap3A_343 = tpu.vector_load %arg12[%swap3A_341, %swap3A_342] {strides = array<i32>} : memref<32x128xf32, #tpu.memory_space<vmem>>, vector<1x16xf32>,
        %swap3A_344 = vector.shape_cast %swap3A_343 : vector<1x16xf32> to vector<16xf32>
        %swap3A_345 = vector.shape_cast %get3A_340 : vector<16xf32> to vector<1x16xf32>
        tpu.vector_store %arg12[%swap3A_341, %swap3A_342], %swap3A_345 {strides = array<i32>} : memref<32x128xf32, #tpu.memory_space<vmem>>, vector<1x16xf32>,
        %get3A_346 = arith.index_cast %scan3A_197 : i32 to index
        %get3A_347 = arith.constant 112 : index
        %get3A_348 = tpu.vector_load %arg9[%get3A_346, %get3A_347] {strides = array<i32>} : memref<32x256xf32, #tpu.memory_space<vmem>>, vector<1x16xf32>,
        %get3A_349 = vector.shape_cast %get3A_348 : vector<1x16xf32> to vector<16xf32>
        %swap3A_350 = arith.index_cast %scan3A_197 : i32 to index
        %swap3A_351 = arith.constant 112 : index
        %swap3A_352 = tpu.vector_load %arg13[%swap3A_350, %swap3A_351] {strides = array<i32>} : memref<32x128xf32, #tpu.memory_space<vmem>>, vector<1x16xf32>,
        %swap3A_353 = vector.shape_cast %swap3A_352 : vector<1x16xf32> to vector<16xf32>
        %swap3A_354 = vector.shape_cast %get3A_349 : vector<16xf32> to vector<1x16xf32>
        tpu.vector_store %arg13[%swap3A_350, %swap3A_351], %swap3A_354 {strides = array<i32>} : memref<32x128xf32, #tpu.memory_space<vmem>>, vector<1x16xf32>,
        %broadcast_in_dim3A = vector.broadcast %add3A_211 : f32 to vector<16xf32>
        %swap3A_355 = arith.index_cast %scan3A_197 : i32 to index
        %swap3A_356 = arith.constant 0 : index
        %swap3A_357 = tpu.vector_load %arg14[%swap3A_355, %swap3A_356] {strides = array<i32>} : memref<32x128xf32, #tpu.memory_space<vmem>>, vector<1x16xf32>,
        %swap3A_358 = vector.shape_cast %swap3A_357 : vector<1x16xf32> to vector<16xf32>
        %swap3A_359 = vector.shape_cast %broadcast_in_dim3A : vector<16xf32> to vector<1x16xf32>
        tpu.vector_store %arg14[%swap3A_355, %swap3A_356], %swap3A_359 {strides = array<i32>} : memref<32x128xf32, #tpu.memory_space<vmem>>, vector<1x16xf32>,
        %scan3A_360 = arith.constant 1 : i32
        %scan3A_361 = arith.addi %scan3A_197, %scan3A_360 : i32
        %get3A_362 = arith.index_cast %scan3A_361 : i32 to index
        %get3A_363 = arith.constant 128 : index
        %get3A_364 = tpu.vector_load %arg8[%get3A_362, %get3A_363] {strides = array<i32>} : memref<32x256xf32, #tpu.memory_space<vmem>>, vector<1x16xf32>,
        %get3A_365 = vector.shape_cast %get3A_364 : vector<1x16xf32> to vector<16xf32>
        %get3A_366 = arith.index_cast %scan3A_361 : i32 to index
        %get3A_367 = arith.constant 128 : index
        %get3A_368 = tpu.vector_load %arg9[%get3A_366, %get3A_367] {strides = array<i32>} : memref<32x256xf32, #tpu.memory_space<vmem>>, vector<1x16xf32>,
        %get3A_369 = vector.shape_cast %get3A_368 : vector<1x16xf32> to vector<16xf32>
        %sub3A_370 = arith.subf %get3A_365, %get3A_369 : vector<16xf32>
        %mul3A_371 = arith.mulf %sub3A_370, %sub3A_370 : vector<16xf32>
        %slice3A_372 = vector.extract_strided_slice %mul3A_371 {offsets = [0], sizes = [1], strides = [1]} : vector<16xf32> to vector<1xf32>
        %squeeze3A_373 = vector.extract %slice3A_372[0] : f32 from vector<1xf32>
        %slice3A_374 = vector.extract_strided_slice %mul3A_371 {offsets = [1], sizes = [1], strides = [1]} : vector<16xf32> to vector<1xf32>
        %squeeze3A_375 = vector.extract %slice3A_374[0] : f32 from vector<1xf32>
        %add3A_376 = arith.addf %squeeze3A_373, %squeeze3A_375 : f32
        %slice3A_377 = vector.extract_strided_slice %mul3A_371 {offsets = [2], sizes = [1], strides = [1]} : vector<16xf32> to vector<1xf32>
        %squeeze3A_378 = vector.extract %slice3A_377[0] : f32 from vector<1xf32>
        %add3A_379 = arith.addf %add3A_376, %squeeze3A_378 : f32
        %get3A_380 = arith.index_cast %scan3A_361 : i32 to index
        %get3A_381 = arith.constant 0 : index
        %get3A_382 = tpu.vector_load %arg8[%get3A_380, %get3A_381] {strides = array<i32>} : memref<32x256xf32, #tpu.memory_space<vmem>>, vector<1x16xf32>,
        %get3A_383 = vector.shape_cast %get3A_382 : vector<1x16xf32> to vector<16xf32>
        %swap3A_384 = arith.index_cast %scan3A_361 : i32 to index
        %swap3A_385 = arith.constant 0 : index
        %swap3A_386 = tpu.vector_load %arg12[%swap3A_384, %swap3A_385] {strides = array<i32>} : memref<32x128xf32, #tpu.memory_space<vmem>>, vector<1x16xf32>,
        %swap3A_387 = vector.shape_cast %swap3A_386 : vector<1x16xf32> to vector<16xf32>
        %swap3A_388 = vector.shape_cast %get3A_383 : vector<16xf32> to vector<1x16xf32>
        tpu.vector_store %arg12[%swap3A_384, %swap3A_385], %swap3A_388 {strides = array<i32>} : memref<32x128xf32, #tpu.memory_space<vmem>>, vector<1x16xf32>,
        %get3A_389 = arith.index_cast %scan3A_361 : i32 to index
        %get3A_390 = arith.constant 0 : index
        %get3A_391 = tpu.vector_load %arg9[%get3A_389, %get3A_390] {strides = array<i32>} : memref<32x256xf32, #tpu.memory_space<vmem>>, vector<1x16xf32>,
        %get3A_392 = vector.shape_cast %get3A_391 : vector<1x16xf32> to vector<16xf32>
        %swap3A_393 = arith.index_cast %scan3A_361 : i32 to index
        %swap3A_394 = arith.constant 0 : index
        %swap3A_395 = tpu.vector_load %arg13[%swap3A_393, %swap3A_394] {strides = array<i32>} : memref<32x128xf32, #tpu.memory_space<vmem>>, vector<1x16xf32>,
        %swap3A_396 = vector.shape_cast %swap3A_395 : vector<1x16xf32> to vector<16xf32>
        %swap3A_397 = vector.shape_cast %get3A_392 : vector<16xf32> to vector<1x16xf32>
        tpu.vector_store %arg13[%swap3A_393, %swap3A_394], %swap3A_397 {strides = array<i32>} : memref<32x128xf32, #tpu.memory_space<vmem>>, vector<1x16xf32>,
        %get3A_398 = arith.index_cast %scan3A_361 : i32 to index
        %get3A_399 = arith.constant 16 : index
        %get3A_400 = tpu.vector_load %arg8[%get3A_398, %get3A_399] {strides = array<i32>} : memref<32x256xf32, #tpu.memory_space<vmem>>, vector<1x16xf32>,
        %get3A_401 = vector.shape_cast %get3A_400 : vector<1x16xf32> to vector<16xf32>
        %swap3A_402 = arith.index_cast %scan3A_361 : i32 to index
        %swap3A_403 = arith.constant 16 : index
        %swap3A_404 = tpu.vector_load %arg12[%swap3A_402, %swap3A_403] {strides = array<i32>} : memref<32x128xf32, #tpu.memory_space<vmem>>, vector<1x16xf32>,
        %swap3A_405 = vector.shape_cast %swap3A_404 : vector<1x16xf32> to vector<16xf32>
        %swap3A_406 = vector.shape_cast %get3A_401 : vector<16xf32> to vector<1x16xf32>
        tpu.vector_store %arg12[%swap3A_402, %swap3A_403], %swap3A_406 {strides = array<i32>} : memref<32x128xf32, #tpu.memory_space<vmem>>, vector<1x16xf32>,
        %get3A_407 = arith.index_cast %scan3A_361 : i32 to index
        %get3A_408 = arith.constant 16 : index
        %get3A_409 = tpu.vector_load %arg9[%get3A_407, %get3A_408] {strides = array<i32>} : memref<32x256xf32, #tpu.memory_space<vmem>>, vector<1x16xf32>,
        %get3A_410 = vector.shape_cast %get3A_409 : vector<1x16xf32> to vector<16xf32>
        %swap3A_411 = arith.index_cast %scan3A_361 : i32 to index
        %swap3A_412 = arith.constant 16 : index
        %swap3A_413 = tpu.vector_load %arg13[%swap3A_411, %swap3A_412] {strides = array<i32>} : memref<32x128xf32, #tpu.memory_space<vmem>>, vector<1x16xf32>,
        %swap3A_414 = vector.shape_cast %swap3A_413 : vector<1x16xf32> to vector<16xf32>
        %swap3A_415 = vector.shape_cast %get3A_410 : vector<16xf32> to vector<1x16xf32>
        tpu.vector_store %arg13[%swap3A_411, %swap3A_412], %swap3A_415 {strides = array<i32>} : memref<32x128xf32, #tpu.memory_space<vmem>>, vector<1x16xf32>,
        %get3A_416 = arith.index_cast %scan3A_361 : i32 to index
        %get3A_417 = arith.constant 32 : index
        %get3A_418 = tpu.vector_load %arg8[%get3A_416, %get3A_417] {strides = array<i32>} : memref<32x256xf32, #tpu.memory_space<vmem>>, vector<1x16xf32>,
        %get3A_419 = vector.shape_cast %get3A_418 : vector<1x16xf32> to vector<16xf32>
        %swap3A_420 = arith.index_cast %scan3A_361 : i32 to index
        %swap3A_421 = arith.constant 32 : index
        %swap3A_422 = tpu.vector_load %arg12[%swap3A_420, %swap3A_421] {strides = array<i32>} : memref<32x128xf32, #tpu.memory_space<vmem>>, vector<1x16xf32>,
        %swap3A_423 = vector.shape_cast %swap3A_422 : vector<1x16xf32> to vector<16xf32>
        %swap3A_424 = vector.shape_cast %get3A_419 : vector<16xf32> to vector<1x16xf32>
        tpu.vector_store %arg12[%swap3A_420, %swap3A_421], %swap3A_424 {strides = array<i32>} : memref<32x128xf32, #tpu.memory_space<vmem>>, vector<1x16xf32>,
        %get3A_425 = arith.index_cast %scan3A_361 : i32 to index
        %get3A_426 = arith.constant 32 : index
        %get3A_427 = tpu.vector_load %arg9[%get3A_425, %get3A_426] {strides = array<i32>} : memref<32x256xf32, #tpu.memory_space<vmem>>, vector<1x16xf32>,
        %get3A_428 = vector.shape_cast %get3A_427 : vector<1x16xf32> to vector<16xf32>
        %swap3A_429 = arith.index_cast %scan3A_361 : i32 to index
        %swap3A_430 = arith.constant 32 : index
        %swap3A_431 = tpu.vector_load %arg13[%swap3A_429, %swap3A_430] {strides = array<i32>} : memref<32x128xf32, #tpu.memory_space<vmem>>, vector<1x16xf32>,
        %swap3A_432 = vector.shape_cast %swap3A_431 : vector<1x16xf32> to vector<16xf32>
        %swap3A_433 = vector.shape_cast %get3A_428 : vector<16xf32> to vector<1x16xf32>
        tpu.vector_store %arg13[%swap3A_429, %swap3A_430], %swap3A_433 {strides = array<i32>} : memref<32x128xf32, #tpu.memory_space<vmem>>, vector<1x16xf32>,
        %get3A_434 = arith.index_cast %scan3A_361 : i32 to index
        %get3A_435 = arith.constant 48 : index
        %get3A_436 = tpu.vector_load %arg8[%get3A_434, %get3A_435] {strides = array<i32>} : memref<32x256xf32, #tpu.memory_space<vmem>>, vector<1x16xf32>,
        %get3A_437 = vector.shape_cast %get3A_436 : vector<1x16xf32> to vector<16xf32>
        %swap3A_438 = arith.index_cast %scan3A_361 : i32 to index
        %swap3A_439 = arith.constant 48 : index
        %swap3A_440 = tpu.vector_load %arg12[%swap3A_438, %swap3A_439] {strides = array<i32>} : memref<32x128xf32, #tpu.memory_space<vmem>>, vector<1x16xf32>,
        %swap3A_441 = vector.shape_cast %swap3A_440 : vector<1x16xf32> to vector<16xf32>
        %swap3A_442 = vector.shape_cast %get3A_437 : vector<16xf32> to vector<1x16xf32>
        tpu.vector_store %arg12[%swap3A_438, %swap3A_439], %swap3A_442 {strides = array<i32>} : memref<32x128xf32, #tpu.memory_space<vmem>>, vector<1x16xf32>,
        %get3A_443 = arith.index_cast %scan3A_361 : i32 to index
        %get3A_444 = arith.constant 48 : index
        %get3A_445 = tpu.vector_load %arg9[%get3A_443, %get3A_444] {strides = array<i32>} : memref<32x256xf32, #tpu.memory_space<vmem>>, vector<1x16xf32>,
        %get3A_446 = vector.shape_cast %get3A_445 : vector<1x16xf32> to vector<16xf32>
        %swap3A_447 = arith.index_cast %scan3A_361 : i32 to index
        %swap3A_448 = arith.constant 48 : index
        %swap3A_449 = tpu.vector_load %arg13[%swap3A_447, %swap3A_448] {strides = array<i32>} : memref<32x128xf32, #tpu.memory_space<vmem>>, vector<1x16xf32>,
        %swap3A_450 = vector.shape_cast %swap3A_449 : vector<1x16xf32> to vector<16xf32>
        %swap3A_451 = vector.shape_cast %get3A_446 : vector<16xf32> to vector<1x16xf32>
        tpu.vector_store %arg13[%swap3A_447, %swap3A_448], %swap3A_451 {strides = array<i32>} : memref<32x128xf32, #tpu.memory_space<vmem>>, vector<1x16xf32>,
        %get3A_452 = arith.index_cast %scan3A_361 : i32 to index
        %get3A_453 = arith.constant 64 : index
        %get3A_454 = tpu.vector_load %arg8[%get3A_452, %get3A_453] {strides = array<i32>} : memref<32x256xf32, #tpu.memory_space<vmem>>, vector<1x16xf32>,
        %get3A_455 = vector.shape_cast %get3A_454 : vector<1x16xf32> to vector<16xf32>
        %swap3A_456 = arith.index_cast %scan3A_361 : i32 to index
        %swap3A_457 = arith.constant 64 : index
        %swap3A_458 = tpu.vector_load %arg12[%swap3A_456, %swap3A_457] {strides = array<i32>} : memref<32x128xf32, #tpu.memory_space<vmem>>, vector<1x16xf32>,
        %swap3A_459 = vector.shape_cast %swap3A_458 : vector<1x16xf32> to vector<16xf32>
        %swap3A_460 = vector.shape_cast %get3A_455 : vector<16xf32> to vector<1x16xf32>
        tpu.vector_store %arg12[%swap3A_456, %swap3A_457], %swap3A_460 {strides = array<i32>} : memref<32x128xf32, #tpu.memory_space<vmem>>, vector<1x16xf32>,
        %get3A_461 = arith.index_cast %scan3A_361 : i32 to index
        %get3A_462 = arith.constant 64 : index
        %get3A_463 = tpu.vector_load %arg9[%get3A_461, %get3A_462] {strides = array<i32>} : memref<32x256xf32, #tpu.memory_space<vmem>>, vector<1x16xf32>,
        %get3A_464 = vector.shape_cast %get3A_463 : vector<1x16xf32> to vector<16xf32>
        %swap3A_465 = arith.index_cast %scan3A_361 : i32 to index
        %swap3A_466 = arith.constant 64 : index
        %swap3A_467 = tpu.vector_load %arg13[%swap3A_465, %swap3A_466] {strides = array<i32>} : memref<32x128xf32, #tpu.memory_space<vmem>>, vector<1x16xf32>,
        %swap3A_468 = vector.shape_cast %swap3A_467 : vector<1x16xf32> to vector<16xf32>
        %swap3A_469 = vector.shape_cast %get3A_464 : vector<16xf32> to vector<1x16xf32>
        tpu.vector_store %arg13[%swap3A_465, %swap3A_466], %swap3A_469 {strides = array<i32>} : memref<32x128xf32, #tpu.memory_space<vmem>>, vector<1x16xf32>,
        %get3A_470 = arith.index_cast %scan3A_361 : i32 to index
        %get3A_471 = arith.constant 80 : index
        %get3A_472 = tpu.vector_load %arg8[%get3A_470, %get3A_471] {strides = array<i32>} : memref<32x256xf32, #tpu.memory_space<vmem>>, vector<1x16xf32>,
        %get3A_473 = vector.shape_cast %get3A_472 : vector<1x16xf32> to vector<16xf32>
        %swap3A_474 = arith.index_cast %scan3A_361 : i32 to index
        %swap3A_475 = arith.constant 80 : index
        %swap3A_476 = tpu.vector_load %arg12[%swap3A_474, %swap3A_475] {strides = array<i32>} : memref<32x128xf32, #tpu.memory_space<vmem>>, vector<1x16xf32>,
        %swap3A_477 = vector.shape_cast %swap3A_476 : vector<1x16xf32> to vector<16xf32>
        %swap3A_478 = vector.shape_cast %get3A_473 : vector<16xf32> to vector<1x16xf32>
        tpu.vector_store %arg12[%swap3A_474, %swap3A_475], %swap3A_478 {strides = array<i32>} : memref<32x128xf32, #tpu.memory_space<vmem>>, vector<1x16xf32>,
        %get3A_479 = arith.index_cast %scan3A_361 : i32 to index
        %get3A_480 = arith.constant 80 : index
        %get3A_481 = tpu.vector_load %arg9[%get3A_479, %get3A_480] {strides = array<i32>} : memref<32x256xf32, #tpu.memory_space<vmem>>, vector<1x16xf32>,
        %get3A_482 = vector.shape_cast %get3A_481 : vector<1x16xf32> to vector<16xf32>
        %swap3A_483 = arith.index_cast %scan3A_361 : i32 to index
        %swap3A_484 = arith.constant 80 : index
        %swap3A_485 = tpu.vector_load %arg13[%swap3A_483, %swap3A_484] {strides = array<i32>} : memref<32x128xf32, #tpu.memory_space<vmem>>, vector<1x16xf32>,
        %swap3A_486 = vector.shape_cast %swap3A_485 : vector<1x16xf32> to vector<16xf32>
        %swap3A_487 = vector.shape_cast %get3A_482 : vector<16xf32> to vector<1x16xf32>
        tpu.vector_store %arg13[%swap3A_483, %swap3A_484], %swap3A_487 {strides = array<i32>} : memref<32x128xf32, #tpu.memory_space<vmem>>, vector<1x16xf32>,
        %get3A_488 = arith.index_cast %scan3A_361 : i32 to index
        %get3A_489 = arith.constant 96 : index
        %get3A_490 = tpu.vector_load %arg8[%get3A_488, %get3A_489] {strides = array<i32>} : memref<32x256xf32, #tpu.memory_space<vmem>>, vector<1x16xf32>,
        %get3A_491 = vector.shape_cast %get3A_490 : vector<1x16xf32> to vector<16xf32>
        %swap3A_492 = arith.index_cast %scan3A_361 : i32 to index
        %swap3A_493 = arith.constant 96 : index
        %swap3A_494 = tpu.vector_load %arg12[%swap3A_492, %swap3A_493] {strides = array<i32>} : memref<32x128xf32, #tpu.memory_space<vmem>>, vector<1x16xf32>,
        %swap3A_495 = vector.shape_cast %swap3A_494 : vector<1x16xf32> to vector<16xf32>
        %swap3A_496 = vector.shape_cast %get3A_491 : vector<16xf32> to vector<1x16xf32>
        tpu.vector_store %arg12[%swap3A_492, %swap3A_493], %swap3A_496 {strides = array<i32>} : memref<32x128xf32, #tpu.memory_space<vmem>>, vector<1x16xf32>,
        %get3A_497 = arith.index_cast %scan3A_361 : i32 to index
        %get3A_498 = arith.constant 96 : index
        %get3A_499 = tpu.vector_load %arg9[%get3A_497, %get3A_498] {strides = array<i32>} : memref<32x256xf32, #tpu.memory_space<vmem>>, vector<1x16xf32>,
        %get3A_500 = vector.shape_cast %get3A_499 : vector<1x16xf32> to vector<16xf32>
        %swap3A_501 = arith.index_cast %scan3A_361 : i32 to index
        %swap3A_502 = arith.constant 96 : index
        %swap3A_503 = tpu.vector_load %arg13[%swap3A_501, %swap3A_502] {strides = array<i32>} : memref<32x128xf32, #tpu.memory_space<vmem>>, vector<1x16xf32>,
        %swap3A_504 = vector.shape_cast %swap3A_503 : vector<1x16xf32> to vector<16xf32>
        %swap3A_505 = vector.shape_cast %get3A_500 : vector<16xf32> to vector<1x16xf32>
        tpu.vector_store %arg13[%swap3A_501, %swap3A_502], %swap3A_505 {strides = array<i32>} : memref<32x128xf32, #tpu.memory_space<vmem>>, vector<1x16xf32>,
        %get3A_506 = arith.index_cast %scan3A_361 : i32 to index
        %get3A_507 = arith.constant 112 : index
        %get3A_508 = tpu.vector_load %arg8[%get3A_506, %get3A_507] {strides = array<i32>} : memref<32x256xf32, #tpu.memory_space<vmem>>, vector<1x16xf32>,
        %get3A_509 = vector.shape_cast %get3A_508 : vector<1x16xf32> to vector<16xf32>
        %swap3A_510 = arith.index_cast %scan3A_361 : i32 to index
        %swap3A_511 = arith.constant 112 : index
        %swap3A_512 = tpu.vector_load %arg12[%swap3A_510, %swap3A_511] {strides = array<i32>} : memref<32x128xf32, #tpu.memory_space<vmem>>, vector<1x16xf32>,
        %swap3A_513 = vector.shape_cast %swap3A_512 : vector<1x16xf32> to vector<16xf32>
        %swap3A_514 = vector.shape_cast %get3A_509 : vector<16xf32> to vector<1x16xf32>
        tpu.vector_store %arg12[%swap3A_510, %swap3A_511], %swap3A_514 {strides = array<i32>} : memref<32x128xf32, #tpu.memory_space<vmem>>, vector<1x16xf32>,
        %get3A_515 = arith.index_cast %scan3A_361 : i32 to index
        %get3A_516 = arith.constant 112 : index
        %get3A_517 = tpu.vector_load %arg9[%get3A_515, %get3A_516] {strides = array<i32>} : memref<32x256xf32, #tpu.memory_space<vmem>>, vector<1x16xf32>,
        %get3A_518 = vector.shape_cast %get3A_517 : vector<1x16xf32> to vector<16xf32>
        %swap3A_519 = arith.index_cast %scan3A_361 : i32 to index
        %swap3A_520 = arith.constant 112 : index
        %swap3A_521 = tpu.vector_load %arg13[%swap3A_519, %swap3A_520] {strides = array<i32>} : memref<32x128xf32, #tpu.memory_space<vmem>>, vector<1x16xf32>,
        %swap3A_522 = vector.shape_cast %swap3A_521 : vector<1x16xf32> to vector<16xf32>
        %swap3A_523 = vector.shape_cast %get3A_518 : vector<16xf32> to vector<1x16xf32>
        tpu.vector_store %arg13[%swap3A_519, %swap3A_520], %swap3A_523 {strides = array<i32>} : memref<32x128xf32, #tpu.memory_space<vmem>>, vector<1x16xf32>,
        %broadcast_in_dim3A_524 = vector.broadcast %add3A_379 : f32 to vector<16xf32>
        %swap3A_525 = arith.index_cast %scan3A_361 : i32 to index
        %swap3A_526 = arith.constant 0 : index
        %swap3A_527 = tpu.vector_load %arg14[%swap3A_525, %swap3A_526] {strides = array<i32>} : memref<32x128xf32, #tpu.memory_space<vmem>>, vector<1x16xf32>,
        %swap3A_528 = vector.shape_cast %swap3A_527 : vector<1x16xf32> to vector<16xf32>
        %swap3A_529 = vector.shape_cast %broadcast_in_dim3A_524 : vector<16xf32> to vector<1x16xf32>
        tpu.vector_store %arg14[%swap3A_525, %swap3A_526], %swap3A_529 {strides = array<i32>} : memref<32x128xf32, #tpu.memory_space<vmem>>, vector<1x16xf32>,
      }
      %scan3A_100 = arith.constant 32 : i32
      %mul3A_101 = arith.constant 32 : i32
      %mul3A_102 = arith.muli %mul3A_82, %mul3A_101 : i32
      %add3A_103 = arith.addi %mul3A_2, %mul3A_102 : i32
      %dma_start3A_104 = arith.constant 0 : i32
      %dma_start3A_105 = arith.constant 0 : i32
      %dma_start3A_106 = tpu.memref_slice %arg5[%dma_start3A_104, %add3A_103, %dma_start3A_105] : memref<3x323584x128xf32, #tpu.memory_space<hbm>> -> memref<1x32x128xf32, #tpu.memory_space<hbm>>
      %dma_start3A_107 = tpu.memref_squeeze %dma_start3A_106 : memref<1x32x128xf32, #tpu.memory_space<hbm>> -> memref<32x128xf32, #tpu.memory_space<hbm>>
      %dma_start3A_108 = arith.constant 0 : i32
      %dma_start3A_109 = tpu.memref_slice %arg5[%dma_start3A_104, %add3A_103, %dma_start3A_108] : memref<3x323584x128xf32, #tpu.memory_space<hbm>> -> memref<1x32x128xf32, #tpu.memory_space<hbm>>
      %dma_start3A_110 = tpu.memref_squeeze %dma_start3A_109 : memref<1x32x128xf32, #tpu.memory_space<hbm>> -> memref<32x128xf32, #tpu.memory_space<hbm>>
      tpu.enqueue_dma source(%arg12 : memref<32x128xf32, #tpu.memory_space<vmem>>) target(%dma_start3A_110 : memref<32x128xf32, #tpu.memory_space<hbm>>) target_semaphore(%arg22 : memref<!tpu.dma_semaphore, #tpu.memory_space<semaphore_mem>>)
      %mul3A_111 = arith.constant 32 : i32
      %mul3A_112 = arith.muli %mul3A_82, %mul3A_111 : i32
      %add3A_113 = arith.addi %mul3A_2, %mul3A_112 : i32
      %dma_start3A_114 = arith.constant 1 : i32
      %dma_start3A_115 = arith.constant 0 : i32
      %dma_start3A_116 = tpu.memref_slice %arg5[%dma_start3A_114, %add3A_113, %dma_start3A_115] : memref<3x323584x128xf32, #tpu.memory_space<hbm>> -> memref<1x32x128xf32, #tpu.memory_space<hbm>>
      %dma_start3A_117 = tpu.memref_squeeze %dma_start3A_116 : memref<1x32x128xf32, #tpu.memory_space<hbm>> -> memref<32x128xf32, #tpu.memory_space<hbm>>
      %dma_start3A_118 = arith.constant 0 : i32
      %dma_start3A_119 = tpu.memref_slice %arg5[%dma_start3A_114, %add3A_113, %dma_start3A_118] : memref<3x323584x128xf32, #tpu.memory_space<hbm>> -> memref<1x32x128xf32, #tpu.memory_space<hbm>>
      %dma_start3A_120 = tpu.memref_squeeze %dma_start3A_119 : memref<1x32x128xf32, #tpu.memory_space<hbm>> -> memref<32x128xf32, #tpu.memory_space<hbm>>
      tpu.enqueue_dma source(%arg13 : memref<32x128xf32, #tpu.memory_space<vmem>>) target(%dma_start3A_120 : memref<32x128xf32, #tpu.memory_space<hbm>>) target_semaphore(%arg22 : memref<!tpu.dma_semaphore, #tpu.memory_space<semaphore_mem>>)
      %mul3A_121 = arith.constant 32 : i32
      %mul3A_122 = arith.muli %mul3A_82, %mul3A_121 : i32
      %add3A_123 = arith.addi %mul3A_2, %mul3A_122 : i32
      %dma_start3A_124 = arith.constant 2 : i32
      %dma_start3A_125 = arith.constant 0 : i32
      %dma_start3A_126 = tpu.memref_slice %arg5[%dma_start3A_124, %add3A_123, %dma_start3A_125] : memref<3x323584x128xf32, #tpu.memory_space<hbm>> -> memref<1x32x128xf32, #tpu.memory_space<hbm>>
      %dma_start3A_127 = tpu.memref_squeeze %dma_start3A_126 : memref<1x32x128xf32, #tpu.memory_space<hbm>> -> memref<32x128xf32, #tpu.memory_space<hbm>>
      %dma_start3A_128 = arith.constant 0 : i32
      %dma_start3A_129 = tpu.memref_slice %arg5[%dma_start3A_124, %add3A_123, %dma_start3A_128] : memref<3x323584x128xf32, #tpu.memory_space<hbm>> -> memref<1x32x128xf32, #tpu.memory_space<hbm>>
      %dma_start3A_130 = tpu.memref_squeeze %dma_start3A_129 : memref<1x32x128xf32, #tpu.memory_space<hbm>> -> memref<32x128xf32, #tpu.memory_space<hbm>>
      tpu.enqueue_dma source(%arg14 : memref<32x128xf32, #tpu.memory_space<vmem>>) target(%dma_start3A_130 : memref<32x128xf32, #tpu.memory_space<hbm>>) target_semaphore(%arg22 : memref<!tpu.dma_semaphore, #tpu.memory_space<semaphore_mem>>)
      %add3A_131 = arith.constant 2 : i32
      %add3A_132 = arith.addi %mul3A_82, %add3A_131 : i32
      %lt3A = arith.constant 316 : i32
      %lt3A_133 = arith.cmpi slt, %add3A_132, %lt3A : i32
      %convert_element_type3A_134 = arith.extui %lt3A_133 : i1 to i32
      %cond3A_135 = arith.constant 0 : i32
      %cond3A_136 = arith.cmpi ne, %convert_element_type3A_134, %cond3A_135 : i32
      scf.if %cond3A_136 {
        %add3A_197 = arith.constant 2 : i32
        %add3A_198 = arith.addi %mul3A_82, %add3A_197 : i32
        %mul3A_199 = arith.constant 32 : i32
        %mul3A_200 = arith.muli %add3A_198, %mul3A_199 : i32
        %dma_start3A_201 = tpu.memref_slice %arg6[%mul3A_200] : memref<10112xi32, #tpu.memory_space<vmem>> -> memref<32xi32, #tpu.memory_space<vmem>>
        %dma_start3A_202 = arith.constant 0 : i32
        %dma_start3A_203 = arith.constant 0 : i32
        %dma_start3A_204 = tpu.memref_slice %arg2[%dma_start3A_202, %dma_start3A_203] : memref<10240x256xf32, #tpu.memory_space<hbm>> -> memref<10240x256xf32, #tpu.memory_space<hbm>>
        tpu.enqueue_indirect_dma source(%dma_start3A_204 : memref<10240x256xf32, #tpu.memory_space<hbm>>) target(%arg8 : memref<32x256xf32, #tpu.memory_space<vmem>>) offsets(%dma_start3A_201 : memref<32xi32, #tpu.memory_space<vmem>>) semaphore(%arg18 : memref<!tpu.dma_semaphore, #tpu.memory_space<semaphore_mem>>)
        %mul3A_205 = arith.constant 32 : i32
        %mul3A_206 = arith.muli %add3A_198, %mul3A_205 : i32
        %dma_start3A_207 = tpu.memref_slice %arg7[%mul3A_206] : memref<10112xi32, #tpu.memory_space<vmem>> -> memref<32xi32, #tpu.memory_space<vmem>>
        %dma_start3A_208 = arith.constant 0 : i32
        %dma_start3A_209 = arith.constant 0 : i32
        %dma_start3A_210 = tpu.memref_slice %arg2[%dma_start3A_208, %dma_start3A_209] : memref<10240x256xf32, #tpu.memory_space<hbm>> -> memref<10240x256xf32, #tpu.memory_space<hbm>>
        tpu.enqueue_indirect_dma source(%dma_start3A_210 : memref<10240x256xf32, #tpu.memory_space<hbm>>) target(%arg9 : memref<32x256xf32, #tpu.memory_space<vmem>>) offsets(%dma_start3A_207 : memref<32xi32, #tpu.memory_space<vmem>>) semaphore(%arg19 : memref<!tpu.dma_semaphore, #tpu.memory_space<semaphore_mem>>)
      } else {
      }
      %add3A_137 = arith.constant 1 : i32
      %add3A_138 = arith.addi %mul3A_82, %add3A_137 : i32
      %dma_wait3A_139 = arith.constant 0 : i32
      %dma_wait3A_140 = tpu.memref_slice %arg6[%dma_wait3A_139] : memref<10112xi32, #tpu.memory_space<vmem>> -> memref<32xi32, #tpu.memory_space<vmem>>
      %dma_wait3A_141 = arith.constant 0 : i32
      %dma_wait3A_142 = arith.constant 0 : i32
      %dma_wait3A_143 = tpu.memref_slice %arg2[%dma_wait3A_141, %dma_wait3A_142] : memref<10240x256xf32, #tpu.memory_space<hbm>> -> memref<10240x256xf32, #tpu.memory_space<hbm>>
      tpu.wait_indirect_dma semaphore(%arg20 : memref<!tpu.dma_semaphore, #tpu.memory_space<semaphore_mem>>) src(%dma_wait3A_143 : memref<10240x256xf32, #tpu.memory_space<hbm>>) dst(%arg10 : memref<32x256xf32, #tpu.memory_space<vmem>>)
      %dma_wait3A_144 = arith.constant 0 : i32
      %dma_wait3A_145 = tpu.memref_slice %arg7[%dma_wait3A_144] : memref<10112xi32, #tpu.memory_space<vmem>> -> memref<32xi32, #tpu.memory_space<vmem>>
      %dma_wait3A_146 = arith.constant 0 : i32
      %dma_wait3A_147 = arith.constant 0 : i32
      %dma_wait3A_148 = tpu.memref_slice %arg2[%dma_wait3A_146, %dma_wait3A_147] : memref<10240x256xf32, #tpu.memory_space<hbm>> -> memref<10240x256xf32, #tpu.memory_space<hbm>>
      tpu.wait_indirect_dma semaphore(%arg21 : memref<!tpu.dma_semaphore, #tpu.memory_space<semaphore_mem>>) src(%dma_wait3A_148 : memref<10240x256xf32, #tpu.memory_space<hbm>>) dst(%arg11 : memref<32x256xf32, #tpu.memory_space<vmem>>)
      %gt3A_149 = arith.constant 0 : i32
      %gt3A_150 = arith.cmpi sgt, %scan3A_80, %gt3A_149 : i32
      %convert_element_type3A_151 = arith.extui %gt3A_150 : i1 to i32
      %cond3A_152 = arith.constant 0 : i32
      %cond3A_153 = arith.cmpi ne, %convert_element_type3A_151, %cond3A_152 : i32
      scf.if %cond3A_153 {
        %dma_wait3A_197 = arith.constant 0 : i32
        %dma_wait3A_198 = arith.constant 0 : i32
        %dma_wait3A_199 = arith.constant 0 : i32
        %dma_wait3A_200 = tpu.memref_slice %arg5[%dma_wait3A_197, %dma_wait3A_198, %dma_wait3A_199] : memref<3x323584x128xf32, #tpu.memory_space<hbm>> -> memref<1x32x128xf32, #tpu.memory_space<hbm>>
        %dma_wait3A_201 = tpu.memref_squeeze %dma_wait3A_200 : memref<1x32x128xf32, #tpu.memory_space<hbm>> -> memref<32x128xf32, #tpu.memory_space<hbm>>
        %dma_wait3A_202 = arith.constant 0 : i32
        %dma_wait3A_203 = arith.constant 0 : i32
        %dma_wait3A_204 = tpu.memref_slice %arg5[%dma_wait3A_197, %dma_wait3A_202, %dma_wait3A_203] : memref<3x323584x128xf32, #tpu.memory_space<hbm>> -> memref<1x32x128xf32, #tpu.memory_space<hbm>>
        %dma_wait3A_205 = tpu.memref_squeeze %dma_wait3A_204 : memref<1x32x128xf32, #tpu.memory_space<hbm>> -> memref<32x128xf32, #tpu.memory_space<hbm>>
        tpu.wait_dma2 semaphore(%arg23 : memref<!tpu.dma_semaphore, #tpu.memory_space<semaphore_mem>>) src(%arg15 : memref<32x128xf32, #tpu.memory_space<vmem>>) dst(%dma_wait3A_205 : memref<32x128xf32, #tpu.memory_space<hbm>>)
        %dma_wait3A_206 = arith.constant 1 : i32
        %dma_wait3A_207 = arith.constant 0 : i32
        %dma_wait3A_208 = arith.constant 0 : i32
        %dma_wait3A_209 = tpu.memref_slice %arg5[%dma_wait3A_206, %dma_wait3A_207, %dma_wait3A_208] : memref<3x323584x128xf32, #tpu.memory_space<hbm>> -> memref<1x32x128xf32, #tpu.memory_space<hbm>>
        %dma_wait3A_210 = tpu.memref_squeeze %dma_wait3A_209 : memref<1x32x128xf32, #tpu.memory_space<hbm>> -> memref<32x128xf32, #tpu.memory_space<hbm>>
        %dma_wait3A_211 = arith.constant 0 : i32
        %dma_wait3A_212 = arith.constant 0 : i32
        %dma_wait3A_213 = tpu.memref_slice %arg5[%dma_wait3A_206, %dma_wait3A_211, %dma_wait3A_212] : memref<3x323584x128xf32, #tpu.memory_space<hbm>> -> memref<1x32x128xf32, #tpu.memory_space<hbm>>
        %dma_wait3A_214 = tpu.memref_squeeze %dma_wait3A_213 : memref<1x32x128xf32, #tpu.memory_space<hbm>> -> memref<32x128xf32, #tpu.memory_space<hbm>>
        tpu.wait_dma2 semaphore(%arg23 : memref<!tpu.dma_semaphore, #tpu.memory_space<semaphore_mem>>) src(%arg16 : memref<32x128xf32, #tpu.memory_space<vmem>>) dst(%dma_wait3A_214 : memref<32x128xf32, #tpu.memory_space<hbm>>)
        %dma_wait3A_215 = arith.constant 2 : i32
        %dma_wait3A_216 = arith.constant 0 : i32
        %dma_wait3A_217 = arith.constant 0 : i32
        %dma_wait3A_218 = tpu.memref_slice %arg5[%dma_wait3A_215, %dma_wait3A_216, %dma_wait3A_217] : memref<3x323584x128xf32, #tpu.memory_space<hbm>> -> memref<1x32x128xf32, #tpu.memory_space<hbm>>
        %dma_wait3A_219 = tpu.memref_squeeze %dma_wait3A_218 : memref<1x32x128xf32, #tpu.memory_space<hbm>> -> memref<32x128xf32, #tpu.memory_space<hbm>>
        %dma_wait3A_220 = arith.constant 0 : i32
        %dma_wait3A_221 = arith.constant 0 : i32
        %dma_wait3A_222 = tpu.memref_slice %arg5[%dma_wait3A_215, %dma_wait3A_220, %dma_wait3A_221] : memref<3x323584x128xf32, #tpu.memory_space<hbm>> -> memref<1x32x128xf32, #tpu.memory_space<hbm>>
        %dma_wait3A_223 = tpu.memref_squeeze %dma_wait3A_222 : memref<1x32x128xf32, #tpu.memory_space<hbm>> -> memref<32x128xf32, #tpu.memory_space<hbm>>
        tpu.wait_dma2 semaphore(%arg23 : memref<!tpu.dma_semaphore, #tpu.memory_space<semaphore_mem>>) src(%arg17 : memref<32x128xf32, #tpu.memory_space<vmem>>) dst(%dma_wait3A_223 : memref<32x128xf32, #tpu.memory_space<hbm>>)
      } else {
      }
      %scan3A_154 = arith.constant 0 : i32
      %scan3A_155 = arith.constant 0 : i32
      %scan3A_156 = arith.constant 32 : i32
      %scan3A_157 = arith.addi %scan3A_155, %scan3A_156 : i32
      %scan3A_158 = arith.constant 2 : i32
      scf.for %scan3A_197 = %scan3A_155 to %scan3A_157 step %scan3A_158  : i32 {
        %get3A = arith.index_cast %scan3A_197 : i32 to index
        %get3A_198 = arith.constant 128 : index
        %get3A_199 = tpu.vector_load %arg10[%get3A, %get3A_198] {strides = array<i32>} : memref<32x256xf32, #tpu.memory_space<vmem>>, vector<1x16xf32>,
        %get3A_200 = vector.shape_cast %get3A_199 : vector<1x16xf32> to vector<16xf32>
        %get3A_201 = arith.index_cast %scan3A_197 : i32 to index
        %get3A_202 = arith.constant 128 : index
        %get3A_203 = tpu.vector_load %arg11[%get3A_201, %get3A_202] {strides = array<i32>} : memref<32x256xf32, #tpu.memory_space<vmem>>, vector<1x16xf32>,
        %get3A_204 = vector.shape_cast %get3A_203 : vector<1x16xf32> to vector<16xf32>
        %sub3A = arith.subf %get3A_200, %get3A_204 : vector<16xf32>
        %mul3A_205 = arith.mulf %sub3A, %sub3A : vector<16xf32>
        %slice3A = vector.extract_strided_slice %mul3A_205 {offsets = [0], sizes = [1], strides = [1]} : vector<16xf32> to vector<1xf32>
        %squeeze3A = vector.extract %slice3A[0] : f32 from vector<1xf32>
        %slice3A_206 = vector.extract_strided_slice %mul3A_205 {offsets = [1], sizes = [1], strides = [1]} : vector<16xf32> to vector<1xf32>
        %squeeze3A_207 = vector.extract %slice3A_206[0] : f32 from vector<1xf32>
        %add3A_208 = arith.addf %squeeze3A, %squeeze3A_207 : f32
        %slice3A_209 = vector.extract_strided_slice %mul3A_205 {offsets = [2], sizes = [1], strides = [1]} : vector<16xf32> to vector<1xf32>
        %squeeze3A_210 = vector.extract %slice3A_209[0] : f32 from vector<1xf32>
        %add3A_211 = arith.addf %add3A_208, %squeeze3A_210 : f32
        %get3A_212 = arith.index_cast %scan3A_197 : i32 to index
        %get3A_213 = arith.constant 0 : index
        %get3A_214 = tpu.vector_load %arg10[%get3A_212, %get3A_213] {strides = array<i32>} : memref<32x256xf32, #tpu.memory_space<vmem>>, vector<1x16xf32>,
        %get3A_215 = vector.shape_cast %get3A_214 : vector<1x16xf32> to vector<16xf32>
        %swap3A = arith.index_cast %scan3A_197 : i32 to index
        %swap3A_216 = arith.constant 0 : index
        %swap3A_217 = tpu.vector_load %arg15[%swap3A, %swap3A_216] {strides = array<i32>} : memref<32x128xf32, #tpu.memory_space<vmem>>, vector<1x16xf32>,
        %swap3A_218 = vector.shape_cast %swap3A_217 : vector<1x16xf32> to vector<16xf32>
        %swap3A_219 = vector.shape_cast %get3A_215 : vector<16xf32> to vector<1x16xf32>
        tpu.vector_store %arg15[%swap3A, %swap3A_216], %swap3A_219 {strides = array<i32>} : memref<32x128xf32, #tpu.memory_space<vmem>>, vector<1x16xf32>,
        %get3A_220 = arith.index_cast %scan3A_197 : i32 to index
        %get3A_221 = arith.constant 0 : index
        %get3A_222 = tpu.vector_load %arg11[%get3A_220, %get3A_221] {strides = array<i32>} : memref<32x256xf32, #tpu.memory_space<vmem>>, vector<1x16xf32>,
        %get3A_223 = vector.shape_cast %get3A_222 : vector<1x16xf32> to vector<16xf32>
        %swap3A_224 = arith.index_cast %scan3A_197 : i32 to index
        %swap3A_225 = arith.constant 0 : index
        %swap3A_226 = tpu.vector_load %arg16[%swap3A_224, %swap3A_225] {strides = array<i32>} : memref<32x128xf32, #tpu.memory_space<vmem>>, vector<1x16xf32>,
        %swap3A_227 = vector.shape_cast %swap3A_226 : vector<1x16xf32> to vector<16xf32>
        %swap3A_228 = vector.shape_cast %get3A_223 : vector<16xf32> to vector<1x16xf32>
        tpu.vector_store %arg16[%swap3A_224, %swap3A_225], %swap3A_228 {strides = array<i32>} : memref<32x128xf32, #tpu.memory_space<vmem>>, vector<1x16xf32>,
        %get3A_229 = arith.index_cast %scan3A_197 : i32 to index
        %get3A_230 = arith.constant 16 : index
        %get3A_231 = tpu.vector_load %arg10[%get3A_229, %get3A_230] {strides = array<i32>} : memref<32x256xf32, #tpu.memory_space<vmem>>, vector<1x16xf32>,
        %get3A_232 = vector.shape_cast %get3A_231 : vector<1x16xf32> to vector<16xf32>
        %swap3A_233 = arith.index_cast %scan3A_197 : i32 to index
        %swap3A_234 = arith.constant 16 : index
        %swap3A_235 = tpu.vector_load %arg15[%swap3A_233, %swap3A_234] {strides = array<i32>} : memref<32x128xf32, #tpu.memory_space<vmem>>, vector<1x16xf32>,
        %swap3A_236 = vector.shape_cast %swap3A_235 : vector<1x16xf32> to vector<16xf32>
        %swap3A_237 = vector.shape_cast %get3A_232 : vector<16xf32> to vector<1x16xf32>
        tpu.vector_store %arg15[%swap3A_233, %swap3A_234], %swap3A_237 {strides = array<i32>} : memref<32x128xf32, #tpu.memory_space<vmem>>, vector<1x16xf32>,
        %get3A_238 = arith.index_cast %scan3A_197 : i32 to index
        %get3A_239 = arith.constant 16 : index
        %get3A_240 = tpu.vector_load %arg11[%get3A_238, %get3A_239] {strides = array<i32>} : memref<32x256xf32, #tpu.memory_space<vmem>>, vector<1x16xf32>,
        %get3A_241 = vector.shape_cast %get3A_240 : vector<1x16xf32> to vector<16xf32>
        %swap3A_242 = arith.index_cast %scan3A_197 : i32 to index
        %swap3A_243 = arith.constant 16 : index
        %swap3A_244 = tpu.vector_load %arg16[%swap3A_242, %swap3A_243] {strides = array<i32>} : memref<32x128xf32, #tpu.memory_space<vmem>>, vector<1x16xf32>,
        %swap3A_245 = vector.shape_cast %swap3A_244 : vector<1x16xf32> to vector<16xf32>
        %swap3A_246 = vector.shape_cast %get3A_241 : vector<16xf32> to vector<1x16xf32>
        tpu.vector_store %arg16[%swap3A_242, %swap3A_243], %swap3A_246 {strides = array<i32>} : memref<32x128xf32, #tpu.memory_space<vmem>>, vector<1x16xf32>,
        %get3A_247 = arith.index_cast %scan3A_197 : i32 to index
        %get3A_248 = arith.constant 32 : index
        %get3A_249 = tpu.vector_load %arg10[%get3A_247, %get3A_248] {strides = array<i32>} : memref<32x256xf32, #tpu.memory_space<vmem>>, vector<1x16xf32>,
        %get3A_250 = vector.shape_cast %get3A_249 : vector<1x16xf32> to vector<16xf32>
        %swap3A_251 = arith.index_cast %scan3A_197 : i32 to index
        %swap3A_252 = arith.constant 32 : index
        %swap3A_253 = tpu.vector_load %arg15[%swap3A_251, %swap3A_252] {strides = array<i32>} : memref<32x128xf32, #tpu.memory_space<vmem>>, vector<1x16xf32>,
        %swap3A_254 = vector.shape_cast %swap3A_253 : vector<1x16xf32> to vector<16xf32>
        %swap3A_255 = vector.shape_cast %get3A_250 : vector<16xf32> to vector<1x16xf32>
        tpu.vector_store %arg15[%swap3A_251, %swap3A_252], %swap3A_255 {strides = array<i32>} : memref<32x128xf32, #tpu.memory_space<vmem>>, vector<1x16xf32>,
        %get3A_256 = arith.index_cast %scan3A_197 : i32 to index
        %get3A_257 = arith.constant 32 : index
        %get3A_258 = tpu.vector_load %arg11[%get3A_256, %get3A_257] {strides = array<i32>} : memref<32x256xf32, #tpu.memory_space<vmem>>, vector<1x16xf32>,
        %get3A_259 = vector.shape_cast %get3A_258 : vector<1x16xf32> to vector<16xf32>
        %swap3A_260 = arith.index_cast %scan3A_197 : i32 to index
        %swap3A_261 = arith.constant 32 : index
        %swap3A_262 = tpu.vector_load %arg16[%swap3A_260, %swap3A_261] {strides = array<i32>} : memref<32x128xf32, #tpu.memory_space<vmem>>, vector<1x16xf32>,
        %swap3A_263 = vector.shape_cast %swap3A_262 : vector<1x16xf32> to vector<16xf32>
        %swap3A_264 = vector.shape_cast %get3A_259 : vector<16xf32> to vector<1x16xf32>
        tpu.vector_store %arg16[%swap3A_260, %swap3A_261], %swap3A_264 {strides = array<i32>} : memref<32x128xf32, #tpu.memory_space<vmem>>, vector<1x16xf32>,
        %get3A_265 = arith.index_cast %scan3A_197 : i32 to index
        %get3A_266 = arith.constant 48 : index
        %get3A_267 = tpu.vector_load %arg10[%get3A_265, %get3A_266] {strides = array<i32>} : memref<32x256xf32, #tpu.memory_space<vmem>>, vector<1x16xf32>,
        %get3A_268 = vector.shape_cast %get3A_267 : vector<1x16xf32> to vector<16xf32>
        %swap3A_269 = arith.index_cast %scan3A_197 : i32 to index
        %swap3A_270 = arith.constant 48 : index
        %swap3A_271 = tpu.vector_load %arg15[%swap3A_269, %swap3A_270] {strides = array<i32>} : memref<32x128xf32, #tpu.memory_space<vmem>>, vector<1x16xf32>,
        %swap3A_272 = vector.shape_cast %swap3A_271 : vector<1x16xf32> to vector<16xf32>
        %swap3A_273 = vector.shape_cast %get3A_268 : vector<16xf32> to vector<1x16xf32>
        tpu.vector_store %arg15[%swap3A_269, %swap3A_270], %swap3A_273 {strides = array<i32>} : memref<32x128xf32, #tpu.memory_space<vmem>>, vector<1x16xf32>,
        %get3A_274 = arith.index_cast %scan3A_197 : i32 to index
        %get3A_275 = arith.constant 48 : index
        %get3A_276 = tpu.vector_load %arg11[%get3A_274, %get3A_275] {strides = array<i32>} : memref<32x256xf32, #tpu.memory_space<vmem>>, vector<1x16xf32>,
        %get3A_277 = vector.shape_cast %get3A_276 : vector<1x16xf32> to vector<16xf32>
        %swap3A_278 = arith.index_cast %scan3A_197 : i32 to index
        %swap3A_279 = arith.constant 48 : index
        %swap3A_280 = tpu.vector_load %arg16[%swap3A_278, %swap3A_279] {strides = array<i32>} : memref<32x128xf32, #tpu.memory_space<vmem>>, vector<1x16xf32>,
        %swap3A_281 = vector.shape_cast %swap3A_280 : vector<1x16xf32> to vector<16xf32>
        %swap3A_282 = vector.shape_cast %get3A_277 : vector<16xf32> to vector<1x16xf32>
        tpu.vector_store %arg16[%swap3A_278, %swap3A_279], %swap3A_282 {strides = array<i32>} : memref<32x128xf32, #tpu.memory_space<vmem>>, vector<1x16xf32>,
        %get3A_283 = arith.index_cast %scan3A_197 : i32 to index
        %get3A_284 = arith.constant 64 : index
        %get3A_285 = tpu.vector_load %arg10[%get3A_283, %get3A_284] {strides = array<i32>} : memref<32x256xf32, #tpu.memory_space<vmem>>, vector<1x16xf32>,
        %get3A_286 = vector.shape_cast %get3A_285 : vector<1x16xf32> to vector<16xf32>
        %swap3A_287 = arith.index_cast %scan3A_197 : i32 to index
        %swap3A_288 = arith.constant 64 : index
        %swap3A_289 = tpu.vector_load %arg15[%swap3A_287, %swap3A_288] {strides = array<i32>} : memref<32x128xf32, #tpu.memory_space<vmem>>, vector<1x16xf32>,
        %swap3A_290 = vector.shape_cast %swap3A_289 : vector<1x16xf32> to vector<16xf32>
        %swap3A_291 = vector.shape_cast %get3A_286 : vector<16xf32> to vector<1x16xf32>
        tpu.vector_store %arg15[%swap3A_287, %swap3A_288], %swap3A_291 {strides = array<i32>} : memref<32x128xf32, #tpu.memory_space<vmem>>, vector<1x16xf32>,
        %get3A_292 = arith.index_cast %scan3A_197 : i32 to index
        %get3A_293 = arith.constant 64 : index
        %get3A_294 = tpu.vector_load %arg11[%get3A_292, %get3A_293] {strides = array<i32>} : memref<32x256xf32, #tpu.memory_space<vmem>>, vector<1x16xf32>,
        %get3A_295 = vector.shape_cast %get3A_294 : vector<1x16xf32> to vector<16xf32>
        %swap3A_296 = arith.index_cast %scan3A_197 : i32 to index
        %swap3A_297 = arith.constant 64 : index
        %swap3A_298 = tpu.vector_load %arg16[%swap3A_296, %swap3A_297] {strides = array<i32>} : memref<32x128xf32, #tpu.memory_space<vmem>>, vector<1x16xf32>,
        %swap3A_299 = vector.shape_cast %swap3A_298 : vector<1x16xf32> to vector<16xf32>
        %swap3A_300 = vector.shape_cast %get3A_295 : vector<16xf32> to vector<1x16xf32>
        tpu.vector_store %arg16[%swap3A_296, %swap3A_297], %swap3A_300 {strides = array<i32>} : memref<32x128xf32, #tpu.memory_space<vmem>>, vector<1x16xf32>,
        %get3A_301 = arith.index_cast %scan3A_197 : i32 to index
        %get3A_302 = arith.constant 80 : index
        %get3A_303 = tpu.vector_load %arg10[%get3A_301, %get3A_302] {strides = array<i32>} : memref<32x256xf32, #tpu.memory_space<vmem>>, vector<1x16xf32>,
        %get3A_304 = vector.shape_cast %get3A_303 : vector<1x16xf32> to vector<16xf32>
        %swap3A_305 = arith.index_cast %scan3A_197 : i32 to index
        %swap3A_306 = arith.constant 80 : index
        %swap3A_307 = tpu.vector_load %arg15[%swap3A_305, %swap3A_306] {strides = array<i32>} : memref<32x128xf32, #tpu.memory_space<vmem>>, vector<1x16xf32>,
        %swap3A_308 = vector.shape_cast %swap3A_307 : vector<1x16xf32> to vector<16xf32>
        %swap3A_309 = vector.shape_cast %get3A_304 : vector<16xf32> to vector<1x16xf32>
        tpu.vector_store %arg15[%swap3A_305, %swap3A_306], %swap3A_309 {strides = array<i32>} : memref<32x128xf32, #tpu.memory_space<vmem>>, vector<1x16xf32>,
        %get3A_310 = arith.index_cast %scan3A_197 : i32 to index
        %get3A_311 = arith.constant 80 : index
        %get3A_312 = tpu.vector_load %arg11[%get3A_310, %get3A_311] {strides = array<i32>} : memref<32x256xf32, #tpu.memory_space<vmem>>, vector<1x16xf32>,
        %get3A_313 = vector.shape_cast %get3A_312 : vector<1x16xf32> to vector<16xf32>
        %swap3A_314 = arith.index_cast %scan3A_197 : i32 to index
        %swap3A_315 = arith.constant 80 : index
        %swap3A_316 = tpu.vector_load %arg16[%swap3A_314, %swap3A_315] {strides = array<i32>} : memref<32x128xf32, #tpu.memory_space<vmem>>, vector<1x16xf32>,
        %swap3A_317 = vector.shape_cast %swap3A_316 : vector<1x16xf32> to vector<16xf32>
        %swap3A_318 = vector.shape_cast %get3A_313 : vector<16xf32> to vector<1x16xf32>
        tpu.vector_store %arg16[%swap3A_314, %swap3A_315], %swap3A_318 {strides = array<i32>} : memref<32x128xf32, #tpu.memory_space<vmem>>, vector<1x16xf32>,
        %get3A_319 = arith.index_cast %scan3A_197 : i32 to index
        %get3A_320 = arith.constant 96 : index
        %get3A_321 = tpu.vector_load %arg10[%get3A_319, %get3A_320] {strides = array<i32>} : memref<32x256xf32, #tpu.memory_space<vmem>>, vector<1x16xf32>,
        %get3A_322 = vector.shape_cast %get3A_321 : vector<1x16xf32> to vector<16xf32>
        %swap3A_323 = arith.index_cast %scan3A_197 : i32 to index
        %swap3A_324 = arith.constant 96 : index
        %swap3A_325 = tpu.vector_load %arg15[%swap3A_323, %swap3A_324] {strides = array<i32>} : memref<32x128xf32, #tpu.memory_space<vmem>>, vector<1x16xf32>,
        %swap3A_326 = vector.shape_cast %swap3A_325 : vector<1x16xf32> to vector<16xf32>
        %swap3A_327 = vector.shape_cast %get3A_322 : vector<16xf32> to vector<1x16xf32>
        tpu.vector_store %arg15[%swap3A_323, %swap3A_324], %swap3A_327 {strides = array<i32>} : memref<32x128xf32, #tpu.memory_space<vmem>>, vector<1x16xf32>,
        %get3A_328 = arith.index_cast %scan3A_197 : i32 to index
        %get3A_329 = arith.constant 96 : index
        %get3A_330 = tpu.vector_load %arg11[%get3A_328, %get3A_329] {strides = array<i32>} : memref<32x256xf32, #tpu.memory_space<vmem>>, vector<1x16xf32>,
        %get3A_331 = vector.shape_cast %get3A_330 : vector<1x16xf32> to vector<16xf32>
        %swap3A_332 = arith.index_cast %scan3A_197 : i32 to index
        %swap3A_333 = arith.constant 96 : index
        %swap3A_334 = tpu.vector_load %arg16[%swap3A_332, %swap3A_333] {strides = array<i32>} : memref<32x128xf32, #tpu.memory_space<vmem>>, vector<1x16xf32>,
        %swap3A_335 = vector.shape_cast %swap3A_334 : vector<1x16xf32> to vector<16xf32>
        %swap3A_336 = vector.shape_cast %get3A_331 : vector<16xf32> to vector<1x16xf32>
        tpu.vector_store %arg16[%swap3A_332, %swap3A_333], %swap3A_336 {strides = array<i32>} : memref<32x128xf32, #tpu.memory_space<vmem>>, vector<1x16xf32>,
        %get3A_337 = arith.index_cast %scan3A_197 : i32 to index
        %get3A_338 = arith.constant 112 : index
        %get3A_339 = tpu.vector_load %arg10[%get3A_337, %get3A_338] {strides = array<i32>} : memref<32x256xf32, #tpu.memory_space<vmem>>, vector<1x16xf32>,
        %get3A_340 = vector.shape_cast %get3A_339 : vector<1x16xf32> to vector<16xf32>
        %swap3A_341 = arith.index_cast %scan3A_197 : i32 to index
        %swap3A_342 = arith.constant 112 : index
        %swap3A_343 = tpu.vector_load %arg15[%swap3A_341, %swap3A_342] {strides = array<i32>} : memref<32x128xf32, #tpu.memory_space<vmem>>, vector<1x16xf32>,
        %swap3A_344 = vector.shape_cast %swap3A_343 : vector<1x16xf32> to vector<16xf32>
        %swap3A_345 = vector.shape_cast %get3A_340 : vector<16xf32> to vector<1x16xf32>
        tpu.vector_store %arg15[%swap3A_341, %swap3A_342], %swap3A_345 {strides = array<i32>} : memref<32x128xf32, #tpu.memory_space<vmem>>, vector<1x16xf32>,
        %get3A_346 = arith.index_cast %scan3A_197 : i32 to index
        %get3A_347 = arith.constant 112 : index
        %get3A_348 = tpu.vector_load %arg11[%get3A_346, %get3A_347] {strides = array<i32>} : memref<32x256xf32, #tpu.memory_space<vmem>>, vector<1x16xf32>,
        %get3A_349 = vector.shape_cast %get3A_348 : vector<1x16xf32> to vector<16xf32>
        %swap3A_350 = arith.index_cast %scan3A_197 : i32 to index
        %swap3A_351 = arith.constant 112 : index
        %swap3A_352 = tpu.vector_load %arg16[%swap3A_350, %swap3A_351] {strides = array<i32>} : memref<32x128xf32, #tpu.memory_space<vmem>>, vector<1x16xf32>,
        %swap3A_353 = vector.shape_cast %swap3A_352 : vector<1x16xf32> to vector<16xf32>
        %swap3A_354 = vector.shape_cast %get3A_349 : vector<16xf32> to vector<1x16xf32>
        tpu.vector_store %arg16[%swap3A_350, %swap3A_351], %swap3A_354 {strides = array<i32>} : memref<32x128xf32, #tpu.memory_space<vmem>>, vector<1x16xf32>,
        %broadcast_in_dim3A = vector.broadcast %add3A_211 : f32 to vector<16xf32>
        %swap3A_355 = arith.index_cast %scan3A_197 : i32 to index
        %swap3A_356 = arith.constant 0 : index
        %swap3A_357 = tpu.vector_load %arg17[%swap3A_355, %swap3A_356] {strides = array<i32>} : memref<32x128xf32, #tpu.memory_space<vmem>>, vector<1x16xf32>,
        %swap3A_358 = vector.shape_cast %swap3A_357 : vector<1x16xf32> to vector<16xf32>
        %swap3A_359 = vector.shape_cast %broadcast_in_dim3A : vector<16xf32> to vector<1x16xf32>
        tpu.vector_store %arg17[%swap3A_355, %swap3A_356], %swap3A_359 {strides = array<i32>} : memref<32x128xf32, #tpu.memory_space<vmem>>, vector<1x16xf32>,
        %scan3A_360 = arith.constant 1 : i32
        %scan3A_361 = arith.addi %scan3A_197, %scan3A_360 : i32
        %get3A_362 = arith.index_cast %scan3A_361 : i32 to index
        %get3A_363 = arith.constant 128 : index
        %get3A_364 = tpu.vector_load %arg10[%get3A_362, %get3A_363] {strides = array<i32>} : memref<32x256xf32, #tpu.memory_space<vmem>>, vector<1x16xf32>,
        %get3A_365 = vector.shape_cast %get3A_364 : vector<1x16xf32> to vector<16xf32>
        %get3A_366 = arith.index_cast %scan3A_361 : i32 to index
        %get3A_367 = arith.constant 128 : index
        %get3A_368 = tpu.vector_load %arg11[%get3A_366, %get3A_367] {strides = array<i32>} : memref<32x256xf32, #tpu.memory_space<vmem>>, vector<1x16xf32>,
        %get3A_369 = vector.shape_cast %get3A_368 : vector<1x16xf32> to vector<16xf32>
        %sub3A_370 = arith.subf %get3A_365, %get3A_369 : vector<16xf32>
        %mul3A_371 = arith.mulf %sub3A_370, %sub3A_370 : vector<16xf32>
        %slice3A_372 = vector.extract_strided_slice %mul3A_371 {offsets = [0], sizes = [1], strides = [1]} : vector<16xf32> to vector<1xf32>
        %squeeze3A_373 = vector.extract %slice3A_372[0] : f32 from vector<1xf32>
        %slice3A_374 = vector.extract_strided_slice %mul3A_371 {offsets = [1], sizes = [1], strides = [1]} : vector<16xf32> to vector<1xf32>
        %squeeze3A_375 = vector.extract %slice3A_374[0] : f32 from vector<1xf32>
        %add3A_376 = arith.addf %squeeze3A_373, %squeeze3A_375 : f32
        %slice3A_377 = vector.extract_strided_slice %mul3A_371 {offsets = [2], sizes = [1], strides = [1]} : vector<16xf32> to vector<1xf32>
        %squeeze3A_378 = vector.extract %slice3A_377[0] : f32 from vector<1xf32>
        %add3A_379 = arith.addf %add3A_376, %squeeze3A_378 : f32
        %get3A_380 = arith.index_cast %scan3A_361 : i32 to index
        %get3A_381 = arith.constant 0 : index
        %get3A_382 = tpu.vector_load %arg10[%get3A_380, %get3A_381] {strides = array<i32>} : memref<32x256xf32, #tpu.memory_space<vmem>>, vector<1x16xf32>,
        %get3A_383 = vector.shape_cast %get3A_382 : vector<1x16xf32> to vector<16xf32>
        %swap3A_384 = arith.index_cast %scan3A_361 : i32 to index
        %swap3A_385 = arith.constant 0 : index
        %swap3A_386 = tpu.vector_load %arg15[%swap3A_384, %swap3A_385] {strides = array<i32>} : memref<32x128xf32, #tpu.memory_space<vmem>>, vector<1x16xf32>,
        %swap3A_387 = vector.shape_cast %swap3A_386 : vector<1x16xf32> to vector<16xf32>
        %swap3A_388 = vector.shape_cast %get3A_383 : vector<16xf32> to vector<1x16xf32>
        tpu.vector_store %arg15[%swap3A_384, %swap3A_385], %swap3A_388 {strides = array<i32>} : memref<32x128xf32, #tpu.memory_space<vmem>>, vector<1x16xf32>,
        %get3A_389 = arith.index_cast %scan3A_361 : i32 to index
        %get3A_390 = arith.constant 0 : index
        %get3A_391 = tpu.vector_load %arg11[%get3A_389, %get3A_390] {strides = array<i32>} : memref<32x256xf32, #tpu.memory_space<vmem>>, vector<1x16xf32>,
        %get3A_392 = vector.shape_cast %get3A_391 : vector<1x16xf32> to vector<16xf32>
        %swap3A_393 = arith.index_cast %scan3A_361 : i32 to index
        %swap3A_394 = arith.constant 0 : index
        %swap3A_395 = tpu.vector_load %arg16[%swap3A_393, %swap3A_394] {strides = array<i32>} : memref<32x128xf32, #tpu.memory_space<vmem>>, vector<1x16xf32>,
        %swap3A_396 = vector.shape_cast %swap3A_395 : vector<1x16xf32> to vector<16xf32>
        %swap3A_397 = vector.shape_cast %get3A_392 : vector<16xf32> to vector<1x16xf32>
        tpu.vector_store %arg16[%swap3A_393, %swap3A_394], %swap3A_397 {strides = array<i32>} : memref<32x128xf32, #tpu.memory_space<vmem>>, vector<1x16xf32>,
        %get3A_398 = arith.index_cast %scan3A_361 : i32 to index
        %get3A_399 = arith.constant 16 : index
        %get3A_400 = tpu.vector_load %arg10[%get3A_398, %get3A_399] {strides = array<i32>} : memref<32x256xf32, #tpu.memory_space<vmem>>, vector<1x16xf32>,
        %get3A_401 = vector.shape_cast %get3A_400 : vector<1x16xf32> to vector<16xf32>
        %swap3A_402 = arith.index_cast %scan3A_361 : i32 to index
        %swap3A_403 = arith.constant 16 : index
        %swap3A_404 = tpu.vector_load %arg15[%swap3A_402, %swap3A_403] {strides = array<i32>} : memref<32x128xf32, #tpu.memory_space<vmem>>, vector<1x16xf32>,
        %swap3A_405 = vector.shape_cast %swap3A_404 : vector<1x16xf32> to vector<16xf32>
        %swap3A_406 = vector.shape_cast %get3A_401 : vector<16xf32> to vector<1x16xf32>
        tpu.vector_store %arg15[%swap3A_402, %swap3A_403], %swap3A_406 {strides = array<i32>} : memref<32x128xf32, #tpu.memory_space<vmem>>, vector<1x16xf32>,
        %get3A_407 = arith.index_cast %scan3A_361 : i32 to index
        %get3A_408 = arith.constant 16 : index
        %get3A_409 = tpu.vector_load %arg11[%get3A_407, %get3A_408] {strides = array<i32>} : memref<32x256xf32, #tpu.memory_space<vmem>>, vector<1x16xf32>,
        %get3A_410 = vector.shape_cast %get3A_409 : vector<1x16xf32> to vector<16xf32>
        %swap3A_411 = arith.index_cast %scan3A_361 : i32 to index
        %swap3A_412 = arith.constant 16 : index
        %swap3A_413 = tpu.vector_load %arg16[%swap3A_411, %swap3A_412] {strides = array<i32>} : memref<32x128xf32, #tpu.memory_space<vmem>>, vector<1x16xf32>,
        %swap3A_414 = vector.shape_cast %swap3A_413 : vector<1x16xf32> to vector<16xf32>
        %swap3A_415 = vector.shape_cast %get3A_410 : vector<16xf32> to vector<1x16xf32>
        tpu.vector_store %arg16[%swap3A_411, %swap3A_412], %swap3A_415 {strides = array<i32>} : memref<32x128xf32, #tpu.memory_space<vmem>>, vector<1x16xf32>,
        %get3A_416 = arith.index_cast %scan3A_361 : i32 to index
        %get3A_417 = arith.constant 32 : index
        %get3A_418 = tpu.vector_load %arg10[%get3A_416, %get3A_417] {strides = array<i32>} : memref<32x256xf32, #tpu.memory_space<vmem>>, vector<1x16xf32>,
        %get3A_419 = vector.shape_cast %get3A_418 : vector<1x16xf32> to vector<16xf32>
        %swap3A_420 = arith.index_cast %scan3A_361 : i32 to index
        %swap3A_421 = arith.constant 32 : index
        %swap3A_422 = tpu.vector_load %arg15[%swap3A_420, %swap3A_421] {strides = array<i32>} : memref<32x128xf32, #tpu.memory_space<vmem>>, vector<1x16xf32>,
        %swap3A_423 = vector.shape_cast %swap3A_422 : vector<1x16xf32> to vector<16xf32>
        %swap3A_424 = vector.shape_cast %get3A_419 : vector<16xf32> to vector<1x16xf32>
        tpu.vector_store %arg15[%swap3A_420, %swap3A_421], %swap3A_424 {strides = array<i32>} : memref<32x128xf32, #tpu.memory_space<vmem>>, vector<1x16xf32>,
        %get3A_425 = arith.index_cast %scan3A_361 : i32 to index
        %get3A_426 = arith.constant 32 : index
        %get3A_427 = tpu.vector_load %arg11[%get3A_425, %get3A_426] {strides = array<i32>} : memref<32x256xf32, #tpu.memory_space<vmem>>, vector<1x16xf32>,
        %get3A_428 = vector.shape_cast %get3A_427 : vector<1x16xf32> to vector<16xf32>
        %swap3A_429 = arith.index_cast %scan3A_361 : i32 to index
        %swap3A_430 = arith.constant 32 : index
        %swap3A_431 = tpu.vector_load %arg16[%swap3A_429, %swap3A_430] {strides = array<i32>} : memref<32x128xf32, #tpu.memory_space<vmem>>, vector<1x16xf32>,
        %swap3A_432 = vector.shape_cast %swap3A_431 : vector<1x16xf32> to vector<16xf32>
        %swap3A_433 = vector.shape_cast %get3A_428 : vector<16xf32> to vector<1x16xf32>
        tpu.vector_store %arg16[%swap3A_429, %swap3A_430], %swap3A_433 {strides = array<i32>} : memref<32x128xf32, #tpu.memory_space<vmem>>, vector<1x16xf32>,
        %get3A_434 = arith.index_cast %scan3A_361 : i32 to index
        %get3A_435 = arith.constant 48 : index
        %get3A_436 = tpu.vector_load %arg10[%get3A_434, %get3A_435] {strides = array<i32>} : memref<32x256xf32, #tpu.memory_space<vmem>>, vector<1x16xf32>,
        %get3A_437 = vector.shape_cast %get3A_436 : vector<1x16xf32> to vector<16xf32>
        %swap3A_438 = arith.index_cast %scan3A_361 : i32 to index
        %swap3A_439 = arith.constant 48 : index
        %swap3A_440 = tpu.vector_load %arg15[%swap3A_438, %swap3A_439] {strides = array<i32>} : memref<32x128xf32, #tpu.memory_space<vmem>>, vector<1x16xf32>,
        %swap3A_441 = vector.shape_cast %swap3A_440 : vector<1x16xf32> to vector<16xf32>
        %swap3A_442 = vector.shape_cast %get3A_437 : vector<16xf32> to vector<1x16xf32>
        tpu.vector_store %arg15[%swap3A_438, %swap3A_439], %swap3A_442 {strides = array<i32>} : memref<32x128xf32, #tpu.memory_space<vmem>>, vector<1x16xf32>,
        %get3A_443 = arith.index_cast %scan3A_361 : i32 to index
        %get3A_444 = arith.constant 48 : index
        %get3A_445 = tpu.vector_load %arg11[%get3A_443, %get3A_444] {strides = array<i32>} : memref<32x256xf32, #tpu.memory_space<vmem>>, vector<1x16xf32>,
        %get3A_446 = vector.shape_cast %get3A_445 : vector<1x16xf32> to vector<16xf32>
        %swap3A_447 = arith.index_cast %scan3A_361 : i32 to index
        %swap3A_448 = arith.constant 48 : index
        %swap3A_449 = tpu.vector_load %arg16[%swap3A_447, %swap3A_448] {strides = array<i32>} : memref<32x128xf32, #tpu.memory_space<vmem>>, vector<1x16xf32>,
        %swap3A_450 = vector.shape_cast %swap3A_449 : vector<1x16xf32> to vector<16xf32>
        %swap3A_451 = vector.shape_cast %get3A_446 : vector<16xf32> to vector<1x16xf32>
        tpu.vector_store %arg16[%swap3A_447, %swap3A_448], %swap3A_451 {strides = array<i32>} : memref<32x128xf32, #tpu.memory_space<vmem>>, vector<1x16xf32>,
        %get3A_452 = arith.index_cast %scan3A_361 : i32 to index
        %get3A_453 = arith.constant 64 : index
        %get3A_454 = tpu.vector_load %arg10[%get3A_452, %get3A_453] {strides = array<i32>} : memref<32x256xf32, #tpu.memory_space<vmem>>, vector<1x16xf32>,
        %get3A_455 = vector.shape_cast %get3A_454 : vector<1x16xf32> to vector<16xf32>
        %swap3A_456 = arith.index_cast %scan3A_361 : i32 to index
        %swap3A_457 = arith.constant 64 : index
        %swap3A_458 = tpu.vector_load %arg15[%swap3A_456, %swap3A_457] {strides = array<i32>} : memref<32x128xf32, #tpu.memory_space<vmem>>, vector<1x16xf32>,
        %swap3A_459 = vector.shape_cast %swap3A_458 : vector<1x16xf32> to vector<16xf32>
        %swap3A_460 = vector.shape_cast %get3A_455 : vector<16xf32> to vector<1x16xf32>
        tpu.vector_store %arg15[%swap3A_456, %swap3A_457], %swap3A_460 {strides = array<i32>} : memref<32x128xf32, #tpu.memory_space<vmem>>, vector<1x16xf32>,
        %get3A_461 = arith.index_cast %scan3A_361 : i32 to index
        %get3A_462 = arith.constant 64 : index
        %get3A_463 = tpu.vector_load %arg11[%get3A_461, %get3A_462] {strides = array<i32>} : memref<32x256xf32, #tpu.memory_space<vmem>>, vector<1x16xf32>,
        %get3A_464 = vector.shape_cast %get3A_463 : vector<1x16xf32> to vector<16xf32>
        %swap3A_465 = arith.index_cast %scan3A_361 : i32 to index
        %swap3A_466 = arith.constant 64 : index
        %swap3A_467 = tpu.vector_load %arg16[%swap3A_465, %swap3A_466] {strides = array<i32>} : memref<32x128xf32, #tpu.memory_space<vmem>>, vector<1x16xf32>,
        %swap3A_468 = vector.shape_cast %swap3A_467 : vector<1x16xf32> to vector<16xf32>
        %swap3A_469 = vector.shape_cast %get3A_464 : vector<16xf32> to vector<1x16xf32>
        tpu.vector_store %arg16[%swap3A_465, %swap3A_466], %swap3A_469 {strides = array<i32>} : memref<32x128xf32, #tpu.memory_space<vmem>>, vector<1x16xf32>,
        %get3A_470 = arith.index_cast %scan3A_361 : i32 to index
        %get3A_471 = arith.constant 80 : index
        %get3A_472 = tpu.vector_load %arg10[%get3A_470, %get3A_471] {strides = array<i32>} : memref<32x256xf32, #tpu.memory_space<vmem>>, vector<1x16xf32>,
        %get3A_473 = vector.shape_cast %get3A_472 : vector<1x16xf32> to vector<16xf32>
        %swap3A_474 = arith.index_cast %scan3A_361 : i32 to index
        %swap3A_475 = arith.constant 80 : index
        %swap3A_476 = tpu.vector_load %arg15[%swap3A_474, %swap3A_475] {strides = array<i32>} : memref<32x128xf32, #tpu.memory_space<vmem>>, vector<1x16xf32>,
        %swap3A_477 = vector.shape_cast %swap3A_476 : vector<1x16xf32> to vector<16xf32>
        %swap3A_478 = vector.shape_cast %get3A_473 : vector<16xf32> to vector<1x16xf32>
        tpu.vector_store %arg15[%swap3A_474, %swap3A_475], %swap3A_478 {strides = array<i32>} : memref<32x128xf32, #tpu.memory_space<vmem>>, vector<1x16xf32>,
        %get3A_479 = arith.index_cast %scan3A_361 : i32 to index
        %get3A_480 = arith.constant 80 : index
        %get3A_481 = tpu.vector_load %arg11[%get3A_479, %get3A_480] {strides = array<i32>} : memref<32x256xf32, #tpu.memory_space<vmem>>, vector<1x16xf32>,
        %get3A_482 = vector.shape_cast %get3A_481 : vector<1x16xf32> to vector<16xf32>
        %swap3A_483 = arith.index_cast %scan3A_361 : i32 to index
        %swap3A_484 = arith.constant 80 : index
        %swap3A_485 = tpu.vector_load %arg16[%swap3A_483, %swap3A_484] {strides = array<i32>} : memref<32x128xf32, #tpu.memory_space<vmem>>, vector<1x16xf32>,
        %swap3A_486 = vector.shape_cast %swap3A_485 : vector<1x16xf32> to vector<16xf32>
        %swap3A_487 = vector.shape_cast %get3A_482 : vector<16xf32> to vector<1x16xf32>
        tpu.vector_store %arg16[%swap3A_483, %swap3A_484], %swap3A_487 {strides = array<i32>} : memref<32x128xf32, #tpu.memory_space<vmem>>, vector<1x16xf32>,
        %get3A_488 = arith.index_cast %scan3A_361 : i32 to index
        %get3A_489 = arith.constant 96 : index
        %get3A_490 = tpu.vector_load %arg10[%get3A_488, %get3A_489] {strides = array<i32>} : memref<32x256xf32, #tpu.memory_space<vmem>>, vector<1x16xf32>,
        %get3A_491 = vector.shape_cast %get3A_490 : vector<1x16xf32> to vector<16xf32>
        %swap3A_492 = arith.index_cast %scan3A_361 : i32 to index
        %swap3A_493 = arith.constant 96 : index
        %swap3A_494 = tpu.vector_load %arg15[%swap3A_492, %swap3A_493] {strides = array<i32>} : memref<32x128xf32, #tpu.memory_space<vmem>>, vector<1x16xf32>,
        %swap3A_495 = vector.shape_cast %swap3A_494 : vector<1x16xf32> to vector<16xf32>
        %swap3A_496 = vector.shape_cast %get3A_491 : vector<16xf32> to vector<1x16xf32>
        tpu.vector_store %arg15[%swap3A_492, %swap3A_493], %swap3A_496 {strides = array<i32>} : memref<32x128xf32, #tpu.memory_space<vmem>>, vector<1x16xf32>,
        %get3A_497 = arith.index_cast %scan3A_361 : i32 to index
        %get3A_498 = arith.constant 96 : index
        %get3A_499 = tpu.vector_load %arg11[%get3A_497, %get3A_498] {strides = array<i32>} : memref<32x256xf32, #tpu.memory_space<vmem>>, vector<1x16xf32>,
        %get3A_500 = vector.shape_cast %get3A_499 : vector<1x16xf32> to vector<16xf32>
        %swap3A_501 = arith.index_cast %scan3A_361 : i32 to index
        %swap3A_502 = arith.constant 96 : index
        %swap3A_503 = tpu.vector_load %arg16[%swap3A_501, %swap3A_502] {strides = array<i32>} : memref<32x128xf32, #tpu.memory_space<vmem>>, vector<1x16xf32>,
        %swap3A_504 = vector.shape_cast %swap3A_503 : vector<1x16xf32> to vector<16xf32>
        %swap3A_505 = vector.shape_cast %get3A_500 : vector<16xf32> to vector<1x16xf32>
        tpu.vector_store %arg16[%swap3A_501, %swap3A_502], %swap3A_505 {strides = array<i32>} : memref<32x128xf32, #tpu.memory_space<vmem>>, vector<1x16xf32>,
        %get3A_506 = arith.index_cast %scan3A_361 : i32 to index
        %get3A_507 = arith.constant 112 : index
        %get3A_508 = tpu.vector_load %arg10[%get3A_506, %get3A_507] {strides = array<i32>} : memref<32x256xf32, #tpu.memory_space<vmem>>, vector<1x16xf32>,
        %get3A_509 = vector.shape_cast %get3A_508 : vector<1x16xf32> to vector<16xf32>
        %swap3A_510 = arith.index_cast %scan3A_361 : i32 to index
        %swap3A_511 = arith.constant 112 : index
        %swap3A_512 = tpu.vector_load %arg15[%swap3A_510, %swap3A_511] {strides = array<i32>} : memref<32x128xf32, #tpu.memory_space<vmem>>, vector<1x16xf32>,
        %swap3A_513 = vector.shape_cast %swap3A_512 : vector<1x16xf32> to vector<16xf32>
        %swap3A_514 = vector.shape_cast %get3A_509 : vector<16xf32> to vector<1x16xf32>
        tpu.vector_store %arg15[%swap3A_510, %swap3A_511], %swap3A_514 {strides = array<i32>} : memref<32x128xf32, #tpu.memory_space<vmem>>, vector<1x16xf32>,
        %get3A_515 = arith.index_cast %scan3A_361 : i32 to index
        %get3A_516 = arith.constant 112 : index
        %get3A_517 = tpu.vector_load %arg11[%get3A_515, %get3A_516] {strides = array<i32>} : memref<32x256xf32, #tpu.memory_space<vmem>>, vector<1x16xf32>,
        %get3A_518 = vector.shape_cast %get3A_517 : vector<1x16xf32> to vector<16xf32>
        %swap3A_519 = arith.index_cast %scan3A_361 : i32 to index
        %swap3A_520 = arith.constant 112 : index
        %swap3A_521 = tpu.vector_load %arg16[%swap3A_519, %swap3A_520] {strides = array<i32>} : memref<32x128xf32, #tpu.memory_space<vmem>>, vector<1x16xf32>,
        %swap3A_522 = vector.shape_cast %swap3A_521 : vector<1x16xf32> to vector<16xf32>
        %swap3A_523 = vector.shape_cast %get3A_518 : vector<16xf32> to vector<1x16xf32>
        tpu.vector_store %arg16[%swap3A_519, %swap3A_520], %swap3A_523 {strides = array<i32>} : memref<32x128xf32, #tpu.memory_space<vmem>>, vector<1x16xf32>,
        %broadcast_in_dim3A_524 = vector.broadcast %add3A_379 : f32 to vector<16xf32>
        %swap3A_525 = arith.index_cast %scan3A_361 : i32 to index
        %swap3A_526 = arith.constant 0 : index
        %swap3A_527 = tpu.vector_load %arg17[%swap3A_525, %swap3A_526] {strides = array<i32>} : memref<32x128xf32, #tpu.memory_space<vmem>>, vector<1x16xf32>,
        %swap3A_528 = vector.shape_cast %swap3A_527 : vector<1x16xf32> to vector<16xf32>
        %swap3A_529 = vector.shape_cast %broadcast_in_dim3A_524 : vector<16xf32> to vector<1x16xf32>
        tpu.vector_store %arg17[%swap3A_525, %swap3A_526], %swap3A_529 {strides = array<i32>} : memref<32x128xf32, #tpu.memory_space<vmem>>, vector<1x16xf32>,
      }
      %scan3A_159 = arith.constant 32 : i32
      %mul3A_160 = arith.constant 32 : i32
      %mul3A_161 = arith.muli %add3A_138, %mul3A_160 : i32
      %add3A_162 = arith.addi %mul3A_2, %mul3A_161 : i32
      %dma_start3A_163 = arith.constant 0 : i32
      %dma_start3A_164 = arith.constant 0 : i32
      %dma_start3A_165 = tpu.memref_slice %arg5[%dma_start3A_163, %add3A_162, %dma_start3A_164] : memref<3x323584x128xf32, #tpu.memory_space<hbm>> -> memref<1x32x128xf32, #tpu.memory_space<hbm>>
      %dma_start3A_166 = tpu.memref_squeeze %dma_start3A_165 : memref<1x32x128xf32, #tpu.memory_space<hbm>> -> memref<32x128xf32, #tpu.memory_space<hbm>>
      %dma_start3A_167 = arith.constant 0 : i32
      %dma_start3A_168 = tpu.memref_slice %arg5[%dma_start3A_163, %add3A_162, %dma_start3A_167] : memref<3x323584x128xf32, #tpu.memory_space<hbm>> -> memref<1x32x128xf32, #tpu.memory_space<hbm>>
      %dma_start3A_169 = tpu.memref_squeeze %dma_start3A_168 : memref<1x32x128xf32, #tpu.memory_space<hbm>> -> memref<32x128xf32, #tpu.memory_space<hbm>>
      tpu.enqueue_dma source(%arg15 : memref<32x128xf32, #tpu.memory_space<vmem>>) target(%dma_start3A_169 : memref<32x128xf32, #tpu.memory_space<hbm>>) target_semaphore(%arg23 : memref<!tpu.dma_semaphore, #tpu.memory_space<semaphore_mem>>)
      %mul3A_170 = arith.constant 32 : i32
      %mul3A_171 = arith.muli %add3A_138, %mul3A_170 : i32
      %add3A_172 = arith.addi %mul3A_2, %mul3A_171 : i32
      %dma_start3A_173 = arith.constant 1 : i32
      %dma_start3A_174 = arith.constant 0 : i32
      %dma_start3A_175 = tpu.memref_slice %arg5[%dma_start3A_173, %add3A_172, %dma_start3A_174] : memref<3x323584x128xf32, #tpu.memory_space<hbm>> -> memref<1x32x128xf32, #tpu.memory_space<hbm>>
      %dma_start3A_176 = tpu.memref_squeeze %dma_start3A_175 : memref<1x32x128xf32, #tpu.memory_space<hbm>> -> memref<32x128xf32, #tpu.memory_space<hbm>>
      %dma_start3A_177 = arith.constant 0 : i32
      %dma_start3A_178 = tpu.memref_slice %arg5[%dma_start3A_173, %add3A_172, %dma_start3A_177] : memref<3x323584x128xf32, #tpu.memory_space<hbm>> -> memref<1x32x128xf32, #tpu.memory_space<hbm>>
      %dma_start3A_179 = tpu.memref_squeeze %dma_start3A_178 : memref<1x32x128xf32, #tpu.memory_space<hbm>> -> memref<32x128xf32, #tpu.memory_space<hbm>>
      tpu.enqueue_dma source(%arg16 : memref<32x128xf32, #tpu.memory_space<vmem>>) target(%dma_start3A_179 : memref<32x128xf32, #tpu.memory_space<hbm>>) target_semaphore(%arg23 : memref<!tpu.dma_semaphore, #tpu.memory_space<semaphore_mem>>)
      %mul3A_180 = arith.constant 32 : i32
      %mul3A_181 = arith.muli %add3A_138, %mul3A_180 : i32
      %add3A_182 = arith.addi %mul3A_2, %mul3A_181 : i32
      %dma_start3A_183 = arith.constant 2 : i32
      %dma_start3A_184 = arith.constant 0 : i32
      %dma_start3A_185 = tpu.memref_slice %arg5[%dma_start3A_183, %add3A_182, %dma_start3A_184] : memref<3x323584x128xf32, #tpu.memory_space<hbm>> -> memref<1x32x128xf32, #tpu.memory_space<hbm>>
      %dma_start3A_186 = tpu.memref_squeeze %dma_start3A_185 : memref<1x32x128xf32, #tpu.memory_space<hbm>> -> memref<32x128xf32, #tpu.memory_space<hbm>>
      %dma_start3A_187 = arith.constant 0 : i32
      %dma_start3A_188 = tpu.memref_slice %arg5[%dma_start3A_183, %add3A_182, %dma_start3A_187] : memref<3x323584x128xf32, #tpu.memory_space<hbm>> -> memref<1x32x128xf32, #tpu.memory_space<hbm>>
      %dma_start3A_189 = tpu.memref_squeeze %dma_start3A_188 : memref<1x32x128xf32, #tpu.memory_space<hbm>> -> memref<32x128xf32, #tpu.memory_space<hbm>>
      tpu.enqueue_dma source(%arg17 : memref<32x128xf32, #tpu.memory_space<vmem>>) target(%dma_start3A_189 : memref<32x128xf32, #tpu.memory_space<hbm>>) target_semaphore(%arg23 : memref<!tpu.dma_semaphore, #tpu.memory_space<semaphore_mem>>)
      %add3A_190 = arith.constant 2 : i32
      %add3A_191 = arith.addi %add3A_138, %add3A_190 : i32
      %lt3A_192 = arith.constant 316 : i32
      %lt3A_193 = arith.cmpi slt, %add3A_191, %lt3A_192 : i32
      %convert_element_type3A_194 = arith.extui %lt3A_193 : i1 to i32
      %cond3A_195 = arith.constant 0 : i32
      %cond3A_196 = arith.cmpi ne, %convert_element_type3A_194, %cond3A_195 : i32
      scf.if %cond3A_196 {
        %add3A_197 = arith.constant 2 : i32
        %add3A_198 = arith.addi %add3A_138, %add3A_197 : i32
        %mul3A_199 = arith.constant 32 : i32
        %mul3A_200 = arith.muli %add3A_198, %mul3A_199 : i32
        %dma_start3A_201 = tpu.memref_slice %arg6[%mul3A_200] : memref<10112xi32, #tpu.memory_space<vmem>> -> memref<32xi32, #tpu.memory_space<vmem>>
        %dma_start3A_202 = arith.constant 0 : i32
        %dma_start3A_203 = arith.constant 0 : i32
        %dma_start3A_204 = tpu.memref_slice %arg2[%dma_start3A_202, %dma_start3A_203] : memref<10240x256xf32, #tpu.memory_space<hbm>> -> memref<10240x256xf32, #tpu.memory_space<hbm>>
        tpu.enqueue_indirect_dma source(%dma_start3A_204 : memref<10240x256xf32, #tpu.memory_space<hbm>>) target(%arg10 : memref<32x256xf32, #tpu.memory_space<vmem>>) offsets(%dma_start3A_201 : memref<32xi32, #tpu.memory_space<vmem>>) semaphore(%arg20 : memref<!tpu.dma_semaphore, #tpu.memory_space<semaphore_mem>>)
        %mul3A_205 = arith.constant 32 : i32
        %mul3A_206 = arith.muli %add3A_198, %mul3A_205 : i32
        %dma_start3A_207 = tpu.memref_slice %arg7[%mul3A_206] : memref<10112xi32, #tpu.memory_space<vmem>> -> memref<32xi32, #tpu.memory_space<vmem>>
        %dma_start3A_208 = arith.constant 0 : i32
        %dma_start3A_209 = arith.constant 0 : i32
        %dma_start3A_210 = tpu.memref_slice %arg2[%dma_start3A_208, %dma_start3A_209] : memref<10240x256xf32, #tpu.memory_space<hbm>> -> memref<10240x256xf32, #tpu.memory_space<hbm>>
        tpu.enqueue_indirect_dma source(%dma_start3A_210 : memref<10240x256xf32, #tpu.memory_space<hbm>>) target(%arg11 : memref<32x256xf32, #tpu.memory_space<vmem>>) offsets(%dma_start3A_207 : memref<32xi32, #tpu.memory_space<vmem>>) semaphore(%arg21 : memref<!tpu.dma_semaphore, #tpu.memory_space<semaphore_mem>>)
      } else {
      }
    }
    %scan3A_26 = arith.constant 158 : i32
    %dma_wait3A = arith.constant 0 : i32
    %dma_wait3A_27 = arith.constant 0 : i32
    %dma_wait3A_28 = arith.constant 0 : i32
    %dma_wait3A_29 = tpu.memref_slice %arg5[%dma_wait3A, %dma_wait3A_27, %dma_wait3A_28] : memref<3x323584x128xf32, #tpu.memory_space<hbm>> -> memref<1x32x128xf32, #tpu.memory_space<hbm>>
    %dma_wait3A_30 = tpu.memref_squeeze %dma_wait3A_29 : memref<1x32x128xf32, #tpu.memory_space<hbm>> -> memref<32x128xf32, #tpu.memory_space<hbm>>
    %dma_wait3A_31 = arith.constant 0 : i32
    %dma_wait3A_32 = arith.constant 0 : i32
    %dma_wait3A_33 = tpu.memref_slice %arg5[%dma_wait3A, %dma_wait3A_31, %dma_wait3A_32] : memref<3x323584x128xf32, #tpu.memory_space<hbm>> -> memref<1x32x128xf32, #tpu.memory_space<hbm>>
    %dma_wait3A_34 = tpu.memref_squeeze %dma_wait3A_33 : memref<1x32x128xf32, #tpu.memory_space<hbm>> -> memref<32x128xf32, #tpu.memory_space<hbm>>
    tpu.wait_dma2 semaphore(%arg22 : memref<!tpu.dma_semaphore, #tpu.memory_space<semaphore_mem>>) src(%arg12 : memref<32x128xf32, #tpu.memory_space<vmem>>) dst(%dma_wait3A_34 : memref<32x128xf32, #tpu.memory_space<hbm>>)
    %dma_wait3A_35 = arith.constant 1 : i32
    %dma_wait3A_36 = arith.constant 0 : i32
    %dma_wait3A_37 = arith.constant 0 : i32
    %dma_wait3A_38 = tpu.memref_slice %arg5[%dma_wait3A_35, %dma_wait3A_36, %dma_wait3A_37] : memref<3x323584x128xf32, #tpu.memory_space<hbm>> -> memref<1x32x128xf32, #tpu.memory_space<hbm>>
    %dma_wait3A_39 = tpu.memref_squeeze %dma_wait3A_38 : memref<1x32x128xf32, #tpu.memory_space<hbm>> -> memref<32x128xf32, #tpu.memory_space<hbm>>
    %dma_wait3A_40 = arith.constant 0 : i32
    %dma_wait3A_41 = arith.constant 0 : i32
    %dma_wait3A_42 = tpu.memref_slice %arg5[%dma_wait3A_35, %dma_wait3A_40, %dma_wait3A_41] : memref<3x323584x128xf32, #tpu.memory_space<hbm>> -> memref<1x32x128xf32, #tpu.memory_space<hbm>>
    %dma_wait3A_43 = tpu.memref_squeeze %dma_wait3A_42 : memref<1x32x128xf32, #tpu.memory_space<hbm>> -> memref<32x128xf32, #tpu.memory_space<hbm>>
    tpu.wait_dma2 semaphore(%arg22 : memref<!tpu.dma_semaphore, #tpu.memory_space<semaphore_mem>>) src(%arg13 : memref<32x128xf32, #tpu.memory_space<vmem>>) dst(%dma_wait3A_43 : memref<32x128xf32, #tpu.memory_space<hbm>>)
    %dma_wait3A_44 = arith.constant 2 : i32
    %dma_wait3A_45 = arith.constant 0 : i32
    %dma_wait3A_46 = arith.constant 0 : i32
    %dma_wait3A_47 = tpu.memref_slice %arg5[%dma_wait3A_44, %dma_wait3A_45, %dma_wait3A_46] : memref<3x323584x128xf32, #tpu.memory_space<hbm>> -> memref<1x32x128xf32, #tpu.memory_space<hbm>>
    %dma_wait3A_48 = tpu.memref_squeeze %dma_wait3A_47 : memref<1x32x128xf32, #tpu.memory_space<hbm>> -> memref<32x128xf32, #tpu.memory_space<hbm>>
    %dma_wait3A_49 = arith.constant 0 : i32
    %dma_wait3A_50 = arith.constant 0 : i32
    %dma_wait3A_51 = tpu.memref_slice %arg5[%dma_wait3A_44, %dma_wait3A_49, %dma_wait3A_50] : memref<3x323584x128xf32, #tpu.memory_space<hbm>> -> memref<1x32x128xf32, #tpu.memory_space<hbm>>
    %dma_wait3A_52 = tpu.memref_squeeze %dma_wait3A_51 : memref<1x32x128xf32, #tpu.memory_space<hbm>> -> memref<32x128xf32, #tpu.memory_space<hbm>>
    tpu.wait_dma2 semaphore(%arg22 : memref<!tpu.dma_semaphore, #tpu.memory_space<semaphore_mem>>) src(%arg14 : memref<32x128xf32, #tpu.memory_space<vmem>>) dst(%dma_wait3A_52 : memref<32x128xf32, #tpu.memory_space<hbm>>)
    %dma_wait3A_53 = arith.constant 0 : i32
    %dma_wait3A_54 = arith.constant 0 : i32
    %dma_wait3A_55 = arith.constant 0 : i32
    %dma_wait3A_56 = tpu.memref_slice %arg5[%dma_wait3A_53, %dma_wait3A_54, %dma_wait3A_55] : memref<3x323584x128xf32, #tpu.memory_space<hbm>> -> memref<1x32x128xf32, #tpu.memory_space<hbm>>
    %dma_wait3A_57 = tpu.memref_squeeze %dma_wait3A_56 : memref<1x32x128xf32, #tpu.memory_space<hbm>> -> memref<32x128xf32, #tpu.memory_space<hbm>>
    %dma_wait3A_58 = arith.constant 0 : i32
    %dma_wait3A_59 = arith.constant 0 : i32
    %dma_wait3A_60 = tpu.memref_slice %arg5[%dma_wait3A_53, %dma_wait3A_58, %dma_wait3A_59] : memref<3x323584x128xf32, #tpu.memory_space<hbm>> -> memref<1x32x128xf32, #tpu.memory_space<hbm>>
    %dma_wait3A_61 = tpu.memref_squeeze %dma_wait3A_60 : memref<1x32x128xf32, #tpu.memory_space<hbm>> -> memref<32x128xf32, #tpu.memory_space<hbm>>
    tpu.wait_dma2 semaphore(%arg23 : memref<!tpu.dma_semaphore, #tpu.memory_space<semaphore_mem>>) src(%arg15 : memref<32x128xf32, #tpu.memory_space<vmem>>) dst(%dma_wait3A_61 : memref<32x128xf32, #tpu.memory_space<hbm>>)
    %dma_wait3A_62 = arith.constant 1 : i32
    %dma_wait3A_63 = arith.constant 0 : i32
    %dma_wait3A_64 = arith.constant 0 : i32
    %dma_wait3A_65 = tpu.memref_slice %arg5[%dma_wait3A_62, %dma_wait3A_63, %dma_wait3A_64] : memref<3x323584x128xf32, #tpu.memory_space<hbm>> -> memref<1x32x128xf32, #tpu.memory_space<hbm>>
    %dma_wait3A_66 = tpu.memref_squeeze %dma_wait3A_65 : memref<1x32x128xf32, #tpu.memory_space<hbm>> -> memref<32x128xf32, #tpu.memory_space<hbm>>
    %dma_wait3A_67 = arith.constant 0 : i32
    %dma_wait3A_68 = arith.constant 0 : i32
    %dma_wait3A_69 = tpu.memref_slice %arg5[%dma_wait3A_62, %dma_wait3A_67, %dma_wait3A_68] : memref<3x323584x128xf32, #tpu.memory_space<hbm>> -> memref<1x32x128xf32, #tpu.memory_space<hbm>>
    %dma_wait3A_70 = tpu.memref_squeeze %dma_wait3A_69 : memref<1x32x128xf32, #tpu.memory_space<hbm>> -> memref<32x128xf32, #tpu.memory_space<hbm>>
    tpu.wait_dma2 semaphore(%arg23 : memref<!tpu.dma_semaphore, #tpu.memory_space<semaphore_mem>>) src(%arg16 : memref<32x128xf32, #tpu.memory_space<vmem>>) dst(%dma_wait3A_70 : memref<32x128xf32, #tpu.memory_space<hbm>>)
    %dma_wait3A_71 = arith.constant 2 : i32
    %dma_wait3A_72 = arith.constant 0 : i32
    %dma_wait3A_73 = arith.constant 0 : i32
    %dma_wait3A_74 = tpu.memref_slice %arg5[%dma_wait3A_71, %dma_wait3A_72, %dma_wait3A_73] : memref<3x323584x128xf32, #tpu.memory_space<hbm>> -> memref<1x32x128xf32, #tpu.memory_space<hbm>>
    %dma_wait3A_75 = tpu.memref_squeeze %dma_wait3A_74 : memref<1x32x128xf32, #tpu.memory_space<hbm>> -> memref<32x128xf32, #tpu.memory_space<hbm>>
    %dma_wait3A_76 = arith.constant 0 : i32
    %dma_wait3A_77 = arith.constant 0 : i32
    %dma_wait3A_78 = tpu.memref_slice %arg5[%dma_wait3A_71, %dma_wait3A_76, %dma_wait3A_77] : memref<3x323584x128xf32, #tpu.memory_space<hbm>> -> memref<1x32x128xf32, #tpu.memory_space<hbm>>
    %dma_wait3A_79 = tpu.memref_squeeze %dma_wait3A_78 : memref<1x32x128xf32, #tpu.memory_space<hbm>> -> memref<32x128xf32, #tpu.memory_space<hbm>>
    tpu.wait_dma2 semaphore(%arg23 : memref<!tpu.dma_semaphore, #tpu.memory_space<semaphore_mem>>) src(%arg17 : memref<32x128xf32, #tpu.memory_space<vmem>>) dst(%dma_wait3A_79 : memref<32x128xf32, #tpu.memory_space<hbm>>)
    return
  }
}

#map = affine_map<(d0, d1) -> (0, 0)>
#map1 = affine_map<(d0, d1) -> (0)>
#map2 = affine_map<(d0, d1) -> (0, 0, 0)>
module attributes {stable_mosaic.version = 14 : i64} {
  func.func @sk(%arg0: i32, %arg1: i32, %arg2: memref<323584x128xf32, #tpu.memory_space<hbm>>, %arg3: memref<323584xi32, #tpu.memory_space<hbm>>, %arg4: memref<2x10240x128xf32, #tpu.memory_space<hbm>>, %arg5: memref<128xi32, #tpu.memory_space<vmem>>, %arg6: memref<128x128xf32, #tpu.memory_space<vmem>>, %arg7: memref<10240x128xf32, #tpu.memory_space<vmem_shared>>) attributes {dimension_semantics = [#tpu.dimension_semantics<core_parallel>, #tpu.dimension_semantics<subcore_parallel>], iteration_bounds = array<i64: 2, 16>, scalar_prefetch = 0 : i64, scratch_operands = 3 : i64, tpu.core_type = #tpu.core_type<sc_vector_subcore>, window_params = [{transform_indices = #map}, {transform_indices = #map1}, {transform_indices = #map2}]} {
    %mul3A = arith.constant 2 : i32
    %mul3A_0 = arith.muli %arg1, %mul3A : i32
    %add3A = arith.addi %mul3A_0, %arg0 : i32
    %mul3A_1 = arith.constant 10112 : i32
    %mul3A_2 = arith.muli %add3A, %mul3A_1 : i32
    %scan3A = arith.constant 0 : i32
    %scan3A_3 = arith.constant 0 : i32
    %scan3A_4 = arith.constant 128 : i32
    %scan3A_5 = arith.addi %scan3A_3, %scan3A_4 : i32
    %scan3A_6 = arith.constant 1 : i32
    scf.for %scan3A_39 = %scan3A_3 to %scan3A_5 step %scan3A_6  : i32 {
      %broadcast_in_dim3A = arith.constant 0.000000e+00 : f32
      %broadcast_in_dim3A_40 = vector.broadcast %broadcast_in_dim3A : f32 to vector<16xf32>
      %swap3A = arith.index_cast %scan3A_39 : i32 to index
      %swap3A_41 = arith.constant 0 : index
      %swap3A_42 = tpu.vector_load %arg6[%swap3A, %swap3A_41] {strides = array<i32>} : memref<128x128xf32, #tpu.memory_space<vmem>>, vector<1x16xf32>,
      %swap3A_43 = vector.shape_cast %swap3A_42 : vector<1x16xf32> to vector<16xf32>
      %swap3A_44 = vector.shape_cast %broadcast_in_dim3A_40 : vector<16xf32> to vector<1x16xf32>
      tpu.vector_store %arg6[%swap3A, %swap3A_41], %swap3A_44 {strides = array<i32>} : memref<128x128xf32, #tpu.memory_space<vmem>>, vector<1x16xf32>,
      %broadcast_in_dim3A_45 = arith.constant 0.000000e+00 : f32
      %broadcast_in_dim3A_46 = vector.broadcast %broadcast_in_dim3A_45 : f32 to vector<16xf32>
      %swap3A_47 = arith.index_cast %scan3A_39 : i32 to index
      %swap3A_48 = arith.constant 16 : index
      %swap3A_49 = tpu.vector_load %arg6[%swap3A_47, %swap3A_48] {strides = array<i32>} : memref<128x128xf32, #tpu.memory_space<vmem>>, vector<1x16xf32>,
      %swap3A_50 = vector.shape_cast %swap3A_49 : vector<1x16xf32> to vector<16xf32>
      %swap3A_51 = vector.shape_cast %broadcast_in_dim3A_46 : vector<16xf32> to vector<1x16xf32>
      tpu.vector_store %arg6[%swap3A_47, %swap3A_48], %swap3A_51 {strides = array<i32>} : memref<128x128xf32, #tpu.memory_space<vmem>>, vector<1x16xf32>,
      %broadcast_in_dim3A_52 = arith.constant 0.000000e+00 : f32
      %broadcast_in_dim3A_53 = vector.broadcast %broadcast_in_dim3A_52 : f32 to vector<16xf32>
      %swap3A_54 = arith.index_cast %scan3A_39 : i32 to index
      %swap3A_55 = arith.constant 32 : index
      %swap3A_56 = tpu.vector_load %arg6[%swap3A_54, %swap3A_55] {strides = array<i32>} : memref<128x128xf32, #tpu.memory_space<vmem>>, vector<1x16xf32>,
      %swap3A_57 = vector.shape_cast %swap3A_56 : vector<1x16xf32> to vector<16xf32>
      %swap3A_58 = vector.shape_cast %broadcast_in_dim3A_53 : vector<16xf32> to vector<1x16xf32>
      tpu.vector_store %arg6[%swap3A_54, %swap3A_55], %swap3A_58 {strides = array<i32>} : memref<128x128xf32, #tpu.memory_space<vmem>>, vector<1x16xf32>,
      %broadcast_in_dim3A_59 = arith.constant 0.000000e+00 : f32
      %broadcast_in_dim3A_60 = vector.broadcast %broadcast_in_dim3A_59 : f32 to vector<16xf32>
      %swap3A_61 = arith.index_cast %scan3A_39 : i32 to index
      %swap3A_62 = arith.constant 48 : index
      %swap3A_63 = tpu.vector_load %arg6[%swap3A_61, %swap3A_62] {strides = array<i32>} : memref<128x128xf32, #tpu.memory_space<vmem>>, vector<1x16xf32>,
      %swap3A_64 = vector.shape_cast %swap3A_63 : vector<1x16xf32> to vector<16xf32>
      %swap3A_65 = vector.shape_cast %broadcast_in_dim3A_60 : vector<16xf32> to vector<1x16xf32>
      tpu.vector_store %arg6[%swap3A_61, %swap3A_62], %swap3A_65 {strides = array<i32>} : memref<128x128xf32, #tpu.memory_space<vmem>>, vector<1x16xf32>,
      %broadcast_in_dim3A_66 = arith.constant 0.000000e+00 : f32
      %broadcast_in_dim3A_67 = vector.broadcast %broadcast_in_dim3A_66 : f32 to vector<16xf32>
      %swap3A_68 = arith.index_cast %scan3A_39 : i32 to index
      %swap3A_69 = arith.constant 64 : index
      %swap3A_70 = tpu.vector_load %arg6[%swap3A_68, %swap3A_69] {strides = array<i32>} : memref<128x128xf32, #tpu.memory_space<vmem>>, vector<1x16xf32>,
      %swap3A_71 = vector.shape_cast %swap3A_70 : vector<1x16xf32> to vector<16xf32>
      %swap3A_72 = vector.shape_cast %broadcast_in_dim3A_67 : vector<16xf32> to vector<1x16xf32>
      tpu.vector_store %arg6[%swap3A_68, %swap3A_69], %swap3A_72 {strides = array<i32>} : memref<128x128xf32, #tpu.memory_space<vmem>>, vector<1x16xf32>,
      %broadcast_in_dim3A_73 = arith.constant 0.000000e+00 : f32
      %broadcast_in_dim3A_74 = vector.broadcast %broadcast_in_dim3A_73 : f32 to vector<16xf32>
      %swap3A_75 = arith.index_cast %scan3A_39 : i32 to index
      %swap3A_76 = arith.constant 80 : index
      %swap3A_77 = tpu.vector_load %arg6[%swap3A_75, %swap3A_76] {strides = array<i32>} : memref<128x128xf32, #tpu.memory_space<vmem>>, vector<1x16xf32>,
      %swap3A_78 = vector.shape_cast %swap3A_77 : vector<1x16xf32> to vector<16xf32>
      %swap3A_79 = vector.shape_cast %broadcast_in_dim3A_74 : vector<16xf32> to vector<1x16xf32>
      tpu.vector_store %arg6[%swap3A_75, %swap3A_76], %swap3A_79 {strides = array<i32>} : memref<128x128xf32, #tpu.memory_space<vmem>>, vector<1x16xf32>,
      %broadcast_in_dim3A_80 = arith.constant 0.000000e+00 : f32
      %broadcast_in_dim3A_81 = vector.broadcast %broadcast_in_dim3A_80 : f32 to vector<16xf32>
      %swap3A_82 = arith.index_cast %scan3A_39 : i32 to index
      %swap3A_83 = arith.constant 96 : index
      %swap3A_84 = tpu.vector_load %arg6[%swap3A_82, %swap3A_83] {strides = array<i32>} : memref<128x128xf32, #tpu.memory_space<vmem>>, vector<1x16xf32>,
      %swap3A_85 = vector.shape_cast %swap3A_84 : vector<1x16xf32> to vector<16xf32>
      %swap3A_86 = vector.shape_cast %broadcast_in_dim3A_81 : vector<16xf32> to vector<1x16xf32>
      tpu.vector_store %arg6[%swap3A_82, %swap3A_83], %swap3A_86 {strides = array<i32>} : memref<128x128xf32, #tpu.memory_space<vmem>>, vector<1x16xf32>,
      %broadcast_in_dim3A_87 = arith.constant 0.000000e+00 : f32
      %broadcast_in_dim3A_88 = vector.broadcast %broadcast_in_dim3A_87 : f32 to vector<16xf32>
      %swap3A_89 = arith.index_cast %scan3A_39 : i32 to index
      %swap3A_90 = arith.constant 112 : index
      %swap3A_91 = tpu.vector_load %arg6[%swap3A_89, %swap3A_90] {strides = array<i32>} : memref<128x128xf32, #tpu.memory_space<vmem>>, vector<1x16xf32>,
      %swap3A_92 = vector.shape_cast %swap3A_91 : vector<1x16xf32> to vector<16xf32>
      %swap3A_93 = vector.shape_cast %broadcast_in_dim3A_88 : vector<16xf32> to vector<1x16xf32>
      tpu.vector_store %arg6[%swap3A_89, %swap3A_90], %swap3A_93 {strides = array<i32>} : memref<128x128xf32, #tpu.memory_space<vmem>>, vector<1x16xf32>,
    }
    %scan3A_7 = arith.constant 128 : i32
    %mul3A_8 = arith.constant 640 : i32
    %mul3A_9 = arith.muli %arg1, %mul3A_8 : i32
    %add3A_10 = arith.constant 0 : i32
    %add3A_11 = arith.addi %mul3A_9, %add3A_10 : i32
    "tpu.region"() ({
      %run_scoped3A = tpu.sem_alloc : memref<!tpu.dma_semaphore, #tpu.memory_space<semaphore_mem>>
      %dma_start3A = arith.constant 0 : i32
      %dma_start3A_39 = tpu.memref_slice %arg7[%add3A_11, %dma_start3A] : memref<10240x128xf32, #tpu.memory_space<vmem_shared>> -> memref<128x128xf32, #tpu.memory_space<vmem_shared>>
      %dma_start3A_40 = arith.constant 0 : i32
      %dma_start3A_41 = tpu.memref_slice %arg7[%add3A_11, %dma_start3A_40] : memref<10240x128xf32, #tpu.memory_space<vmem_shared>> -> memref<128x128xf32, #tpu.memory_space<vmem_shared>>
      tpu.enqueue_dma source(%arg6 : memref<128x128xf32, #tpu.memory_space<vmem>>) target(%dma_start3A_41 : memref<128x128xf32, #tpu.memory_space<vmem_shared>>) target_semaphore(%run_scoped3A : memref<!tpu.dma_semaphore, #tpu.memory_space<semaphore_mem>>)
      %dma_wait3A = arith.constant 0 : i32
      %dma_wait3A_42 = tpu.memref_slice %arg7[%add3A_11, %dma_wait3A] : memref<10240x128xf32, #tpu.memory_space<vmem_shared>> -> memref<128x128xf32, #tpu.memory_space<vmem_shared>>
      %dma_wait3A_43 = arith.constant 0 : i32
      %dma_wait3A_44 = tpu.memref_slice %arg7[%add3A_11, %dma_wait3A_43] : memref<10240x128xf32, #tpu.memory_space<vmem_shared>> -> memref<128x128xf32, #tpu.memory_space<vmem_shared>>
      tpu.wait_dma2 semaphore(%run_scoped3A : memref<!tpu.dma_semaphore, #tpu.memory_space<semaphore_mem>>) src(%arg6 : memref<128x128xf32, #tpu.memory_space<vmem>>) dst(%dma_wait3A_44 : memref<128x128xf32, #tpu.memory_space<vmem_shared>>)
      tpu.yield
    }) : () -> ()
    %mul3A_12 = arith.constant 640 : i32
    %mul3A_13 = arith.muli %arg1, %mul3A_12 : i32
    %add3A_14 = arith.constant 128 : i32
    %add3A_15 = arith.addi %mul3A_13, %add3A_14 : i32
    "tpu.region"() ({
      %run_scoped3A = tpu.sem_alloc : memref<!tpu.dma_semaphore, #tpu.memory_space<semaphore_mem>>
      %dma_start3A = arith.constant 0 : i32
      %dma_start3A_39 = tpu.memref_slice %arg7[%add3A_15, %dma_start3A] : memref<10240x128xf32, #tpu.memory_space<vmem_shared>> -> memref<128x128xf32, #tpu.memory_space<vmem_shared>>
      %dma_start3A_40 = arith.constant 0 : i32
      %dma_start3A_41 = tpu.memref_slice %arg7[%add3A_15, %dma_start3A_40] : memref<10240x128xf32, #tpu.memory_space<vmem_shared>> -> memref<128x128xf32, #tpu.memory_space<vmem_shared>>
      tpu.enqueue_dma source(%arg6 : memref<128x128xf32, #tpu.memory_space<vmem>>) target(%dma_start3A_41 : memref<128x128xf32, #tpu.memory_space<vmem_shared>>) target_semaphore(%run_scoped3A : memref<!tpu.dma_semaphore, #tpu.memory_space<semaphore_mem>>)
      %dma_wait3A = arith.constant 0 : i32
      %dma_wait3A_42 = tpu.memref_slice %arg7[%add3A_15, %dma_wait3A] : memref<10240x128xf32, #tpu.memory_space<vmem_shared>> -> memref<128x128xf32, #tpu.memory_space<vmem_shared>>
      %dma_wait3A_43 = arith.constant 0 : i32
      %dma_wait3A_44 = tpu.memref_slice %arg7[%add3A_15, %dma_wait3A_43] : memref<10240x128xf32, #tpu.memory_space<vmem_shared>> -> memref<128x128xf32, #tpu.memory_space<vmem_shared>>
      tpu.wait_dma2 semaphore(%run_scoped3A : memref<!tpu.dma_semaphore, #tpu.memory_space<semaphore_mem>>) src(%arg6 : memref<128x128xf32, #tpu.memory_space<vmem>>) dst(%dma_wait3A_44 : memref<128x128xf32, #tpu.memory_space<vmem_shared>>)
      tpu.yield
    }) : () -> ()
    %mul3A_16 = arith.constant 640 : i32
    %mul3A_17 = arith.muli %arg1, %mul3A_16 : i32
    %add3A_18 = arith.constant 256 : i32
    %add3A_19 = arith.addi %mul3A_17, %add3A_18 : i32
    "tpu.region"() ({
      %run_scoped3A = tpu.sem_alloc : memref<!tpu.dma_semaphore, #tpu.memory_space<semaphore_mem>>
      %dma_start3A = arith.constant 0 : i32
      %dma_start3A_39 = tpu.memref_slice %arg7[%add3A_19, %dma_start3A] : memref<10240x128xf32, #tpu.memory_space<vmem_shared>> -> memref<128x128xf32, #tpu.memory_space<vmem_shared>>
      %dma_start3A_40 = arith.constant 0 : i32
      %dma_start3A_41 = tpu.memref_slice %arg7[%add3A_19, %dma_start3A_40] : memref<10240x128xf32, #tpu.memory_space<vmem_shared>> -> memref<128x128xf32, #tpu.memory_space<vmem_shared>>
      tpu.enqueue_dma source(%arg6 : memref<128x128xf32, #tpu.memory_space<vmem>>) target(%dma_start3A_41 : memref<128x128xf32, #tpu.memory_space<vmem_shared>>) target_semaphore(%run_scoped3A : memref<!tpu.dma_semaphore, #tpu.memory_space<semaphore_mem>>)
      %dma_wait3A = arith.constant 0 : i32
      %dma_wait3A_42 = tpu.memref_slice %arg7[%add3A_19, %dma_wait3A] : memref<10240x128xf32, #tpu.memory_space<vmem_shared>> -> memref<128x128xf32, #tpu.memory_space<vmem_shared>>
      %dma_wait3A_43 = arith.constant 0 : i32
      %dma_wait3A_44 = tpu.memref_slice %arg7[%add3A_19, %dma_wait3A_43] : memref<10240x128xf32, #tpu.memory_space<vmem_shared>> -> memref<128x128xf32, #tpu.memory_space<vmem_shared>>
      tpu.wait_dma2 semaphore(%run_scoped3A : memref<!tpu.dma_semaphore, #tpu.memory_space<semaphore_mem>>) src(%arg6 : memref<128x128xf32, #tpu.memory_space<vmem>>) dst(%dma_wait3A_44 : memref<128x128xf32, #tpu.memory_space<vmem_shared>>)
      tpu.yield
    }) : () -> ()
    %mul3A_20 = arith.constant 640 : i32
    %mul3A_21 = arith.muli %arg1, %mul3A_20 : i32
    %add3A_22 = arith.constant 384 : i32
    %add3A_23 = arith.addi %mul3A_21, %add3A_22 : i32
    "tpu.region"() ({
      %run_scoped3A = tpu.sem_alloc : memref<!tpu.dma_semaphore, #tpu.memory_space<semaphore_mem>>
      %dma_start3A = arith.constant 0 : i32
      %dma_start3A_39 = tpu.memref_slice %arg7[%add3A_23, %dma_start3A] : memref<10240x128xf32, #tpu.memory_space<vmem_shared>> -> memref<128x128xf32, #tpu.memory_space<vmem_shared>>
      %dma_start3A_40 = arith.constant 0 : i32
      %dma_start3A_41 = tpu.memref_slice %arg7[%add3A_23, %dma_start3A_40] : memref<10240x128xf32, #tpu.memory_space<vmem_shared>> -> memref<128x128xf32, #tpu.memory_space<vmem_shared>>
      tpu.enqueue_dma source(%arg6 : memref<128x128xf32, #tpu.memory_space<vmem>>) target(%dma_start3A_41 : memref<128x128xf32, #tpu.memory_space<vmem_shared>>) target_semaphore(%run_scoped3A : memref<!tpu.dma_semaphore, #tpu.memory_space<semaphore_mem>>)
      %dma_wait3A = arith.constant 0 : i32
      %dma_wait3A_42 = tpu.memref_slice %arg7[%add3A_23, %dma_wait3A] : memref<10240x128xf32, #tpu.memory_space<vmem_shared>> -> memref<128x128xf32, #tpu.memory_space<vmem_shared>>
      %dma_wait3A_43 = arith.constant 0 : i32
      %dma_wait3A_44 = tpu.memref_slice %arg7[%add3A_23, %dma_wait3A_43] : memref<10240x128xf32, #tpu.memory_space<vmem_shared>> -> memref<128x128xf32, #tpu.memory_space<vmem_shared>>
      tpu.wait_dma2 semaphore(%run_scoped3A : memref<!tpu.dma_semaphore, #tpu.memory_space<semaphore_mem>>) src(%arg6 : memref<128x128xf32, #tpu.memory_space<vmem>>) dst(%dma_wait3A_44 : memref<128x128xf32, #tpu.memory_space<vmem_shared>>)
      tpu.yield
    }) : () -> ()
    %mul3A_24 = arith.constant 640 : i32
    %mul3A_25 = arith.muli %arg1, %mul3A_24 : i32
    %add3A_26 = arith.constant 512 : i32
    %add3A_27 = arith.addi %mul3A_25, %add3A_26 : i32
    "tpu.region"() ({
      %run_scoped3A = tpu.sem_alloc : memref<!tpu.dma_semaphore, #tpu.memory_space<semaphore_mem>>
      %dma_start3A = arith.constant 0 : i32
      %dma_start3A_39 = tpu.memref_slice %arg7[%add3A_27, %dma_start3A] : memref<10240x128xf32, #tpu.memory_space<vmem_shared>> -> memref<128x128xf32, #tpu.memory_space<vmem_shared>>
      %dma_start3A_40 = arith.constant 0 : i32
      %dma_start3A_41 = tpu.memref_slice %arg7[%add3A_27, %dma_start3A_40] : memref<10240x128xf32, #tpu.memory_space<vmem_shared>> -> memref<128x128xf32, #tpu.memory_space<vmem_shared>>
      tpu.enqueue_dma source(%arg6 : memref<128x128xf32, #tpu.memory_space<vmem>>) target(%dma_start3A_41 : memref<128x128xf32, #tpu.memory_space<vmem_shared>>) target_semaphore(%run_scoped3A : memref<!tpu.dma_semaphore, #tpu.memory_space<semaphore_mem>>)
      %dma_wait3A = arith.constant 0 : i32
      %dma_wait3A_42 = tpu.memref_slice %arg7[%add3A_27, %dma_wait3A] : memref<10240x128xf32, #tpu.memory_space<vmem_shared>> -> memref<128x128xf32, #tpu.memory_space<vmem_shared>>
      %dma_wait3A_43 = arith.constant 0 : i32
      %dma_wait3A_44 = tpu.memref_slice %arg7[%add3A_27, %dma_wait3A_43] : memref<10240x128xf32, #tpu.memory_space<vmem_shared>> -> memref<128x128xf32, #tpu.memory_space<vmem_shared>>
      tpu.wait_dma2 semaphore(%run_scoped3A : memref<!tpu.dma_semaphore, #tpu.memory_space<semaphore_mem>>) src(%arg6 : memref<128x128xf32, #tpu.memory_space<vmem>>) dst(%dma_wait3A_44 : memref<128x128xf32, #tpu.memory_space<vmem_shared>>)
      tpu.yield
    }) : () -> ()
    %barrier3A = arith.constant 0 : index
    tpu.barrier barrier_id(%barrier3A)
    %scan3A_28 = arith.constant 0 : i32
    %scan3A_29 = arith.constant 0 : i32
    %scan3A_30 = arith.constant 79 : i32
    %scan3A_31 = arith.addi %scan3A_29, %scan3A_30 : i32
    %scan3A_32 = arith.constant 1 : i32
    scf.for %scan3A_39 = %scan3A_29 to %scan3A_31 step %scan3A_32  : i32 {
      %mul3A_40 = arith.constant 128 : i32
      %mul3A_41 = arith.muli %scan3A_39, %mul3A_40 : i32
      %add3A_42 = arith.addi %mul3A_2, %mul3A_41 : i32
      "tpu.region"() ({
        %run_scoped3A = tpu.sem_alloc : memref<!tpu.dma_semaphore, #tpu.memory_space<semaphore_mem>>
        %dma_start3A = tpu.memref_slice %arg3[%add3A_42] : memref<323584xi32, #tpu.memory_space<hbm>> -> memref<128xi32, #tpu.memory_space<hbm>>
        %dma_start3A_43 = tpu.memref_slice %arg3[%add3A_42] : memref<323584xi32, #tpu.memory_space<hbm>> -> memref<128xi32, #tpu.memory_space<hbm>>
        tpu.enqueue_dma source(%dma_start3A_43 : memref<128xi32, #tpu.memory_space<hbm>>) target(%arg5 : memref<128xi32, #tpu.memory_space<vmem>>) target_semaphore(%run_scoped3A : memref<!tpu.dma_semaphore, #tpu.memory_space<semaphore_mem>>)
        %dma_wait3A = tpu.memref_slice %arg3[%add3A_42] : memref<323584xi32, #tpu.memory_space<hbm>> -> memref<128xi32, #tpu.memory_space<hbm>>
        %dma_wait3A_44 = tpu.memref_slice %arg3[%add3A_42] : memref<323584xi32, #tpu.memory_space<hbm>> -> memref<128xi32, #tpu.memory_space<hbm>>
        tpu.wait_dma2 semaphore(%run_scoped3A : memref<!tpu.dma_semaphore, #tpu.memory_space<semaphore_mem>>) src(%dma_wait3A_44 : memref<128xi32, #tpu.memory_space<hbm>>) dst(%arg5 : memref<128xi32, #tpu.memory_space<vmem>>)
        tpu.yield
      }) : () -> ()
      "tpu.region"() ({
        %run_scoped3A = tpu.sem_alloc : memref<!tpu.dma_semaphore, #tpu.memory_space<semaphore_mem>>
        %dma_start3A = arith.constant 0 : i32
        %dma_start3A_43 = tpu.memref_slice %arg2[%add3A_42, %dma_start3A] : memref<323584x128xf32, #tpu.memory_space<hbm>> -> memref<128x128xf32, #tpu.memory_space<hbm>>
        %dma_start3A_44 = arith.constant 0 : i32
        %dma_start3A_45 = tpu.memref_slice %arg2[%add3A_42, %dma_start3A_44] : memref<323584x128xf32, #tpu.memory_space<hbm>> -> memref<128x128xf32, #tpu.memory_space<hbm>>
        tpu.enqueue_dma source(%dma_start3A_45 : memref<128x128xf32, #tpu.memory_space<hbm>>) target(%arg6 : memref<128x128xf32, #tpu.memory_space<vmem>>) target_semaphore(%run_scoped3A : memref<!tpu.dma_semaphore, #tpu.memory_space<semaphore_mem>>)
        %dma_wait3A = arith.constant 0 : i32
        %dma_wait3A_46 = tpu.memref_slice %arg2[%add3A_42, %dma_wait3A] : memref<323584x128xf32, #tpu.memory_space<hbm>> -> memref<128x128xf32, #tpu.memory_space<hbm>>
        %dma_wait3A_47 = arith.constant 0 : i32
        %dma_wait3A_48 = tpu.memref_slice %arg2[%add3A_42, %dma_wait3A_47] : memref<323584x128xf32, #tpu.memory_space<hbm>> -> memref<128x128xf32, #tpu.memory_space<hbm>>
        tpu.wait_dma2 semaphore(%run_scoped3A : memref<!tpu.dma_semaphore, #tpu.memory_space<semaphore_mem>>) src(%dma_wait3A_48 : memref<128x128xf32, #tpu.memory_space<hbm>>) dst(%arg6 : memref<128x128xf32, #tpu.memory_space<vmem>>)
        tpu.yield
      }) : () -> ()
      "tpu.region"() ({
        %run_scoped3A = tpu.sem_alloc : memref<!tpu.dma_semaphore, #tpu.memory_space<semaphore_mem>>
        %dma_start3A = arith.constant 0 : i32
        %dma_start3A_43 = arith.constant 0 : i32
        %dma_start3A_44 = tpu.memref_slice %arg7[%dma_start3A, %dma_start3A_43] : memref<10240x128xf32, #tpu.memory_space<vmem_shared>> -> memref<10240x128xf32, #tpu.memory_space<vmem_shared>>
        tpu.enqueue_indirect_dma source(%arg6 : memref<128x128xf32, #tpu.memory_space<vmem>>) target(%dma_start3A_44 : memref<10240x128xf32, #tpu.memory_space<vmem_shared>>) offsets(%arg5 : memref<128xi32, #tpu.memory_space<vmem>>) semaphore(%run_scoped3A : memref<!tpu.dma_semaphore, #tpu.memory_space<semaphore_mem>>) {add = true}
        %dma_wait3A = arith.constant 0 : i32
        %dma_wait3A_45 = arith.constant 0 : i32
        %dma_wait3A_46 = tpu.memref_slice %arg7[%dma_wait3A, %dma_wait3A_45] : memref<10240x128xf32, #tpu.memory_space<vmem_shared>> -> memref<10240x128xf32, #tpu.memory_space<vmem_shared>>
        tpu.wait_indirect_dma semaphore(%run_scoped3A : memref<!tpu.dma_semaphore, #tpu.memory_space<semaphore_mem>>) src(%arg6 : memref<128x128xf32, #tpu.memory_space<vmem>>) dst(%dma_wait3A_46 : memref<10240x128xf32, #tpu.memory_space<vmem_shared>>)
        tpu.yield
      }) : () -> ()
    }
    %scan3A_33 = arith.constant 79 : i32
    %barrier3A_34 = arith.constant 0 : index
    tpu.barrier barrier_id(%barrier3A_34)
    %mul3A_35 = arith.constant 640 : i32
    %mul3A_36 = arith.muli %arg1, %mul3A_35 : i32
    %mul3A_37 = arith.constant 640 : i32
    %mul3A_38 = arith.muli %arg1, %mul3A_37 : i32
    "tpu.region"() ({
      %run_scoped3A = tpu.sem_alloc : memref<!tpu.dma_semaphore, #tpu.memory_space<semaphore_mem>>
      %dma_start3A = arith.constant 0 : i32
      %dma_start3A_39 = tpu.memref_slice %arg4[%arg0, %mul3A_38, %dma_start3A] : memref<2x10240x128xf32, #tpu.memory_space<hbm>> -> memref<1x640x128xf32, #tpu.memory_space<hbm>>
      %dma_start3A_40 = tpu.memref_squeeze %dma_start3A_39 : memref<1x640x128xf32, #tpu.memory_space<hbm>> -> memref<640x128xf32, #tpu.memory_space<hbm>>
      %dma_start3A_41 = arith.constant 0 : i32
      %dma_start3A_42 = tpu.memref_slice %arg7[%mul3A_36, %dma_start3A_41] : memref<10240x128xf32, #tpu.memory_space<vmem_shared>> -> memref<640x128xf32, #tpu.memory_space<vmem_shared>>
      tpu.enqueue_dma source(%dma_start3A_42 : memref<640x128xf32, #tpu.memory_space<vmem_shared>>) target(%dma_start3A_40 : memref<640x128xf32, #tpu.memory_space<hbm>>) target_semaphore(%run_scoped3A : memref<!tpu.dma_semaphore, #tpu.memory_space<semaphore_mem>>)
      %dma_wait3A = arith.constant 0 : i32
      %dma_wait3A_43 = tpu.memref_slice %arg4[%arg0, %mul3A_38, %dma_wait3A] : memref<2x10240x128xf32, #tpu.memory_space<hbm>> -> memref<1x640x128xf32, #tpu.memory_space<hbm>>
      %dma_wait3A_44 = tpu.memref_squeeze %dma_wait3A_43 : memref<1x640x128xf32, #tpu.memory_space<hbm>> -> memref<640x128xf32, #tpu.memory_space<hbm>>
      %dma_wait3A_45 = arith.constant 0 : i32
      %dma_wait3A_46 = tpu.memref_slice %arg7[%mul3A_36, %dma_wait3A_45] : memref<10240x128xf32, #tpu.memory_space<vmem_shared>> -> memref<640x128xf32, #tpu.memory_space<vmem_shared>>
      tpu.wait_dma2 semaphore(%run_scoped3A : memref<!tpu.dma_semaphore, #tpu.memory_space<semaphore_mem>>) src(%dma_wait3A_46 : memref<640x128xf32, #tpu.memory_space<vmem_shared>>) dst(%dma_wait3A_44 : memref<640x128xf32, #tpu.memory_space<hbm>>)
      tpu.yield
    }) : () -> ()
    return
  }
}

module attributes {stable_mosaic.version = 14 : i64} {
  func.func @_pre_body(%arg0: i32, %arg1: memref<1024x12xf32, #tpu.memory_space<vmem>>, %arg2: memref<1024x3xf32, #tpu.memory_space<vmem>>, %arg3: memref<1024x3xf32, #tpu.memory_space<vmem>>, %arg4: memref<128x15xf32, #tpu.memory_space<vmem>>, %arg5: memref<1024x128xf32, #tpu.memory_space<vmem>>, %arg6: memref<1024x256xf32, #tpu.memory_space<vmem>>) attributes {dimension_semantics = [#tpu.dimension_semantics<arbitrary>], iteration_bounds = array<i64: 10>, scalar_prefetch = 0 : i64, scratch_operands = 0 : i64, tpu.core_type = #tpu.core_type<tc>, window_params = [{transform_indices = @transform_0, window_bounds = array<i64: 1024, 12>}, {transform_indices = @transform_1, window_bounds = array<i64: 1024, 3>}, {transform_indices = @transform_2, window_bounds = array<i64: 1024, 3>}, {pipeline_mode = #tpu.pipeline_mode<synchronous>, transform_indices = @transform_3, window_bounds = array<i64: 128, 15>}, {transform_indices = @transform_4, window_bounds = array<i64: 1024, 128>}, {transform_indices = @transform_5, window_bounds = array<i64: 1024, 256>}]} {
    %get3A = arith.constant 0 : index
    %get3A_0 = arith.constant 0 : index
    %get3A_1 = vector.load %arg1[%get3A, %get3A_0] : memref<1024x12xf32, #tpu.memory_space<vmem>>, vector<1024x12xf32>
    %get3A_2 = arith.constant 0 : index
    %get3A_3 = arith.constant 0 : index
    %get3A_4 = vector.load %arg2[%get3A_2, %get3A_3] : memref<1024x3xf32, #tpu.memory_space<vmem>>, vector<1024x3xf32>
    %concatenate3A = tpu.concatenate %get3A_1, %get3A_4 in 1 : vector<1024x12xf32>, vector<1024x3xf32> -> vector<1024x15xf32>
    %mul3A = arith.mulf %concatenate3A, %concatenate3A : vector<1024x15xf32>
    %reduce_sum3A = arith.constant dense<0.000000e+00> : vector<1024xf32>
    %reduce_sum3A_5 = vector.multi_reduction <add>, %mul3A, %reduce_sum3A [1] : vector<1024x15xf32> to vector<1024xf32>
    %broadcast_in_dim3A = vector.shape_cast %reduce_sum3A_5 : vector<1024xf32> to vector<1024x1xf32>
    %sqrt3A = math.sqrt %broadcast_in_dim3A : vector<1024x1xf32>
    %jit3A = arith.constant 1.000000e-15 : f32
    %max3A = vector.broadcast %jit3A : f32 to vector<1024x1xf32>
    %max3A_6 = arith.maximumf %max3A, %sqrt3A : vector<1024x1xf32>
    %tanh3A = math.tanh %max3A_6 : vector<1024x1xf32>
    %mul3A_7 = vector.broadcast %tanh3A : vector<1024x1xf32> to vector<1024x15xf32>
    %mul3A_8 = arith.mulf %mul3A_7, %concatenate3A : vector<1024x15xf32>
    %div3A = vector.broadcast %max3A_6 : vector<1024x1xf32> to vector<1024x15xf32>
    %div3A_9 = arith.divf %mul3A_8, %div3A : vector<1024x15xf32>
    %mul3A_10 = arith.mulf %div3A_9, %div3A_9 : vector<1024x15xf32>
    %reduce_sum3A_11 = arith.constant dense<0.000000e+00> : vector<1024xf32>
    %reduce_sum3A_12 = vector.multi_reduction <add>, %mul3A_10, %reduce_sum3A_11 [1] : vector<1024x15xf32> to vector<1024xf32>
    %broadcast_in_dim3A_13 = vector.shape_cast %reduce_sum3A_12 : vector<1024xf32> to vector<1024x1xf32>
    %sqrt3A_14 = math.sqrt %broadcast_in_dim3A_13 : vector<1024x1xf32>
    %jit3A_15 = arith.constant 1.000000e-15 : f32
    %max3A_16 = vector.broadcast %jit3A_15 : f32 to vector<1024x1xf32>
    %max3A_17 = arith.maximumf %max3A_16, %sqrt3A_14 : vector<1024x1xf32>
    %gt3A = arith.constant 0.995999991 : f32
    %gt3A_18 = vector.broadcast %gt3A : f32 to vector<1024x1xf32>
    %gt3A_19 = arith.cmpf ogt, %max3A_17, %gt3A_18 : vector<1024x1xf32>
    %div3A_20 = vector.broadcast %max3A_17 : vector<1024x1xf32> to vector<1024x15xf32>
    %div3A_21 = arith.divf %div3A_9, %div3A_20 : vector<1024x15xf32>
    %mul3A_22 = arith.constant 0.995999991 : f32
    %mul3A_23 = vector.broadcast %mul3A_22 : f32 to vector<1024x15xf32>
    %mul3A_24 = arith.mulf %div3A_21, %mul3A_23 : vector<1024x15xf32>
    %broadcast_in_dim3A_25 = vector.shape_cast %gt3A_19 : vector<1024x1xi1> to vector<1024x1xi1>
    %broadcast_in_dim3A_26 = vector.broadcast %broadcast_in_dim3A_25 : vector<1024x1xi1> to vector<1024x15xi1>
    %select_n3A = arith.select %broadcast_in_dim3A_26, %mul3A_24, %div3A_9 : vector<1024x15xi1>, vector<1024x15xf32>
    %mul3A_27 = arith.mulf %select_n3A, %select_n3A : vector<1024x15xf32>
    %reduce_sum3A_28 = arith.constant dense<0.000000e+00> : vector<1024xf32>
    %reduce_sum3A_29 = vector.multi_reduction <add>, %mul3A_27, %reduce_sum3A_28 [1] : vector<1024x15xf32> to vector<1024xf32>
    %broadcast_in_dim3A_30 = vector.shape_cast %reduce_sum3A_29 : vector<1024xf32> to vector<1024x1xf32>
    %sqrt3A_31 = math.sqrt %broadcast_in_dim3A_30 : vector<1024x1xf32>
    %jit3A_32 = arith.constant 1.000000e-15 : f32
    %max3A_33 = vector.broadcast %jit3A_32 : f32 to vector<1024x1xf32>
    %max3A_34 = arith.maximumf %max3A_33, %sqrt3A_31 : vector<1024x1xf32>
    %get3A_35 = arith.constant 0 : index
    %get3A_36 = arith.constant 0 : index
    %get3A_37 = vector.load %arg4[%get3A_35, %get3A_36] : memref<128x15xf32, #tpu.memory_space<vmem>>, vector<128x15xf32>
    %dot_general3A = arith.constant dense<0.000000e+00> : vector<1024x128xf32>
    %dot_general3A_38 = tpu.matmul %select_n3A, %get3A_37, %dot_general3A {dimension_numbers = #tpu.dot_dimension_numbers<[1], [1], [0], [0], [0, 0, 1, 0], [], []>, transpose_lhs_hint = false} : vector<1024x15xf32>, vector<128x15xf32>, vector<1024x128xf32> -> vector<1024x128xf32>
    %mul3A_39 = arith.mulf %dot_general3A_38, %dot_general3A_38 : vector<1024x128xf32>
    %reduce_sum3A_40 = arith.constant dense<0.000000e+00> : vector<1024xf32>
    %reduce_sum3A_41 = vector.multi_reduction <add>, %mul3A_39, %reduce_sum3A_40 [1] : vector<1024x128xf32> to vector<1024xf32>
    %broadcast_in_dim3A_42 = vector.shape_cast %reduce_sum3A_41 : vector<1024xf32> to vector<1024x1xf32>
    %sqrt3A_43 = math.sqrt %broadcast_in_dim3A_42 : vector<1024x1xf32>
    %jit3A_44 = arith.constant 1.000000e-15 : f32
    %max3A_45 = vector.broadcast %jit3A_44 : f32 to vector<1024x1xf32>
    %max3A_46 = arith.maximumf %max3A_45, %sqrt3A_43 : vector<1024x1xf32>
    %div3A_47 = arith.divf %max3A_46, %max3A_34 : vector<1024x1xf32>
    %jit3A_48 = arith.constant -0.99999988 : f32
    %jit3A_49 = arith.constant 0.99999988 : f32
    %max3A_50 = vector.broadcast %jit3A_48 : f32 to vector<1024x1xf32>
    %max3A_51 = arith.maximumf %max3A_50, %max3A_34 : vector<1024x1xf32>
    %min3A = vector.broadcast %jit3A_49 : f32 to vector<1024x1xf32>
    %min3A_52 = arith.minimumf %min3A, %max3A_51 : vector<1024x1xf32>
    %log1p3A = math.log1p %min3A_52 : vector<1024x1xf32>
    %neg3A = arith.constant 0.000000e+00 : f32
    %neg3A_53 = vector.broadcast %neg3A : f32 to vector<1024x1xf32>
    %neg3A_54 = arith.subf %neg3A_53, %min3A_52 : vector<1024x1xf32>
    %log1p3A_55 = math.log1p %neg3A_54 : vector<1024x1xf32>
    %sub3A = arith.subf %log1p3A, %log1p3A_55 : vector<1024x1xf32>
    %mul3A_56 = arith.constant 5.000000e-01 : f32
    %mul3A_57 = vector.broadcast %mul3A_56 : f32 to vector<1024x1xf32>
    %mul3A_58 = arith.mulf %mul3A_57, %sub3A : vector<1024x1xf32>
    %mul3A_59 = arith.mulf %div3A_47, %mul3A_58 : vector<1024x1xf32>
    %tanh3A_60 = math.tanh %mul3A_59 : vector<1024x1xf32>
    %mul3A_61 = vector.broadcast %tanh3A_60 : vector<1024x1xf32> to vector<1024x128xf32>
    %mul3A_62 = arith.mulf %mul3A_61, %dot_general3A_38 : vector<1024x128xf32>
    %div3A_63 = vector.broadcast %max3A_46 : vector<1024x1xf32> to vector<1024x128xf32>
    %div3A_64 = arith.divf %mul3A_62, %div3A_63 : vector<1024x128xf32>
    %mul3A_65 = arith.mulf %div3A_64, %div3A_64 : vector<1024x128xf32>
    %reduce_sum3A_66 = arith.constant dense<0.000000e+00> : vector<1024xf32>
    %reduce_sum3A_67 = vector.multi_reduction <add>, %mul3A_65, %reduce_sum3A_66 [1] : vector<1024x128xf32> to vector<1024xf32>
    %broadcast_in_dim3A_68 = vector.shape_cast %reduce_sum3A_67 : vector<1024xf32> to vector<1024x1xf32>
    %sqrt3A_69 = math.sqrt %broadcast_in_dim3A_68 : vector<1024x1xf32>
    %jit3A_70 = arith.constant 1.000000e-15 : f32
    %max3A_71 = vector.broadcast %jit3A_70 : f32 to vector<1024x1xf32>
    %max3A_72 = arith.maximumf %max3A_71, %sqrt3A_69 : vector<1024x1xf32>
    %gt3A_73 = arith.constant 0.995999991 : f32
    %gt3A_74 = vector.broadcast %gt3A_73 : f32 to vector<1024x1xf32>
    %gt3A_75 = arith.cmpf ogt, %max3A_72, %gt3A_74 : vector<1024x1xf32>
    %div3A_76 = vector.broadcast %max3A_72 : vector<1024x1xf32> to vector<1024x128xf32>
    %div3A_77 = arith.divf %div3A_64, %div3A_76 : vector<1024x128xf32>
    %mul3A_78 = arith.constant 0.995999991 : f32
    %mul3A_79 = vector.broadcast %mul3A_78 : f32 to vector<1024x128xf32>
    %mul3A_80 = arith.mulf %div3A_77, %mul3A_79 : vector<1024x128xf32>
    %broadcast_in_dim3A_81 = vector.shape_cast %gt3A_75 : vector<1024x1xi1> to vector<1024x1xi1>
    %broadcast_in_dim3A_82 = vector.broadcast %broadcast_in_dim3A_81 : vector<1024x1xi1> to vector<1024x128xi1>
    %select_n3A_83 = arith.select %broadcast_in_dim3A_82, %mul3A_80, %div3A_64 : vector<1024x128xi1>, vector<1024x128xf32>
    %mul3A_84 = arith.mulf %select_n3A_83, %select_n3A_83 : vector<1024x128xf32>
    %reduce_sum3A_85 = arith.constant dense<0.000000e+00> : vector<1024xf32>
    %reduce_sum3A_86 = vector.multi_reduction <add>, %mul3A_84, %reduce_sum3A_85 [1] : vector<1024x128xf32> to vector<1024xf32>
    %broadcast_in_dim3A_87 = vector.shape_cast %reduce_sum3A_86 : vector<1024xf32> to vector<1024x1xf32>
    %sqrt3A_88 = math.sqrt %broadcast_in_dim3A_87 : vector<1024x1xf32>
    %jit3A_89 = arith.constant 1.000000e-15 : f32
    %max3A_90 = vector.broadcast %jit3A_89 : f32 to vector<1024x1xf32>
    %max3A_91 = arith.maximumf %max3A_90, %sqrt3A_88 : vector<1024x1xf32>
    %jit3A_92 = arith.constant -0.99999988 : f32
    %jit3A_93 = arith.constant 0.99999988 : f32
    %max3A_94 = vector.broadcast %jit3A_92 : f32 to vector<1024x1xf32>
    %max3A_95 = arith.maximumf %max3A_94, %max3A_91 : vector<1024x1xf32>
    %min3A_96 = vector.broadcast %jit3A_93 : f32 to vector<1024x1xf32>
    %min3A_97 = arith.minimumf %min3A_96, %max3A_95 : vector<1024x1xf32>
    %log1p3A_98 = math.log1p %min3A_97 : vector<1024x1xf32>
    %neg3A_99 = arith.constant 0.000000e+00 : f32
    %neg3A_100 = vector.broadcast %neg3A_99 : f32 to vector<1024x1xf32>
    %neg3A_101 = arith.subf %neg3A_100, %min3A_97 : vector<1024x1xf32>
    %log1p3A_102 = math.log1p %neg3A_101 : vector<1024x1xf32>
    %sub3A_103 = arith.subf %log1p3A_98, %log1p3A_102 : vector<1024x1xf32>
    %mul3A_104 = arith.constant 5.000000e-01 : f32
    %mul3A_105 = vector.broadcast %mul3A_104 : f32 to vector<1024x1xf32>
    %mul3A_106 = arith.mulf %mul3A_105, %sub3A_103 : vector<1024x1xf32>
    %mul3A_107 = vector.broadcast %mul3A_106 : vector<1024x1xf32> to vector<1024x128xf32>
    %mul3A_108 = arith.mulf %mul3A_107, %select_n3A_83 : vector<1024x128xf32>
    %div3A_109 = vector.broadcast %max3A_91 : vector<1024x1xf32> to vector<1024x128xf32>
    %div3A_110 = arith.divf %mul3A_108, %div3A_109 : vector<1024x128xf32>
    %swap3A = arith.constant 0 : index
    %swap3A_111 = arith.constant 0 : index
    %swap3A_112 = vector.load %arg5[%swap3A, %swap3A_111] : memref<1024x128xf32, #tpu.memory_space<vmem>>, vector<1024x128xf32>
    tpu.vector_store %arg5[%swap3A, %swap3A_111], %div3A_110 {strides = array<i32>} : memref<1024x128xf32, #tpu.memory_space<vmem>>, vector<1024x128xf32>,
    %broadcast_in_dim3A_113 = arith.constant 0.000000e+00 : f32
    %broadcast_in_dim3A_114 = vector.broadcast %broadcast_in_dim3A_113 : f32 to vector<1024x125xf32>
    %get3A_115 = arith.constant 0 : index
    %get3A_116 = arith.constant 0 : index
    %get3A_117 = vector.load %arg3[%get3A_115, %get3A_116] : memref<1024x3xf32, #tpu.memory_space<vmem>>, vector<1024x3xf32>
    %concatenate3A_118 = tpu.concatenate %div3A_110, %get3A_117, %broadcast_in_dim3A_114 in 1 : vector<1024x128xf32>, vector<1024x3xf32>, vector<1024x125xf32> -> vector<1024x256xf32>
    %swap3A_119 = arith.constant 0 : index
    %swap3A_120 = arith.constant 0 : index
    %swap3A_121 = vector.load %arg6[%swap3A_119, %swap3A_120] : memref<1024x256xf32, #tpu.memory_space<vmem>>, vector<1024x256xf32>
    tpu.vector_store %arg6[%swap3A_119, %swap3A_120], %concatenate3A_118 {strides = array<i32>} : memref<1024x256xf32, #tpu.memory_space<vmem>>, vector<1024x256xf32>,
    return
  }
  func.func @transform_0(%arg0: i32) -> (i32, i32) {
    %c0_i32 = arith.constant 0 : i32
    %c0_i32_0 = arith.constant 0 : i32
    return %arg0, %c0_i32 : i32, i32
  }
  func.func @transform_1(%arg0: i32) -> (i32, i32) {
    %c0_i32 = arith.constant 0 : i32
    %c0_i32_0 = arith.constant 0 : i32
    return %arg0, %c0_i32 : i32, i32
  }
  func.func @transform_2(%arg0: i32) -> (i32, i32) {
    %c0_i32 = arith.constant 0 : i32
    %c0_i32_0 = arith.constant 0 : i32
    return %arg0, %c0_i32 : i32, i32
  }
  func.func @transform_3(%arg0: i32) -> (i32, i32) {
    %c0_i32 = arith.constant 0 : i32
    %c0_i32_0 = arith.constant 0 : i32
    %c0_i32_1 = arith.constant 0 : i32
    return %c0_i32, %c0_i32_0 : i32, i32
  }
  func.func @transform_4(%arg0: i32) -> (i32, i32) {
    %c0_i32 = arith.constant 0 : i32
    %c0_i32_0 = arith.constant 0 : i32
    return %arg0, %c0_i32 : i32, i32
  }
  func.func @transform_5(%arg0: i32) -> (i32, i32) {
    %c0_i32 = arith.constant 0 : i32
    %c0_i32_0 = arith.constant 0 : i32
    return %arg0, %c0_i32 : i32, i32
  }
}

module attributes {stable_mosaic.version = 14 : i64} {
  func.func @_edge_body(%arg0: i32, %arg1: memref<1x1024x128xf32, #tpu.memory_space<vmem>>, %arg2: memref<1x1024x128xf32, #tpu.memory_space<vmem>>, %arg3: memref<1x1024x128xf32, #tpu.memory_space<vmem>>, %arg4: memref<1024x4xf32, #tpu.memory_space<vmem>>, %arg5: memref<128x4xf32, #tpu.memory_space<vmem>>, %arg6: memref<1x128xf32, #tpu.memory_space<vmem>>, %arg7: memref<128x385xf32, #tpu.memory_space<vmem>>, %arg8: memref<1x128xf32, #tpu.memory_space<vmem>>, %arg9: memref<128x128xf32, #tpu.memory_space<vmem>>, %arg10: memref<1x128xf32, #tpu.memory_space<vmem>>, %arg11: memref<1024x128xf32, #tpu.memory_space<vmem>>) attributes {dimension_semantics = [#tpu.dimension_semantics<arbitrary>], iteration_bounds = array<i64: 316>, scalar_prefetch = 0 : i64, scratch_operands = 0 : i64, tpu.core_type = #tpu.core_type<tc>, window_params = [{transform_indices = @transform_0, window_bounds = array<i64: 1, 1024, 128>}, {transform_indices = @transform_1, window_bounds = array<i64: 1, 1024, 128>}, {transform_indices = @transform_2, window_bounds = array<i64: 1, 1024, 128>}, {transform_indices = @transform_3, window_bounds = array<i64: 1024, 4>}, {pipeline_mode = #tpu.pipeline_mode<synchronous>, transform_indices = @transform_4, window_bounds = array<i64: 128, 4>}, {pipeline_mode = #tpu.pipeline_mode<synchronous>, transform_indices = @transform_5, window_bounds = array<i64: 1, 128>}, {pipeline_mode = #tpu.pipeline_mode<synchronous>, transform_indices = @transform_6, window_bounds = array<i64: 128, 385>}, {pipeline_mode = #tpu.pipeline_mode<synchronous>, transform_indices = @transform_7, window_bounds = array<i64: 1, 128>}, {pipeline_mode = #tpu.pipeline_mode<synchronous>, transform_indices = @transform_8, window_bounds = array<i64: 128, 128>}, {pipeline_mode = #tpu.pipeline_mode<synchronous>, transform_indices = @transform_9, window_bounds = array<i64: 1, 128>}, {transform_indices = @transform_10, window_bounds = array<i64: 1024, 128>}]} {
    %get3A = arith.constant 0 : index
    %get3A_0 = arith.constant 0 : index
    %get3A_1 = vector.load %arg4[%get3A, %get3A_0] : memref<1024x4xf32, #tpu.memory_space<vmem>>, vector<1024x4xf32>
    %get3A_2 = arith.constant 0 : index
    %get3A_3 = arith.constant 0 : index
    %get3A_4 = vector.load %arg5[%get3A_2, %get3A_3] : memref<128x4xf32, #tpu.memory_space<vmem>>, vector<128x4xf32>
    %dot_general3A = arith.constant dense<0.000000e+00> : vector<1024x128xf32>
    %dot_general3A_5 = tpu.matmul %get3A_1, %get3A_4, %dot_general3A {dimension_numbers = #tpu.dot_dimension_numbers<[1], [1], [0], [0], [0, 0, 1, 0], [], []>, transpose_lhs_hint = false} : vector<1024x4xf32>, vector<128x4xf32>, vector<1024x128xf32> -> vector<1024x128xf32>
    %get3A_6 = arith.constant 0 : index
    %get3A_7 = arith.constant 0 : index
    %get3A_8 = vector.load %arg6[%get3A_6, %get3A_7] : memref<1x128xf32, #tpu.memory_space<vmem>>, vector<1x128xf32>
    %add3A = vector.broadcast %get3A_8 : vector<1x128xf32> to vector<1024x128xf32>
    %add3A_9 = arith.addf %dot_general3A_5, %add3A : vector<1024x128xf32>
    %get3A_10 = arith.constant 0 : index
    %get3A_11 = arith.constant 0 : index
    %get3A_12 = arith.constant 0 : index
    %get3A_13 = vector.load %arg1[%get3A_10, %get3A_11, %get3A_12] : memref<1x1024x128xf32, #tpu.memory_space<vmem>>, vector<1x1024x128xf32>
    %get3A_14 = vector.shape_cast %get3A_13 : vector<1x1024x128xf32> to vector<1024x128xf32>
    %get3A_15 = arith.constant 0 : index
    %get3A_16 = arith.constant 0 : index
    %get3A_17 = arith.constant 0 : index
    %get3A_18 = vector.load %arg2[%get3A_15, %get3A_16, %get3A_17] : memref<1x1024x128xf32, #tpu.memory_space<vmem>>, vector<1x1024x128xf32>
    %get3A_19 = vector.shape_cast %get3A_18 : vector<1x1024x128xf32> to vector<1024x128xf32>
    %get3A_20 = arith.constant 0 : index
    %get3A_21 = arith.constant 0 : index
    %get3A_22 = arith.constant 0 : index
    %get3A_23 = vector.load %arg3[%get3A_20, %get3A_21, %get3A_22] : memref<1x1024x128xf32, #tpu.memory_space<vmem>>, vector<1x1024x128xf32>
    %get3A_24 = vector.shape_cast %get3A_23 : vector<1x1024x128xf32> to vector<1024x128xf32>
    %slice3A = vector.extract_strided_slice %get3A_24 {offsets = [0, 0], sizes = [1024, 1], strides = [1, 1]} : vector<1024x128xf32> to vector<1024x1xf32>
    %concatenate3A = tpu.concatenate %get3A_14, %get3A_19, %slice3A, %add3A_9 in 1 : vector<1024x128xf32>, vector<1024x128xf32>, vector<1024x1xf32>, vector<1024x128xf32> -> vector<1024x385xf32>
    %get3A_25 = arith.constant 0 : index
    %get3A_26 = arith.constant 0 : index
    %get3A_27 = vector.load %arg7[%get3A_25, %get3A_26] : memref<128x385xf32, #tpu.memory_space<vmem>>, vector<128x385xf32>
    %dot_general3A_28 = arith.constant dense<0.000000e+00> : vector<1024x128xf32>
    %dot_general3A_29 = tpu.matmul %concatenate3A, %get3A_27, %dot_general3A_28 {dimension_numbers = #tpu.dot_dimension_numbers<[1], [1], [0], [0], [0, 0, 1, 0], [], []>, transpose_lhs_hint = false} : vector<1024x385xf32>, vector<128x385xf32>, vector<1024x128xf32> -> vector<1024x128xf32>
    %get3A_30 = arith.constant 0 : index
    %get3A_31 = arith.constant 0 : index
    %get3A_32 = vector.load %arg8[%get3A_30, %get3A_31] : memref<1x128xf32, #tpu.memory_space<vmem>>, vector<1x128xf32>
    %add3A_33 = vector.broadcast %get3A_32 : vector<1x128xf32> to vector<1024x128xf32>
    %add3A_34 = arith.addf %dot_general3A_29, %add3A_33 : vector<1024x128xf32>
    %logistic3A = arith.negf %add3A_34 : vector<1024x128xf32>
    %logistic3A_35 = math.exp %logistic3A : vector<1024x128xf32>
    %logistic3A_36 = arith.constant 1.000000e+00 : f32
    %logistic3A_37 = vector.broadcast %logistic3A_36 : f32 to vector<1024x128xf32>
    %logistic3A_38 = arith.addf %logistic3A_37, %logistic3A_35 : vector<1024x128xf32>
    %logistic3A_39 = arith.divf %logistic3A_37, %logistic3A_38 : vector<1024x128xf32>
    %mul3A = arith.mulf %add3A_34, %logistic3A_39 : vector<1024x128xf32>
    %get3A_40 = arith.constant 0 : index
    %get3A_41 = arith.constant 0 : index
    %get3A_42 = vector.load %arg9[%get3A_40, %get3A_41] : memref<128x128xf32, #tpu.memory_space<vmem>>, vector<128x128xf32>
    %dot_general3A_43 = arith.constant dense<0.000000e+00> : vector<1024x128xf32>
    %dot_general3A_44 = tpu.matmul %mul3A, %get3A_42, %dot_general3A_43 {dimension_numbers = #tpu.dot_dimension_numbers<[1], [1], [0], [0], [0, 0, 1, 0], [], []>, transpose_lhs_hint = false} : vector<1024x128xf32>, vector<128x128xf32>, vector<1024x128xf32> -> vector<1024x128xf32>
    %get3A_45 = arith.constant 0 : index
    %get3A_46 = arith.constant 0 : index
    %get3A_47 = vector.load %arg10[%get3A_45, %get3A_46] : memref<1x128xf32, #tpu.memory_space<vmem>>, vector<1x128xf32>
    %add3A_48 = vector.broadcast %get3A_47 : vector<1x128xf32> to vector<1024x128xf32>
    %add3A_49 = arith.addf %dot_general3A_44, %add3A_48 : vector<1024x128xf32>
    %logistic3A_50 = arith.negf %add3A_49 : vector<1024x128xf32>
    %logistic3A_51 = math.exp %logistic3A_50 : vector<1024x128xf32>
    %logistic3A_52 = arith.constant 1.000000e+00 : f32
    %logistic3A_53 = vector.broadcast %logistic3A_52 : f32 to vector<1024x128xf32>
    %logistic3A_54 = arith.addf %logistic3A_53, %logistic3A_51 : vector<1024x128xf32>
    %logistic3A_55 = arith.divf %logistic3A_53, %logistic3A_54 : vector<1024x128xf32>
    %mul3A_56 = arith.mulf %add3A_49, %logistic3A_55 : vector<1024x128xf32>
    %swap3A = arith.constant 0 : index
    %swap3A_57 = arith.constant 0 : index
    %swap3A_58 = vector.load %arg11[%swap3A, %swap3A_57] : memref<1024x128xf32, #tpu.memory_space<vmem>>, vector<1024x128xf32>
    tpu.vector_store %arg11[%swap3A, %swap3A_57], %mul3A_56 {strides = array<i32>} : memref<1024x128xf32, #tpu.memory_space<vmem>>, vector<1024x128xf32>,
    return
  }
  func.func @transform_0(%arg0: i32) -> (i32, i32, i32) {
    %c0_i32 = arith.constant 0 : i32
    %c0_i32_0 = arith.constant 0 : i32
    %c0_i32_1 = arith.constant 0 : i32
    return %c0_i32, %arg0, %c0_i32_0 : i32, i32, i32
  }
  func.func @transform_1(%arg0: i32) -> (i32, i32, i32) {
    %c1_i32 = arith.constant 1 : i32
    %c0_i32 = arith.constant 0 : i32
    %c0_i32_0 = arith.constant 0 : i32
    return %c1_i32, %arg0, %c0_i32 : i32, i32, i32
  }
  func.func @transform_2(%arg0: i32) -> (i32, i32, i32) {
    %c2_i32 = arith.constant 2 : i32
    %c0_i32 = arith.constant 0 : i32
    %c0_i32_0 = arith.constant 0 : i32
    return %c2_i32, %arg0, %c0_i32 : i32, i32, i32
  }
  func.func @transform_3(%arg0: i32) -> (i32, i32) {
    %c0_i32 = arith.constant 0 : i32
    %c0_i32_0 = arith.constant 0 : i32
    return %arg0, %c0_i32 : i32, i32
  }
  func.func @transform_4(%arg0: i32) -> (i32, i32) {
    %c0_i32 = arith.constant 0 : i32
    %c0_i32_0 = arith.constant 0 : i32
    %c0_i32_1 = arith.constant 0 : i32
    return %c0_i32, %c0_i32_0 : i32, i32
  }
  func.func @transform_5(%arg0: i32) -> (i32, i32) {
    %c0_i32 = arith.constant 0 : i32
    %c0_i32_0 = arith.constant 0 : i32
    %c0_i32_1 = arith.constant 0 : i32
    return %c0_i32, %c0_i32_0 : i32, i32
  }
  func.func @transform_6(%arg0: i32) -> (i32, i32) {
    %c0_i32 = arith.constant 0 : i32
    %c0_i32_0 = arith.constant 0 : i32
    %c0_i32_1 = arith.constant 0 : i32
    return %c0_i32, %c0_i32_0 : i32, i32
  }
  func.func @transform_7(%arg0: i32) -> (i32, i32) {
    %c0_i32 = arith.constant 0 : i32
    %c0_i32_0 = arith.constant 0 : i32
    %c0_i32_1 = arith.constant 0 : i32
    return %c0_i32, %c0_i32_0 : i32, i32
  }
  func.func @transform_8(%arg0: i32) -> (i32, i32) {
    %c0_i32 = arith.constant 0 : i32
    %c0_i32_0 = arith.constant 0 : i32
    %c0_i32_1 = arith.constant 0 : i32
    return %c0_i32, %c0_i32_0 : i32, i32
  }
  func.func @transform_9(%arg0: i32) -> (i32, i32) {
    %c0_i32 = arith.constant 0 : i32
    %c0_i32_0 = arith.constant 0 : i32
    %c0_i32_1 = arith.constant 0 : i32
    return %c0_i32, %c0_i32_0 : i32, i32
  }
  func.func @transform_10(%arg0: i32) -> (i32, i32) {
    %c0_i32 = arith.constant 0 : i32
    %c0_i32_0 = arith.constant 0 : i32
    return %arg0, %c0_i32 : i32, i32
  }
}

module attributes {stable_mosaic.version = 14 : i64} {
  func.func @_prep_body(%arg0: memref<8x1xf32, #tpu.memory_space<vmem>>, %arg1: memref<1x128xf32, #tpu.memory_space<vmem>>, %arg2: memref<1x128xf32, #tpu.memory_space<vmem>>, %arg3: memref<128x128xf32, #tpu.memory_space<vmem>>, %arg4: memref<1x128xf32, #tpu.memory_space<vmem>>, %arg5: memref<256x128xf32, #tpu.memory_space<vmem>>, %arg6: memref<1x256xf32, #tpu.memory_space<vmem>>, %arg7: memref<256x128xf32, #tpu.memory_space<vmem>>, %arg8: memref<1x256xf32, #tpu.memory_space<vmem>>, %arg9: memref<8x256xf32, #tpu.memory_space<vmem>>, %arg10: memref<8x256xf32, #tpu.memory_space<vmem>>) attributes {dimension_semantics = [], scalar_prefetch = 0 : i64, scratch_operands = 0 : i64, tpu.core_type = #tpu.core_type<tc>} {
    %get3A = arith.constant 0 : index
    %get3A_0 = arith.constant 0 : index
    %get3A_1 = vector.load %arg0[%get3A, %get3A_0] : memref<8x1xf32, #tpu.memory_space<vmem>>, vector<8x1xf32>
    %get3A_2 = arith.constant 0 : index
    %get3A_3 = arith.constant 0 : index
    %get3A_4 = vector.load %arg1[%get3A_2, %get3A_3] : memref<1x128xf32, #tpu.memory_space<vmem>>, vector<1x128xf32>
    %mul3A = vector.broadcast %get3A_1 : vector<8x1xf32> to vector<8x128xf32>
    %mul3A_5 = vector.broadcast %get3A_4 : vector<1x128xf32> to vector<8x128xf32>
    %mul3A_6 = arith.mulf %mul3A, %mul3A_5 : vector<8x128xf32>
    %get3A_7 = arith.constant 0 : index
    %get3A_8 = arith.constant 0 : index
    %get3A_9 = vector.load %arg2[%get3A_7, %get3A_8] : memref<1x128xf32, #tpu.memory_space<vmem>>, vector<1x128xf32>
    %add3A = vector.broadcast %get3A_9 : vector<1x128xf32> to vector<8x128xf32>
    %add3A_10 = arith.addf %mul3A_6, %add3A : vector<8x128xf32>
    %logistic3A = arith.negf %add3A_10 : vector<8x128xf32>
    %logistic3A_11 = math.exp %logistic3A : vector<8x128xf32>
    %logistic3A_12 = arith.constant 1.000000e+00 : f32
    %logistic3A_13 = vector.broadcast %logistic3A_12 : f32 to vector<8x128xf32>
    %logistic3A_14 = arith.addf %logistic3A_13, %logistic3A_11 : vector<8x128xf32>
    %logistic3A_15 = arith.divf %logistic3A_13, %logistic3A_14 : vector<8x128xf32>
    %mul3A_16 = arith.mulf %add3A_10, %logistic3A_15 : vector<8x128xf32>
    %get3A_17 = arith.constant 0 : index
    %get3A_18 = arith.constant 0 : index
    %get3A_19 = vector.load %arg3[%get3A_17, %get3A_18] : memref<128x128xf32, #tpu.memory_space<vmem>>, vector<128x128xf32>
    %dot_general3A = arith.constant dense<0.000000e+00> : vector<8x128xf32>
    %dot_general3A_20 = tpu.matmul %mul3A_16, %get3A_19, %dot_general3A {dimension_numbers = #tpu.dot_dimension_numbers<[1], [1], [0], [0], [0, 0, 1, 0], [], []>, transpose_lhs_hint = false} : vector<8x128xf32>, vector<128x128xf32>, vector<8x128xf32> -> vector<8x128xf32>
    %get3A_21 = arith.constant 0 : index
    %get3A_22 = arith.constant 0 : index
    %get3A_23 = vector.load %arg4[%get3A_21, %get3A_22] : memref<1x128xf32, #tpu.memory_space<vmem>>, vector<1x128xf32>
    %add3A_24 = vector.broadcast %get3A_23 : vector<1x128xf32> to vector<8x128xf32>
    %add3A_25 = arith.addf %dot_general3A_20, %add3A_24 : vector<8x128xf32>
    %logistic3A_26 = arith.negf %add3A_25 : vector<8x128xf32>
    %logistic3A_27 = math.exp %logistic3A_26 : vector<8x128xf32>
    %logistic3A_28 = arith.constant 1.000000e+00 : f32
    %logistic3A_29 = vector.broadcast %logistic3A_28 : f32 to vector<8x128xf32>
    %logistic3A_30 = arith.addf %logistic3A_29, %logistic3A_27 : vector<8x128xf32>
    %logistic3A_31 = arith.divf %logistic3A_29, %logistic3A_30 : vector<8x128xf32>
    %mul3A_32 = arith.mulf %add3A_25, %logistic3A_31 : vector<8x128xf32>
    %get3A_33 = arith.constant 0 : index
    %get3A_34 = arith.constant 0 : index
    %get3A_35 = vector.load %arg5[%get3A_33, %get3A_34] : memref<256x128xf32, #tpu.memory_space<vmem>>, vector<256x128xf32>
    %dot_general3A_36 = arith.constant dense<0.000000e+00> : vector<8x256xf32>
    %dot_general3A_37 = tpu.matmul %mul3A_32, %get3A_35, %dot_general3A_36 {dimension_numbers = #tpu.dot_dimension_numbers<[1], [1], [0], [0], [0, 0, 1, 0], [], []>, transpose_lhs_hint = false} : vector<8x128xf32>, vector<256x128xf32>, vector<8x256xf32> -> vector<8x256xf32>
    %get3A_38 = arith.constant 0 : index
    %get3A_39 = arith.constant 0 : index
    %get3A_40 = vector.load %arg6[%get3A_38, %get3A_39] : memref<1x256xf32, #tpu.memory_space<vmem>>, vector<1x256xf32>
    %add3A_41 = vector.broadcast %get3A_40 : vector<1x256xf32> to vector<8x256xf32>
    %add3A_42 = arith.addf %dot_general3A_37, %add3A_41 : vector<8x256xf32>
    %swap3A = arith.constant 0 : index
    %swap3A_43 = arith.constant 0 : index
    %swap3A_44 = vector.load %arg9[%swap3A, %swap3A_43] : memref<8x256xf32, #tpu.memory_space<vmem>>, vector<8x256xf32>
    tpu.vector_store %arg9[%swap3A, %swap3A_43], %add3A_42 {strides = array<i32>} : memref<8x256xf32, #tpu.memory_space<vmem>>, vector<8x256xf32>,
    %get3A_45 = arith.constant 0 : index
    %get3A_46 = arith.constant 0 : index
    %get3A_47 = vector.load %arg7[%get3A_45, %get3A_46] : memref<256x128xf32, #tpu.memory_space<vmem>>, vector<256x128xf32>
    %dot_general3A_48 = arith.constant dense<0.000000e+00> : vector<8x256xf32>
    %dot_general3A_49 = tpu.matmul %mul3A_32, %get3A_47, %dot_general3A_48 {dimension_numbers = #tpu.dot_dimension_numbers<[1], [1], [0], [0], [0, 0, 1, 0], [], []>, transpose_lhs_hint = false} : vector<8x128xf32>, vector<256x128xf32>, vector<8x256xf32> -> vector<8x256xf32>
    %get3A_50 = arith.constant 0 : index
    %get3A_51 = arith.constant 0 : index
    %get3A_52 = vector.load %arg8[%get3A_50, %get3A_51] : memref<1x256xf32, #tpu.memory_space<vmem>>, vector<1x256xf32>
    %add3A_53 = vector.broadcast %get3A_52 : vector<1x256xf32> to vector<8x256xf32>
    %add3A_54 = arith.addf %dot_general3A_49, %add3A_53 : vector<8x256xf32>
    %swap3A_55 = arith.constant 0 : index
    %swap3A_56 = arith.constant 0 : index
    %swap3A_57 = vector.load %arg10[%swap3A_55, %swap3A_56] : memref<8x256xf32, #tpu.memory_space<vmem>>, vector<8x256xf32>
    tpu.vector_store %arg10[%swap3A_55, %swap3A_56], %add3A_54 {strides = array<i32>} : memref<8x256xf32, #tpu.memory_space<vmem>>, vector<8x256xf32>,
    return
  }
}

module attributes {stable_mosaic.version = 14 : i64} {
  func.func @_node_body(%arg0: i32, %arg1: memref<1024x128xf32, #tpu.memory_space<vmem>>, %arg2: memref<1024x128xf32, #tpu.memory_space<vmem>>, %arg3: memref<1024x128xf32, #tpu.memory_space<vmem>>, %arg4: memref<1024x3xf32, #tpu.memory_space<vmem>>, %arg5: memref<1024x1xi32, #tpu.memory_space<vmem>>, %arg6: memref<8x256xf32, #tpu.memory_space<vmem>>, %arg7: memref<128x256xf32, #tpu.memory_space<vmem>>, %arg8: memref<1x128xf32, #tpu.memory_space<vmem>>, %arg9: memref<128x128xf32, #tpu.memory_space<vmem>>, %arg10: memref<1x128xf32, #tpu.memory_space<vmem>>, %arg11: memref<128x128xf32, #tpu.memory_space<vmem>>, %arg12: memref<1x128xf32, #tpu.memory_space<vmem>>, %arg13: memref<1x128xf32, #tpu.memory_space<vmem>>, %arg14: memref<1x128xf32, #tpu.memory_space<vmem>>, %arg15: memref<128x128xf32, #tpu.memory_space<vmem>>, %arg16: memref<1x128xf32, #tpu.memory_space<vmem>>, %arg17: memref<1024x128xf32, #tpu.memory_space<vmem>>, %arg18: memref<1024x3xf32, #tpu.memory_space<vmem>>, %arg19: memref<1024x256xf32, #tpu.memory_space<vmem>>) attributes {dimension_semantics = [#tpu.dimension_semantics<arbitrary>], iteration_bounds = array<i64: 10>, scalar_prefetch = 0 : i64, scratch_operands = 0 : i64, tpu.core_type = #tpu.core_type<tc>, window_params = [{transform_indices = @transform_0, window_bounds = array<i64: 1024, 128>}, {transform_indices = @transform_1, window_bounds = array<i64: 1024, 128>}, {transform_indices = @transform_2, window_bounds = array<i64: 1024, 128>}, {transform_indices = @transform_3, window_bounds = array<i64: 1024, 3>}, {transform_indices = @transform_4, window_bounds = array<i64: 1024, 1>}, {pipeline_mode = #tpu.pipeline_mode<synchronous>, transform_indices = @transform_5, window_bounds = array<i64: 8, 256>}, {pipeline_mode = #tpu.pipeline_mode<synchronous>, transform_indices = @transform_6, window_bounds = array<i64: 128, 256>}, {pipeline_mode = #tpu.pipeline_mode<synchronous>, transform_indices = @transform_7, window_bounds = array<i64: 1, 128>}, {pipeline_mode = #tpu.pipeline_mode<synchronous>, transform_indices = @transform_8, window_bounds = array<i64: 128, 128>}, {pipeline_mode = #tpu.pipeline_mode<synchronous>, transform_indices = @transform_9, window_bounds = array<i64: 1, 128>}, {pipeline_mode = #tpu.pipeline_mode<synchronous>, transform_indices = @transform_10, window_bounds = array<i64: 128, 128>}, {pipeline_mode = #tpu.pipeline_mode<synchronous>, transform_indices = @transform_11, window_bounds = array<i64: 1, 128>}, {pipeline_mode = #tpu.pipeline_mode<synchronous>, transform_indices = @transform_12, window_bounds = array<i64: 1, 128>}, {pipeline_mode = #tpu.pipeline_mode<synchronous>, transform_indices = @transform_13, window_bounds = array<i64: 1, 128>}, {pipeline_mode = #tpu.pipeline_mode<synchronous>, transform_indices = @transform_14, window_bounds = array<i64: 128, 128>}, {pipeline_mode = #tpu.pipeline_mode<synchronous>, transform_indices = @transform_15, window_bounds = array<i64: 1, 128>}, {transform_indices = @transform_16, window_bounds = array<i64: 1024, 128>}, {transform_indices = @transform_17, window_bounds = array<i64: 1024, 3>}, {transform_indices = @transform_18, window_bounds = array<i64: 1024, 256>}]} {
    %get3A = arith.constant 0 : index
    %get3A_0 = arith.constant 0 : index
    %get3A_1 = vector.load %arg1[%get3A, %get3A_0] : memref<1024x128xf32, #tpu.memory_space<vmem>>, vector<1024x128xf32>
    %get3A_2 = arith.constant 0 : index
    %get3A_3 = arith.constant 0 : index
    %get3A_4 = vector.load %arg2[%get3A_2, %get3A_3] : memref<1024x128xf32, #tpu.memory_space<vmem>>, vector<1024x128xf32>
    %get3A_5 = arith.constant 0 : index
    %get3A_6 = arith.constant 0 : index
    %get3A_7 = vector.load %arg3[%get3A_5, %get3A_6] : memref<1024x128xf32, #tpu.memory_space<vmem>>, vector<1024x128xf32>
    %add3A = arith.addf %get3A_4, %get3A_7 : vector<1024x128xf32>
    %concatenate3A = tpu.concatenate %get3A_1, %add3A in 1 : vector<1024x128xf32>, vector<1024x128xf32> -> vector<1024x256xf32>
    %get3A_8 = arith.constant 0 : index
    %get3A_9 = arith.constant 0 : index
    %get3A_10 = vector.load %arg7[%get3A_8, %get3A_9] : memref<128x256xf32, #tpu.memory_space<vmem>>, vector<128x256xf32>
    %dot_general3A = arith.constant dense<0.000000e+00> : vector<1024x128xf32>
    %dot_general3A_11 = tpu.matmul %concatenate3A, %get3A_10, %dot_general3A {dimension_numbers = #tpu.dot_dimension_numbers<[1], [1], [0], [0], [0, 0, 1, 0], [], []>, transpose_lhs_hint = false} : vector<1024x256xf32>, vector<128x256xf32>, vector<1024x128xf32> -> vector<1024x128xf32>
    %get3A_12 = arith.constant 0 : index
    %get3A_13 = arith.constant 0 : index
    %get3A_14 = vector.load %arg8[%get3A_12, %get3A_13] : memref<1x128xf32, #tpu.memory_space<vmem>>, vector<1x128xf32>
    %add3A_15 = vector.broadcast %get3A_14 : vector<1x128xf32> to vector<1024x128xf32>
    %add3A_16 = arith.addf %dot_general3A_11, %add3A_15 : vector<1024x128xf32>
    %logistic3A = arith.negf %add3A_16 : vector<1024x128xf32>
    %logistic3A_17 = math.exp %logistic3A : vector<1024x128xf32>
    %logistic3A_18 = arith.constant 1.000000e+00 : f32
    %logistic3A_19 = vector.broadcast %logistic3A_18 : f32 to vector<1024x128xf32>
    %logistic3A_20 = arith.addf %logistic3A_19, %logistic3A_17 : vector<1024x128xf32>
    %logistic3A_21 = arith.divf %logistic3A_19, %logistic3A_20 : vector<1024x128xf32>
    %mul3A = arith.mulf %add3A_16, %logistic3A_21 : vector<1024x128xf32>
    %get3A_22 = arith.constant 0 : index
    %get3A_23 = arith.constant 0 : index
    %get3A_24 = vector.load %arg9[%get3A_22, %get3A_23] : memref<128x128xf32, #tpu.memory_space<vmem>>, vector<128x128xf32>
    %dot_general3A_25 = arith.constant dense<0.000000e+00> : vector<1024x128xf32>
    %dot_general3A_26 = tpu.matmul %mul3A, %get3A_24, %dot_general3A_25 {dimension_numbers = #tpu.dot_dimension_numbers<[1], [1], [0], [0], [0, 0, 1, 0], [], []>, transpose_lhs_hint = false} : vector<1024x128xf32>, vector<128x128xf32>, vector<1024x128xf32> -> vector<1024x128xf32>
    %get3A_27 = arith.constant 0 : index
    %get3A_28 = arith.constant 0 : index
    %get3A_29 = vector.load %arg10[%get3A_27, %get3A_28] : memref<1x128xf32, #tpu.memory_space<vmem>>, vector<1x128xf32>
    %add3A_30 = vector.broadcast %get3A_29 : vector<1x128xf32> to vector<1024x128xf32>
    %add3A_31 = arith.addf %dot_general3A_26, %add3A_30 : vector<1024x128xf32>
    %add3A_32 = arith.addf %get3A_1, %add3A_31 : vector<1024x128xf32>
    %get3A_33 = arith.constant 0 : index
    %get3A_34 = arith.constant 0 : index
    %get3A_35 = vector.load %arg4[%get3A_33, %get3A_34] : memref<1024x3xf32, #tpu.memory_space<vmem>>, vector<1024x3xf32>
    %mul3A_36 = arith.mulf %get3A_35, %get3A_35 : vector<1024x3xf32>
    %reduce_sum3A = arith.constant dense<0.000000e+00> : vector<1024xf32>
    %reduce_sum3A_37 = vector.multi_reduction <add>, %mul3A_36, %reduce_sum3A [1] : vector<1024x3xf32> to vector<1024xf32>
    %broadcast_in_dim3A = vector.shape_cast %reduce_sum3A_37 : vector<1024xf32> to vector<1024x1xf32>
    %mul3A_38 = arith.mulf %add3A_32, %add3A_32 : vector<1024x128xf32>
    %reduce_sum3A_39 = arith.constant dense<0.000000e+00> : vector<1024xf32>
    %reduce_sum3A_40 = vector.multi_reduction <add>, %mul3A_38, %reduce_sum3A_39 [1] : vector<1024x128xf32> to vector<1024xf32>
    %broadcast_in_dim3A_41 = vector.shape_cast %reduce_sum3A_40 : vector<1024xf32> to vector<1024x1xf32>
    %add3A_42 = arith.addf %broadcast_in_dim3A, %broadcast_in_dim3A_41 : vector<1024x1xf32>
    %sqrt3A = math.sqrt %add3A_42 : vector<1024x1xf32>
    %jit3A = arith.constant 1.000000e-15 : f32
    %max3A = vector.broadcast %jit3A : f32 to vector<1024x1xf32>
    %max3A_43 = arith.maximumf %max3A, %sqrt3A : vector<1024x1xf32>
    %tanh3A = math.tanh %max3A_43 : vector<1024x1xf32>
    %div3A = arith.divf %tanh3A, %max3A_43 : vector<1024x1xf32>
    %mul3A_44 = vector.broadcast %div3A : vector<1024x1xf32> to vector<1024x3xf32>
    %mul3A_45 = arith.mulf %get3A_35, %mul3A_44 : vector<1024x3xf32>
    %mul3A_46 = vector.broadcast %div3A : vector<1024x1xf32> to vector<1024x128xf32>
    %mul3A_47 = arith.mulf %add3A_32, %mul3A_46 : vector<1024x128xf32>
    %iota3A = tpu.iota {dimensions = array<i32: 1>} : vector<1024x8xi32>
    %get3A_48 = arith.constant 0 : index
    %get3A_49 = arith.constant 0 : index
    %get3A_50 = vector.load %arg5[%get3A_48, %get3A_49] : memref<1024x1xi32, #tpu.memory_space<vmem>>, vector<1024x1xi32>
    %eq3A = vector.broadcast %get3A_50 : vector<1024x1xi32> to vector<1024x8xi32>
    %eq3A_51 = arith.cmpi eq, %eq3A, %iota3A : vector<1024x8xi32>
    %convert_element_type3A = arith.extui %eq3A_51 : vector<1024x8xi1> to vector<1024x8xi32>
    %convert_element_type3A_52 = arith.sitofp %convert_element_type3A : vector<1024x8xi32> to vector<1024x8xf32>
    %get3A_53 = arith.constant 0 : index
    %get3A_54 = arith.constant 0 : index
    %get3A_55 = vector.load %arg6[%get3A_53, %get3A_54] : memref<8x256xf32, #tpu.memory_space<vmem>>, vector<8x256xf32>
    %dot_general3A_56 = arith.constant dense<0.000000e+00> : vector<1024x256xf32>
    %dot_general3A_57 = tpu.matmul %convert_element_type3A_52, %get3A_55, %dot_general3A_56 {dimension_numbers = #tpu.dot_dimension_numbers<[1], [0], [0], [1], [0, 0, 1, 1], [], []>, precision = #tpu.contract_precision<fp32>, transpose_lhs_hint = false} : vector<1024x8xf32>, vector<8x256xf32>, vector<1024x256xf32> -> vector<1024x256xf32>
    %slice3A = vector.extract_strided_slice %dot_general3A_57 {offsets = [0, 0], sizes = [1024, 128], strides = [1, 1]} : vector<1024x256xf32> to vector<1024x128xf32>
    %slice3A_58 = vector.extract_strided_slice %dot_general3A_57 {offsets = [0, 128], sizes = [1024, 128], strides = [1, 1]} : vector<1024x256xf32> to vector<1024x128xf32>
    %add3A_59 = arith.constant 1.000000e+00 : f32
    %add3A_60 = vector.broadcast %add3A_59 : f32 to vector<1024x128xf32>
    %add3A_61 = arith.addf %slice3A, %add3A_60 : vector<1024x128xf32>
    %mul3A_62 = arith.mulf %mul3A_47, %add3A_61 : vector<1024x128xf32>
    %add3A_63 = arith.addf %mul3A_62, %slice3A_58 : vector<1024x128xf32>
    %get3A_64 = arith.constant 0 : index
    %get3A_65 = arith.constant 0 : index
    %get3A_66 = vector.load %arg11[%get3A_64, %get3A_65] : memref<128x128xf32, #tpu.memory_space<vmem>>, vector<128x128xf32>
    %dot_general3A_67 = arith.constant dense<0.000000e+00> : vector<1024x128xf32>
    %dot_general3A_68 = tpu.matmul %add3A_63, %get3A_66, %dot_general3A_67 {dimension_numbers = #tpu.dot_dimension_numbers<[1], [1], [0], [0], [0, 0, 1, 0], [], []>, transpose_lhs_hint = false} : vector<1024x128xf32>, vector<128x128xf32>, vector<1024x128xf32> -> vector<1024x128xf32>
    %get3A_69 = arith.constant 0 : index
    %get3A_70 = arith.constant 0 : index
    %get3A_71 = vector.load %arg12[%get3A_69, %get3A_70] : memref<1x128xf32, #tpu.memory_space<vmem>>, vector<1x128xf32>
    %add3A_72 = vector.broadcast %get3A_71 : vector<1x128xf32> to vector<1024x128xf32>
    %add3A_73 = arith.addf %dot_general3A_68, %add3A_72 : vector<1024x128xf32>
    %logistic3A_74 = arith.negf %add3A_73 : vector<1024x128xf32>
    %logistic3A_75 = math.exp %logistic3A_74 : vector<1024x128xf32>
    %logistic3A_76 = arith.constant 1.000000e+00 : f32
    %logistic3A_77 = vector.broadcast %logistic3A_76 : f32 to vector<1024x128xf32>
    %logistic3A_78 = arith.addf %logistic3A_77, %logistic3A_75 : vector<1024x128xf32>
    %logistic3A_79 = arith.divf %logistic3A_77, %logistic3A_78 : vector<1024x128xf32>
    %mul3A_80 = arith.mulf %add3A_73, %logistic3A_79 : vector<1024x128xf32>
    %reduce_sum3A_81 = arith.constant dense<0.000000e+00> : vector<1024xf32>
    %reduce_sum3A_82 = vector.multi_reduction <add>, %mul3A_80, %reduce_sum3A_81 [1] : vector<1024x128xf32> to vector<1024xf32>
    %broadcast_in_dim3A_83 = vector.shape_cast %reduce_sum3A_82 : vector<1024xf32> to vector<1024x1xf32>
    %div3A_84 = arith.constant 1.280000e+02 : f32
    %div3A_85 = vector.broadcast %div3A_84 : f32 to vector<1024x1xf32>
    %div3A_86 = arith.divf %broadcast_in_dim3A_83, %div3A_85 : vector<1024x1xf32>
    %sub3A = vector.broadcast %div3A_86 : vector<1024x1xf32> to vector<1024x128xf32>
    %sub3A_87 = arith.subf %mul3A_80, %sub3A : vector<1024x128xf32>
    %sub3A_88 = vector.broadcast %div3A_86 : vector<1024x1xf32> to vector<1024x128xf32>
    %sub3A_89 = arith.subf %mul3A_80, %sub3A_88 : vector<1024x128xf32>
    %mul3A_90 = arith.mulf %sub3A_87, %sub3A_89 : vector<1024x128xf32>
    %reduce_sum3A_91 = arith.constant dense<0.000000e+00> : vector<1024xf32>
    %reduce_sum3A_92 = vector.multi_reduction <add>, %mul3A_90, %reduce_sum3A_91 [1] : vector<1024x128xf32> to vector<1024xf32>
    %broadcast_in_dim3A_93 = vector.shape_cast %reduce_sum3A_92 : vector<1024xf32> to vector<1024x1xf32>
    %div3A_94 = arith.constant 1.280000e+02 : f32
    %div3A_95 = vector.broadcast %div3A_94 : f32 to vector<1024x1xf32>
    %div3A_96 = arith.divf %broadcast_in_dim3A_93, %div3A_95 : vector<1024x1xf32>
    %sub3A_97 = vector.broadcast %div3A_86 : vector<1024x1xf32> to vector<1024x128xf32>
    %sub3A_98 = arith.subf %mul3A_80, %sub3A_97 : vector<1024x128xf32>
    %add3A_99 = arith.constant 9.99999974E-6 : f32
    %add3A_100 = vector.broadcast %add3A_99 : f32 to vector<1024x1xf32>
    %add3A_101 = arith.addf %div3A_96, %add3A_100 : vector<1024x1xf32>
    %sqrt3A_102 = math.sqrt %add3A_101 : vector<1024x1xf32>
    %div3A_103 = vector.broadcast %sqrt3A_102 : vector<1024x1xf32> to vector<1024x128xf32>
    %div3A_104 = arith.divf %sub3A_98, %div3A_103 : vector<1024x128xf32>
    %get3A_105 = arith.constant 0 : index
    %get3A_106 = arith.constant 0 : index
    %get3A_107 = vector.load %arg13[%get3A_105, %get3A_106] : memref<1x128xf32, #tpu.memory_space<vmem>>, vector<1x128xf32>
    %mul3A_108 = vector.broadcast %get3A_107 : vector<1x128xf32> to vector<1024x128xf32>
    %mul3A_109 = arith.mulf %div3A_104, %mul3A_108 : vector<1024x128xf32>
    %get3A_110 = arith.constant 0 : index
    %get3A_111 = arith.constant 0 : index
    %get3A_112 = vector.load %arg14[%get3A_110, %get3A_111] : memref<1x128xf32, #tpu.memory_space<vmem>>, vector<1x128xf32>
    %add3A_113 = vector.broadcast %get3A_112 : vector<1x128xf32> to vector<1024x128xf32>
    %add3A_114 = arith.addf %mul3A_109, %add3A_113 : vector<1024x128xf32>
    %get3A_115 = arith.constant 0 : index
    %get3A_116 = arith.constant 0 : index
    %get3A_117 = vector.load %arg15[%get3A_115, %get3A_116] : memref<128x128xf32, #tpu.memory_space<vmem>>, vector<128x128xf32>
    %dot_general3A_118 = arith.constant dense<0.000000e+00> : vector<1024x128xf32>
    %dot_general3A_119 = tpu.matmul %add3A_114, %get3A_117, %dot_general3A_118 {dimension_numbers = #tpu.dot_dimension_numbers<[1], [1], [0], [0], [0, 0, 1, 0], [], []>, transpose_lhs_hint = false} : vector<1024x128xf32>, vector<128x128xf32>, vector<1024x128xf32> -> vector<1024x128xf32>
    %get3A_120 = arith.constant 0 : index
    %get3A_121 = arith.constant 0 : index
    %get3A_122 = vector.load %arg16[%get3A_120, %get3A_121] : memref<1x128xf32, #tpu.memory_space<vmem>>, vector<1x128xf32>
    %add3A_123 = vector.broadcast %get3A_122 : vector<1x128xf32> to vector<1024x128xf32>
    %add3A_124 = arith.addf %dot_general3A_119, %add3A_123 : vector<1024x128xf32>
    %swap3A = arith.constant 0 : index
    %swap3A_125 = arith.constant 0 : index
    %swap3A_126 = vector.load %arg17[%swap3A, %swap3A_125] : memref<1024x128xf32, #tpu.memory_space<vmem>>, vector<1024x128xf32>
    tpu.vector_store %arg17[%swap3A, %swap3A_125], %add3A_124 {strides = array<i32>} : memref<1024x128xf32, #tpu.memory_space<vmem>>, vector<1024x128xf32>,
    %swap3A_127 = arith.constant 0 : index
    %swap3A_128 = arith.constant 0 : index
    %swap3A_129 = vector.load %arg18[%swap3A_127, %swap3A_128] : memref<1024x3xf32, #tpu.memory_space<vmem>>, vector<1024x3xf32>
    tpu.vector_store %arg18[%swap3A_127, %swap3A_128], %mul3A_45 {strides = array<i32>} : memref<1024x3xf32, #tpu.memory_space<vmem>>, vector<1024x3xf32>,
    %broadcast_in_dim3A_130 = arith.constant 0.000000e+00 : f32
    %broadcast_in_dim3A_131 = vector.broadcast %broadcast_in_dim3A_130 : f32 to vector<1024x125xf32>
    %concatenate3A_132 = tpu.concatenate %add3A_124, %mul3A_45, %broadcast_in_dim3A_131 in 1 : vector<1024x128xf32>, vector<1024x3xf32>, vector<1024x125xf32> -> vector<1024x256xf32>
    %swap3A_133 = arith.constant 0 : index
    %swap3A_134 = arith.constant 0 : index
    %swap3A_135 = vector.load %arg19[%swap3A_133, %swap3A_134] : memref<1024x256xf32, #tpu.memory_space<vmem>>, vector<1024x256xf32>
    tpu.vector_store %arg19[%swap3A_133, %swap3A_134], %concatenate3A_132 {strides = array<i32>} : memref<1024x256xf32, #tpu.memory_space<vmem>>, vector<1024x256xf32>,
    return
  }
  func.func @transform_0(%arg0: i32) -> (i32, i32) {
    %c0_i32 = arith.constant 0 : i32
    %c0_i32_0 = arith.constant 0 : i32
    return %arg0, %c0_i32 : i32, i32
  }
  func.func @transform_1(%arg0: i32) -> (i32, i32) {
    %c0_i32 = arith.constant 0 : i32
    %c0_i32_0 = arith.constant 0 : i32
    return %arg0, %c0_i32 : i32, i32
  }
  func.func @transform_2(%arg0: i32) -> (i32, i32) {
    %c0_i32 = arith.constant 0 : i32
    %c0_i32_0 = arith.constant 0 : i32
    return %arg0, %c0_i32 : i32, i32
  }
  func.func @transform_3(%arg0: i32) -> (i32, i32) {
    %c0_i32 = arith.constant 0 : i32
    %c0_i32_0 = arith.constant 0 : i32
    return %arg0, %c0_i32 : i32, i32
  }
  func.func @transform_4(%arg0: i32) -> (i32, i32) {
    %c0_i32 = arith.constant 0 : i32
    %c0_i32_0 = arith.constant 0 : i32
    return %arg0, %c0_i32 : i32, i32
  }
  func.func @transform_5(%arg0: i32) -> (i32, i32) {
    %c0_i32 = arith.constant 0 : i32
    %c0_i32_0 = arith.constant 0 : i32
    %c0_i32_1 = arith.constant 0 : i32
    return %c0_i32, %c0_i32_0 : i32, i32
  }
  func.func @transform_6(%arg0: i32) -> (i32, i32) {
    %c0_i32 = arith.constant 0 : i32
    %c0_i32_0 = arith.constant 0 : i32
    %c0_i32_1 = arith.constant 0 : i32
    return %c0_i32, %c0_i32_0 : i32, i32
  }
  func.func @transform_7(%arg0: i32) -> (i32, i32) {
    %c0_i32 = arith.constant 0 : i32
    %c0_i32_0 = arith.constant 0 : i32
    %c0_i32_1 = arith.constant 0 : i32
    return %c0_i32, %c0_i32_0 : i32, i32
  }
  func.func @transform_8(%arg0: i32) -> (i32, i32) {
    %c0_i32 = arith.constant 0 : i32
    %c0_i32_0 = arith.constant 0 : i32
    %c0_i32_1 = arith.constant 0 : i32
    return %c0_i32, %c0_i32_0 : i32, i32
  }
  func.func @transform_9(%arg0: i32) -> (i32, i32) {
    %c0_i32 = arith.constant 0 : i32
    %c0_i32_0 = arith.constant 0 : i32
    %c0_i32_1 = arith.constant 0 : i32
    return %c0_i32, %c0_i32_0 : i32, i32
  }
  func.func @transform_10(%arg0: i32) -> (i32, i32) {
    %c0_i32 = arith.constant 0 : i32
    %c0_i32_0 = arith.constant 0 : i32
    %c0_i32_1 = arith.constant 0 : i32
    return %c0_i32, %c0_i32_0 : i32, i32
  }
  func.func @transform_11(%arg0: i32) -> (i32, i32) {
    %c0_i32 = arith.constant 0 : i32
    %c0_i32_0 = arith.constant 0 : i32
    %c0_i32_1 = arith.constant 0 : i32
    return %c0_i32, %c0_i32_0 : i32, i32
  }
  func.func @transform_12(%arg0: i32) -> (i32, i32) {
    %c0_i32 = arith.constant 0 : i32
    %c0_i32_0 = arith.constant 0 : i32
    %c0_i32_1 = arith.constant 0 : i32
    return %c0_i32, %c0_i32_0 : i32, i32
  }
  func.func @transform_13(%arg0: i32) -> (i32, i32) {
    %c0_i32 = arith.constant 0 : i32
    %c0_i32_0 = arith.constant 0 : i32
    %c0_i32_1 = arith.constant 0 : i32
    return %c0_i32, %c0_i32_0 : i32, i32
  }
  func.func @transform_14(%arg0: i32) -> (i32, i32) {
    %c0_i32 = arith.constant 0 : i32
    %c0_i32_0 = arith.constant 0 : i32
    %c0_i32_1 = arith.constant 0 : i32
    return %c0_i32, %c0_i32_0 : i32, i32
  }
  func.func @transform_15(%arg0: i32) -> (i32, i32) {
    %c0_i32 = arith.constant 0 : i32
    %c0_i32_0 = arith.constant 0 : i32
    %c0_i32_1 = arith.constant 0 : i32
    return %c0_i32, %c0_i32_0 : i32, i32
  }
  func.func @transform_16(%arg0: i32) -> (i32, i32) {
    %c0_i32 = arith.constant 0 : i32
    %c0_i32_0 = arith.constant 0 : i32
    return %arg0, %c0_i32 : i32, i32
  }
  func.func @transform_17(%arg0: i32) -> (i32, i32) {
    %c0_i32 = arith.constant 0 : i32
    %c0_i32_0 = arith.constant 0 : i32
    return %arg0, %c0_i32 : i32, i32
  }
  func.func @transform_18(%arg0: i32) -> (i32, i32) {
    %c0_i32 = arith.constant 0 : i32
    %c0_i32_0 = arith.constant 0 : i32
    return %arg0, %c0_i32 : i32, i32
  }
}

module attributes {stable_mosaic.version = 14 : i64} {
  func.func @_edge_body(%arg0: i32, %arg1: memref<1x1024x128xf32, #tpu.memory_space<vmem>>, %arg2: memref<1x1024x128xf32, #tpu.memory_space<vmem>>, %arg3: memref<1x1024x128xf32, #tpu.memory_space<vmem>>, %arg4: memref<1024x128xf32, #tpu.memory_space<vmem>>, %arg5: memref<128x128xf32, #tpu.memory_space<vmem>>, %arg6: memref<1x128xf32, #tpu.memory_space<vmem>>, %arg7: memref<128x385xf32, #tpu.memory_space<vmem>>, %arg8: memref<1x128xf32, #tpu.memory_space<vmem>>, %arg9: memref<128x128xf32, #tpu.memory_space<vmem>>, %arg10: memref<1x128xf32, #tpu.memory_space<vmem>>, %arg11: memref<1024x128xf32, #tpu.memory_space<vmem>>) attributes {dimension_semantics = [#tpu.dimension_semantics<arbitrary>], iteration_bounds = array<i64: 316>, scalar_prefetch = 0 : i64, scratch_operands = 0 : i64, tpu.core_type = #tpu.core_type<tc>, window_params = [{transform_indices = @transform_0, window_bounds = array<i64: 1, 1024, 128>}, {transform_indices = @transform_1, window_bounds = array<i64: 1, 1024, 128>}, {transform_indices = @transform_2, window_bounds = array<i64: 1, 1024, 128>}, {transform_indices = @transform_3, window_bounds = array<i64: 1024, 128>}, {pipeline_mode = #tpu.pipeline_mode<synchronous>, transform_indices = @transform_4, window_bounds = array<i64: 128, 128>}, {pipeline_mode = #tpu.pipeline_mode<synchronous>, transform_indices = @transform_5, window_bounds = array<i64: 1, 128>}, {pipeline_mode = #tpu.pipeline_mode<synchronous>, transform_indices = @transform_6, window_bounds = array<i64: 128, 385>}, {pipeline_mode = #tpu.pipeline_mode<synchronous>, transform_indices = @transform_7, window_bounds = array<i64: 1, 128>}, {pipeline_mode = #tpu.pipeline_mode<synchronous>, transform_indices = @transform_8, window_bounds = array<i64: 128, 128>}, {pipeline_mode = #tpu.pipeline_mode<synchronous>, transform_indices = @transform_9, window_bounds = array<i64: 1, 128>}, {transform_indices = @transform_10, window_bounds = array<i64: 1024, 128>}]} {
    %get3A = arith.constant 0 : index
    %get3A_0 = arith.constant 0 : index
    %get3A_1 = vector.load %arg4[%get3A, %get3A_0] : memref<1024x128xf32, #tpu.memory_space<vmem>>, vector<1024x128xf32>
    %get3A_2 = arith.constant 0 : index
    %get3A_3 = arith.constant 0 : index
    %get3A_4 = vector.load %arg5[%get3A_2, %get3A_3] : memref<128x128xf32, #tpu.memory_space<vmem>>, vector<128x128xf32>
    %dot_general3A = arith.constant dense<0.000000e+00> : vector<1024x128xf32>
    %dot_general3A_5 = tpu.matmul %get3A_1, %get3A_4, %dot_general3A {dimension_numbers = #tpu.dot_dimension_numbers<[1], [1], [0], [0], [0, 0, 1, 0], [], []>, transpose_lhs_hint = false} : vector<1024x128xf32>, vector<128x128xf32>, vector<1024x128xf32> -> vector<1024x128xf32>
    %get3A_6 = arith.constant 0 : index
    %get3A_7 = arith.constant 0 : index
    %get3A_8 = vector.load %arg6[%get3A_6, %get3A_7] : memref<1x128xf32, #tpu.memory_space<vmem>>, vector<1x128xf32>
    %add3A = vector.broadcast %get3A_8 : vector<1x128xf32> to vector<1024x128xf32>
    %add3A_9 = arith.addf %dot_general3A_5, %add3A : vector<1024x128xf32>
    %get3A_10 = arith.constant 0 : index
    %get3A_11 = arith.constant 0 : index
    %get3A_12 = arith.constant 0 : index
    %get3A_13 = vector.load %arg1[%get3A_10, %get3A_11, %get3A_12] : memref<1x1024x128xf32, #tpu.memory_space<vmem>>, vector<1x1024x128xf32>
    %get3A_14 = vector.shape_cast %get3A_13 : vector<1x1024x128xf32> to vector<1024x128xf32>
    %get3A_15 = arith.constant 0 : index
    %get3A_16 = arith.constant 0 : index
    %get3A_17 = arith.constant 0 : index
    %get3A_18 = vector.load %arg2[%get3A_15, %get3A_16, %get3A_17] : memref<1x1024x128xf32, #tpu.memory_space<vmem>>, vector<1x1024x128xf32>
    %get3A_19 = vector.shape_cast %get3A_18 : vector<1x1024x128xf32> to vector<1024x128xf32>
    %get3A_20 = arith.constant 0 : index
    %get3A_21 = arith.constant 0 : index
    %get3A_22 = arith.constant 0 : index
    %get3A_23 = vector.load %arg3[%get3A_20, %get3A_21, %get3A_22] : memref<1x1024x128xf32, #tpu.memory_space<vmem>>, vector<1x1024x128xf32>
    %get3A_24 = vector.shape_cast %get3A_23 : vector<1x1024x128xf32> to vector<1024x128xf32>
    %slice3A = vector.extract_strided_slice %get3A_24 {offsets = [0, 0], sizes = [1024, 1], strides = [1, 1]} : vector<1024x128xf32> to vector<1024x1xf32>
    %concatenate3A = tpu.concatenate %get3A_14, %get3A_19, %slice3A, %add3A_9 in 1 : vector<1024x128xf32>, vector<1024x128xf32>, vector<1024x1xf32>, vector<1024x128xf32> -> vector<1024x385xf32>
    %get3A_25 = arith.constant 0 : index
    %get3A_26 = arith.constant 0 : index
    %get3A_27 = vector.load %arg7[%get3A_25, %get3A_26] : memref<128x385xf32, #tpu.memory_space<vmem>>, vector<128x385xf32>
    %dot_general3A_28 = arith.constant dense<0.000000e+00> : vector<1024x128xf32>
    %dot_general3A_29 = tpu.matmul %concatenate3A, %get3A_27, %dot_general3A_28 {dimension_numbers = #tpu.dot_dimension_numbers<[1], [1], [0], [0], [0, 0, 1, 0], [], []>, transpose_lhs_hint = false} : vector<1024x385xf32>, vector<128x385xf32>, vector<1024x128xf32> -> vector<1024x128xf32>
    %get3A_30 = arith.constant 0 : index
    %get3A_31 = arith.constant 0 : index
    %get3A_32 = vector.load %arg8[%get3A_30, %get3A_31] : memref<1x128xf32, #tpu.memory_space<vmem>>, vector<1x128xf32>
    %add3A_33 = vector.broadcast %get3A_32 : vector<1x128xf32> to vector<1024x128xf32>
    %add3A_34 = arith.addf %dot_general3A_29, %add3A_33 : vector<1024x128xf32>
    %logistic3A = arith.negf %add3A_34 : vector<1024x128xf32>
    %logistic3A_35 = math.exp %logistic3A : vector<1024x128xf32>
    %logistic3A_36 = arith.constant 1.000000e+00 : f32
    %logistic3A_37 = vector.broadcast %logistic3A_36 : f32 to vector<1024x128xf32>
    %logistic3A_38 = arith.addf %logistic3A_37, %logistic3A_35 : vector<1024x128xf32>
    %logistic3A_39 = arith.divf %logistic3A_37, %logistic3A_38 : vector<1024x128xf32>
    %mul3A = arith.mulf %add3A_34, %logistic3A_39 : vector<1024x128xf32>
    %get3A_40 = arith.constant 0 : index
    %get3A_41 = arith.constant 0 : index
    %get3A_42 = vector.load %arg9[%get3A_40, %get3A_41] : memref<128x128xf32, #tpu.memory_space<vmem>>, vector<128x128xf32>
    %dot_general3A_43 = arith.constant dense<0.000000e+00> : vector<1024x128xf32>
    %dot_general3A_44 = tpu.matmul %mul3A, %get3A_42, %dot_general3A_43 {dimension_numbers = #tpu.dot_dimension_numbers<[1], [1], [0], [0], [0, 0, 1, 0], [], []>, transpose_lhs_hint = false} : vector<1024x128xf32>, vector<128x128xf32>, vector<1024x128xf32> -> vector<1024x128xf32>
    %get3A_45 = arith.constant 0 : index
    %get3A_46 = arith.constant 0 : index
    %get3A_47 = vector.load %arg10[%get3A_45, %get3A_46] : memref<1x128xf32, #tpu.memory_space<vmem>>, vector<1x128xf32>
    %add3A_48 = vector.broadcast %get3A_47 : vector<1x128xf32> to vector<1024x128xf32>
    %add3A_49 = arith.addf %dot_general3A_44, %add3A_48 : vector<1024x128xf32>
    %logistic3A_50 = arith.negf %add3A_49 : vector<1024x128xf32>
    %logistic3A_51 = math.exp %logistic3A_50 : vector<1024x128xf32>
    %logistic3A_52 = arith.constant 1.000000e+00 : f32
    %logistic3A_53 = vector.broadcast %logistic3A_52 : f32 to vector<1024x128xf32>
    %logistic3A_54 = arith.addf %logistic3A_53, %logistic3A_51 : vector<1024x128xf32>
    %logistic3A_55 = arith.divf %logistic3A_53, %logistic3A_54 : vector<1024x128xf32>
    %mul3A_56 = arith.mulf %add3A_49, %logistic3A_55 : vector<1024x128xf32>
    %swap3A = arith.constant 0 : index
    %swap3A_57 = arith.constant 0 : index
    %swap3A_58 = vector.load %arg11[%swap3A, %swap3A_57] : memref<1024x128xf32, #tpu.memory_space<vmem>>, vector<1024x128xf32>
    tpu.vector_store %arg11[%swap3A, %swap3A_57], %mul3A_56 {strides = array<i32>} : memref<1024x128xf32, #tpu.memory_space<vmem>>, vector<1024x128xf32>,
    return
  }
  func.func @transform_0(%arg0: i32) -> (i32, i32, i32) {
    %c0_i32 = arith.constant 0 : i32
    %c0_i32_0 = arith.constant 0 : i32
    %c0_i32_1 = arith.constant 0 : i32
    return %c0_i32, %arg0, %c0_i32_0 : i32, i32, i32
  }
  func.func @transform_1(%arg0: i32) -> (i32, i32, i32) {
    %c1_i32 = arith.constant 1 : i32
    %c0_i32 = arith.constant 0 : i32
    %c0_i32_0 = arith.constant 0 : i32
    return %c1_i32, %arg0, %c0_i32 : i32, i32, i32
  }
  func.func @transform_2(%arg0: i32) -> (i32, i32, i32) {
    %c2_i32 = arith.constant 2 : i32
    %c0_i32 = arith.constant 0 : i32
    %c0_i32_0 = arith.constant 0 : i32
    return %c2_i32, %arg0, %c0_i32 : i32, i32, i32
  }
  func.func @transform_3(%arg0: i32) -> (i32, i32) {
    %c0_i32 = arith.constant 0 : i32
    %c0_i32_0 = arith.constant 0 : i32
    return %arg0, %c0_i32 : i32, i32
  }
  func.func @transform_4(%arg0: i32) -> (i32, i32) {
    %c0_i32 = arith.constant 0 : i32
    %c0_i32_0 = arith.constant 0 : i32
    %c0_i32_1 = arith.constant 0 : i32
    return %c0_i32, %c0_i32_0 : i32, i32
  }
  func.func @transform_5(%arg0: i32) -> (i32, i32) {
    %c0_i32 = arith.constant 0 : i32
    %c0_i32_0 = arith.constant 0 : i32
    %c0_i32_1 = arith.constant 0 : i32
    return %c0_i32, %c0_i32_0 : i32, i32
  }
  func.func @transform_6(%arg0: i32) -> (i32, i32) {
    %c0_i32 = arith.constant 0 : i32
    %c0_i32_0 = arith.constant 0 : i32
    %c0_i32_1 = arith.constant 0 : i32
    return %c0_i32, %c0_i32_0 : i32, i32
  }
  func.func @transform_7(%arg0: i32) -> (i32, i32) {
    %c0_i32 = arith.constant 0 : i32
    %c0_i32_0 = arith.constant 0 : i32
    %c0_i32_1 = arith.constant 0 : i32
    return %c0_i32, %c0_i32_0 : i32, i32
  }
  func.func @transform_8(%arg0: i32) -> (i32, i32) {
    %c0_i32 = arith.constant 0 : i32
    %c0_i32_0 = arith.constant 0 : i32
    %c0_i32_1 = arith.constant 0 : i32
    return %c0_i32, %c0_i32_0 : i32, i32
  }
  func.func @transform_9(%arg0: i32) -> (i32, i32) {
    %c0_i32 = arith.constant 0 : i32
    %c0_i32_0 = arith.constant 0 : i32
    %c0_i32_1 = arith.constant 0 : i32
    return %c0_i32, %c0_i32_0 : i32, i32
  }
  func.func @transform_10(%arg0: i32) -> (i32, i32) {
    %c0_i32 = arith.constant 0 : i32
    %c0_i32_0 = arith.constant 0 : i32
    return %arg0, %c0_i32 : i32, i32
  }
}

module attributes {stable_mosaic.version = 14 : i64} {
  func.func @_node_body(%arg0: i32, %arg1: memref<1024x128xf32, #tpu.memory_space<vmem>>, %arg2: memref<1024x128xf32, #tpu.memory_space<vmem>>, %arg3: memref<1024x128xf32, #tpu.memory_space<vmem>>, %arg4: memref<1024x3xf32, #tpu.memory_space<vmem>>, %arg5: memref<1024x1xi32, #tpu.memory_space<vmem>>, %arg6: memref<8x256xf32, #tpu.memory_space<vmem>>, %arg7: memref<128x256xf32, #tpu.memory_space<vmem>>, %arg8: memref<1x128xf32, #tpu.memory_space<vmem>>, %arg9: memref<128x128xf32, #tpu.memory_space<vmem>>, %arg10: memref<1x128xf32, #tpu.memory_space<vmem>>, %arg11: memref<128x128xf32, #tpu.memory_space<vmem>>, %arg12: memref<1x128xf32, #tpu.memory_space<vmem>>, %arg13: memref<1x128xf32, #tpu.memory_space<vmem>>, %arg14: memref<1x128xf32, #tpu.memory_space<vmem>>, %arg15: memref<128x128xf32, #tpu.memory_space<vmem>>, %arg16: memref<1x128xf32, #tpu.memory_space<vmem>>, %arg17: memref<4x128xf32, #tpu.memory_space<vmem>>, %arg18: memref<1x4xf32, #tpu.memory_space<vmem>>, %arg19: memref<1024x4xf32, #tpu.memory_space<vmem>>) attributes {dimension_semantics = [#tpu.dimension_semantics<arbitrary>], iteration_bounds = array<i64: 10>, scalar_prefetch = 0 : i64, scratch_operands = 0 : i64, tpu.core_type = #tpu.core_type<tc>, window_params = [{transform_indices = @transform_0, window_bounds = array<i64: 1024, 128>}, {transform_indices = @transform_1, window_bounds = array<i64: 1024, 128>}, {transform_indices = @transform_2, window_bounds = array<i64: 1024, 128>}, {transform_indices = @transform_3, window_bounds = array<i64: 1024, 3>}, {transform_indices = @transform_4, window_bounds = array<i64: 1024, 1>}, {pipeline_mode = #tpu.pipeline_mode<synchronous>, transform_indices = @transform_5, window_bounds = array<i64: 8, 256>}, {pipeline_mode = #tpu.pipeline_mode<synchronous>, transform_indices = @transform_6, window_bounds = array<i64: 128, 256>}, {pipeline_mode = #tpu.pipeline_mode<synchronous>, transform_indices = @transform_7, window_bounds = array<i64: 1, 128>}, {pipeline_mode = #tpu.pipeline_mode<synchronous>, transform_indices = @transform_8, window_bounds = array<i64: 128, 128>}, {pipeline_mode = #tpu.pipeline_mode<synchronous>, transform_indices = @transform_9, window_bounds = array<i64: 1, 128>}, {pipeline_mode = #tpu.pipeline_mode<synchronous>, transform_indices = @transform_10, window_bounds = array<i64: 128, 128>}, {pipeline_mode = #tpu.pipeline_mode<synchronous>, transform_indices = @transform_11, window_bounds = array<i64: 1, 128>}, {pipeline_mode = #tpu.pipeline_mode<synchronous>, transform_indices = @transform_12, window_bounds = array<i64: 1, 128>}, {pipeline_mode = #tpu.pipeline_mode<synchronous>, transform_indices = @transform_13, window_bounds = array<i64: 1, 128>}, {pipeline_mode = #tpu.pipeline_mode<synchronous>, transform_indices = @transform_14, window_bounds = array<i64: 128, 128>}, {pipeline_mode = #tpu.pipeline_mode<synchronous>, transform_indices = @transform_15, window_bounds = array<i64: 1, 128>}, {pipeline_mode = #tpu.pipeline_mode<synchronous>, transform_indices = @transform_16, window_bounds = array<i64: 4, 128>}, {pipeline_mode = #tpu.pipeline_mode<synchronous>, transform_indices = @transform_17, window_bounds = array<i64: 1, 4>}, {transform_indices = @transform_18, window_bounds = array<i64: 1024, 4>}]} {
    %get3A = arith.constant 0 : index
    %get3A_0 = arith.constant 0 : index
    %get3A_1 = vector.load %arg1[%get3A, %get3A_0] : memref<1024x128xf32, #tpu.memory_space<vmem>>, vector<1024x128xf32>
    %get3A_2 = arith.constant 0 : index
    %get3A_3 = arith.constant 0 : index
    %get3A_4 = vector.load %arg2[%get3A_2, %get3A_3] : memref<1024x128xf32, #tpu.memory_space<vmem>>, vector<1024x128xf32>
    %get3A_5 = arith.constant 0 : index
    %get3A_6 = arith.constant 0 : index
    %get3A_7 = vector.load %arg3[%get3A_5, %get3A_6] : memref<1024x128xf32, #tpu.memory_space<vmem>>, vector<1024x128xf32>
    %add3A = arith.addf %get3A_4, %get3A_7 : vector<1024x128xf32>
    %concatenate3A = tpu.concatenate %get3A_1, %add3A in 1 : vector<1024x128xf32>, vector<1024x128xf32> -> vector<1024x256xf32>
    %get3A_8 = arith.constant 0 : index
    %get3A_9 = arith.constant 0 : index
    %get3A_10 = vector.load %arg7[%get3A_8, %get3A_9] : memref<128x256xf32, #tpu.memory_space<vmem>>, vector<128x256xf32>
    %dot_general3A = arith.constant dense<0.000000e+00> : vector<1024x128xf32>
    %dot_general3A_11 = tpu.matmul %concatenate3A, %get3A_10, %dot_general3A {dimension_numbers = #tpu.dot_dimension_numbers<[1], [1], [0], [0], [0, 0, 1, 0], [], []>, transpose_lhs_hint = false} : vector<1024x256xf32>, vector<128x256xf32>, vector<1024x128xf32> -> vector<1024x128xf32>
    %get3A_12 = arith.constant 0 : index
    %get3A_13 = arith.constant 0 : index
    %get3A_14 = vector.load %arg8[%get3A_12, %get3A_13] : memref<1x128xf32, #tpu.memory_space<vmem>>, vector<1x128xf32>
    %add3A_15 = vector.broadcast %get3A_14 : vector<1x128xf32> to vector<1024x128xf32>
    %add3A_16 = arith.addf %dot_general3A_11, %add3A_15 : vector<1024x128xf32>
    %logistic3A = arith.negf %add3A_16 : vector<1024x128xf32>
    %logistic3A_17 = math.exp %logistic3A : vector<1024x128xf32>
    %logistic3A_18 = arith.constant 1.000000e+00 : f32
    %logistic3A_19 = vector.broadcast %logistic3A_18 : f32 to vector<1024x128xf32>
    %logistic3A_20 = arith.addf %logistic3A_19, %logistic3A_17 : vector<1024x128xf32>
    %logistic3A_21 = arith.divf %logistic3A_19, %logistic3A_20 : vector<1024x128xf32>
    %mul3A = arith.mulf %add3A_16, %logistic3A_21 : vector<1024x128xf32>
    %get3A_22 = arith.constant 0 : index
    %get3A_23 = arith.constant 0 : index
    %get3A_24 = vector.load %arg9[%get3A_22, %get3A_23] : memref<128x128xf32, #tpu.memory_space<vmem>>, vector<128x128xf32>
    %dot_general3A_25 = arith.constant dense<0.000000e+00> : vector<1024x128xf32>
    %dot_general3A_26 = tpu.matmul %mul3A, %get3A_24, %dot_general3A_25 {dimension_numbers = #tpu.dot_dimension_numbers<[1], [1], [0], [0], [0, 0, 1, 0], [], []>, transpose_lhs_hint = false} : vector<1024x128xf32>, vector<128x128xf32>, vector<1024x128xf32> -> vector<1024x128xf32>
    %get3A_27 = arith.constant 0 : index
    %get3A_28 = arith.constant 0 : index
    %get3A_29 = vector.load %arg10[%get3A_27, %get3A_28] : memref<1x128xf32, #tpu.memory_space<vmem>>, vector<1x128xf32>
    %add3A_30 = vector.broadcast %get3A_29 : vector<1x128xf32> to vector<1024x128xf32>
    %add3A_31 = arith.addf %dot_general3A_26, %add3A_30 : vector<1024x128xf32>
    %add3A_32 = arith.addf %get3A_1, %add3A_31 : vector<1024x128xf32>
    %get3A_33 = arith.constant 0 : index
    %get3A_34 = arith.constant 0 : index
    %get3A_35 = vector.load %arg4[%get3A_33, %get3A_34] : memref<1024x3xf32, #tpu.memory_space<vmem>>, vector<1024x3xf32>
    %mul3A_36 = arith.mulf %get3A_35, %get3A_35 : vector<1024x3xf32>
    %reduce_sum3A = arith.constant dense<0.000000e+00> : vector<1024xf32>
    %reduce_sum3A_37 = vector.multi_reduction <add>, %mul3A_36, %reduce_sum3A [1] : vector<1024x3xf32> to vector<1024xf32>
    %broadcast_in_dim3A = vector.shape_cast %reduce_sum3A_37 : vector<1024xf32> to vector<1024x1xf32>
    %mul3A_38 = arith.mulf %add3A_32, %add3A_32 : vector<1024x128xf32>
    %reduce_sum3A_39 = arith.constant dense<0.000000e+00> : vector<1024xf32>
    %reduce_sum3A_40 = vector.multi_reduction <add>, %mul3A_38, %reduce_sum3A_39 [1] : vector<1024x128xf32> to vector<1024xf32>
    %broadcast_in_dim3A_41 = vector.shape_cast %reduce_sum3A_40 : vector<1024xf32> to vector<1024x1xf32>
    %add3A_42 = arith.addf %broadcast_in_dim3A, %broadcast_in_dim3A_41 : vector<1024x1xf32>
    %sqrt3A = math.sqrt %add3A_42 : vector<1024x1xf32>
    %jit3A = arith.constant 1.000000e-15 : f32
    %max3A = vector.broadcast %jit3A : f32 to vector<1024x1xf32>
    %max3A_43 = arith.maximumf %max3A, %sqrt3A : vector<1024x1xf32>
    %tanh3A = math.tanh %max3A_43 : vector<1024x1xf32>
    %div3A = arith.divf %tanh3A, %max3A_43 : vector<1024x1xf32>
    %mul3A_44 = vector.broadcast %div3A : vector<1024x1xf32> to vector<1024x128xf32>
    %mul3A_45 = arith.mulf %add3A_32, %mul3A_44 : vector<1024x128xf32>
    %iota3A = tpu.iota {dimensions = array<i32: 1>} : vector<1024x8xi32>
    %get3A_46 = arith.constant 0 : index
    %get3A_47 = arith.constant 0 : index
    %get3A_48 = vector.load %arg5[%get3A_46, %get3A_47] : memref<1024x1xi32, #tpu.memory_space<vmem>>, vector<1024x1xi32>
    %eq3A = vector.broadcast %get3A_48 : vector<1024x1xi32> to vector<1024x8xi32>
    %eq3A_49 = arith.cmpi eq, %eq3A, %iota3A : vector<1024x8xi32>
    %convert_element_type3A = arith.extui %eq3A_49 : vector<1024x8xi1> to vector<1024x8xi32>
    %convert_element_type3A_50 = arith.sitofp %convert_element_type3A : vector<1024x8xi32> to vector<1024x8xf32>
    %get3A_51 = arith.constant 0 : index
    %get3A_52 = arith.constant 0 : index
    %get3A_53 = vector.load %arg6[%get3A_51, %get3A_52] : memref<8x256xf32, #tpu.memory_space<vmem>>, vector<8x256xf32>
    %dot_general3A_54 = arith.constant dense<0.000000e+00> : vector<1024x256xf32>
    %dot_general3A_55 = tpu.matmul %convert_element_type3A_50, %get3A_53, %dot_general3A_54 {dimension_numbers = #tpu.dot_dimension_numbers<[1], [0], [0], [1], [0, 0, 1, 1], [], []>, precision = #tpu.contract_precision<fp32>, transpose_lhs_hint = false} : vector<1024x8xf32>, vector<8x256xf32>, vector<1024x256xf32> -> vector<1024x256xf32>
    %slice3A = vector.extract_strided_slice %dot_general3A_55 {offsets = [0, 0], sizes = [1024, 128], strides = [1, 1]} : vector<1024x256xf32> to vector<1024x128xf32>
    %slice3A_56 = vector.extract_strided_slice %dot_general3A_55 {offsets = [0, 128], sizes = [1024, 128], strides = [1, 1]} : vector<1024x256xf32> to vector<1024x128xf32>
    %add3A_57 = arith.constant 1.000000e+00 : f32
    %add3A_58 = vector.broadcast %add3A_57 : f32 to vector<1024x128xf32>
    %add3A_59 = arith.addf %slice3A, %add3A_58 : vector<1024x128xf32>
    %mul3A_60 = arith.mulf %mul3A_45, %add3A_59 : vector<1024x128xf32>
    %add3A_61 = arith.addf %mul3A_60, %slice3A_56 : vector<1024x128xf32>
    %get3A_62 = arith.constant 0 : index
    %get3A_63 = arith.constant 0 : index
    %get3A_64 = vector.load %arg11[%get3A_62, %get3A_63] : memref<128x128xf32, #tpu.memory_space<vmem>>, vector<128x128xf32>
    %dot_general3A_65 = arith.constant dense<0.000000e+00> : vector<1024x128xf32>
    %dot_general3A_66 = tpu.matmul %add3A_61, %get3A_64, %dot_general3A_65 {dimension_numbers = #tpu.dot_dimension_numbers<[1], [1], [0], [0], [0, 0, 1, 0], [], []>, transpose_lhs_hint = false} : vector<1024x128xf32>, vector<128x128xf32>, vector<1024x128xf32> -> vector<1024x128xf32>
    %get3A_67 = arith.constant 0 : index
    %get3A_68 = arith.constant 0 : index
    %get3A_69 = vector.load %arg12[%get3A_67, %get3A_68] : memref<1x128xf32, #tpu.memory_space<vmem>>, vector<1x128xf32>
    %add3A_70 = vector.broadcast %get3A_69 : vector<1x128xf32> to vector<1024x128xf32>
    %add3A_71 = arith.addf %dot_general3A_66, %add3A_70 : vector<1024x128xf32>
    %logistic3A_72 = arith.negf %add3A_71 : vector<1024x128xf32>
    %logistic3A_73 = math.exp %logistic3A_72 : vector<1024x128xf32>
    %logistic3A_74 = arith.constant 1.000000e+00 : f32
    %logistic3A_75 = vector.broadcast %logistic3A_74 : f32 to vector<1024x128xf32>
    %logistic3A_76 = arith.addf %logistic3A_75, %logistic3A_73 : vector<1024x128xf32>
    %logistic3A_77 = arith.divf %logistic3A_75, %logistic3A_76 : vector<1024x128xf32>
    %mul3A_78 = arith.mulf %add3A_71, %logistic3A_77 : vector<1024x128xf32>
    %reduce_sum3A_79 = arith.constant dense<0.000000e+00> : vector<1024xf32>
    %reduce_sum3A_80 = vector.multi_reduction <add>, %mul3A_78, %reduce_sum3A_79 [1] : vector<1024x128xf32> to vector<1024xf32>
    %broadcast_in_dim3A_81 = vector.shape_cast %reduce_sum3A_80 : vector<1024xf32> to vector<1024x1xf32>
    %div3A_82 = arith.constant 1.280000e+02 : f32
    %div3A_83 = vector.broadcast %div3A_82 : f32 to vector<1024x1xf32>
    %div3A_84 = arith.divf %broadcast_in_dim3A_81, %div3A_83 : vector<1024x1xf32>
    %sub3A = vector.broadcast %div3A_84 : vector<1024x1xf32> to vector<1024x128xf32>
    %sub3A_85 = arith.subf %mul3A_78, %sub3A : vector<1024x128xf32>
    %sub3A_86 = vector.broadcast %div3A_84 : vector<1024x1xf32> to vector<1024x128xf32>
    %sub3A_87 = arith.subf %mul3A_78, %sub3A_86 : vector<1024x128xf32>
    %mul3A_88 = arith.mulf %sub3A_85, %sub3A_87 : vector<1024x128xf32>
    %reduce_sum3A_89 = arith.constant dense<0.000000e+00> : vector<1024xf32>
    %reduce_sum3A_90 = vector.multi_reduction <add>, %mul3A_88, %reduce_sum3A_89 [1] : vector<1024x128xf32> to vector<1024xf32>
    %broadcast_in_dim3A_91 = vector.shape_cast %reduce_sum3A_90 : vector<1024xf32> to vector<1024x1xf32>
    %div3A_92 = arith.constant 1.280000e+02 : f32
    %div3A_93 = vector.broadcast %div3A_92 : f32 to vector<1024x1xf32>
    %div3A_94 = arith.divf %broadcast_in_dim3A_91, %div3A_93 : vector<1024x1xf32>
    %sub3A_95 = vector.broadcast %div3A_84 : vector<1024x1xf32> to vector<1024x128xf32>
    %sub3A_96 = arith.subf %mul3A_78, %sub3A_95 : vector<1024x128xf32>
    %add3A_97 = arith.constant 9.99999974E-6 : f32
    %add3A_98 = vector.broadcast %add3A_97 : f32 to vector<1024x1xf32>
    %add3A_99 = arith.addf %div3A_94, %add3A_98 : vector<1024x1xf32>
    %sqrt3A_100 = math.sqrt %add3A_99 : vector<1024x1xf32>
    %div3A_101 = vector.broadcast %sqrt3A_100 : vector<1024x1xf32> to vector<1024x128xf32>
    %div3A_102 = arith.divf %sub3A_96, %div3A_101 : vector<1024x128xf32>
    %get3A_103 = arith.constant 0 : index
    %get3A_104 = arith.constant 0 : index
    %get3A_105 = vector.load %arg13[%get3A_103, %get3A_104] : memref<1x128xf32, #tpu.memory_space<vmem>>, vector<1x128xf32>
    %mul3A_106 = vector.broadcast %get3A_105 : vector<1x128xf32> to vector<1024x128xf32>
    %mul3A_107 = arith.mulf %div3A_102, %mul3A_106 : vector<1024x128xf32>
    %get3A_108 = arith.constant 0 : index
    %get3A_109 = arith.constant 0 : index
    %get3A_110 = vector.load %arg14[%get3A_108, %get3A_109] : memref<1x128xf32, #tpu.memory_space<vmem>>, vector<1x128xf32>
    %add3A_111 = vector.broadcast %get3A_110 : vector<1x128xf32> to vector<1024x128xf32>
    %add3A_112 = arith.addf %mul3A_107, %add3A_111 : vector<1024x128xf32>
    %get3A_113 = arith.constant 0 : index
    %get3A_114 = arith.constant 0 : index
    %get3A_115 = vector.load %arg15[%get3A_113, %get3A_114] : memref<128x128xf32, #tpu.memory_space<vmem>>, vector<128x128xf32>
    %dot_general3A_116 = arith.constant dense<0.000000e+00> : vector<1024x128xf32>
    %dot_general3A_117 = tpu.matmul %add3A_112, %get3A_115, %dot_general3A_116 {dimension_numbers = #tpu.dot_dimension_numbers<[1], [1], [0], [0], [0, 0, 1, 0], [], []>, transpose_lhs_hint = false} : vector<1024x128xf32>, vector<128x128xf32>, vector<1024x128xf32> -> vector<1024x128xf32>
    %get3A_118 = arith.constant 0 : index
    %get3A_119 = arith.constant 0 : index
    %get3A_120 = vector.load %arg16[%get3A_118, %get3A_119] : memref<1x128xf32, #tpu.memory_space<vmem>>, vector<1x128xf32>
    %add3A_121 = vector.broadcast %get3A_120 : vector<1x128xf32> to vector<1024x128xf32>
    %add3A_122 = arith.addf %dot_general3A_117, %add3A_121 : vector<1024x128xf32>
    %get3A_123 = arith.constant 0 : index
    %get3A_124 = arith.constant 0 : index
    %get3A_125 = vector.load %arg17[%get3A_123, %get3A_124] : memref<4x128xf32, #tpu.memory_space<vmem>>, vector<4x128xf32>
    %dot_general3A_126 = arith.constant dense<0.000000e+00> : vector<1024x4xf32>
    %dot_general3A_127 = tpu.matmul %add3A_122, %get3A_125, %dot_general3A_126 {dimension_numbers = #tpu.dot_dimension_numbers<[1], [1], [0], [0], [0, 0, 1, 0], [], []>, transpose_lhs_hint = false} : vector<1024x128xf32>, vector<4x128xf32>, vector<1024x4xf32> -> vector<1024x4xf32>
    %get3A_128 = arith.constant 0 : index
    %get3A_129 = arith.constant 0 : index
    %get3A_130 = vector.load %arg18[%get3A_128, %get3A_129] : memref<1x4xf32, #tpu.memory_space<vmem>>, vector<1x4xf32>
    %add3A_131 = vector.broadcast %get3A_130 : vector<1x4xf32> to vector<1024x4xf32>
    %add3A_132 = arith.addf %dot_general3A_127, %add3A_131 : vector<1024x4xf32>
    %swap3A = arith.constant 0 : index
    %swap3A_133 = arith.constant 0 : index
    %swap3A_134 = vector.load %arg19[%swap3A, %swap3A_133] : memref<1024x4xf32, #tpu.memory_space<vmem>>, vector<1024x4xf32>
    tpu.vector_store %arg19[%swap3A, %swap3A_133], %add3A_132 {strides = array<i32>} : memref<1024x4xf32, #tpu.memory_space<vmem>>, vector<1024x4xf32>,
    return
  }
  func.func @transform_0(%arg0: i32) -> (i32, i32) {
    %c0_i32 = arith.constant 0 : i32
    %c0_i32_0 = arith.constant 0 : i32
    return %arg0, %c0_i32 : i32, i32
  }
  func.func @transform_1(%arg0: i32) -> (i32, i32) {
    %c0_i32 = arith.constant 0 : i32
    %c0_i32_0 = arith.constant 0 : i32
    return %arg0, %c0_i32 : i32, i32
  }
  func.func @transform_2(%arg0: i32) -> (i32, i32) {
    %c0_i32 = arith.constant 0 : i32
    %c0_i32_0 = arith.constant 0 : i32
    return %arg0, %c0_i32 : i32, i32
  }
  func.func @transform_3(%arg0: i32) -> (i32, i32) {
    %c0_i32 = arith.constant 0 : i32
    %c0_i32_0 = arith.constant 0 : i32
    return %arg0, %c0_i32 : i32, i32
  }
  func.func @transform_4(%arg0: i32) -> (i32, i32) {
    %c0_i32 = arith.constant 0 : i32
    %c0_i32_0 = arith.constant 0 : i32
    return %arg0, %c0_i32 : i32, i32
  }
  func.func @transform_5(%arg0: i32) -> (i32, i32) {
    %c0_i32 = arith.constant 0 : i32
    %c0_i32_0 = arith.constant 0 : i32
    %c0_i32_1 = arith.constant 0 : i32
    return %c0_i32, %c0_i32_0 : i32, i32
  }
  func.func @transform_6(%arg0: i32) -> (i32, i32) {
    %c0_i32 = arith.constant 0 : i32
    %c0_i32_0 = arith.constant 0 : i32
    %c0_i32_1 = arith.constant 0 : i32
    return %c0_i32, %c0_i32_0 : i32, i32
  }
  func.func @transform_7(%arg0: i32) -> (i32, i32) {
    %c0_i32 = arith.constant 0 : i32
    %c0_i32_0 = arith.constant 0 : i32
    %c0_i32_1 = arith.constant 0 : i32
    return %c0_i32, %c0_i32_0 : i32, i32
  }
  func.func @transform_8(%arg0: i32) -> (i32, i32) {
    %c0_i32 = arith.constant 0 : i32
    %c0_i32_0 = arith.constant 0 : i32
    %c0_i32_1 = arith.constant 0 : i32
    return %c0_i32, %c0_i32_0 : i32, i32
  }
  func.func @transform_9(%arg0: i32) -> (i32, i32) {
    %c0_i32 = arith.constant 0 : i32
    %c0_i32_0 = arith.constant 0 : i32
    %c0_i32_1 = arith.constant 0 : i32
    return %c0_i32, %c0_i32_0 : i32, i32
  }
  func.func @transform_10(%arg0: i32) -> (i32, i32) {
    %c0_i32 = arith.constant 0 : i32
    %c0_i32_0 = arith.constant 0 : i32
    %c0_i32_1 = arith.constant 0 : i32
    return %c0_i32, %c0_i32_0 : i32, i32
  }
  func.func @transform_11(%arg0: i32) -> (i32, i32) {
    %c0_i32 = arith.constant 0 : i32
    %c0_i32_0 = arith.constant 0 : i32
    %c0_i32_1 = arith.constant 0 : i32
    return %c0_i32, %c0_i32_0 : i32, i32
  }
  func.func @transform_12(%arg0: i32) -> (i32, i32) {
    %c0_i32 = arith.constant 0 : i32
    %c0_i32_0 = arith.constant 0 : i32
    %c0_i32_1 = arith.constant 0 : i32
    return %c0_i32, %c0_i32_0 : i32, i32
  }
  func.func @transform_13(%arg0: i32) -> (i32, i32) {
    %c0_i32 = arith.constant 0 : i32
    %c0_i32_0 = arith.constant 0 : i32
    %c0_i32_1 = arith.constant 0 : i32
    return %c0_i32, %c0_i32_0 : i32, i32
  }
  func.func @transform_14(%arg0: i32) -> (i32, i32) {
    %c0_i32 = arith.constant 0 : i32
    %c0_i32_0 = arith.constant 0 : i32
    %c0_i32_1 = arith.constant 0 : i32
    return %c0_i32, %c0_i32_0 : i32, i32
  }
  func.func @transform_15(%arg0: i32) -> (i32, i32) {
    %c0_i32 = arith.constant 0 : i32
    %c0_i32_0 = arith.constant 0 : i32
    %c0_i32_1 = arith.constant 0 : i32
    return %c0_i32, %c0_i32_0 : i32, i32
  }
  func.func @transform_16(%arg0: i32) -> (i32, i32) {
    %c0_i32 = arith.constant 0 : i32
    %c0_i32_0 = arith.constant 0 : i32
    %c0_i32_1 = arith.constant 0 : i32
    return %c0_i32, %c0_i32_0 : i32, i32
  }
  func.func @transform_17(%arg0: i32) -> (i32, i32) {
    %c0_i32 = arith.constant 0 : i32
    %c0_i32_0 = arith.constant 0 : i32
    %c0_i32_1 = arith.constant 0 : i32
    return %c0_i32, %c0_i32_0 : i32, i32
  }
  func.func @transform_18(%arg0: i32) -> (i32, i32) {
    %c0_i32 = arith.constant 0 : i32
    %c0_i32_0 = arith.constant 0 : i32
    return %arg0, %c0_i32 : i32, i32
  }
}

</mosaic_0001>

<sc_bundles>
// kernel: kernel.12.cloned.1.call-start
scs
__scs_entry_jumppad:
0x0: {  	(pc) =	sbr.rel $0x88, $3  }
0x1: {  	(tag) =	ssettag $0x0;
	lr =	simm.s32 $0x1  }
0x2: {  	[smem:$0x3F6F] =	sst lr;
	_ =	strace $0xD0000000  }
0x3: {  	_ = 	snop  }
0x4: {  	_ = 	snop  }
0x5: {  	_ = 	snop  }
0x6: {  	_ = 	snop  }
0x7: {  	_ = 	snop  }
__scs_overlays_trampoline_lowered:
0x8: {  	[smem:$0x3F7E] =	sst s0  }
0x9: {  	[smem:$0x3F7F] =	sst s1  }
0xa: {  	[smem:$0x3F80] =	sst s2  }
0xb: {  	[smem:$0x3F81] =	sst s3  }
0xc: {  	[smem:$0x3F82] =	sst s4  }
0xd: {  	[smem:$0x3F83] =	sst s5  }
0xe: {  	[smem:$0x3F84] =	sst s6  }
0xf: {  	[smem:$0x3F85] =	sst s7  }
0x10: {  	[smem:$0x3F86] =	sst s8  }
0x11: {  	[smem:$0x3F87] =	sst s9;
	s0 =	simm.s32 @!p0 $0x0  }
0x12: {  	s1 =	sld [smem:$0x3F6D];
	s0 =	simm.s32 @p0 $0x1  }
0x13: {  	[smem:$0x3F88] =	sst s0;
	s0 =	simm.s32 @!p1 $0x0  }
0x14: {  	s2 =	sld [smem:$0x3F6C];
	s0 =	simm.s32 @p1 $0x1  }
0x15: {  	[smem:$0x3F89] =	sst s0;
	s0 =	simm.s32 @!p2 $0x0  }
0x16: {  	s3 =	sld [smem:$0x3FDB];
	s0 =	simm.s32 @p2 $0x1  }
0x17: {  	s4 =	simm.s32 $0x1BF5;
	[smem:$0x3F8B] =	sst s0  }
0x18: {  	s0 =	sld [smem:$0x3F6E];
	_ =	swait.ge [sflag:s4], $0x0  }
0x19: {  	s7 =	sld [smem:$0x3F6F]  }
0x1a: {  	s8 =	sadd.s32 $0xFFFFE003, lr  }
0x1b: {  	s9 =	sadd.s32 $0xFFFFFEF7, lr;
	s5 =	simm.s32 $0xFFFFFFFF;
	p2 =	slt.u32 s8, $0xFFFFF086  }
0x1c: {  	p1 =	slt.u32 s9, $0xF7A;
	s5 =	simm.s32 @!p2 $0x0  }
0x1d: {  	s5 =	simm.s32 @p1 $0x1;
	p0 =	seq.s32 s7, s2  }
0x1e: {  	s7 =	smul.u32 @!p0 $0xF7A, s2;
	p2 =	seq.s32 @!p0 s5, $0x0  }
0x1f: {  	s9 =	smul.u32 $0xF7A, s1;
	s8 =	simm.s32 @!p0 $0x1BF5;
	p2 =	por !p2, p0  }
0x20: {  	[sflag:s8] =	ssyncset.s32 @!p0 $0xFFFFF086;
	s6 =	sadd.s32 @!p0 s3, s7;
	s7 =	simm.s32 @!p0 $0x108  }
0x21: {  	s3 =	sadd.s32 s3, s9;
	s6 =	sadd.s32 @!p0 $0x88, s6;
	s7 =	simm.s32 @p2 $0x1082  }
0x22: {  	[simem:s7], [sflag:s8] =	dma.local @!p0 [hbm:s6], $0xF7A  }
0x23: {  	s9 =	sor.u32 $0xD0000000, s2;
	s6 =	simm.s32 $0x108;
	_ =	swait.ge @!p0 [sflag:s8], $0x0  }
0x24: {  	s3 =	sadd.s32 $0x88, s3;
	s6 =	simm.s32 @!p1 $0x1082;
	[sflag:s4] =	ssyncset.s32 $0xFFFFF086  }
0x25: {  	[simem:s6], [sflag:s4] =	dma.local [hbm:s3], $0xF7A  }
0x26: {  	[smem:$0x3F6F] =	sst s1;
	(tag) =	ssettag s2;
	_ =	strace s9  }
0x27: {  	s1 =	sld [smem:$0x3F7F]  }
0x28: {  	s2 =	sld [smem:$0x3F80]  }
0x29: {  	s4 =	sld [smem:$0x3F82]  }
0x2a: {  	p0 =	seq.s32 s5, $0x0;
	s5 =	sld [smem:$0x3F83]  }
0x2b: {  	s6 =	sld [smem:$0x3F84]  }
0x2c: {  	s7 =	sld [smem:$0x3F85]  }
0x2d: {  	s3 =	simm.s32 $0x108;
	s8 =	sld [smem:$0x3F86]  }
0x2e: {  	s3 =	simm.s32 @!p0 $0x1082;
	s9 =	sld [smem:$0x3F87]  }
0x2f: {  	lr =	sadd.s32 s0, s3;
	s0 =	sld [smem:$0x3F7E]  }
0x30: {  	s3 =	sld [smem:$0x3F81]  }
0x31: {  	[smem:$0x3F8A] =	sst s10  }
0x32: {  	s10 =	sld [smem:$0x3F88];
	_ =	sdelay $0x3  }
0x33: {  	p0 =	seq.s32 s10, $0x1;
	s10 =	sld [smem:$0x3F8A];
	_ =	sdelay $0x3  }
0x34: {  	[smem:$0x3F8A] =	sst s10  }
0x35: {  	s10 =	sld [smem:$0x3F89];
	_ =	sdelay $0x3  }
0x36: {  	p1 =	seq.s32 s10, $0x1;
	s10 =	sld [smem:$0x3F8A];
	_ =	sdelay $0x3  }
0x37: {  	[smem:$0x3F8A] =	sst s10  }
0x38: {  	s10 =	sld [smem:$0x3F8B]  }
0x39: {  	_ = 	snop;
	(pc) =	sbr.ind lr, $3  }
0x3a: {  	_ = 	snop  }
0x3b: {  	_ = 	snop  }
0x3c: {  	p2 =	seq.s32 s10, $0x1;
	s10 =	sld [smem:$0x3F8A]  }
0x3d: {  	_ =	shalt  }
0x3e: {  	_ =	shalt  }
0x3f: {  	_ =	shalt  }
0x40: {  	_ =	shalt  }
0x41: {  	_ =	shalt  }
0x42: {  	_ =	shalt  }
0x43: {  	_ =	shalt  }
0x44: {  	_ =	shalt  }
0x45: {  	_ =	shalt  }
0x46: {  	_ =	shalt  }
0x47: {  	_ =	shalt  }
0x48: {  	_ =	shalt  }
0x49: {  	_ =	shalt  }
0x4a: {  	_ =	shalt  }
0x4b: {  	_ =	shalt  }
0x4c: {  	_ =	shalt  }
0x4d: {  	_ =	shalt  }
0x4e: {  	_ =	shalt  }
0x4f: {  	_ =	shalt  }
0x50: {  	_ =	shalt  }
0x51: {  	_ =	shalt  }
0x52: {  	_ =	shalt  }
0x53: {  	_ =	shalt  }
0x54: {  	_ =	shalt  }
0x55: {  	_ =	shalt  }
0x56: {  	_ =	shalt  }
0x57: {  	_ =	shalt  }
0x58: {  	_ =	shalt  }
0x59: {  	_ =	shalt  }
0x5a: {  	_ =	shalt  }
0x5b: {  	_ =	shalt  }
0x5c: {  	_ =	shalt  }
0x5d: {  	_ =	shalt  }
0x5e: {  	_ =	shalt  }
0x5f: {  	_ =	shalt  }
0x60: {  	_ =	shalt  }
0x61: {  	_ =	shalt  }
0x62: {  	_ =	shalt  }
0x63: {  	_ =	shalt  }
0x64: {  	_ =	shalt  }
0x65: {  	_ =	shalt  }
0x66: {  	_ =	shalt  }
0x67: {  	_ =	shalt  }
0x68: {  	_ =	shalt  }
0x69: {  	_ =	shalt  }
0x6a: {  	_ =	shalt  }
0x6b: {  	_ =	shalt  }
0x6c: {  	_ =	shalt  }
0x6d: {  	_ =	shalt  }
0x6e: {  	_ =	shalt  }
0x6f: {  	_ =	shalt  }
0x70: {  	_ =	shalt  }
0x71: {  	_ =	shalt  }
0x72: {  	_ =	shalt  }
0x73: {  	_ =	shalt  }
0x74: {  	_ =	shalt  }
0x75: {  	_ =	shalt  }
0x76: {  	_ =	shalt  }
0x77: {  	_ =	shalt  }
0x78: {  	_ =	shalt  }
0x79: {  	_ =	shalt  }
0x7a: {  	_ =	shalt  }
0x7b: {  	_ =	shalt  }
0x7c: {  	_ =	shalt  }
0x7d: {  	_ =	shalt  }
0x7e: {  	_ =	shalt  }
0x7f: {  	_ =	shalt  }
0x80: {  	_ =	shalt  }
0x81: {  	_ =	shalt  }
0x82: {  	_ =	shalt  }
0x83: {  	_ =	shalt  }
0x84: {  	_ =	shalt  }
0x85: {  	_ =	shalt  }
0x86: {  	_ =	shalt  }
0x87: {  	_ =	shalt  }
.Lfunc_end0:
.L_simem_size_0:
called_computation_lowered:
.L_overlay_start_0:
0x88: {  	s2 =	sld [smem:$0x3FD9]  }
0x89: {  	s3 =	sld [smem:$0x3FFE];
	_ =	sdelay $0x1  }
0x8a: {  	s1 =	srdreg.scid  }
0x8b: {  	s0 =	sand.u32 $0x1, s1  }
0x8c: {  	s16 =	sshll.u32 s0, $0xA;
	s2 =	sadd.s32 s3, s2  }
0x8d: {  	s2 =	sadd.s32 s2, s16  }
0x8e: {  	[smem:$0x3F96] =	sst s2  }
0x8f: {  	_ = 	snop  }
0x90: {  	(tm) =	ssettm $0x1  }
0x91: {  	s17 =	sld [smem:$0x3FFB];
	_ =	sdelay $0x3  }
0x92: {  	_ =	strace s17  }
0x93: {  	s2 =	sld [smem:$0x3FFC];
	_ =	sdelay $0x3  }
0x94: {  	_ =	strace s2  }
0x95: {  	s2 =	sld [smem:$0x3FFD];
	_ =	sdelay $0x3  }
0x96: {  	_ =	strace s2  }
0x97: {  	_ =	strace $0x8FFFFFFF  }
0x98: {  	s18 =	sld [smem:$0x3FDB];
	_ =	sdelay $0x1  }
0x99: {  	s19 =	simm.s32 $_scs_section_size  }
0x9a: {  	s4 =	simm.s32 $_size__tile_overlayer_lowered;
	s5 =	simm.s32 $_tile_overlayer_lowered  }
0x9b: {  	s22 =	simm.s32 $0x1BFF;
	s21 =	sshll.u32 s5, $0x1;
	s2 =	sadd.s32 s19, s18  }
0x9c: {  	s6 =	simm.s32 $0x0;
	s20 =	sshll.u32 s4, $0x1;
	s4 =	sadd.s32 s21, s2  }
0x9d: {  	[timem:s6], [sflag:s22] =	dma.local [hbm:s4], s20  }
0x9e: {  	_ =	swait.ge [sflag:s22], s20  }
0x9f: {  	s3 =	ssub.s32 $0x0, s20;
	[sflag:s22] =	ssyncset.done $0x0  }
0xa0: {  	[sflag:s22] =	ssyncadd.s32 s3;
	_ =	sdelay $0x1  }
0xa1: {  	s23 =	simm.s32 $0x1B8B  }
0xa2: {  	_ =	swait.ge [sflag:s23], $0x1  }
0xa3: {  	[sflag:s23] =	ssyncset.done $0x0  }
0xa4: {  	s25 =	simm.s32 $0x1B8E;
	s24 =	sld [smem:$0x3FFE];
	[sflag:s23] =	ssyncadd.s32 $0xFFFFFFFF  }
0xa5: {  	s26 =	simm.s32 $execute0_lowered;
	[smem:$0x3FD2] =	sst s25  }
0xa6: {  	s4 =	sshll.u32 s26, $0x1;
	_ =	strace $0x80000046;
	[dreg:$0x1] =	wrdreg $0xFFFFFFFF  }
0xa7: {  	s28 =	simm.s32 $_size_execute0_lowered;
	s2 =	sadd.s32 s2, s4;
	[dreg:$0x0] =	wrdreg $0x0  }
0xa8: {  	s4 =	sshll.u32 s28, $0x1;
	[dreg:$0x2] =	wrdreg s2  }
0xa9: {  	[dreg:$0x3] =	wrdreg s4  }
0xaa: {  	[dreg:$0x4] =	wrdreg $0xC0  }
0xab: {  	_ =	task [dreg:s6], $0x5FFFF  }
0xac: {  	[dreg:$0x1] =	wrdreg $0xFFFFFFFF  }
0xad: {  	[dreg:$0x0] =	wrdreg $0x60  }
0xae: {  	[dreg:$0x2] =	wrdreg s24  }
0xaf: {  	[dreg:$0x3] =	wrdreg $0x9  }
0xb0: {  	_ =	task.clear_ibuf [dreg:s6], $0x4FFFF;
	_ =	strace $0x90000046  }
0xb1: {  	s29 =	simm.s32 $0x9;
	_ =	strace $0x80000048  }
0xb2: {  	_ =	swait.ge [sflag:s29], $0x1  }
0xb3: {  	[sflag:s29] =	ssyncadd.s32 $0xFFFFFFFF  }
0xb4: {  	_ =	strace $0x90000048  }
0xb5: {  	_ =	sfence  }
0xb6: {  	s30 =	sld [smem:$0x0];
	_ =	sdelay $0x2  }
0xb7: {  	s31 =	sshll.u32 s1, $0xD;
	s1 =	sshrl.u32 s1, $0x2  }
0xb8: {  	s3 =	sand.u32 $0x4000, s31;
	s1 =	sadd.s32 s1, s30  }
0xb9: {  	s0 =	sor.u32 s3, s0;
	s1 =	sshll.u32 s1, $0x11  }
0xba: {  	s0 =	sor.u32 s1, s0  }
0xbb: {  	s0 =	sadd.s32 $0x8F2B, s0  }
0xbc: {  	[sflag:s0] =	ssyncadd.remote.s32 $0x1  }
0xbd: {  	_ =	sfence.sel $0xFFFF  }
0xbe: {  	[dreg:$0x0] =	wrdreg $0xFFFFFFFF;
	(pc) =	sbr.abs _section_cstart, $3  }
0xbf: {  	[dreg:$0x1] =	wrdreg $0xFFFFFFFF  }
0xc0: {  	_ =	task.clear_ibuf [dreg:s6], $0x2FFFF;
	_ =	strace $0x9FFFFFFF  }
0xc1: {  	(tm) =	ssettm $0x7FFFFFFF  }
tec
execute0_lowered:
.L_overlay_start_1:
0x0: {  	(tag) =	ssettag $0x1  }
0x1: {  	s0 =	srdreg.scid  }
0x2: {  	s2 =	stileid.u32;
	s1 =	rddreg [dreg:$0x0];
	s28 =	simm.s32 $0xC700  }
0x3: {  	s29 =	simm.s32 $0x1;
	s30 =	simm.s32 $0x2;
	s31 =	simm.s32 $0xCF00  }
0x4: {  	s11 =	simm.s32 $0x3;
	s12 =	simm.s32 $0x4;
	s13 =	simm.s32 $0xFF00  }
0x5: {  	s14 =	simm.s32 $0x10F00;
	s15 =	simm.s32 $0x11F00;
	s9 =	simm.s32 $0x0  }
0x6: {  	s0 =	sand.u32 $0x1, s0;
	s3 =	sshll.u32 s2, $0x1;
	s2 =	simm.s32 $0x0  }
0x7: {  	s4 =	sadd.s32 $0x44800, s1;
	s6 =	sor.u32 s0, s3;
	s0 =	ssub.s32 $0x2, s0  }
0x8: {  	[smem:$0x7FF] =	sst s2;
	s3 =	smul.u32 $0x2780, s6;
	s24 =	sshrl.u32 s0, $0x1  }
0x9: {  	_ =	strace $0x80000047;
	s8 =	smul.u32 $0x13C000, s6;
	s0 =	ssub.s32 s0, s24  }
.Ltmp0:
0xa: {  	s24 =	simm.s32 $0xAF00;
	s5 =	sshrl.u32 s3, $0x3;
	(pc) =	sbr.rel .LBB2_1-.Ltmp0, $4  }
0xb: {  	s0 =	smax.u32 s0, $0x1;
	s7 =	sadd.s32 s5, s1;
	s5 =	sadd.s32 $0xBC800, s1  }
0xc: {  	v2 =	vlaneseq.u32;
	[dreg:$0x4] =	wrdreg s0;
	s1 =	simm.s32 $0xDF00;
	s25 =	sadd.s32 $0x3AA00, s7  }
0xd: {  	vm0 =	vmmov $0xffff;
	v1 =	vshrl.u32 v2, $0x3;
	s0 =	simm.s32 $0xEF00;
	s26 =	sadd.s32 $0x30C00, s7;
	[dreg:$0x2] =	wrdreg s25  }
0xe: {  	v0 =	vand.u32 $0x7, v2;
	v2 =	vor.u32 $0x8, v2;
	v1 =	vmul.u32 $0x8, v1;
	[dreg:$0x3] =	wrdreg s26;
	s25 =	simm.s32 $0xB700;
	s26 =	simm.s32 $0xBF00  }
.LBB2_8:
0xf: {  	s6 =	simm.s32 $0x5  }
0x10: {  	_ =	swait.ge [sflag:s6], $0x1000  }
0x11: {  	[sflag:s6] =	ssyncset.done $0x0  }
0x12: {  	[sflag:s6] =	ssyncadd.s32 $0xFFFFF000  }
0x13: {  	_ =	swait.ge [sflag:s6], $0x1000  }
0x14: {  	[sflag:s6] =	ssyncset.done $0x0  }
0x15: {  	[sflag:s6] =	ssyncadd.s32 $0xFFFFF000  }
0x16: {  	_ =	swait.ge [sflag:s6], $0x1000  }
0x17: {  	[sflag:s6] =	ssyncset.done $0x0  }
0x18: {  	s7 =	simm.s32 $0x6;
	[sflag:s6] =	ssyncadd.s32 $0xFFFFF000  }
0x19: {  	_ =	swait.ge [sflag:s7], $0x1000  }
0x1a: {  	[sflag:s7] =	ssyncset.done $0x0  }
0x1b: {  	[sflag:s7] =	ssyncadd.s32 $0xFFFFF000  }
0x1c: {  	_ =	swait.ge [sflag:s7], $0x1000  }
0x1d: {  	[sflag:s7] =	ssyncset.done $0x0  }
0x1e: {  	[sflag:s7] =	ssyncadd.s32 $0xFFFFF000  }
0x1f: {  	_ =	swait.ge [sflag:s7], $0x1000  }
0x20: {  	s9 =	rddreg [dreg:$0x5]  }
0x21: {  	s23 =	rddreg [dreg:$0x4];
	s9 =	sadd.s32 $0x1, s9  }
0x22: {  	p0 =	sne.s32 s9, s23  }
.Ltmp1:
0x23: {  	_ = 	snop;
	(pc) =	sbr.rel @!p0 .LBB2_9-.Ltmp1, $3  }
0x24: {  	_ =	sdelay $0x1  }
0x25: {  	[sflag:s7] =	ssyncset.done $0x0  }
0x26: {  	[sflag:s7] =	ssyncadd.s32 $0xFFFFF000  }
.LBB2_1:
0x27: {  	[dreg:$0x5] =	wrdreg s9  }
0x28: {  	s6 =	rddreg [dreg:$0x2];
	s7 =	simm.s32 $0x7  }
0x29: {  	[tilespmem:s2], [sflag:$0x7] =	stream.linear.gather [hbm4b:s6+s2], $0x2780, $0x38;
	[tilespmem:$0x12F00] =	vst v63  }
0x2a: {  	_ =	swait.ge [sflag:s7], $0x2780  }
0x2b: {  	[sflag:s7] =	ssyncset.done $0x0  }
0x2c: {  	s22 =	simm.s32 $0x2780;
	s21 =	rddreg [dreg:$0x3];
	[sflag:s7] =	ssyncadd.s32 $0xFFFFD880  }
0x2d: {  	[tilespmem:s22], [sflag:$0x7] =	stream.linear.gather [hbm4b:s21+s2], $0x2780, $0x38;
	[tilespmem:$0x12F00] =	vst v63  }
0x2e: {  	_ =	swait.ge [sflag:s7], $0x2780  }
0x2f: {  	[sflag:s7] =	ssyncset.done $0x0  }
0x30: {  	[sflag:s7] =	ssyncadd.s32 $0xFFFFD880  }
0x31: {  	v3 =	vld [tilespmem:$0x0];
	_ =	sdelay $0x4  }
0x32: {  	v4 =	vshll.u32 v3, $0x1  }
0x33: {  	v3 =	vand.u32 $0x7, v3;
	v4 =	vand.u32 $0xFFFFFFF0, v4  }
0x34: {  	v3 =	vor.u32 v3, v4  }
0x35: {  	v4 =	vperm.xlane v3, v0;
	_ =	sdelay $0x1  }
0x36: {  	v3 =	vperm.xlane v3, v2;
	v4 =	vadd.s32 v1, v4;
	_ =	sdelay $0x1  }
0x37: {  	v3 =	vadd.s32 v1, v3;
	_ =	sdelay $0x1  }
0x38: {  	s23 =	simm.s32 $0x4F00  }
0x39: {  	[tilespmem:s23], [sflag:$0x1] =	stream.indirect_vreg.gather [hbm4b:s4+s2], $0x80, v4, vm0, $0xb8;
	[tilespmem:$0x12F00] =	vst v63  }
0x3a: {  	s7 =	simm.s32 $0x5700  }
0x3b: {  	[tilespmem:s7], [sflag:$0x1] =	stream.indirect_vreg.gather [hbm4b:s4+s2], $0x80, v3, vm0, $0xb8;
	[tilespmem:$0x12F00] =	vst v63  }
0x3c: {  	v3 =	vld [tilespmem:$0x10];
	_ =	sdelay $0x4  }
0x3d: {  	v57 =	vshll.u32 v3, $0x1  }
0x3e: {  	v3 =	vand.u32 $0x7, v3;
	v4 =	vand.u32 $0xFFFFFFF0, v57  }
0x3f: {  	v3 =	vor.u32 v3, v4  }
0x40: {  	v4 =	vperm.xlane v3, v0;
	_ =	sdelay $0x1  }
0x41: {  	v3 =	vperm.xlane v3, v2;
	v4 =	vadd.s32 v1, v4;
	_ =	sdelay $0x1  }
0x42: {  	v3 =	vadd.s32 v1, v3;
	_ =	sdelay $0x1  }
0x43: {  	s9 =	simm.s32 $0x5F00  }
0x44: {  	[tilespmem:s9], [sflag:$0x1] =	stream.indirect_vreg.gather [hbm4b:s4+s2], $0x80, v4, vm0, $0xb8;
	[tilespmem:$0x12F00] =	vst v63  }
0x45: {  	s10 =	simm.s32 $0x6700  }
0x46: {  	[tilespmem:s10], [sflag:$0x1] =	stream.indirect_vreg.gather [hbm4b:s4+s2], $0x80, v3, vm0, $0xb8;
	[tilespmem:$0x12F00] =	vst v63  }
0x47: {  	v3 =	vld [tilespmem:$0x2780];
	_ =	sdelay $0x4  }
0x48: {  	v58 =	vshll.u32 v3, $0x1  }
0x49: {  	v3 =	vand.u32 $0x7, v3;
	v4 =	vand.u32 $0xFFFFFFF0, v58  }
0x4a: {  	v3 =	vor.u32 v3, v4  }
0x4b: {  	v4 =	vperm.xlane v3, v0;
	_ =	sdelay $0x1  }
0x4c: {  	v3 =	vperm.xlane v3, v2;
	v4 =	vadd.s32 v1, v4;
	_ =	sdelay $0x1  }
0x4d: {  	v3 =	vadd.s32 v1, v3;
	_ =	sdelay $0x1  }
0x4e: {  	s16 =	simm.s32 $0x6F00  }
0x4f: {  	[tilespmem:s16], [sflag:$0x2] =	stream.indirect_vreg.gather [hbm4b:s4+s2], $0x80, v4, vm0, $0xb8;
	[tilespmem:$0x12F00] =	vst v63  }
0x50: {  	s17 =	simm.s32 $0x7700  }
0x51: {  	[tilespmem:s17], [sflag:$0x2] =	stream.indirect_vreg.gather [hbm4b:s4+s2], $0x80, v3, vm0, $0xb8;
	[tilespmem:$0x12F00] =	vst v63  }
0x52: {  	v3 =	vld [tilespmem:$0x2790];
	_ =	sdelay $0x4  }
0x53: {  	v59 =	vshll.u32 v3, $0x1  }
0x54: {  	v3 =	vand.u32 $0x7, v3;
	v4 =	vand.u32 $0xFFFFFFF0, v59  }
0x55: {  	v3 =	vor.u32 v3, v4  }
0x56: {  	v4 =	vperm.xlane v3, v0;
	_ =	sdelay $0x1  }
0x57: {  	v3 =	vperm.xlane v3, v2;
	v4 =	vadd.s32 v1, v4;
	_ =	sdelay $0x1  }
0x58: {  	v3 =	vadd.s32 v1, v3;
	_ =	sdelay $0x1  }
0x59: {  	s18 =	simm.s32 $0x7F00  }
0x5a: {  	[tilespmem:s18], [sflag:$0x2] =	stream.indirect_vreg.gather [hbm4b:s4+s2], $0x80, v4, vm0, $0xb8;
	[tilespmem:$0x12F00] =	vst v63  }
0x5b: {  	s19 =	simm.s32 $0x8700  }
0x5c: {  	[tilespmem:s19], [sflag:$0x2] =	stream.indirect_vreg.gather [hbm4b:s4+s2], $0x80, v3, vm0, $0xb8;
	[tilespmem:$0x12F00] =	vst v63  }
0x5d: {  	v3 =	vld [tilespmem:$0x20];
	_ =	sdelay $0x4  }
0x5e: {  	v60 =	vshll.u32 v3, $0x1  }
0x5f: {  	v3 =	vand.u32 $0x7, v3;
	v4 =	vand.u32 $0xFFFFFFF0, v60  }
0x60: {  	v3 =	vor.u32 v3, v4  }
0x61: {  	v4 =	vperm.xlane v3, v0;
	_ =	sdelay $0x1  }
0x62: {  	v3 =	vperm.xlane v3, v2;
	v4 =	vadd.s32 v1, v4;
	_ =	sdelay $0x1  }
0x63: {  	v3 =	vadd.s32 v1, v3;
	_ =	sdelay $0x1  }
0x64: {  	s20 =	simm.s32 $0x8F00  }
0x65: {  	[tilespmem:s20], [sflag:$0x3] =	stream.indirect_vreg.gather [hbm4b:s4+s2], $0x80, v4, vm0, $0xb8;
	[tilespmem:$0x12F00] =	vst v63  }
0x66: {  	s21 =	simm.s32 $0x9700  }
0x67: {  	[tilespmem:s21], [sflag:$0x3] =	stream.indirect_vreg.gather [hbm4b:s4+s2], $0x80, v3, vm0, $0xb8;
	[tilespmem:$0x12F00] =	vst v63  }
0x68: {  	v3 =	vld [tilespmem:$0x30];
	_ =	sdelay $0x4  }
0x69: {  	v61 =	vshll.u32 v3, $0x1  }
0x6a: {  	v3 =	vand.u32 $0x7, v3;
	v4 =	vand.u32 $0xFFFFFFF0, v61  }
0x6b: {  	v3 =	vor.u32 v3, v4  }
0x6c: {  	v4 =	vperm.xlane v3, v0;
	_ =	sdelay $0x1  }
0x6d: {  	v3 =	vperm.xlane v3, v2;
	v4 =	vadd.s32 v1, v4;
	_ =	sdelay $0x1  }
0x6e: {  	v3 =	vadd.s32 v1, v3;
	_ =	sdelay $0x1  }
0x6f: {  	s22 =	simm.s32 $0x9F00  }
0x70: {  	[tilespmem:s22], [sflag:$0x3] =	stream.indirect_vreg.gather [hbm4b:s4+s2], $0x80, v4, vm0, $0xb8;
	[tilespmem:$0x12F00] =	vst v63  }
0x71: {  	s23 =	simm.s32 $0xA700  }
0x72: {  	[tilespmem:s23], [sflag:$0x3] =	stream.indirect_vreg.gather [hbm4b:s4+s2], $0x80, v3, vm0, $0xb8;
	[tilespmem:$0x12F00] =	vst v63  }
0x73: {  	v3 =	vld [tilespmem:$0x27A0];
	_ =	sdelay $0x4  }
0x74: {  	v62 =	vshll.u32 v3, $0x1  }
0x75: {  	v3 =	vand.u32 $0x7, v3;
	v4 =	vand.u32 $0xFFFFFFF0, v62  }
0x76: {  	v3 =	vor.u32 v3, v4  }
0x77: {  	v4 =	vperm.xlane v3, v0;
	_ =	sdelay $0x1  }
0x78: {  	v3 =	vperm.xlane v3, v2;
	v4 =	vadd.s32 v1, v4;
	_ =	sdelay $0x1  }
0x79: {  	v3 =	vadd.s32 v1, v3;
	_ =	sdelay $0x2  }
0x7a: {  	[tilespmem:s24], [sflag:$0x4] =	stream.indirect_vreg.gather [hbm4b:s4+s2], $0x80, v4, vm0, $0xb8;
	[tilespmem:$0x12F00] =	vst v63  }
0x7b: {  	_ = 	snop  }
0x7c: {  	[tilespmem:s25], [sflag:$0x4] =	stream.indirect_vreg.gather [hbm4b:s4+s2], $0x80, v3, vm0, $0xb8;
	[tilespmem:$0x12F00] =	vst v63  }
0x7d: {  	v3 =	vld [tilespmem:$0x27B0];
	_ =	sdelay $0x4  }
0x7e: {  	v63 =	vshll.u32 v3, $0x1  }
0x7f: {  	v3 =	vand.u32 $0x7, v3;
	v4 =	vand.u32 $0xFFFFFFF0, v63  }
0x80: {  	v3 =	vor.u32 v3, v4  }
0x81: {  	v4 =	vperm.xlane v3, v0;
	_ =	sdelay $0x1  }
0x82: {  	v3 =	vperm.xlane v3, v2;
	v4 =	vadd.s32 v1, v4;
	_ =	sdelay $0x1  }
0x83: {  	v3 =	vadd.s32 v1, v3;
	_ =	sdelay $0x2  }
0x84: {  	[tilespmem:s26], [sflag:$0x4] =	stream.indirect_vreg.gather [hbm4b:s4+s2], $0x80, v4, vm0, $0xb8;
	[tilespmem:$0x12F00] =	vst v63  }
0x85: {  	s19 =	simm.s32 $0x0  }
0x86: {  	[tilespmem:s28], [sflag:$0x4] =	stream.indirect_vreg.gather [hbm4b:s4+s2], $0x80, v3, vm0, $0xb8;
	[tilespmem:$0x12F00] =	vst v63  }
.LBB2_2:
0x87: {  	_ =	swait.ge [sflag:s29], $0x2000  }
0x88: {  	[sflag:s29] =	ssyncset.done $0x0  }
0x89: {  	[sflag:s29] =	ssyncadd.s32 $0xFFFFE000  }
0x8a: {  	_ =	swait.ge [sflag:s30], $0x2000  }
0x8b: {  	p0 =	seq.s32 s19, $0x0;
	[sflag:s30] =	ssyncset.done $0x0  }
0x8c: {  	s6 =	simm.s32 @!p0 $0x5;
	[sflag:s30] =	ssyncadd.s32 $0xFFFFE000  }
0x8d: {  	_ =	swait.ge @!p0 [sflag:s6], $0x1000  }
0x8e: {  	[sflag:s6] =	ssyncset.done @!p0 $0x0  }
0x8f: {  	[sflag:s6] =	ssyncadd.s32 @!p0 $0xFFFFF000  }
0x90: {  	_ =	swait.ge @!p0 [sflag:s6], $0x1000  }
0x91: {  	[sflag:s6] =	ssyncset.done @!p0 $0x0  }
0x92: {  	[sflag:s6] =	ssyncadd.s32 @!p0 $0xFFFFF000  }
0x93: {  	s7 =	simm.s32 $0x0;
	s9 =	simm.s32 $0x0;
	_ =	swait.ge @!p0 [sflag:s6], $0x1000  }
0x94: {  	s10 =	sand.u32 $0x1800, s7;
	s20 =	sand.u32 $0x300, s9;
	[sflag:s6] =	ssyncset.done @!p0 $0x0  }
0x95: {  	s7 =	sor.u32 s20, s10;
	[sflag:s6] =	ssyncadd.s32 @!p0 $0xFFFFF000  }
0x96: {  	v3 =	vld [tilespmem:s7+$0x4F00];
	_ =	sdelay $0x3  }
0x97: {  	s6 =	simm.s32 $0xCF80;
	v4 =	vld [tilespmem:s7+$0x7300]  }
0x98: {  	v5 =	vld [tilespmem:s7+$0x5300];
	[tilespmem:s6+$0xFFFFFF80] =	vst v3  }
0x99: {  	v3 =	vld [tilespmem:s7+$0x6F00];
	_ =	sdelay $0x3  }
0x9a: {  	s9 =	simm.s32 $0xDF80  }
0x9b: {  	[tilespmem:s9+$0xFFFFFF80] =	vst v3  }
0x9c: {  	v3 =	vld [tilespmem:s7+$0x4F10];
	_ =	sdelay $0x4  }
0x9d: {  	[tilespmem:s6+$0xFFFFFF90] =	vst v3  }
0x9e: {  	v3 =	vld [tilespmem:s7+$0x6F10];
	_ =	sdelay $0x4  }
0x9f: {  	[tilespmem:s9+$0xFFFFFF90] =	vst v3  }
0xa0: {  	v3 =	vld [tilespmem:s7+$0x4F20];
	_ =	sdelay $0x4  }
0xa1: {  	[tilespmem:s6+$0xFFFFFFA0] =	vst v3  }
0xa2: {  	v3 =	vld [tilespmem:s7+$0x6F20];
	_ =	sdelay $0x4  }
0xa3: {  	[tilespmem:s9+$0xFFFFFFA0] =	vst v3  }
0xa4: {  	v3 =	vld [tilespmem:s7+$0x4F30];
	_ =	sdelay $0x4  }
0xa5: {  	[tilespmem:s6+$0xFFFFFFB0] =	vst v3  }
0xa6: {  	v3 =	vld [tilespmem:s7+$0x6F30];
	_ =	sdelay $0x4  }
0xa7: {  	[tilespmem:s9+$0xFFFFFFB0] =	vst v3  }
0xa8: {  	v3 =	vld [tilespmem:s7+$0x4F40];
	_ =	sdelay $0x4  }
0xa9: {  	[tilespmem:s6+$0xFFFFFFC0] =	vst v3  }
0xaa: {  	v3 =	vld [tilespmem:s7+$0x6F40];
	_ =	sdelay $0x4  }
0xab: {  	[tilespmem:s9+$0xFFFFFFC0] =	vst v3  }
0xac: {  	v3 =	vld [tilespmem:s7+$0x4F50];
	_ =	sdelay $0x4  }
0xad: {  	[tilespmem:s6+$0xFFFFFFD0] =	vst v3  }
0xae: {  	v3 =	vld [tilespmem:s7+$0x6F50];
	_ =	sdelay $0x3  }
0xaf: {  	v4 =	vsub.f32 v5, v4  }
0xb0: {  	[tilespmem:s9+$0xFFFFFFD0] =	vst v3  }
0xb1: {  	v3 =	vmul.f32 v4, v4;
	v4 =	vld [tilespmem:s7+$0x4F60];
	_ =	sdelay $0x1  }
0xb2: {  	(v2sf) =	vpush v3, $0x0  }
0xb3: {  	(v2sf) =	vpush v3, $0x1;
	_ =	sdelay $0x1  }
0xb4: {  	(v2sf) =	vpush v3, $0x2;
	[tilespmem:s6+$0xFFFFFFE0] =	vst v4  }
0xb5: {  	v3 =	vld [tilespmem:s7+$0x6F60];
	_ =	sdelay $0x4  }
0xb6: {  	[tilespmem:s9+$0xFFFFFFE0] =	vst v3  }
0xb7: {  	v3 =	vld [tilespmem:s7+$0x4F70];
	_ =	sdelay $0x4  }
0xb8: {  	s16 =	spop (v2sf);
	[tilespmem:s6+$0xFFFFFFF0] =	vst v3  }
0xb9: {  	s17 =	spop (v2sf);
	v3 =	vld [tilespmem:s7+$0x6F70]  }
0xba: {  	s21 =	sadd.f32 s17, s16  }
0xbb: {  	s22 =	spop (v2sf)  }
0xbc: {  	s16 =	sadd.f32 s21, s22  }
0xbd: {  	s23 =	simm.s32 $0x80  }
0xbe: {  	s18 =	sand.u32 $0x380, s23;
	s7 =	simm.s32 $0xEF80;
	[tilespmem:s9+$0xFFFFFFF0] =	vst v3;
	v3 =	vmov s16  }
0xbf: {  	s10 =	sor.u32 s10, s18;
	[tilespmem:s7+$0xFFFFFF80] =	vst v3  }
0xc0: {  	v3 =	vld [tilespmem:s10+$0x4F00];
	_ =	sdelay $0x3  }
0xc1: {  	v4 =	vld [tilespmem:s10+$0x7300]  }
0xc2: {  	v5 =	vld [tilespmem:s10+$0x5300];
	[tilespmem:s6+$0x0] =	vst v3  }
0xc3: {  	v3 =	vld [tilespmem:s10+$0x6F00];
	_ =	sdelay $0x4  }
0xc4: {  	[tilespmem:s9+$0x0] =	vst v3  }
0xc5: {  	v3 =	vld [tilespmem:s10+$0x4F10];
	_ =	sdelay $0x4  }
0xc6: {  	[tilespmem:s6+$0x10] =	vst v3  }
0xc7: {  	v3 =	vld [tilespmem:s10+$0x6F10];
	_ =	sdelay $0x4  }
0xc8: {  	[tilespmem:s9+$0x10] =	vst v3  }
0xc9: {  	v3 =	vld [tilespmem:s10+$0x4F20];
	_ =	sdelay $0x4  }
0xca: {  	[tilespmem:s6+$0x20] =	vst v3  }
0xcb: {  	v3 =	vld [tilespmem:s10+$0x6F20];
	_ =	sdelay $0x4  }
0xcc: {  	[tilespmem:s9+$0x20] =	vst v3  }
0xcd: {  	v3 =	vld [tilespmem:s10+$0x4F30];
	_ =	sdelay $0x4  }
0xce: {  	[tilespmem:s6+$0x30] =	vst v3  }
0xcf: {  	v3 =	vld [tilespmem:s10+$0x6F30];
	_ =	sdelay $0x4  }
0xd0: {  	[tilespmem:s9+$0x30] =	vst v3  }
0xd1: {  	v3 =	vld [tilespmem:s10+$0x4F40];
	_ =	sdelay $0x4  }
0xd2: {  	[tilespmem:s6+$0x40] =	vst v3  }
0xd3: {  	v3 =	vld [tilespmem:s10+$0x6F40];
	_ =	sdelay $0x4  }
0xd4: {  	[tilespmem:s9+$0x40] =	vst v3  }
0xd5: {  	v3 =	vld [tilespmem:s10+$0x4F50];
	_ =	sdelay $0x4  }
0xd6: {  	[tilespmem:s6+$0x50] =	vst v3  }
0xd7: {  	v3 =	vld [tilespmem:s10+$0x6F50];
	_ =	sdelay $0x3  }
0xd8: {  	v4 =	vsub.f32 v5, v4  }
0xd9: {  	[tilespmem:s9+$0x50] =	vst v3  }
0xda: {  	v3 =	vmul.f32 v4, v4;
	v4 =	vld [tilespmem:s10+$0x4F60];
	_ =	sdelay $0x1  }
0xdb: {  	(v2sf) =	vpush v3, $0x0  }
0xdc: {  	(v2sf) =	vpush v3, $0x1;
	_ =	sdelay $0x1  }
0xdd: {  	(v2sf) =	vpush v3, $0x2;
	[tilespmem:s6+$0x60] =	vst v4  }
0xde: {  	v3 =	vld [tilespmem:s10+$0x6F60];
	_ =	sdelay $0x4  }
0xdf: {  	[tilespmem:s9+$0x60] =	vst v3  }
0xe0: {  	v3 =	vld [tilespmem:s10+$0x4F70];
	_ =	sdelay $0x4  }
0xe1: {  	s20 =	spop (v2sf);
	[tilespmem:s6+$0x70] =	vst v3  }
0xe2: {  	s21 =	spop (v2sf);
	v3 =	vld [tilespmem:s10+$0x6F70]  }
0xe3: {  	s22 =	sadd.f32 s21, s20  }
0xe4: {  	s18 =	simm.s32 $0x200;
	s23 =	spop (v2sf)  }
0xe5: {  	s17 =	simm.s32 $0x2;
	s16 =	simm.s32 $0x180;
	s21 =	sadd.f32 s22, s23  }
0xe6: {  	s6 =	sshll.u32 s19, $0x6;
	s10 =	simm.s32 $0xD080;
	s22 =	simm.s32 $0x100  }
0xe7: {  	s20 =	sand.u32 $0x1800, s18;
	s22 =	sand.u32 $0x300, s22;
	[tilespmem:s9+$0x70] =	vst v3;
	v3 =	vmov s21;
	s9 =	simm.s32 $0xE080  }
.LBB2_3:
0xe8: {  	s17 =	sadd.s32 $0x2, s17;
	s21 =	sor.u32 s22, s20;
	[tilespmem:s7+$0x0] =	vst v3;
	s7 =	sadd.s32 $0x100, s7  }
0xe9: {  	p1 =	slt.u32 s17, $0x1E;
	v3 =	vld [tilespmem:s21+$0x4F00];
	_ =	sdelay $0x2  }
0xea: {  	v4 =	vld [tilespmem:s21+$0x7300]  }
0xeb: {  	v5 =	vld [tilespmem:s21+$0x5300]  }
0xec: {  	[tilespmem:s10+$0xFFFFFF80] =	vst v3  }
0xed: {  	v3 =	vld [tilespmem:s21+$0x6F00];
	_ =	sdelay $0x2  }
0xee: {  	v4 =	vsub.f32 v5, v4;
	_ =	sdelay $0x1  }
0xef: {  	v4 =	vmul.f32 v4, v4;
	[tilespmem:s9+$0xFFFFFF80] =	vst v3  }
0xf0: {  	v3 =	vld [tilespmem:s21+$0x4F10]  }
0xf1: {  	(v2sf) =	vpush v4, $0x0  }
0xf2: {  	(v2sf) =	vpush v4, $0x1;
	_ =	sdelay $0x1  }
0xf3: {  	(v2sf) =	vpush v4, $0x2  }
0xf4: {  	[tilespmem:s10+$0xFFFFFF90] =	vst v3  }
0xf5: {  	v3 =	vld [tilespmem:s21+$0x6F10];
	_ =	sdelay $0x4  }
0xf6: {  	[tilespmem:s9+$0xFFFFFF90] =	vst v3  }
0xf7: {  	v3 =	vld [tilespmem:s21+$0x4F20];
	_ =	sdelay $0x3  }
0xf8: {  	s22 =	spop (v2sf)  }
0xf9: {  	[tilespmem:s10+$0xFFFFFFA0] =	vst v3;
	s23 =	spop (v2sf)  }
0xfa: {  	s22 =	sadd.f32 s23, s22;
	v3 =	vld [tilespmem:s21+$0x6F20]  }
0xfb: {  	s23 =	spop (v2sf)  }
0xfc: {  	s22 =	sadd.f32 s22, s23;
	_ =	sdelay $0x2  }
0xfd: {  	[tilespmem:s9+$0xFFFFFFA0] =	vst v3  }
0xfe: {  	v3 =	vld [tilespmem:s21+$0x4F30];
	_ =	sdelay $0x4  }
0xff: {  	[tilespmem:s10+$0xFFFFFFB0] =	vst v3  }
0x100: {  	v3 =	vld [tilespmem:s21+$0x6F30];
	_ =	sdelay $0x4  }
0x101: {  	[tilespmem:s9+$0xFFFFFFB0] =	vst v3  }
0x102: {  	v3 =	vld [tilespmem:s21+$0x4F40];
	_ =	sdelay $0x4  }
0x103: {  	[tilespmem:s10+$0xFFFFFFC0] =	vst v3  }
0x104: {  	v3 =	vld [tilespmem:s21+$0x6F40];
	_ =	sdelay $0x4  }
0x105: {  	[tilespmem:s9+$0xFFFFFFC0] =	vst v3  }
0x106: {  	v3 =	vld [tilespmem:s21+$0x4F50];
	_ =	sdelay $0x4  }
0x107: {  	[tilespmem:s10+$0xFFFFFFD0] =	vst v3  }
0x108: {  	v3 =	vld [tilespmem:s21+$0x6F50];
	_ =	sdelay $0x4  }
0x109: {  	[tilespmem:s9+$0xFFFFFFD0] =	vst v3  }
0x10a: {  	v3 =	vld [tilespmem:s21+$0x4F60];
	_ =	sdelay $0x4  }
0x10b: {  	[tilespmem:s10+$0xFFFFFFE0] =	vst v3  }
0x10c: {  	v3 =	vld [tilespmem:s21+$0x6F60];
	_ =	sdelay $0x4  }
0x10d: {  	[tilespmem:s9+$0xFFFFFFE0] =	vst v3  }
0x10e: {  	v3 =	vld [tilespmem:s21+$0x4F70];
	_ =	sdelay $0x4  }
0x10f: {  	[tilespmem:s10+$0xFFFFFFF0] =	vst v3  }
0x110: {  	v3 =	vld [tilespmem:s21+$0x6F70];
	_ =	sdelay $0x4  }
0x111: {  	s21 =	sand.u32 $0x380, s16;
	[tilespmem:s9+$0xFFFFFFF0] =	vst v3;
	v3 =	vmov s22  }
0x112: {  	s20 =	sor.u32 s20, s21;
	[tilespmem:s7+$0xFFFFFF80] =	vst v3  }
0x113: {  	v3 =	vld [tilespmem:s20+$0x4F00];
	_ =	sdelay $0x2  }
0x114: {  	v4 =	vld [tilespmem:s20+$0x7300]  }
0x115: {  	v5 =	vld [tilespmem:s20+$0x5300]  }
0x116: {  	[tilespmem:s10+$0x0] =	vst v3  }
0x117: {  	v3 =	vld [tilespmem:s20+$0x6F00];
	_ =	sdelay $0x2  }
0x118: {  	v4 =	vsub.f32 v5, v4;
	_ =	sdelay $0x1  }
0x119: {  	v4 =	vmul.f32 v4, v4;
	[tilespmem:s9+$0x0] =	vst v3  }
0x11a: {  	v3 =	vld [tilespmem:s20+$0x4F10]  }
0x11b: {  	(v2sf) =	vpush v4, $0x0  }
0x11c: {  	(v2sf) =	vpush v4, $0x1;
	_ =	sdelay $0x1  }
0x11d: {  	(v2sf) =	vpush v4, $0x2  }
0x11e: {  	[tilespmem:s10+$0x10] =	vst v3  }
0x11f: {  	v3 =	vld [tilespmem:s20+$0x6F10];
	_ =	sdelay $0x4  }
0x120: {  	[tilespmem:s9+$0x10] =	vst v3  }
0x121: {  	v3 =	vld [tilespmem:s20+$0x4F20];
	_ =	sdelay $0x3  }
0x122: {  	s21 =	spop (v2sf)  }
0x123: {  	[tilespmem:s10+$0x20] =	vst v3;
	s22 =	spop (v2sf)  }
0x124: {  	s21 =	sadd.f32 s22, s21;
	v3 =	vld [tilespmem:s20+$0x6F20]  }
0x125: {  	s22 =	spop (v2sf)  }
0x126: {  	s21 =	sadd.f32 s21, s22;
	_ =	sdelay $0x2  }
0x127: {  	[tilespmem:s9+$0x20] =	vst v3  }
0x128: {  	v3 =	vld [tilespmem:s20+$0x4F30];
	_ =	sdelay $0x4  }
0x129: {  	[tilespmem:s10+$0x30] =	vst v3  }
0x12a: {  	v3 =	vld [tilespmem:s20+$0x6F30];
	_ =	sdelay $0x4  }
0x12b: {  	[tilespmem:s9+$0x30] =	vst v3  }
0x12c: {  	v3 =	vld [tilespmem:s20+$0x4F40];
	_ =	sdelay $0x4  }
0x12d: {  	[tilespmem:s10+$0x40] =	vst v3  }
0x12e: {  	v3 =	vld [tilespmem:s20+$0x6F40];
	_ =	sdelay $0x4  }
0x12f: {  	[tilespmem:s9+$0x40] =	vst v3  }
0x130: {  	v3 =	vld [tilespmem:s20+$0x4F50];
	_ =	sdelay $0x4  }
0x131: {  	[tilespmem:s10+$0x50] =	vst v3  }
0x132: {  	v3 =	vld [tilespmem:s20+$0x6F50];
	_ =	sdelay $0x4  }
0x133: {  	[tilespmem:s9+$0x50] =	vst v3  }
0x134: {  	v3 =	vld [tilespmem:s20+$0x4F60];
	_ =	sdelay $0x4  }
0x135: {  	[tilespmem:s10+$0x60] =	vst v3  }
0x136: {  	v3 =	vld [tilespmem:s20+$0x6F60];
	_ =	sdelay $0x4  }
0x137: {  	[tilespmem:s9+$0x60] =	vst v3  }
0x138: {  	v3 =	vld [tilespmem:s20+$0x4F70];
	_ =	sdelay $0x4  }
0x139: {  	[tilespmem:s10+$0x70] =	vst v3  }
0x13a: {  	v3 =	vld [tilespmem:s20+$0x6F70]  }
.Ltmp2:
0x13b: {  	(pc) =	sbr.rel @p1 .LBB2_3-.Ltmp2, $4  }
0x13c: {  	_ = 	snop  }
0x13d: {  	s16 =	sadd.s32 $0x100, s16  }
0x13e: {  	s18 =	sadd.s32 $0x200, s18;
	s22 =	sadd.s32 $0xFFFFFF80, s16;
	s10 =	sadd.s32 $0x100, s10  }
0x13f: {  	s22 =	sand.u32 $0x300, s22;
	s20 =	sand.u32 $0x1800, s18;
	[tilespmem:s9+$0x70] =	vst v3;
	v3 =	vmov s21;
	s9 =	sadd.s32 $0x100, s9  }
0x140: {  	s17 =	sor.u32 s22, s20;
	[tilespmem:s7+$0x0] =	vst v3  }
0x141: {  	v3 =	vld [tilespmem:s17+$0x4F00];
	_ =	sdelay $0x3  }
0x142: {  	v4 =	vld [tilespmem:s17+$0x7300]  }
0x143: {  	v5 =	vld [tilespmem:s17+$0x5300];
	[tilespmem:s10+$0xFFFFFF80] =	vst v3  }
0x144: {  	v3 =	vld [tilespmem:s17+$0x6F00];
	_ =	sdelay $0x4  }
0x145: {  	[tilespmem:s9+$0xFFFFFF80] =	vst v3  }
0x146: {  	v3 =	vld [tilespmem:s17+$0x4F10];
	_ =	sdelay $0x4  }
0x147: {  	[tilespmem:s10+$0xFFFFFF90] =	vst v3  }
0x148: {  	v3 =	vld [tilespmem:s17+$0x6F10];
	_ =	sdelay $0x4  }
0x149: {  	[tilespmem:s9+$0xFFFFFF90] =	vst v3  }
0x14a: {  	v3 =	vld [tilespmem:s17+$0x4F20];
	_ =	sdelay $0x4  }
0x14b: {  	[tilespmem:s10+$0xFFFFFFA0] =	vst v3  }
0x14c: {  	v3 =	vld [tilespmem:s17+$0x6F20];
	_ =	sdelay $0x4  }
0x14d: {  	[tilespmem:s9+$0xFFFFFFA0] =	vst v3  }
0x14e: {  	v3 =	vld [tilespmem:s17+$0x4F30];
	_ =	sdelay $0x4  }
0x14f: {  	[tilespmem:s10+$0xFFFFFFB0] =	vst v3  }
0x150: {  	v3 =	vld [tilespmem:s17+$0x6F30];
	_ =	sdelay $0x4  }
0x151: {  	[tilespmem:s9+$0xFFFFFFB0] =	vst v3  }
0x152: {  	v3 =	vld [tilespmem:s17+$0x4F40];
	_ =	sdelay $0x4  }
0x153: {  	[tilespmem:s10+$0xFFFFFFC0] =	vst v3  }
0x154: {  	v3 =	vld [tilespmem:s17+$0x6F40];
	_ =	sdelay $0x4  }
0x155: {  	[tilespmem:s9+$0xFFFFFFC0] =	vst v3  }
0x156: {  	v3 =	vld [tilespmem:s17+$0x4F50];
	_ =	sdelay $0x4  }
0x157: {  	[tilespmem:s10+$0xFFFFFFD0] =	vst v3  }
0x158: {  	v3 =	vld [tilespmem:s17+$0x6F50];
	_ =	sdelay $0x3  }
0x159: {  	v4 =	vsub.f32 v5, v4  }
0x15a: {  	[tilespmem:s9+$0xFFFFFFD0] =	vst v3  }
0x15b: {  	v3 =	vmul.f32 v4, v4;
	v4 =	vld [tilespmem:s17+$0x4F60];
	_ =	sdelay $0x1  }
0x15c: {  	(v2sf) =	vpush v3, $0x0  }
0x15d: {  	(v2sf) =	vpush v3, $0x1;
	_ =	sdelay $0x1  }
0x15e: {  	(v2sf) =	vpush v3, $0x2;
	[tilespmem:s10+$0xFFFFFFE0] =	vst v4  }
0x15f: {  	v3 =	vld [tilespmem:s17+$0x6F60];
	_ =	sdelay $0x4  }
0x160: {  	[tilespmem:s9+$0xFFFFFFE0] =	vst v3  }
0x161: {  	v3 =	vld [tilespmem:s17+$0x4F70];
	_ =	sdelay $0x4  }
0x162: {  	s18 =	spop (v2sf);
	[tilespmem:s10+$0xFFFFFFF0] =	vst v3  }
0x163: {  	s21 =	spop (v2sf);
	v3 =	vld [tilespmem:s17+$0x6F70]  }
0x164: {  	s22 =	sadd.f32 s21, s18  }
0x165: {  	s23 =	spop (v2sf)  }
0x166: {  	s17 =	sadd.f32 s22, s23;
	_ =	sdelay $0x1  }
0x167: {  	s16 =	sand.u32 $0x380, s16;
	s21 =	sadd.s32 $0x100, s7;
	[tilespmem:s9+$0xFFFFFFF0] =	vst v3;
	v3 =	vmov s17  }
0x168: {  	s16 =	sor.u32 s20, s16;
	[tilespmem:s21+$0xFFFFFF80] =	vst v3  }
0x169: {  	v3 =	vld [tilespmem:s16+$0x4F00];
	_ =	sdelay $0x3  }
0x16a: {  	v4 =	vld [tilespmem:s16+$0x7300]  }
0x16b: {  	v5 =	vld [tilespmem:s16+$0x5300];
	[tilespmem:s10+$0x0] =	vst v3  }
0x16c: {  	v3 =	vld [tilespmem:s16+$0x6F00];
	_ =	sdelay $0x4  }
0x16d: {  	[tilespmem:s9+$0x0] =	vst v3  }
0x16e: {  	v3 =	vld [tilespmem:s16+$0x4F10];
	_ =	sdelay $0x4  }
0x16f: {  	[tilespmem:s10+$0x10] =	vst v3  }
0x170: {  	v3 =	vld [tilespmem:s16+$0x6F10];
	_ =	sdelay $0x4  }
0x171: {  	[tilespmem:s9+$0x10] =	vst v3  }
0x172: {  	v3 =	vld [tilespmem:s16+$0x4F20];
	_ =	sdelay $0x4  }
0x173: {  	[tilespmem:s10+$0x20] =	vst v3  }
0x174: {  	v3 =	vld [tilespmem:s16+$0x6F20];
	_ =	sdelay $0x4  }
0x175: {  	[tilespmem:s9+$0x20] =	vst v3  }
0x176: {  	v3 =	vld [tilespmem:s16+$0x4F30];
	_ =	sdelay $0x4  }
0x177: {  	[tilespmem:s10+$0x30] =	vst v3  }
0x178: {  	v3 =	vld [tilespmem:s16+$0x6F30];
	_ =	sdelay $0x4  }
0x179: {  	[tilespmem:s9+$0x30] =	vst v3  }
0x17a: {  	v3 =	vld [tilespmem:s16+$0x4F40];
	_ =	sdelay $0x4  }
0x17b: {  	[tilespmem:s10+$0x40] =	vst v3  }
0x17c: {  	v3 =	vld [tilespmem:s16+$0x6F40];
	_ =	sdelay $0x4  }
0x17d: {  	[tilespmem:s9+$0x40] =	vst v3  }
0x17e: {  	v3 =	vld [tilespmem:s16+$0x4F50];
	_ =	sdelay $0x4  }
0x17f: {  	[tilespmem:s10+$0x50] =	vst v3  }
0x180: {  	v3 =	vld [tilespmem:s16+$0x6F50];
	_ =	sdelay $0x3  }
0x181: {  	v4 =	vsub.f32 v5, v4  }
0x182: {  	[tilespmem:s9+$0x50] =	vst v3  }
0x183: {  	v3 =	vmul.f32 v4, v4;
	v4 =	vld [tilespmem:s16+$0x4F60];
	_ =	sdelay $0x1  }
0x184: {  	(v2sf) =	vpush v3, $0x0  }
0x185: {  	(v2sf) =	vpush v3, $0x1;
	_ =	sdelay $0x1  }
0x186: {  	(v2sf) =	vpush v3, $0x2;
	[tilespmem:s10+$0x60] =	vst v4  }
0x187: {  	v3 =	vld [tilespmem:s16+$0x6F60];
	_ =	sdelay $0x4  }
0x188: {  	[tilespmem:s9+$0x60] =	vst v3  }
0x189: {  	v3 =	vld [tilespmem:s16+$0x4F70];
	_ =	sdelay $0x4  }
0x18a: {  	s22 =	spop (v2sf);
	[tilespmem:s10+$0x70] =	vst v3  }
0x18b: {  	s23 =	spop (v2sf);
	v3 =	vld [tilespmem:s16+$0x6F70]  }
0x18c: {  	s10 =	sadd.f32 s23, s22  }
0x18d: {  	s17 =	spop (v2sf)  }
0x18e: {  	s18 =	sshll.u32 s19, $0xD;
	s10 =	sadd.f32 s10, s17  }
0x18f: {  	s16 =	sadd.s32 s8, s18  }
0x190: {  	s20 =	sshrl.u32 s16, $0x3;
	[tilespmem:s9+$0x70] =	vst v3;
	v3 =	vmov s10  }
0x191: {  	[tilespmem:s21+$0x0] =	vst v3;
	s21 =	sadd.s32 s5, s20  }
0x192: {  	[hbm4b:s21+s2] =	stream.linear.scatter [tilespmem:s31], [sflag:$0x5], $0x1000, $0x38;
	[tilespmem:$0x12F00] =	vst v63  }
0x193: {  	s9 =	sadd.s32 $0x4F0000, s21  }
0x194: {  	[hbm4b:s9+s2] =	stream.linear.scatter [tilespmem:s1], [sflag:$0x5], $0x1000, $0x38;
	[tilespmem:$0x12F00] =	vst v63  }
0x195: {  	p1 =	seq.s32 s19, $0x9D;
	s7 =	sadd.s32 $0x9E0000, s21  }
0x196: {  	[hbm4b:s7+s2] =	stream.linear.scatter [tilespmem:s0], [sflag:$0x5], $0x1000, $0x38;
	[tilespmem:$0x12F00] =	vst v63  }
0x197: {  	v3 =	vld @!p1 [tilespmem:s6+$0x40];
	_ =	sdelay $0x4  }
0x198: {  	v4 =	vshll.u32 @!p1 v3, $0x1  }
0x199: {  	v5 =	vlaneseq.u32 @!p1;
	v3 =	vand.u32 @!p1 $0x7, v3;
	v4 =	vand.u32 @!p1 $0xFFFFFFF0, v4  }
0x19a: {  	v6 =	vshrl.u32 @!p1 v5, $0x3;
	v3 =	vor.u32 @!p1 v3, v4;
	v4 =	vand.u32 @!p1 $0x7, v5  }
0x19b: {  	v6 =	vmul.u32 @!p1 $0x8, v6;
	v7 =	vperm.xlane @!p1 v3, v4  }
0x19c: {  	v5 =	vor.u32 @!p1 $0x8, v5  }
0x19d: {  	v3 =	vperm.xlane @!p1 v3, v5;
	v7 =	vadd.s32 @!p1 v6, v7;
	_ =	sdelay $0x1  }
0x19e: {  	v3 =	vadd.s32 @!p1 v6, v3;
	_ =	sdelay $0x1  }
0x19f: {  	vm1 =	vmmov @!p1 $0xffff;
	s9 =	simm.s32 @!p1 $0x4F00;
	s7 =	simm.s32 @!p1 $0x0  }
0x1a0: {  	[tilespmem:s9], [sflag:$0x1] =	stream.indirect_vreg.gather @!p1 [hbm4b:s4+s7], $0x80, v7, vm1, $0xb8;
	[tilespmem:$0x12F00] =	vst v63  }
0x1a1: {  	s9 =	simm.s32 @!p1 $0x5700  }
0x1a2: {  	[tilespmem:s9], [sflag:$0x1] =	stream.indirect_vreg.gather @!p1 [hbm4b:s4+s7], $0x80, v3, vm1, $0xb8;
	[tilespmem:$0x12F00] =	vst v63  }
0x1a3: {  	v3 =	vld @!p1 [tilespmem:s6+$0x50];
	_ =	sdelay $0x4  }
0x1a4: {  	v7 =	vshll.u32 @!p1 v3, $0x1  }
0x1a5: {  	v3 =	vand.u32 @!p1 $0x7, v3;
	v7 =	vand.u32 @!p1 $0xFFFFFFF0, v7  }
0x1a6: {  	v3 =	vor.u32 @!p1 v3, v7  }
0x1a7: {  	v7 =	vperm.xlane @!p1 v3, v4;
	_ =	sdelay $0x1  }
0x1a8: {  	v3 =	vperm.xlane @!p1 v3, v5;
	v7 =	vadd.s32 @!p1 v6, v7;
	_ =	sdelay $0x1  }
0x1a9: {  	v3 =	vadd.s32 @!p1 v6, v3;
	_ =	sdelay $0x1  }
0x1aa: {  	s9 =	simm.s32 @!p1 $0x5F00  }
0x1ab: {  	[tilespmem:s9], [sflag:$0x1] =	stream.indirect_vreg.gather @!p1 [hbm4b:s4+s7], $0x80, v7, vm1, $0xb8;
	[tilespmem:$0x12F00] =	vst v63  }
0x1ac: {  	s9 =	simm.s32 @!p1 $0x6700  }
0x1ad: {  	[tilespmem:s9], [sflag:$0x1] =	stream.indirect_vreg.gather @!p1 [hbm4b:s4+s7], $0x80, v3, vm1, $0xb8;
	[tilespmem:$0x12F00] =	vst v63  }
0x1ae: {  	v3 =	vld @!p1 [tilespmem:s6+$0x27C0];
	_ =	sdelay $0x4  }
0x1af: {  	v7 =	vshll.u32 @!p1 v3, $0x1  }
0x1b0: {  	v3 =	vand.u32 @!p1 $0x7, v3;
	v7 =	vand.u32 @!p1 $0xFFFFFFF0, v7  }
0x1b1: {  	v3 =	vor.u32 @!p1 v3, v7  }
0x1b2: {  	v7 =	vperm.xlane @!p1 v3, v4;
	_ =	sdelay $0x1  }
0x1b3: {  	v3 =	vperm.xlane @!p1 v3, v5;
	v7 =	vadd.s32 @!p1 v6, v7;
	_ =	sdelay $0x1  }
0x1b4: {  	v3 =	vadd.s32 @!p1 v6, v3;
	_ =	sdelay $0x1  }
0x1b5: {  	s9 =	simm.s32 @!p1 $0x6F00  }
0x1b6: {  	[tilespmem:s9], [sflag:$0x2] =	stream.indirect_vreg.gather @!p1 [hbm4b:s4+s7], $0x80, v7, vm1, $0xb8;
	[tilespmem:$0x12F00] =	vst v63  }
0x1b7: {  	s9 =	simm.s32 @!p1 $0x7700  }
0x1b8: {  	[tilespmem:s9], [sflag:$0x2] =	stream.indirect_vreg.gather @!p1 [hbm4b:s4+s7], $0x80, v3, vm1, $0xb8;
	[tilespmem:$0x12F00] =	vst v63  }
0x1b9: {  	v3 =	vld @!p1 [tilespmem:s6+$0x27D0];
	_ =	sdelay $0x4  }
0x1ba: {  	v7 =	vshll.u32 @!p1 v3, $0x1  }
0x1bb: {  	v3 =	vand.u32 @!p1 $0x7, v3;
	v7 =	vand.u32 @!p1 $0xFFFFFFF0, v7  }
0x1bc: {  	v3 =	vor.u32 @!p1 v3, v7  }
0x1bd: {  	v4 =	vperm.xlane @!p1 v3, v4;
	_ =	sdelay $0x1  }
0x1be: {  	v3 =	vperm.xlane @!p1 v3, v5;
	v4 =	vadd.s32 @!p1 v6, v4;
	_ =	sdelay $0x1  }
0x1bf: {  	v3 =	vadd.s32 @!p1 v6, v3;
	_ =	sdelay $0x1  }
0x1c0: {  	s9 =	simm.s32 @!p1 $0x7F00  }
0x1c1: {  	[tilespmem:s9], [sflag:$0x2] =	stream.indirect_vreg.gather @!p1 [hbm4b:s4+s7], $0x80, v4, vm1, $0xb8;
	[tilespmem:$0x12F00] =	vst v63  }
0x1c2: {  	s9 =	simm.s32 @!p1 $0x8700  }
0x1c3: {  	[tilespmem:s9], [sflag:$0x2] =	stream.indirect_vreg.gather @!p1 [hbm4b:s4+s7], $0x80, v3, vm1, $0xb8;
	[tilespmem:$0x12F00] =	vst v63  }
0x1c4: {  	_ =	swait.ge [sflag:s11], $0x2000  }
0x1c5: {  	[sflag:s11] =	ssyncset.done $0x0  }
0x1c6: {  	[sflag:s11] =	ssyncadd.s32 $0xFFFFE000  }
0x1c7: {  	_ =	swait.ge [sflag:s12], $0x2000  }
0x1c8: {  	[sflag:s12] =	ssyncset.done $0x0  }
0x1c9: {  	s7 =	simm.s32 @!p0 $0x6;
	[sflag:s12] =	ssyncadd.s32 $0xFFFFE000  }
0x1ca: {  	_ =	swait.ge @!p0 [sflag:s7], $0x1000  }
0x1cb: {  	[sflag:s7] =	ssyncset.done @!p0 $0x0  }
0x1cc: {  	[sflag:s7] =	ssyncadd.s32 @!p0 $0xFFFFF000  }
0x1cd: {  	_ =	swait.ge @!p0 [sflag:s7], $0x1000  }
0x1ce: {  	[sflag:s7] =	ssyncset.done @!p0 $0x0  }
0x1cf: {  	[sflag:s7] =	ssyncadd.s32 @!p0 $0xFFFFF000  }
0x1d0: {  	s22 =	simm.s32 $0x0;
	s23 =	simm.s32 $0x0;
	_ =	swait.ge @!p0 [sflag:s7], $0x1000  }
0x1d1: {  	s16 =	sand.u32 $0x1800, s22;
	s10 =	sand.u32 $0x300, s23;
	[sflag:s7] =	ssyncset.done @!p0 $0x0  }
0x1d2: {  	s17 =	sor.u32 s10, s16;
	[sflag:s7] =	ssyncadd.s32 @!p0 $0xFFFFF000  }
0x1d3: {  	v3 =	vld [tilespmem:s17+$0x8F00];
	_ =	sdelay $0x3  }
0x1d4: {  	s10 =	simm.s32 $0xFF80;
	v4 =	vld [tilespmem:s17+$0xB300]  }
0x1d5: {  	v5 =	vld [tilespmem:s17+$0x9300];
	[tilespmem:s10+$0xFFFFFF80] =	vst v3  }
0x1d6: {  	v3 =	vld [tilespmem:s17+$0xAF00];
	_ =	sdelay $0x3  }
0x1d7: {  	s9 =	simm.s32 $0x10F80  }
0x1d8: {  	[tilespmem:s9+$0xFFFFFF80] =	vst v3  }
0x1d9: {  	v3 =	vld [tilespmem:s17+$0x8F10];
	_ =	sdelay $0x4  }
0x1da: {  	[tilespmem:s10+$0xFFFFFF90] =	vst v3  }
0x1db: {  	v3 =	vld [tilespmem:s17+$0xAF10];
	_ =	sdelay $0x4  }
0x1dc: {  	[tilespmem:s9+$0xFFFFFF90] =	vst v3  }
0x1dd: {  	v3 =	vld [tilespmem:s17+$0x8F20];
	_ =	sdelay $0x4  }
0x1de: {  	[tilespmem:s10+$0xFFFFFFA0] =	vst v3  }
0x1df: {  	v3 =	vld [tilespmem:s17+$0xAF20];
	_ =	sdelay $0x4  }
0x1e0: {  	[tilespmem:s9+$0xFFFFFFA0] =	vst v3  }
0x1e1: {  	v3 =	vld [tilespmem:s17+$0x8F30];
	_ =	sdelay $0x4  }
0x1e2: {  	[tilespmem:s10+$0xFFFFFFB0] =	vst v3  }
0x1e3: {  	v3 =	vld [tilespmem:s17+$0xAF30];
	_ =	sdelay $0x4  }
0x1e4: {  	[tilespmem:s9+$0xFFFFFFB0] =	vst v3  }
0x1e5: {  	v3 =	vld [tilespmem:s17+$0x8F40];
	_ =	sdelay $0x4  }
0x1e6: {  	[tilespmem:s10+$0xFFFFFFC0] =	vst v3  }
0x1e7: {  	v3 =	vld [tilespmem:s17+$0xAF40];
	_ =	sdelay $0x4  }
0x1e8: {  	[tilespmem:s9+$0xFFFFFFC0] =	vst v3  }
0x1e9: {  	v3 =	vld [tilespmem:s17+$0x8F50];
	_ =	sdelay $0x4  }
0x1ea: {  	[tilespmem:s10+$0xFFFFFFD0] =	vst v3  }
0x1eb: {  	v3 =	vld [tilespmem:s17+$0xAF50];
	_ =	sdelay $0x3  }
0x1ec: {  	v4 =	vsub.f32 v5, v4  }
0x1ed: {  	[tilespmem:s9+$0xFFFFFFD0] =	vst v3  }
0x1ee: {  	v3 =	vmul.f32 v4, v4;
	v4 =	vld [tilespmem:s17+$0x8F60];
	_ =	sdelay $0x1  }
0x1ef: {  	(v2sf) =	vpush v3, $0x0  }
0x1f0: {  	(v2sf) =	vpush v3, $0x1;
	_ =	sdelay $0x1  }
0x1f1: {  	(v2sf) =	vpush v3, $0x2;
	[tilespmem:s10+$0xFFFFFFE0] =	vst v4  }
0x1f2: {  	v3 =	vld [tilespmem:s17+$0xAF60];
	_ =	sdelay $0x4  }
0x1f3: {  	[tilespmem:s9+$0xFFFFFFE0] =	vst v3  }
0x1f4: {  	v3 =	vld [tilespmem:s17+$0x8F70];
	_ =	sdelay $0x4  }
0x1f5: {  	s18 =	spop (v2sf);
	[tilespmem:s10+$0xFFFFFFF0] =	vst v3  }
0x1f6: {  	s20 =	spop (v2sf);
	v3 =	vld [tilespmem:s17+$0xAF70]  }
0x1f7: {  	s21 =	sadd.f32 s20, s18  }
0x1f8: {  	s22 =	spop (v2sf)  }
0x1f9: {  	s17 =	sadd.f32 s21, s22  }
0x1fa: {  	s23 =	simm.s32 $0x80  }
0x1fb: {  	s7 =	simm.s32 $0x11F80;
	s18 =	sand.u32 $0x380, s23;
	[tilespmem:s9+$0xFFFFFFF0] =	vst v3;
	v3 =	vmov s17  }
0x1fc: {  	s16 =	sor.u32 s16, s18;
	[tilespmem:s7+$0xFFFFFF80] =	vst v3  }
0x1fd: {  	v3 =	vld [tilespmem:s16+$0x8F00];
	_ =	sdelay $0x3  }
0x1fe: {  	v4 =	vld [tilespmem:s16+$0xB300]  }
0x1ff: {  	v5 =	vld [tilespmem:s16+$0x9300];
	[tilespmem:s10+$0x0] =	vst v3  }
0x200: {  	v3 =	vld [tilespmem:s16+$0xAF00];
	_ =	sdelay $0x4  }
0x201: {  	[tilespmem:s9+$0x0] =	vst v3  }
0x202: {  	v3 =	vld [tilespmem:s16+$0x8F10];
	_ =	sdelay $0x4  }
0x203: {  	[tilespmem:s10+$0x10] =	vst v3  }
0x204: {  	v3 =	vld [tilespmem:s16+$0xAF10];
	_ =	sdelay $0x4  }
0x205: {  	[tilespmem:s9+$0x10] =	vst v3  }
0x206: {  	v3 =	vld [tilespmem:s16+$0x8F20];
	_ =	sdelay $0x4  }
0x207: {  	[tilespmem:s10+$0x20] =	vst v3  }
0x208: {  	v3 =	vld [tilespmem:s16+$0xAF20];
	_ =	sdelay $0x4  }
0x209: {  	[tilespmem:s9+$0x20] =	vst v3  }
0x20a: {  	v3 =	vld [tilespmem:s16+$0x8F30];
	_ =	sdelay $0x4  }
0x20b: {  	[tilespmem:s10+$0x30] =	vst v3  }
0x20c: {  	v3 =	vld [tilespmem:s16+$0xAF30];
	_ =	sdelay $0x4  }
0x20d: {  	[tilespmem:s9+$0x30] =	vst v3  }
0x20e: {  	v3 =	vld [tilespmem:s16+$0x8F40];
	_ =	sdelay $0x4  }
0x20f: {  	[tilespmem:s10+$0x40] =	vst v3  }
0x210: {  	v3 =	vld [tilespmem:s16+$0xAF40];
	_ =	sdelay $0x4  }
0x211: {  	[tilespmem:s9+$0x40] =	vst v3  }
0x212: {  	v3 =	vld [tilespmem:s16+$0x8F50];
	_ =	sdelay $0x4  }
0x213: {  	[tilespmem:s10+$0x50] =	vst v3  }
0x214: {  	v3 =	vld [tilespmem:s16+$0xAF50];
	_ =	sdelay $0x3  }
0x215: {  	v4 =	vsub.f32 v5, v4  }
0x216: {  	[tilespmem:s9+$0x50] =	vst v3  }
0x217: {  	v3 =	vmul.f32 v4, v4;
	v4 =	vld [tilespmem:s16+$0x8F60];
	_ =	sdelay $0x1  }
0x218: {  	(v2sf) =	vpush v3, $0x0  }
0x219: {  	(v2sf) =	vpush v3, $0x1;
	_ =	sdelay $0x1  }
0x21a: {  	(v2sf) =	vpush v3, $0x2;
	[tilespmem:s10+$0x60] =	vst v4  }
0x21b: {  	v3 =	vld [tilespmem:s16+$0xAF60];
	_ =	sdelay $0x4  }
0x21c: {  	[tilespmem:s9+$0x60] =	vst v3  }
0x21d: {  	v3 =	vld [tilespmem:s16+$0x8F70];
	_ =	sdelay $0x4  }
0x21e: {  	s20 =	spop (v2sf);
	[tilespmem:s10+$0x70] =	vst v3  }
0x21f: {  	s21 =	spop (v2sf);
	v3 =	vld [tilespmem:s16+$0xAF70]  }
0x220: {  	s10 =	sadd.f32 s21, s20  }
0x221: {  	s22 =	spop (v2sf)  }
0x222: {  	s23 =	simm.s32 $0x100;
	s18 =	simm.s32 $0x200;
	s21 =	sadd.f32 s10, s22  }
0x223: {  	s17 =	simm.s32 $0x2;
	s16 =	simm.s32 $0x180;
	s20 =	sand.u32 $0x1800, s18  }
0x224: {  	s10 =	simm.s32 $0x10080;
	s22 =	sand.u32 $0x300, s23;
	[tilespmem:s9+$0x70] =	vst v3;
	v3 =	vmov s21;
	s9 =	simm.s32 $0x11080  }
.LBB2_5:
0x225: {  	s17 =	sadd.s32 $0x2, s17;
	s21 =	sor.u32 s22, s20;
	[tilespmem:s7+$0x0] =	vst v3;
	s7 =	sadd.s32 $0x100, s7  }
0x226: {  	p0 =	slt.u32 s17, $0x1E;
	v3 =	vld [tilespmem:s21+$0x8F00];
	_ =	sdelay $0x2  }
0x227: {  	v4 =	vld [tilespmem:s21+$0xB300]  }
0x228: {  	v5 =	vld [tilespmem:s21+$0x9300]  }
0x229: {  	[tilespmem:s10+$0xFFFFFF80] =	vst v3  }
0x22a: {  	v3 =	vld [tilespmem:s21+$0xAF00];
	_ =	sdelay $0x2  }
0x22b: {  	v4 =	vsub.f32 v5, v4;
	_ =	sdelay $0x1  }
0x22c: {  	v4 =	vmul.f32 v4, v4;
	[tilespmem:s9+$0xFFFFFF80] =	vst v3  }
0x22d: {  	v3 =	vld [tilespmem:s21+$0x8F10]  }
0x22e: {  	(v2sf) =	vpush v4, $0x0  }
0x22f: {  	(v2sf) =	vpush v4, $0x1;
	_ =	sdelay $0x1  }
0x230: {  	(v2sf) =	vpush v4, $0x2  }
0x231: {  	[tilespmem:s10+$0xFFFFFF90] =	vst v3  }
0x232: {  	v3 =	vld [tilespmem:s21+$0xAF10];
	_ =	sdelay $0x4  }
0x233: {  	[tilespmem:s9+$0xFFFFFF90] =	vst v3  }
0x234: {  	v3 =	vld [tilespmem:s21+$0x8F20];
	_ =	sdelay $0x3  }
0x235: {  	s22 =	spop (v2sf)  }
0x236: {  	[tilespmem:s10+$0xFFFFFFA0] =	vst v3;
	s23 =	spop (v2sf)  }
0x237: {  	s22 =	sadd.f32 s23, s22;
	v3 =	vld [tilespmem:s21+$0xAF20]  }
0x238: {  	s23 =	spop (v2sf)  }
0x239: {  	s22 =	sadd.f32 s22, s23;
	_ =	sdelay $0x2  }
0x23a: {  	[tilespmem:s9+$0xFFFFFFA0] =	vst v3  }
0x23b: {  	v3 =	vld [tilespmem:s21+$0x8F30];
	_ =	sdelay $0x4  }
0x23c: {  	[tilespmem:s10+$0xFFFFFFB0] =	vst v3  }
0x23d: {  	v3 =	vld [tilespmem:s21+$0xAF30];
	_ =	sdelay $0x4  }
0x23e: {  	[tilespmem:s9+$0xFFFFFFB0] =	vst v3  }
0x23f: {  	v3 =	vld [tilespmem:s21+$0x8F40];
	_ =	sdelay $0x4  }
0x240: {  	[tilespmem:s10+$0xFFFFFFC0] =	vst v3  }
0x241: {  	v3 =	vld [tilespmem:s21+$0xAF40];
	_ =	sdelay $0x4  }
0x242: {  	[tilespmem:s9+$0xFFFFFFC0] =	vst v3  }
0x243: {  	v3 =	vld [tilespmem:s21+$0x8F50];
	_ =	sdelay $0x4  }
0x244: {  	[tilespmem:s10+$0xFFFFFFD0] =	vst v3  }
0x245: {  	v3 =	vld [tilespmem:s21+$0xAF50];
	_ =	sdelay $0x4  }
0x246: {  	[tilespmem:s9+$0xFFFFFFD0] =	vst v3  }
0x247: {  	v3 =	vld [tilespmem:s21+$0x8F60];
	_ =	sdelay $0x4  }
0x248: {  	[tilespmem:s10+$0xFFFFFFE0] =	vst v3  }
0x249: {  	v3 =	vld [tilespmem:s21+$0xAF60];
	_ =	sdelay $0x4  }
0x24a: {  	[tilespmem:s9+$0xFFFFFFE0] =	vst v3  }
0x24b: {  	v3 =	vld [tilespmem:s21+$0x8F70];
	_ =	sdelay $0x4  }
0x24c: {  	[tilespmem:s10+$0xFFFFFFF0] =	vst v3  }
0x24d: {  	v3 =	vld [tilespmem:s21+$0xAF70];
	_ =	sdelay $0x4  }
0x24e: {  	s21 =	sand.u32 $0x380, s16;
	[tilespmem:s9+$0xFFFFFFF0] =	vst v3;
	v3 =	vmov s22  }
0x24f: {  	s20 =	sor.u32 s20, s21;
	[tilespmem:s7+$0xFFFFFF80] =	vst v3  }
0x250: {  	v3 =	vld [tilespmem:s20+$0x8F00];
	_ =	sdelay $0x2  }
0x251: {  	v4 =	vld [tilespmem:s20+$0xB300]  }
0x252: {  	v5 =	vld [tilespmem:s20+$0x9300]  }
0x253: {  	[tilespmem:s10+$0x0] =	vst v3  }
0x254: {  	v3 =	vld [tilespmem:s20+$0xAF00];
	_ =	sdelay $0x2  }
0x255: {  	v4 =	vsub.f32 v5, v4;
	_ =	sdelay $0x1  }
0x256: {  	v4 =	vmul.f32 v4, v4;
	[tilespmem:s9+$0x0] =	vst v3  }
0x257: {  	v3 =	vld [tilespmem:s20+$0x8F10]  }
0x258: {  	(v2sf) =	vpush v4, $0x0  }
0x259: {  	(v2sf) =	vpush v4, $0x1;
	_ =	sdelay $0x1  }
0x25a: {  	(v2sf) =	vpush v4, $0x2  }
0x25b: {  	[tilespmem:s10+$0x10] =	vst v3  }
0x25c: {  	v3 =	vld [tilespmem:s20+$0xAF10];
	_ =	sdelay $0x4  }
0x25d: {  	[tilespmem:s9+$0x10] =	vst v3  }
0x25e: {  	v3 =	vld [tilespmem:s20+$0x8F20];
	_ =	sdelay $0x3  }
0x25f: {  	s21 =	spop (v2sf)  }
0x260: {  	[tilespmem:s10+$0x20] =	vst v3;
	s22 =	spop (v2sf)  }
0x261: {  	s21 =	sadd.f32 s22, s21;
	v3 =	vld [tilespmem:s20+$0xAF20]  }
0x262: {  	s22 =	spop (v2sf)  }
0x263: {  	s21 =	sadd.f32 s21, s22;
	_ =	sdelay $0x2  }
0x264: {  	[tilespmem:s9+$0x20] =	vst v3  }
0x265: {  	v3 =	vld [tilespmem:s20+$0x8F30];
	_ =	sdelay $0x4  }
0x266: {  	[tilespmem:s10+$0x30] =	vst v3  }
0x267: {  	v3 =	vld [tilespmem:s20+$0xAF30];
	_ =	sdelay $0x4  }
0x268: {  	[tilespmem:s9+$0x30] =	vst v3  }
0x269: {  	v3 =	vld [tilespmem:s20+$0x8F40];
	_ =	sdelay $0x4  }
0x26a: {  	[tilespmem:s10+$0x40] =	vst v3  }
0x26b: {  	v3 =	vld [tilespmem:s20+$0xAF40];
	_ =	sdelay $0x4  }
0x26c: {  	[tilespmem:s9+$0x40] =	vst v3  }
0x26d: {  	v3 =	vld [tilespmem:s20+$0x8F50];
	_ =	sdelay $0x4  }
0x26e: {  	[tilespmem:s10+$0x50] =	vst v3  }
0x26f: {  	v3 =	vld [tilespmem:s20+$0xAF50];
	_ =	sdelay $0x4  }
0x270: {  	[tilespmem:s9+$0x50] =	vst v3  }
0x271: {  	v3 =	vld [tilespmem:s20+$0x8F60];
	_ =	sdelay $0x4  }
0x272: {  	[tilespmem:s10+$0x60] =	vst v3  }
0x273: {  	v3 =	vld [tilespmem:s20+$0xAF60];
	_ =	sdelay $0x4  }
0x274: {  	[tilespmem:s9+$0x60] =	vst v3  }
0x275: {  	v3 =	vld [tilespmem:s20+$0x8F70];
	_ =	sdelay $0x4  }
0x276: {  	[tilespmem:s10+$0x70] =	vst v3  }
0x277: {  	v3 =	vld [tilespmem:s20+$0xAF70]  }
.Ltmp3:
0x278: {  	(pc) =	sbr.rel @p0 .LBB2_5-.Ltmp3, $4  }
0x279: {  	_ = 	snop  }
0x27a: {  	s16 =	sadd.s32 $0x100, s16  }
0x27b: {  	s18 =	sadd.s32 $0x200, s18;
	s22 =	sadd.s32 $0xFFFFFF80, s16;
	s10 =	sadd.s32 $0x100, s10  }
0x27c: {  	s22 =	sand.u32 $0x300, s22;
	s20 =	sand.u32 $0x1800, s18;
	[tilespmem:s9+$0x70] =	vst v3;
	v3 =	vmov s21;
	s9 =	sadd.s32 $0x100, s9  }
0x27d: {  	s17 =	sor.u32 s22, s20;
	[tilespmem:s7+$0x0] =	vst v3  }
0x27e: {  	v3 =	vld [tilespmem:s17+$0x8F00];
	_ =	sdelay $0x3  }
0x27f: {  	v4 =	vld [tilespmem:s17+$0xB300]  }
0x280: {  	v5 =	vld [tilespmem:s17+$0x9300];
	[tilespmem:s10+$0xFFFFFF80] =	vst v3  }
0x281: {  	v3 =	vld [tilespmem:s17+$0xAF00];
	_ =	sdelay $0x4  }
0x282: {  	[tilespmem:s9+$0xFFFFFF80] =	vst v3  }
0x283: {  	v3 =	vld [tilespmem:s17+$0x8F10];
	_ =	sdelay $0x4  }
0x284: {  	[tilespmem:s10+$0xFFFFFF90] =	vst v3  }
0x285: {  	v3 =	vld [tilespmem:s17+$0xAF10];
	_ =	sdelay $0x4  }
0x286: {  	[tilespmem:s9+$0xFFFFFF90] =	vst v3  }
0x287: {  	v3 =	vld [tilespmem:s17+$0x8F20];
	_ =	sdelay $0x4  }
0x288: {  	[tilespmem:s10+$0xFFFFFFA0] =	vst v3  }
0x289: {  	v3 =	vld [tilespmem:s17+$0xAF20];
	_ =	sdelay $0x4  }
0x28a: {  	[tilespmem:s9+$0xFFFFFFA0] =	vst v3  }
0x28b: {  	v3 =	vld [tilespmem:s17+$0x8F30];
	_ =	sdelay $0x4  }
0x28c: {  	[tilespmem:s10+$0xFFFFFFB0] =	vst v3  }
0x28d: {  	v3 =	vld [tilespmem:s17+$0xAF30];
	_ =	sdelay $0x4  }
0x28e: {  	[tilespmem:s9+$0xFFFFFFB0] =	vst v3  }
0x28f: {  	v3 =	vld [tilespmem:s17+$0x8F40];
	_ =	sdelay $0x4  }
0x290: {  	[tilespmem:s10+$0xFFFFFFC0] =	vst v3  }
0x291: {  	v3 =	vld [tilespmem:s17+$0xAF40];
	_ =	sdelay $0x4  }
0x292: {  	[tilespmem:s9+$0xFFFFFFC0] =	vst v3  }
0x293: {  	v3 =	vld [tilespmem:s17+$0x8F50];
	_ =	sdelay $0x4  }
0x294: {  	[tilespmem:s10+$0xFFFFFFD0] =	vst v3  }
0x295: {  	v3 =	vld [tilespmem:s17+$0xAF50];
	_ =	sdelay $0x3  }
0x296: {  	v4 =	vsub.f32 v5, v4  }
0x297: {  	[tilespmem:s9+$0xFFFFFFD0] =	vst v3  }
0x298: {  	v3 =	vmul.f32 v4, v4;
	v61 =	vld [tilespmem:s17+$0x8F60];
	_ =	sdelay $0x1  }
0x299: {  	(v2sf) =	vpush v3, $0x0  }
0x29a: {  	(v2sf) =	vpush v3, $0x1;
	_ =	sdelay $0x1  }
0x29b: {  	(v2sf) =	vpush v3, $0x2;
	[tilespmem:s10+$0xFFFFFFE0] =	vst v61  }
0x29c: {  	v3 =	vld [tilespmem:s17+$0xAF60];
	_ =	sdelay $0x4  }
0x29d: {  	[tilespmem:s9+$0xFFFFFFE0] =	vst v3  }
0x29e: {  	v3 =	vld [tilespmem:s17+$0x8F70];
	_ =	sdelay $0x4  }
0x29f: {  	s18 =	spop (v2sf);
	[tilespmem:s10+$0xFFFFFFF0] =	vst v3  }
0x2a0: {  	s21 =	spop (v2sf);
	v3 =	vld [tilespmem:s17+$0xAF70]  }
0x2a1: {  	s22 =	sadd.f32 s21, s18  }
0x2a2: {  	s23 =	spop (v2sf)  }
0x2a3: {  	s17 =	sadd.f32 s22, s23;
	_ =	sdelay $0x1  }
0x2a4: {  	s16 =	sand.u32 $0x380, s16;
	s21 =	sadd.s32 $0x100, s7;
	[tilespmem:s9+$0xFFFFFFF0] =	vst v3;
	v3 =	vmov s17  }
0x2a5: {  	s16 =	sor.u32 s20, s16;
	[tilespmem:s21+$0xFFFFFF80] =	vst v3  }
0x2a6: {  	v3 =	vld [tilespmem:s16+$0x8F00];
	_ =	sdelay $0x3  }
0x2a7: {  	v4 =	vld [tilespmem:s16+$0xB300]  }
0x2a8: {  	v62 =	vld [tilespmem:s16+$0x9300];
	[tilespmem:s10+$0x0] =	vst v3  }
0x2a9: {  	v3 =	vld [tilespmem:s16+$0xAF00];
	_ =	sdelay $0x4  }
0x2aa: {  	[tilespmem:s9+$0x0] =	vst v3  }
0x2ab: {  	v3 =	vld [tilespmem:s16+$0x8F10];
	_ =	sdelay $0x4  }
0x2ac: {  	[tilespmem:s10+$0x10] =	vst v3  }
0x2ad: {  	v3 =	vld [tilespmem:s16+$0xAF10];
	_ =	sdelay $0x4  }
0x2ae: {  	[tilespmem:s9+$0x10] =	vst v3  }
0x2af: {  	v3 =	vld [tilespmem:s16+$0x8F20];
	_ =	sdelay $0x4  }
0x2b0: {  	[tilespmem:s10+$0x20] =	vst v3  }
0x2b1: {  	v3 =	vld [tilespmem:s16+$0xAF20];
	_ =	sdelay $0x4  }
0x2b2: {  	[tilespmem:s9+$0x20] =	vst v3  }
0x2b3: {  	v3 =	vld [tilespmem:s16+$0x8F30];
	_ =	sdelay $0x4  }
0x2b4: {  	[tilespmem:s10+$0x30] =	vst v3  }
0x2b5: {  	v3 =	vld [tilespmem:s16+$0xAF30];
	_ =	sdelay $0x4  }
0x2b6: {  	[tilespmem:s9+$0x30] =	vst v3  }
0x2b7: {  	v3 =	vld [tilespmem:s16+$0x8F40];
	_ =	sdelay $0x4  }
0x2b8: {  	[tilespmem:s10+$0x40] =	vst v3  }
0x2b9: {  	v3 =	vld [tilespmem:s16+$0xAF40];
	_ =	sdelay $0x4  }
0x2ba: {  	[tilespmem:s9+$0x40] =	vst v3  }
0x2bb: {  	v3 =	vld [tilespmem:s16+$0x8F50];
	_ =	sdelay $0x4  }
0x2bc: {  	[tilespmem:s10+$0x50] =	vst v3  }
0x2bd: {  	v3 =	vld [tilespmem:s16+$0xAF50];
	_ =	sdelay $0x3  }
0x2be: {  	v4 =	vsub.f32 v62, v4  }
0x2bf: {  	[tilespmem:s9+$0x50] =	vst v3  }
0x2c0: {  	v3 =	vmul.f32 v4, v4;
	v63 =	vld [tilespmem:s16+$0x8F60];
	_ =	sdelay $0x1  }
0x2c1: {  	(v2sf) =	vpush v3, $0x0  }
0x2c2: {  	(v2sf) =	vpush v3, $0x1;
	_ =	sdelay $0x1  }
0x2c3: {  	(v2sf) =	vpush v3, $0x2;
	[tilespmem:s10+$0x60] =	vst v63  }
0x2c4: {  	v3 =	vld [tilespmem:s16+$0xAF60];
	_ =	sdelay $0x4  }
0x2c5: {  	[tilespmem:s9+$0x60] =	vst v3  }
0x2c6: {  	v3 =	vld [tilespmem:s16+$0x8F70];
	_ =	sdelay $0x4  }
0x2c7: {  	s22 =	spop (v2sf);
	[tilespmem:s10+$0x70] =	vst v3  }
0x2c8: {  	s23 =	spop (v2sf);
	v3 =	vld [tilespmem:s16+$0xAF70]  }
0x2c9: {  	s10 =	sadd.f32 s23, s22  }
0x2ca: {  	s17 =	spop (v2sf)  }
0x2cb: {  	s18 =	sadd.s32 s6, s3;
	s10 =	sadd.f32 s10, s17  }
0x2cc: {  	s16 =	sshll.u32 s18, $0x4  }
0x2cd: {  	s20 =	sadd.s32 $0x200, s16;
	[tilespmem:s9+$0x70] =	vst v3;
	v3 =	vmov s10  }
0x2ce: {  	s22 =	sand.u32 $0x1FFFFFF0, s20;
	[tilespmem:s21+$0x0] =	vst v3;
	s21 =	sadd.s32 s5, s20  }
0x2cf: {  	[hbm4b:s21+s2] =	stream.linear.scatter [tilespmem:s13], [sflag:$0x6], $0x1000, $0x38;
	[tilespmem:$0x12F00] =	vst v63  }
.Ltmp4:
0x2d0: {  	s7 =	sadd.s32 s5, s22;
	(pc) =	sbr.rel @p1 .LBB2_8-.Ltmp4, $4  }
0x2d1: {  	s23 =	sadd.s32 $0x4F0000, s7  }
0x2d2: {  	[hbm4b:s23+s2] =	stream.linear.scatter [tilespmem:s14], [sflag:$0x6], $0x1000, $0x38;
	[tilespmem:$0x12F00] =	vst v63  }
0x2d3: {  	s7 =	sadd.s32 $0x9E0000, s7  }
0x2d4: {  	[hbm4b:s7+s2] =	stream.linear.scatter [tilespmem:s15], [sflag:$0x6], $0x1000, $0x38;
	[tilespmem:$0x12F00] =	vst v63  }
0x2d5: {  	v3 =	vld [tilespmem:s6+$0x60];
	_ =	sdelay $0x4  }
0x2d6: {  	v4 =	vshll.u32 v3, $0x1  }
0x2d7: {  	v3 =	vand.u32 $0x7, v3;
	v4 =	vand.u32 $0xFFFFFFF0, v4  }
0x2d8: {  	v3 =	vor.u32 v3, v4  }
0x2d9: {  	v4 =	vperm.xlane v3, v0;
	_ =	sdelay $0x1  }
0x2da: {  	v3 =	vperm.xlane v3, v2;
	v4 =	vadd.s32 v1, v4;
	_ =	sdelay $0x1  }
0x2db: {  	v3 =	vadd.s32 v1, v3;
	_ =	sdelay $0x1  }
0x2dc: {  	s7 =	simm.s32 $0x8F00  }
0x2dd: {  	[tilespmem:s7], [sflag:$0x3] =	stream.indirect_vreg.gather [hbm4b:s4+s2], $0x80, v4, vm0, $0xb8;
	[tilespmem:$0x12F00] =	vst v63  }
0x2de: {  	s21 =	simm.s32 $0x9700  }
0x2df: {  	[tilespmem:s21], [sflag:$0x3] =	stream.indirect_vreg.gather [hbm4b:s4+s2], $0x80, v3, vm0, $0xb8;
	[tilespmem:$0x12F00] =	vst v63  }
0x2e0: {  	v3 =	vld [tilespmem:s6+$0x70];
	_ =	sdelay $0x4  }
0x2e1: {  	v61 =	vshll.u32 v3, $0x1  }
0x2e2: {  	v3 =	vand.u32 $0x7, v3;
	v4 =	vand.u32 $0xFFFFFFF0, v61  }
0x2e3: {  	v3 =	vor.u32 v3, v4  }
0x2e4: {  	v4 =	vperm.xlane v3, v0;
	_ =	sdelay $0x1  }
0x2e5: {  	v3 =	vperm.xlane v3, v2;
	v4 =	vadd.s32 v1, v4;
	_ =	sdelay $0x1  }
0x2e6: {  	v3 =	vadd.s32 v1, v3;
	_ =	sdelay $0x1  }
0x2e7: {  	s22 =	simm.s32 $0x9F00  }
0x2e8: {  	[tilespmem:s22], [sflag:$0x3] =	stream.indirect_vreg.gather [hbm4b:s4+s2], $0x80, v4, vm0, $0xb8;
	[tilespmem:$0x12F00] =	vst v63  }
0x2e9: {  	s23 =	simm.s32 $0xA700  }
0x2ea: {  	[tilespmem:s23], [sflag:$0x3] =	stream.indirect_vreg.gather [hbm4b:s4+s2], $0x80, v3, vm0, $0xb8;
	[tilespmem:$0x12F00] =	vst v63  }
0x2eb: {  	v3 =	vld [tilespmem:s6+$0x27E0];
	_ =	sdelay $0x4  }
0x2ec: {  	v62 =	vshll.u32 v3, $0x1  }
0x2ed: {  	v3 =	vand.u32 $0x7, v3;
	v4 =	vand.u32 $0xFFFFFFF0, v62  }
0x2ee: {  	v3 =	vor.u32 v3, v4  }
0x2ef: {  	v4 =	vperm.xlane v3, v0;
	_ =	sdelay $0x1  }
0x2f0: {  	v3 =	vperm.xlane v3, v2;
	v4 =	vadd.s32 v1, v4;
	_ =	sdelay $0x1  }
0x2f1: {  	v3 =	vadd.s32 v1, v3;
	_ =	sdelay $0x2  }
0x2f2: {  	[tilespmem:s24], [sflag:$0x4] =	stream.indirect_vreg.gather [hbm4b:s4+s2], $0x80, v4, vm0, $0xb8;
	[tilespmem:$0x12F00] =	vst v63  }
0x2f3: {  	_ = 	snop  }
0x2f4: {  	[tilespmem:s25], [sflag:$0x4] =	stream.indirect_vreg.gather [hbm4b:s4+s2], $0x80, v3, vm0, $0xb8;
	[tilespmem:$0x12F00] =	vst v63  }
0x2f5: {  	v3 =	vld [tilespmem:s6+$0x27F0];
	_ =	sdelay $0x4  }
0x2f6: {  	v63 =	vshll.u32 v3, $0x1  }
0x2f7: {  	v3 =	vand.u32 $0x7, v3;
	v4 =	vand.u32 $0xFFFFFFF0, v63  }
0x2f8: {  	v3 =	vor.u32 v3, v4  }
0x2f9: {  	v4 =	vperm.xlane v3, v0;
	_ =	sdelay $0x1  }
0x2fa: {  	v3 =	vperm.xlane v3, v2;
	v4 =	vadd.s32 v1, v4;
	_ =	sdelay $0x1  }
0x2fb: {  	v3 =	vadd.s32 v1, v3  }
.Ltmp5:
0x2fc: {  	_ = 	snop;
	(pc) =	sbr.rel .LBB2_2-.Ltmp5, $4  }
0x2fd: {  	_ = 	snop  }
0x2fe: {  	[tilespmem:s26], [sflag:$0x4] =	stream.indirect_vreg.gather [hbm4b:s4+s2], $0x80, v4, vm0, $0xb8;
	[tilespmem:$0x12F00] =	vst v63  }
0x2ff: {  	s19 =	sadd.s32 $0x1, s19  }
0x300: {  	[tilespmem:s28], [sflag:$0x4] =	stream.indirect_vreg.gather [hbm4b:s4+s2], $0x80, v3, vm0, $0xb8;
	[tilespmem:$0x12F00] =	vst v63  }
.LBB2_9:
0x301: {  	_ =	sfence.sel $0x180000  }
0x302: {  	[bflag:$0x0] =	sbarrier.arrive $0xFFFF  }
0x303: {  	_ =	strace $0x90000047  }
0x304: {  	s0 =	stileid.u32;
	[bflag:$0x2] =	sbarrier.arrive $0xFFFF  }
0x305: {  	p0 =	sne.s32 s0, $0x0;
	s0 =	rddreg [dreg:$0x1]  }
0x306: {  	s0 =	sadd.s32 @!p0 $0x100000, s0  }
0x307: {  	[sflag:s0] =	ssyncadd.tile.s32 @!p0 $0x1;
	_ =	shalt  }
.Lfunc_end2:
_tile_overlayer_lowered:
.L_overlay_start_2:
0x308: {  	(tag) =	ssettag $0x2  }
0x309: {  	s0 =	rddreg [dreg:$0x0];
	s2 =	stileid.u32  }
0x30a: {  	s1 =	rddreg [dreg:$0x1];
	p0 =	sne.s32 s2, $0x0  }
0x30b: {  	s3 =	rddreg [dreg:$0x2];
	[bflag:$0x3] =	sbarrier.arrive $0xFFFF;
	s2 =	simm.s32 @!p0 $0x1C07  }
0x30c: {  	[timem:s3], [sflag:s2] =	dma.local @!p0 [hbm:s0], s1  }
0x30d: {  	s0 =	simm.s32 @!p0 $0x7  }
0x30e: {  	_ =	swait.ge @!p0 [sflag:s0], s1  }
0x30f: {  	s1 =	ssub.s32 @!p0 $0x0, s1;
	[sflag:s0] =	ssyncset.done @!p0 $0x0  }
0x310: {  	[sflag:s0] =	ssyncadd.s32 @!p0 s1  }
0x311: {  	[bflag:$0x3] =	sbarrier.arrive $0xFFFF  }
0x312: {  	_ =	shalt  }

// kernel: kernel.15.cloned.1.call-start
scs
__scs_entry_jumppad:
0x0: {  	(pc) =	sbr.rel $0x88, $3  }
0x1: {  	(tag) =	ssettag $0x0;
	lr =	simm.s32 $0x1  }
0x2: {  	[smem:$0x3F6F] =	sst lr;
	_ =	strace $0xD0000000  }
0x3: {  	_ = 	snop  }
0x4: {  	_ = 	snop  }
0x5: {  	_ = 	snop  }
0x6: {  	_ = 	snop  }
0x7: {  	_ = 	snop  }
__scs_overlays_trampoline_lowered:
0x8: {  	[smem:$0x3F7E] =	sst s0  }
0x9: {  	[smem:$0x3F7F] =	sst s1  }
0xa: {  	[smem:$0x3F80] =	sst s2  }
0xb: {  	[smem:$0x3F81] =	sst s3  }
0xc: {  	[smem:$0x3F82] =	sst s4  }
0xd: {  	[smem:$0x3F83] =	sst s5  }
0xe: {  	[smem:$0x3F84] =	sst s6  }
0xf: {  	[smem:$0x3F85] =	sst s7  }
0x10: {  	[smem:$0x3F86] =	sst s8  }
0x11: {  	[smem:$0x3F87] =	sst s9;
	s0 =	simm.s32 @!p0 $0x0  }
0x12: {  	s1 =	sld [smem:$0x3F6D];
	s0 =	simm.s32 @p0 $0x1  }
0x13: {  	[smem:$0x3F88] =	sst s0;
	s0 =	simm.s32 @!p1 $0x0  }
0x14: {  	s2 =	sld [smem:$0x3F6C];
	s0 =	simm.s32 @p1 $0x1  }
0x15: {  	[smem:$0x3F89] =	sst s0;
	s0 =	simm.s32 @!p2 $0x0  }
0x16: {  	s3 =	sld [smem:$0x3FDB];
	s0 =	simm.s32 @p2 $0x1  }
0x17: {  	s4 =	simm.s32 $0x1BF5;
	[smem:$0x3F8B] =	sst s0  }
0x18: {  	s0 =	sld [smem:$0x3F6E];
	_ =	swait.ge [sflag:s4], $0x0  }
0x19: {  	s7 =	sld [smem:$0x3F6F]  }
0x1a: {  	s8 =	sadd.s32 $0xFFFFE003, lr  }
0x1b: {  	s9 =	sadd.s32 $0xFFFFFEF7, lr;
	s5 =	simm.s32 $0xFFFFFFFF;
	p2 =	slt.u32 s8, $0xFFFFF086  }
0x1c: {  	p1 =	slt.u32 s9, $0xF7A;
	s5 =	simm.s32 @!p2 $0x0  }
0x1d: {  	s5 =	simm.s32 @p1 $0x1;
	p0 =	seq.s32 s7, s2  }
0x1e: {  	s7 =	smul.u32 @!p0 $0xF7A, s2;
	p2 =	seq.s32 @!p0 s5, $0x0  }
0x1f: {  	s9 =	smul.u32 $0xF7A, s1;
	s8 =	simm.s32 @!p0 $0x1BF5;
	p2 =	por !p2, p0  }
0x20: {  	[sflag:s8] =	ssyncset.s32 @!p0 $0xFFFFF086;
	s6 =	sadd.s32 @!p0 s3, s7;
	s7 =	simm.s32 @!p0 $0x108  }
0x21: {  	s3 =	sadd.s32 s3, s9;
	s6 =	sadd.s32 @!p0 $0x88, s6;
	s7 =	simm.s32 @p2 $0x1082  }
0x22: {  	[simem:s7], [sflag:s8] =	dma.local @!p0 [hbm:s6], $0xF7A  }
0x23: {  	s9 =	sor.u32 $0xD0000000, s2;
	s6 =	simm.s32 $0x108;
	_ =	swait.ge @!p0 [sflag:s8], $0x0  }
0x24: {  	s3 =	sadd.s32 $0x88, s3;
	s6 =	simm.s32 @!p1 $0x1082;
	[sflag:s4] =	ssyncset.s32 $0xFFFFF086  }
0x25: {  	[simem:s6], [sflag:s4] =	dma.local [hbm:s3], $0xF7A  }
0x26: {  	[smem:$0x3F6F] =	sst s1;
	(tag) =	ssettag s2;
	_ =	strace s9  }
0x27: {  	s1 =	sld [smem:$0x3F7F]  }
0x28: {  	s2 =	sld [smem:$0x3F80]  }
0x29: {  	s4 =	sld [smem:$0x3F82]  }
0x2a: {  	p0 =	seq.s32 s5, $0x0;
	s5 =	sld [smem:$0x3F83]  }
0x2b: {  	s6 =	sld [smem:$0x3F84]  }
0x2c: {  	s7 =	sld [smem:$0x3F85]  }
0x2d: {  	s3 =	simm.s32 $0x108;
	s8 =	sld [smem:$0x3F86]  }
0x2e: {  	s3 =	simm.s32 @!p0 $0x1082;
	s9 =	sld [smem:$0x3F87]  }
0x2f: {  	lr =	sadd.s32 s0, s3;
	s0 =	sld [smem:$0x3F7E]  }
0x30: {  	s3 =	sld [smem:$0x3F81]  }
0x31: {  	[smem:$0x3F8A] =	sst s10  }
0x32: {  	s10 =	sld [smem:$0x3F88];
	_ =	sdelay $0x3  }
0x33: {  	p0 =	seq.s32 s10, $0x1;
	s10 =	sld [smem:$0x3F8A];
	_ =	sdelay $0x3  }
0x34: {  	[smem:$0x3F8A] =	sst s10  }
0x35: {  	s10 =	sld [smem:$0x3F89];
	_ =	sdelay $0x3  }
0x36: {  	p1 =	seq.s32 s10, $0x1;
	s10 =	sld [smem:$0x3F8A];
	_ =	sdelay $0x3  }
0x37: {  	[smem:$0x3F8A] =	sst s10  }
0x38: {  	s10 =	sld [smem:$0x3F8B]  }
0x39: {  	_ = 	snop;
	(pc) =	sbr.ind lr, $3  }
0x3a: {  	_ = 	snop  }
0x3b: {  	_ = 	snop  }
0x3c: {  	p2 =	seq.s32 s10, $0x1;
	s10 =	sld [smem:$0x3F8A]  }
0x3d: {  	_ =	shalt  }
0x3e: {  	_ =	shalt  }
0x3f: {  	_ =	shalt  }
0x40: {  	_ =	shalt  }
0x41: {  	_ =	shalt  }
0x42: {  	_ =	shalt  }
0x43: {  	_ =	shalt  }
0x44: {  	_ =	shalt  }
0x45: {  	_ =	shalt  }
0x46: {  	_ =	shalt  }
0x47: {  	_ =	shalt  }
0x48: {  	_ =	shalt  }
0x49: {  	_ =	shalt  }
0x4a: {  	_ =	shalt  }
0x4b: {  	_ =	shalt  }
0x4c: {  	_ =	shalt  }
0x4d: {  	_ =	shalt  }
0x4e: {  	_ =	shalt  }
0x4f: {  	_ =	shalt  }
0x50: {  	_ =	shalt  }
0x51: {  	_ =	shalt  }
0x52: {  	_ =	shalt  }
0x53: {  	_ =	shalt  }
0x54: {  	_ =	shalt  }
0x55: {  	_ =	shalt  }
0x56: {  	_ =	shalt  }
0x57: {  	_ =	shalt  }
0x58: {  	_ =	shalt  }
0x59: {  	_ =	shalt  }
0x5a: {  	_ =	shalt  }
0x5b: {  	_ =	shalt  }
0x5c: {  	_ =	shalt  }
0x5d: {  	_ =	shalt  }
0x5e: {  	_ =	shalt  }
0x5f: {  	_ =	shalt  }
0x60: {  	_ =	shalt  }
0x61: {  	_ =	shalt  }
0x62: {  	_ =	shalt  }
0x63: {  	_ =	shalt  }
0x64: {  	_ =	shalt  }
0x65: {  	_ =	shalt  }
0x66: {  	_ =	shalt  }
0x67: {  	_ =	shalt  }
0x68: {  	_ =	shalt  }
0x69: {  	_ =	shalt  }
0x6a: {  	_ =	shalt  }
0x6b: {  	_ =	shalt  }
0x6c: {  	_ =	shalt  }
0x6d: {  	_ =	shalt  }
0x6e: {  	_ =	shalt  }
0x6f: {  	_ =	shalt  }
0x70: {  	_ =	shalt  }
0x71: {  	_ =	shalt  }
0x72: {  	_ =	shalt  }
0x73: {  	_ =	shalt  }
0x74: {  	_ =	shalt  }
0x75: {  	_ =	shalt  }
0x76: {  	_ =	shalt  }
0x77: {  	_ =	shalt  }
0x78: {  	_ =	shalt  }
0x79: {  	_ =	shalt  }
0x7a: {  	_ =	shalt  }
0x7b: {  	_ =	shalt  }
0x7c: {  	_ =	shalt  }
0x7d: {  	_ =	shalt  }
0x7e: {  	_ =	shalt  }
0x7f: {  	_ =	shalt  }
0x80: {  	_ =	shalt  }
0x81: {  	_ =	shalt  }
0x82: {  	_ =	shalt  }
0x83: {  	_ =	shalt  }
0x84: {  	_ =	shalt  }
0x85: {  	_ =	shalt  }
0x86: {  	_ =	shalt  }
0x87: {  	_ =	shalt  }
.Lfunc_end0:
.L_simem_size_0:
called_computation.1_lowered:
.L_overlay_start_0:
0x88: {  	s2 =	sld [smem:$0x3FD9]  }
0x89: {  	s3 =	sld [smem:$0x3FFE];
	_ =	sdelay $0x1  }
0x8a: {  	s1 =	srdreg.scid  }
0x8b: {  	s0 =	sand.u32 $0x1, s1  }
0x8c: {  	s16 =	sshll.u32 s0, $0xA;
	s2 =	sadd.s32 s3, s2  }
0x8d: {  	s2 =	sadd.s32 s2, s16  }
0x8e: {  	[smem:$0x3F96] =	sst s2  }
0x8f: {  	_ = 	snop  }
0x90: {  	(tm) =	ssettm $0x1  }
0x91: {  	s17 =	sld [smem:$0x3FFB];
	_ =	sdelay $0x3  }
0x92: {  	_ =	strace s17  }
0x93: {  	s2 =	sld [smem:$0x3FFC];
	_ =	sdelay $0x3  }
0x94: {  	_ =	strace s2  }
0x95: {  	s2 =	sld [smem:$0x3FFD];
	_ =	sdelay $0x3  }
0x96: {  	_ =	strace s2  }
0x97: {  	_ =	strace $0x8FFFFFFF  }
0x98: {  	s18 =	sld [smem:$0x3FDB];
	_ =	sdelay $0x1  }
0x99: {  	s19 =	simm.s32 $_scs_section_size  }
0x9a: {  	s4 =	simm.s32 $_size__tile_overlayer_lowered;
	s5 =	simm.s32 $_tile_overlayer_lowered  }
0x9b: {  	s22 =	simm.s32 $0x1BFF;
	s21 =	sshll.u32 s5, $0x1;
	s2 =	sadd.s32 s19, s18  }
0x9c: {  	s6 =	simm.s32 $0x0;
	s20 =	sshll.u32 s4, $0x1;
	s4 =	sadd.s32 s21, s2  }
0x9d: {  	[timem:s6], [sflag:s22] =	dma.local [hbm:s4], s20  }
0x9e: {  	_ =	swait.ge [sflag:s22], s20  }
0x9f: {  	s3 =	ssub.s32 $0x0, s20;
	[sflag:s22] =	ssyncset.done $0x0  }
0xa0: {  	[sflag:s22] =	ssyncadd.s32 s3;
	_ =	sdelay $0x1  }
0xa1: {  	s23 =	simm.s32 $0x1B8B  }
0xa2: {  	_ =	swait.ge [sflag:s23], $0x1  }
0xa3: {  	[sflag:s23] =	ssyncset.done $0x0  }
0xa4: {  	s25 =	simm.s32 $0x1B8E;
	s24 =	sld [smem:$0x3FFE];
	[sflag:s23] =	ssyncadd.s32 $0xFFFFFFFF  }
0xa5: {  	s26 =	simm.s32 $execute0_lowered;
	[smem:$0x3FD2] =	sst s25  }
0xa6: {  	s4 =	sshll.u32 s26, $0x1;
	_ =	strace $0x80000049;
	[dreg:$0x1] =	wrdreg $0xFFFFFFFF  }
0xa7: {  	s28 =	simm.s32 $_size_execute0_lowered;
	s2 =	sadd.s32 s2, s4;
	[dreg:$0x0] =	wrdreg $0x0  }
0xa8: {  	s4 =	sshll.u32 s28, $0x1;
	[dreg:$0x2] =	wrdreg s2  }
0xa9: {  	[dreg:$0x3] =	wrdreg s4  }
0xaa: {  	[dreg:$0x4] =	wrdreg $0xC0  }
0xab: {  	_ =	task [dreg:s6], $0x5FFFF  }
0xac: {  	[dreg:$0x1] =	wrdreg $0xFFFFFFFF  }
0xad: {  	[dreg:$0x0] =	wrdreg $0x60  }
0xae: {  	[dreg:$0x2] =	wrdreg s24  }
0xaf: {  	[dreg:$0x3] =	wrdreg $0x40800  }
0xb0: {  	[dreg:$0x4] =	wrdreg $0x9  }
0xb1: {  	_ =	task.clear_ibuf [dreg:s6], $0x5FFFF;
	_ =	strace $0x90000049  }
0xb2: {  	s29 =	simm.s32 $0x9;
	_ =	strace $0x8000004B  }
0xb3: {  	_ =	swait.ge [sflag:s29], $0x1  }
0xb4: {  	[sflag:s29] =	ssyncadd.s32 $0xFFFFFFFF  }
0xb5: {  	_ =	strace $0x9000004B  }
0xb6: {  	_ =	sfence  }
0xb7: {  	s30 =	sld [smem:$0x0];
	_ =	sdelay $0x2  }
0xb8: {  	s31 =	sshll.u32 s1, $0xD;
	s1 =	sshrl.u32 s1, $0x2  }
0xb9: {  	s3 =	sand.u32 $0x4000, s31;
	s1 =	sadd.s32 s1, s30  }
0xba: {  	s0 =	sor.u32 s3, s0;
	s1 =	sshll.u32 s1, $0x11  }
0xbb: {  	s0 =	sor.u32 s1, s0  }
0xbc: {  	s0 =	sadd.s32 $0x8F2B, s0  }
0xbd: {  	[sflag:s0] =	ssyncadd.remote.s32 $0x1  }
0xbe: {  	_ =	sfence.sel $0xFFFF  }
0xbf: {  	[dreg:$0x0] =	wrdreg $0xFFFFFFFF;
	(pc) =	sbr.abs _section_cstart, $3  }
0xc0: {  	[dreg:$0x1] =	wrdreg $0xFFFFFFFF  }
0xc1: {  	_ =	task.clear_ibuf [dreg:s6], $0x2FFFF;
	_ =	strace $0x9FFFFFFF  }
0xc2: {  	(tm) =	ssettm $0x7FFFFFFF  }
0xc3: {  	_ =	shalt  }
tec
execute0_lowered:
.L_overlay_start_1:
0x0: {  	(tag) =	ssettag $0x1  }
0x1: {  	s0 =	stileid.u32;
	s1 =	srdreg.scid  }
0x2: {  	s5 =	rddreg [dreg:$0x0];
	s4 =	smul.u32 $0x4F000, s0  }
0x3: {  	s2 =	rddreg [dreg:$0x1];
	s3 =	simm.s32 $0x0;
	s7 =	smul.u32 $0x4F00, s0  }
0x4: {  	s14 =	simm.s32 $0x1;
	s17 =	simm.s32 $0x0;
	s10 =	smul.u32 $0x14000, s0  }
0x5: {  	s6 =	sand.u32 $0x1, s1;
	s1 =	rddreg [dreg:$0x2];
	s24 =	smul.u32 $0x50000, s0  }
0x6: {  	[smem:$0x7FF] =	sst s3;
	s15 =	sshll.u32 s0, $0x6;
	s8 =	smul.u32 $0x2780, s6  }
0x7: {  	s9 =	smul.u32 $0x140000, s6;
	_ =	strace $0x8000004A;
	s26 =	ssub.s32 $0x2, s6  }
0x8: {  	s13 =	smul.u32 $0x27800, s6;
	s15 =	sor.u32 $0x1C01, s15;
	s11 =	sadd.s32 s4, s5  }
0x9: {  	s29 =	sshrl.u32 s26, $0x1;
	s30 =	sshrl.u32 s24, $0x2;
	s22 =	sadd.s32 s8, s7  }
0xa: {  	s23 =	sadd.s32 s10, s9;
	s31 =	ssub.s32 s26, s29;
	s11 =	sadd.s32 s13, s11  }
0xb: {  	s13 =	simm.s32 $0x80;
	s4 =	sshrl.u32 s22, $0x3;
	s25 =	sshrl.u32 s23, $0x3  }
0xc: {  	s10 =	smax.u32 s31, $0x1;
	s12 =	sadd.s32 s4, s5;
	s4 =	sadd.s32 s30, s2  }
0xd: {  	s11 =	sadd.s32 $0x195E800, s11;
	s28 =	sadd.s32 s25, s5;
	s5 =	sadd.s32 $0x4000, s4  }
0xe: {  	s6 =	sadd.s32 $0x8000, s4;
	s7 =	sadd.s32 $0xC000, s4;
	s8 =	sadd.s32 $0x10000, s4  }
0xf: {  	v0 =	vimm.f32 $0.0e+00;
	s9 =	sadd.s32 $0x44800, s28;
	s12 =	sadd.s32 $0x3AA00, s12;
	s16 =	sshrl.u32 s4, $0x3  }
.LBB2_1:
0x10: {  	s18 =	simm.s32 $0x0;
	s19 =	simm.s32 $0x200  }
.LBB2_2:
0x11: {  	p0 =	sne.s32 s19, $0xFE00;
	[tilespmem:s18+$0xF0] =	vst v0  }
0x12: {  	[tilespmem:s18+$0x80] =	vst v0  }
0x13: {  	[tilespmem:s18+$0x90] =	vst v0  }
.Ltmp0:
0x14: {  	[tilespmem:s18+$0xA0] =	vst v0;
	(pc) =	sbr.rel @p0 .LBB2_2-.Ltmp0, $4  }
0x15: {  	[tilespmem:s18+$0xB0] =	vst v0  }
0x16: {  	[tilespmem:s18+$0xC0] =	vst v0  }
0x17: {  	[tilespmem:s18+$0xD0] =	vst v0  }
0x18: {  	[tilespmem:s18+$0xE0] =	vst v0;
	s18 =	sshra.s32 s19, $0x2;
	s19 =	sadd.s32 $0x200, s19  }
0x19: {  	[tilespmem:s18+$0xF0] =	vst v0  }
0x1a: {  	[tilespmem:s18+$0x80] =	vst v0  }
0x1b: {  	[tilespmem:s18+$0x90] =	vst v0  }
0x1c: {  	[tilespmem:s18+$0xA0] =	vst v0  }
0x1d: {  	[tilespmem:s18+$0xB0] =	vst v0  }
0x1e: {  	[tilespmem:s18+$0xC0] =	vst v0  }
0x1f: {  	[tilespmem:s18+$0xD0] =	vst v0  }
0x20: {  	[tilespmem:s18+$0xE0] =	vst v0  }
0x21: {  	[spmem:s4] =	stream.linear.scatter [tilespmem:s13], [sflag:$0x1], $0x4000, $0x38;
	[tilespmem:$0x18080] =	vst v63  }
0x22: {  	_ =	swait.ge [sflag:s14], $0x4000  }
0x23: {  	[sflag:s14] =	ssyncset.done $0x0  }
0x24: {  	[sflag:s14] =	ssyncadd.s32 $0xFFFFC000  }
0x25: {  	[spmem:s5] =	stream.linear.scatter [tilespmem:s13], [sflag:$0x1], $0x4000, $0x38;
	[tilespmem:$0x18080] =	vst v63  }
0x26: {  	_ =	swait.ge [sflag:s14], $0x4000  }
0x27: {  	[sflag:s14] =	ssyncset.done $0x0  }
0x28: {  	[sflag:s14] =	ssyncadd.s32 $0xFFFFC000  }
0x29: {  	[spmem:s6] =	stream.linear.scatter [tilespmem:s13], [sflag:$0x1], $0x4000, $0x38;
	[tilespmem:$0x18080] =	vst v63  }
0x2a: {  	_ =	swait.ge [sflag:s14], $0x4000  }
0x2b: {  	[sflag:s14] =	ssyncset.done $0x0  }
0x2c: {  	[sflag:s14] =	ssyncadd.s32 $0xFFFFC000  }
0x2d: {  	[spmem:s7] =	stream.linear.scatter [tilespmem:s13], [sflag:$0x1], $0x4000, $0x38;
	[tilespmem:$0x18080] =	vst v63  }
0x2e: {  	_ =	swait.ge [sflag:s14], $0x4000  }
0x2f: {  	[sflag:s14] =	ssyncset.done $0x0  }
0x30: {  	[sflag:s14] =	ssyncadd.s32 $0xFFFFC000  }
0x31: {  	[spmem:s8] =	stream.linear.scatter [tilespmem:s13], [sflag:$0x1], $0x4000, $0x38;
	[tilespmem:$0x18080] =	vst v63  }
0x32: {  	_ =	swait.ge [sflag:s14], $0x4000  }
0x33: {  	[sflag:s14] =	ssyncset.done $0x0  }
0x34: {  	[sflag:s14] =	ssyncadd.s32 $0xFFFFC000  }
0x35: {  	s31 =	sadd.s32 $0x0, s12;
	[bflag:$0x0] =	sbarrier.arrive $0xFFFF  }
0x36: {  	[tilespmem:s3], [sflag:$0x1] =	stream.linear.gather [hbm4b:s31+s3], $0x80, $0x38;
	[tilespmem:$0x18080] =	vst v63  }
0x37: {  	_ =	swait.ge [sflag:s14], $0x80  }
0x38: {  	[sflag:s14] =	ssyncset.done $0x0  }
0x39: {  	[sflag:s14] =	ssyncadd.s32 $0xFFFFFF80  }
0x3a: {  	[tilespmem:s13], [sflag:$0x1] =	stream.linear.gather [hbm4b:s11+s3], $0x4000, $0x38;
	[tilespmem:$0x18080] =	vst v63  }
0x3b: {  	_ =	swait.ge [sflag:s14], $0x4000  }
0x3c: {  	[sflag:s14] =	ssyncset.done $0x0  }
0x3d: {  	[sflag:s14] =	ssyncadd.s32 $0xFFFFC000  }
0x3e: {  	[spmem:s2] =	stream.indirect.scatter.add.f32 [tilespmem:s13], [sflag:$0x1], $0x80, s3, s13, $0xb8;
	[tilespmem:$0x18080] =	vst v63  }
0x3f: {  	s19 =	simm.s32 $0x10;
	_ =	swait.ge [sflag:s14], $0x4000  }
0x40: {  	s20 =	simm.s32 $0x20;
	s18 =	sadd.s32 $0x800, s11;
	[sflag:s14] =	ssyncset.done $0x0  }
.LBB2_4:
0x41: {  	s21 =	sadd.s32 s19, s12  }
0x42: {  	[sflag:s14] =	ssyncadd.s32 $0xFFFFC000;
	s19 =	smov.u32 s20;
	s22 =	sadd.s32 $0x10, s20  }
0x43: {  	[tilespmem:s3], [sflag:$0x1] =	stream.linear.gather [hbm4b:s21+s3], $0x80, $0x38;
	[tilespmem:$0x18080] =	vst v63  }
0x44: {  	p0 =	sne.s32 s20, $0x4E0;
	_ =	swait.ge [sflag:s14], $0x80  }
0x45: {  	[sflag:s14] =	ssyncset.done $0x0  }
0x46: {  	[sflag:s14] =	ssyncadd.s32 $0xFFFFFF80  }
0x47: {  	[tilespmem:s13], [sflag:$0x1] =	stream.linear.gather [hbm4b:s18+s3], $0x4000, $0x38;
	[tilespmem:$0x18080] =	vst v63  }
0x48: {  	_ =	swait.ge [sflag:s14], $0x4000  }
.Ltmp1:
0x49: {  	[sflag:s14] =	ssyncset.done $0x0;
	(pc) =	sbr.rel @p0 .LBB2_4-.Ltmp1, $4  }
0x4a: {  	[sflag:s14] =	ssyncadd.s32 $0xFFFFC000  }
0x4b: {  	[spmem:s2] =	stream.indirect.scatter.add.f32 [tilespmem:s13], [sflag:$0x1], $0x80, s3, s13, $0xb8;
	[tilespmem:$0x18080] =	vst v63  }
0x4c: {  	_ =	swait.ge [sflag:s14], $0x4000  }
0x4d: {  	s20 =	smov.u32 s22;
	s18 =	sadd.s32 $0x800, s18;
	[sflag:s14] =	ssyncset.done $0x0  }
0x4e: {  	s19 =	sadd.s32 s19, s12;
	[sflag:s14] =	ssyncadd.s32 $0xFFFFC000  }
0x4f: {  	[tilespmem:s3], [sflag:$0x1] =	stream.linear.gather [hbm4b:s19+s3], $0x80, $0x38;
	[tilespmem:$0x18080] =	vst v63  }
0x50: {  	_ =	swait.ge [sflag:s14], $0x80  }
0x51: {  	[sflag:s14] =	ssyncset.done $0x0  }
0x52: {  	[sflag:s14] =	ssyncadd.s32 $0xFFFFFF80  }
0x53: {  	[tilespmem:s13], [sflag:$0x1] =	stream.linear.gather [hbm4b:s18+s3], $0x4000, $0x38;
	[tilespmem:$0x18080] =	vst v63  }
0x54: {  	_ =	swait.ge [sflag:s14], $0x4000  }
0x55: {  	[sflag:s14] =	ssyncset.done $0x0  }
0x56: {  	[sflag:s14] =	ssyncadd.s32 $0xFFFFC000  }
0x57: {  	[spmem:s2] =	stream.indirect.scatter.add.f32 [tilespmem:s13], [sflag:$0x1], $0x80, s3, s13, $0xb8;
	[tilespmem:$0x18080] =	vst v63  }
0x58: {  	_ =	swait.ge [sflag:s14], $0x4000  }
0x59: {  	s17 =	sadd.s32 $0x1, s17;
	[sflag:s14] =	ssyncset.done $0x0  }
0x5a: {  	p0 =	sne.s32 s17, s10;
	[sflag:s14] =	ssyncadd.s32 $0xFFFFC000  }
.Ltmp2:
0x5b: {  	[bflag:$0x0] =	sbarrier.arrive $0xFFFF;
	(pc) =	sbr.rel @p0 .LBB2_1-.Ltmp2, $4  }
0x5c: {  	[hbm:s9], [sflag:s15] =	dma.local [spmem:s16], $0x2800  }
0x5d: {  	_ =	swait.ge [sflag:s14], $0x2800  }
0x5e: {  	[sflag:s14] =	ssyncset.done $0x0  }
0x5f: {  	[sflag:s14] =	ssyncadd.s32 $0xFFFFD800  }
0x60: {  	_ =	sfence.sel $0x180000  }
0x61: {  	[bflag:$0x0] =	sbarrier.arrive $0xFFFF  }
0x62: {  	p0 =	sne.s32 s0, $0x0;
	_ =	strace $0x9000004A  }
0x63: {  	s0 =	sadd.s32 @!p0 $0x100000, s1;
	[bflag:$0x2] =	sbarrier.arrive $0xFFFF  }
0x64: {  	[sflag:s0] =	ssyncadd.tile.s32 @!p0 $0x1;
	_ =	shalt  }
.Lfunc_end2:
_tile_overlayer_lowered:
.L_overlay_start_2:
0x65: {  	(tag) =	ssettag $0x2  }
0x66: {  	s0 =	rddreg [dreg:$0x0];
	s2 =	stileid.u32  }
0x67: {  	s1 =	rddreg [dreg:$0x1];
	p0 =	sne.s32 s2, $0x0  }
0x68: {  	s3 =	rddreg [dreg:$0x2];
	[bflag:$0x3] =	sbarrier.arrive $0xFFFF;
	s2 =	simm.s32 @!p0 $0x1C01  }
0x69: {  	[timem:s3], [sflag:s2] =	dma.local @!p0 [hbm:s0], s1  }
0x6a: {  	s0 =	simm.s32 @!p0 $0x1  }
0x6b: {  	_ =	swait.ge @!p0 [sflag:s0], s1  }
0x6c: {  	s1 =	ssub.s32 @!p0 $0x0, s1;
	[sflag:s0] =	ssyncset.done @!p0 $0x0  }
0x6d: {  	[sflag:s0] =	ssyncadd.s32 @!p0 s1  }
0x6e: {  	[bflag:$0x3] =	sbarrier.arrive $0xFFFF  }
0x6f: {  	_ =	shalt  }

// kernel: kernel.18.cloned.1.call-start
scs
__scs_entry_jumppad:
0x0: {  	(pc) =	sbr.rel $0x88, $3  }
0x1: {  	(tag) =	ssettag $0x0;
	lr =	simm.s32 $0x1  }
0x2: {  	[smem:$0x3F6F] =	sst lr;
	_ =	strace $0xD0000000  }
0x3: {  	_ = 	snop  }
0x4: {  	_ = 	snop  }
0x5: {  	_ = 	snop  }
0x6: {  	_ = 	snop  }
0x7: {  	_ = 	snop  }
__scs_overlays_trampoline_lowered:
0x8: {  	[smem:$0x3F7E] =	sst s0  }
0x9: {  	[smem:$0x3F7F] =	sst s1  }
0xa: {  	[smem:$0x3F80] =	sst s2  }
0xb: {  	[smem:$0x3F81] =	sst s3  }
0xc: {  	[smem:$0x3F82] =	sst s4  }
0xd: {  	[smem:$0x3F83] =	sst s5  }
0xe: {  	[smem:$0x3F84] =	sst s6  }
0xf: {  	[smem:$0x3F85] =	sst s7  }
0x10: {  	[smem:$0x3F86] =	sst s8  }
0x11: {  	[smem:$0x3F87] =	sst s9;
	s0 =	simm.s32 @!p0 $0x0  }
0x12: {  	s1 =	sld [smem:$0x3F6D];
	s0 =	simm.s32 @p0 $0x1  }
0x13: {  	[smem:$0x3F88] =	sst s0;
	s0 =	simm.s32 @!p1 $0x0  }
0x14: {  	s2 =	sld [smem:$0x3F6C];
	s0 =	simm.s32 @p1 $0x1  }
0x15: {  	[smem:$0x3F89] =	sst s0;
	s0 =	simm.s32 @!p2 $0x0  }
0x16: {  	s3 =	sld [smem:$0x3FDB];
	s0 =	simm.s32 @p2 $0x1  }
0x17: {  	s4 =	simm.s32 $0x1BF5;
	[smem:$0x3F8B] =	sst s0  }
0x18: {  	s0 =	sld [smem:$0x3F6E];
	_ =	swait.ge [sflag:s4], $0x0  }
0x19: {  	s7 =	sld [smem:$0x3F6F]  }
0x1a: {  	s8 =	sadd.s32 $0xFFFFE003, lr  }
0x1b: {  	s9 =	sadd.s32 $0xFFFFFEF7, lr;
	s5 =	simm.s32 $0xFFFFFFFF;
	p2 =	slt.u32 s8, $0xFFFFF086  }
0x1c: {  	p1 =	slt.u32 s9, $0xF7A;
	s5 =	simm.s32 @!p2 $0x0  }
0x1d: {  	s5 =	simm.s32 @p1 $0x1;
	p0 =	seq.s32 s7, s2  }
0x1e: {  	s7 =	smul.u32 @!p0 $0xF7A, s2;
	p2 =	seq.s32 @!p0 s5, $0x0  }
0x1f: {  	s9 =	smul.u32 $0xF7A, s1;
	s8 =	simm.s32 @!p0 $0x1BF5;
	p2 =	por !p2, p0  }
0x20: {  	[sflag:s8] =	ssyncset.s32 @!p0 $0xFFFFF086;
	s6 =	sadd.s32 @!p0 s3, s7;
	s7 =	simm.s32 @!p0 $0x108  }
0x21: {  	s3 =	sadd.s32 s3, s9;
	s6 =	sadd.s32 @!p0 $0x88, s6;
	s7 =	simm.s32 @p2 $0x1082  }
0x22: {  	[simem:s7], [sflag:s8] =	dma.local @!p0 [hbm:s6], $0xF7A  }
0x23: {  	s9 =	sor.u32 $0xD0000000, s2;
	s6 =	simm.s32 $0x108;
	_ =	swait.ge @!p0 [sflag:s8], $0x0  }
0x24: {  	s3 =	sadd.s32 $0x88, s3;
	s6 =	simm.s32 @!p1 $0x1082;
	[sflag:s4] =	ssyncset.s32 $0xFFFFF086  }
0x25: {  	[simem:s6], [sflag:s4] =	dma.local [hbm:s3], $0xF7A  }
0x26: {  	[smem:$0x3F6F] =	sst s1;
	(tag) =	ssettag s2;
	_ =	strace s9  }
0x27: {  	s1 =	sld [smem:$0x3F7F]  }
0x28: {  	s2 =	sld [smem:$0x3F80]  }
0x29: {  	s4 =	sld [smem:$0x3F82]  }
0x2a: {  	p0 =	seq.s32 s5, $0x0;
	s5 =	sld [smem:$0x3F83]  }
0x2b: {  	s6 =	sld [smem:$0x3F84]  }
0x2c: {  	s7 =	sld [smem:$0x3F85]  }
0x2d: {  	s3 =	simm.s32 $0x108;
	s8 =	sld [smem:$0x3F86]  }
0x2e: {  	s3 =	simm.s32 @!p0 $0x1082;
	s9 =	sld [smem:$0x3F87]  }
0x2f: {  	lr =	sadd.s32 s0, s3;
	s0 =	sld [smem:$0x3F7E]  }
0x30: {  	s3 =	sld [smem:$0x3F81]  }
0x31: {  	[smem:$0x3F8A] =	sst s10  }
0x32: {  	s10 =	sld [smem:$0x3F88];
	_ =	sdelay $0x3  }
0x33: {  	p0 =	seq.s32 s10, $0x1;
	s10 =	sld [smem:$0x3F8A];
	_ =	sdelay $0x3  }
0x34: {  	[smem:$0x3F8A] =	sst s10  }
0x35: {  	s10 =	sld [smem:$0x3F89];
	_ =	sdelay $0x3  }
0x36: {  	p1 =	seq.s32 s10, $0x1;
	s10 =	sld [smem:$0x3F8A];
	_ =	sdelay $0x3  }
0x37: {  	[smem:$0x3F8A] =	sst s10  }
0x38: {  	s10 =	sld [smem:$0x3F8B]  }
0x39: {  	_ = 	snop;
	(pc) =	sbr.ind lr, $3  }
0x3a: {  	_ = 	snop  }
0x3b: {  	_ = 	snop  }
0x3c: {  	p2 =	seq.s32 s10, $0x1;
	s10 =	sld [smem:$0x3F8A]  }
0x3d: {  	_ =	shalt  }
0x3e: {  	_ =	shalt  }
0x3f: {  	_ =	shalt  }
0x40: {  	_ =	shalt  }
0x41: {  	_ =	shalt  }
0x42: {  	_ =	shalt  }
0x43: {  	_ =	shalt  }
0x44: {  	_ =	shalt  }
0x45: {  	_ =	shalt  }
0x46: {  	_ =	shalt  }
0x47: {  	_ =	shalt  }
0x48: {  	_ =	shalt  }
0x49: {  	_ =	shalt  }
0x4a: {  	_ =	shalt  }
0x4b: {  	_ =	shalt  }
0x4c: {  	_ =	shalt  }
0x4d: {  	_ =	shalt  }
0x4e: {  	_ =	shalt  }
0x4f: {  	_ =	shalt  }
0x50: {  	_ =	shalt  }
0x51: {  	_ =	shalt  }
0x52: {  	_ =	shalt  }
0x53: {  	_ =	shalt  }
0x54: {  	_ =	shalt  }
0x55: {  	_ =	shalt  }
0x56: {  	_ =	shalt  }
0x57: {  	_ =	shalt  }
0x58: {  	_ =	shalt  }
0x59: {  	_ =	shalt  }
0x5a: {  	_ =	shalt  }
0x5b: {  	_ =	shalt  }
0x5c: {  	_ =	shalt  }
0x5d: {  	_ =	shalt  }
0x5e: {  	_ =	shalt  }
0x5f: {  	_ =	shalt  }
0x60: {  	_ =	shalt  }
0x61: {  	_ =	shalt  }
0x62: {  	_ =	shalt  }
0x63: {  	_ =	shalt  }
0x64: {  	_ =	shalt  }
0x65: {  	_ =	shalt  }
0x66: {  	_ =	shalt  }
0x67: {  	_ =	shalt  }
0x68: {  	_ =	shalt  }
0x69: {  	_ =	shalt  }
0x6a: {  	_ =	shalt  }
0x6b: {  	_ =	shalt  }
0x6c: {  	_ =	shalt  }
0x6d: {  	_ =	shalt  }
0x6e: {  	_ =	shalt  }
0x6f: {  	_ =	shalt  }
0x70: {  	_ =	shalt  }
0x71: {  	_ =	shalt  }
0x72: {  	_ =	shalt  }
0x73: {  	_ =	shalt  }
0x74: {  	_ =	shalt  }
0x75: {  	_ =	shalt  }
0x76: {  	_ =	shalt  }
0x77: {  	_ =	shalt  }
0x78: {  	_ =	shalt  }
0x79: {  	_ =	shalt  }
0x7a: {  	_ =	shalt  }
0x7b: {  	_ =	shalt  }
0x7c: {  	_ =	shalt  }
0x7d: {  	_ =	shalt  }
0x7e: {  	_ =	shalt  }
0x7f: {  	_ =	shalt  }
0x80: {  	_ =	shalt  }
0x81: {  	_ =	shalt  }
0x82: {  	_ =	shalt  }
0x83: {  	_ =	shalt  }
0x84: {  	_ =	shalt  }
0x85: {  	_ =	shalt  }
0x86: {  	_ =	shalt  }
0x87: {  	_ =	shalt  }
.Lfunc_end0:
.L_simem_size_0:
called_computation.2_lowered:
.L_overlay_start_0:
0x88: {  	s2 =	sld [smem:$0x3FD9]  }
0x89: {  	s3 =	sld [smem:$0x3FFE];
	_ =	sdelay $0x1  }
0x8a: {  	s1 =	srdreg.scid  }
0x8b: {  	s0 =	sand.u32 $0x1, s1  }
0x8c: {  	s16 =	sshll.u32 s0, $0xA;
	s2 =	sadd.s32 s3, s2  }
0x8d: {  	s2 =	sadd.s32 s2, s16  }
0x8e: {  	[smem:$0x3F96] =	sst s2  }
0x8f: {  	_ = 	snop  }
0x90: {  	(tm) =	ssettm $0x1  }
0x91: {  	s17 =	sld [smem:$0x3FFB];
	_ =	sdelay $0x3  }
0x92: {  	_ =	strace s17  }
0x93: {  	s2 =	sld [smem:$0x3FFC];
	_ =	sdelay $0x3  }
0x94: {  	_ =	strace s2  }
0x95: {  	s2 =	sld [smem:$0x3FFD];
	_ =	sdelay $0x3  }
0x96: {  	_ =	strace s2  }
0x97: {  	_ =	strace $0x8FFFFFFF  }
0x98: {  	s18 =	sld [smem:$0x3FDB];
	_ =	sdelay $0x1  }
0x99: {  	s19 =	simm.s32 $_scs_section_size  }
0x9a: {  	s4 =	simm.s32 $_size__tile_overlayer_lowered;
	s5 =	simm.s32 $_tile_overlayer_lowered  }
0x9b: {  	s22 =	simm.s32 $0x1BFF;
	s21 =	sshll.u32 s5, $0x1;
	s2 =	sadd.s32 s19, s18  }
0x9c: {  	s6 =	simm.s32 $0x0;
	s20 =	sshll.u32 s4, $0x1;
	s4 =	sadd.s32 s21, s2  }
0x9d: {  	[timem:s6], [sflag:s22] =	dma.local [hbm:s4], s20  }
0x9e: {  	_ =	swait.ge [sflag:s22], s20  }
0x9f: {  	s3 =	ssub.s32 $0x0, s20;
	[sflag:s22] =	ssyncset.done $0x0  }
0xa0: {  	[sflag:s22] =	ssyncadd.s32 s3;
	_ =	sdelay $0x1  }
0xa1: {  	s23 =	simm.s32 $0x1B8B  }
0xa2: {  	_ =	swait.ge [sflag:s23], $0x1  }
0xa3: {  	[sflag:s23] =	ssyncset.done $0x0  }
0xa4: {  	s25 =	simm.s32 $0x1B8E;
	s24 =	sld [smem:$0x3FFE];
	[sflag:s23] =	ssyncadd.s32 $0xFFFFFFFF  }
0xa5: {  	s26 =	simm.s32 $execute0_lowered;
	[smem:$0x3FD2] =	sst s25  }
0xa6: {  	s4 =	sshll.u32 s26, $0x1;
	_ =	strace $0x8000004C;
	[dreg:$0x1] =	wrdreg $0xFFFFFFFF  }
0xa7: {  	s28 =	simm.s32 $_size_execute0_lowered;
	s2 =	sadd.s32 s2, s4;
	[dreg:$0x0] =	wrdreg $0x0  }
0xa8: {  	s4 =	sshll.u32 s28, $0x1;
	[dreg:$0x2] =	wrdreg s2  }
0xa9: {  	[dreg:$0x3] =	wrdreg s4  }
0xaa: {  	[dreg:$0x4] =	wrdreg $0xC0  }
0xab: {  	_ =	task [dreg:s6], $0x5FFFF  }
0xac: {  	[dreg:$0x1] =	wrdreg $0xFFFFFFFF  }
0xad: {  	[dreg:$0x0] =	wrdreg $0x60  }
0xae: {  	[dreg:$0x2] =	wrdreg s24  }
0xaf: {  	[dreg:$0x3] =	wrdreg $0x9  }
0xb0: {  	_ =	task.clear_ibuf [dreg:s6], $0x4FFFF;
	_ =	strace $0x9000004C  }
0xb1: {  	s29 =	simm.s32 $0x9;
	_ =	strace $0x8000004E  }
0xb2: {  	_ =	swait.ge [sflag:s29], $0x1  }
0xb3: {  	[sflag:s29] =	ssyncadd.s32 $0xFFFFFFFF  }
0xb4: {  	_ =	strace $0x9000004E  }
0xb5: {  	_ =	sfence  }
0xb6: {  	s30 =	sld [smem:$0x0];
	_ =	sdelay $0x2  }
0xb7: {  	s31 =	sshll.u32 s1, $0xD;
	s1 =	sshrl.u32 s1, $0x2  }
0xb8: {  	s3 =	sand.u32 $0x4000, s31;
	s1 =	sadd.s32 s1, s30  }
0xb9: {  	s0 =	sor.u32 s3, s0;
	s1 =	sshll.u32 s1, $0x11  }
0xba: {  	s0 =	sor.u32 s1, s0  }
0xbb: {  	s0 =	sadd.s32 $0x8F2B, s0  }
0xbc: {  	[sflag:s0] =	ssyncadd.remote.s32 $0x1  }
0xbd: {  	_ =	sfence.sel $0xFFFF  }
0xbe: {  	[dreg:$0x0] =	wrdreg $0xFFFFFFFF;
	(pc) =	sbr.abs _section_cstart, $3  }
0xbf: {  	[dreg:$0x1] =	wrdreg $0xFFFFFFFF  }
0xc0: {  	_ =	task.clear_ibuf [dreg:s6], $0x2FFFF;
	_ =	strace $0x9FFFFFFF  }
0xc1: {  	(tm) =	ssettm $0x7FFFFFFF  }
tec
execute0_lowered:
.L_overlay_start_1:
0x0: {  	(tag) =	ssettag $0x1  }
0x1: {  	s0 =	srdreg.scid  }
0x2: {  	s2 =	stileid.u32;
	s1 =	rddreg [dreg:$0x0];
	s28 =	simm.s32 $0xC700  }
0x3: {  	s29 =	simm.s32 $0x1;
	s30 =	simm.s32 $0x2;
	s31 =	simm.s32 $0xCF00  }
0x4: {  	s11 =	simm.s32 $0x3;
	s12 =	simm.s32 $0x4;
	s13 =	simm.s32 $0xFF00  }
0x5: {  	s14 =	simm.s32 $0x10F00;
	s15 =	simm.s32 $0x11F00;
	s9 =	simm.s32 $0x0  }
0x6: {  	s0 =	sand.u32 $0x1, s0;
	s3 =	sshll.u32 s2, $0x1;
	s2 =	simm.s32 $0x0  }
0x7: {  	s4 =	sadd.s32 $0x44800, s1;
	s6 =	sor.u32 s0, s3;
	s0 =	ssub.s32 $0x2, s0  }
0x8: {  	[smem:$0x7FF] =	sst s2;
	s3 =	smul.u32 $0x2780, s6;
	s24 =	sshrl.u32 s0, $0x1  }
0x9: {  	_ =	strace $0x8000004D;
	s8 =	smul.u32 $0x13C000, s6;
	s0 =	ssub.s32 s0, s24  }
.Ltmp0:
0xa: {  	s24 =	simm.s32 $0xAF00;
	s5 =	sshrl.u32 s3, $0x3;
	(pc) =	sbr.rel .LBB2_1-.Ltmp0, $4  }
0xb: {  	s0 =	smax.u32 s0, $0x1;
	s7 =	sadd.s32 s5, s1;
	s5 =	sadd.s32 $0xE4800, s1  }
0xc: {  	v2 =	vlaneseq.u32;
	[dreg:$0x4] =	wrdreg s0;
	s1 =	simm.s32 $0xDF00;
	s25 =	sadd.s32 $0x3AA00, s7  }
0xd: {  	vm0 =	vmmov $0xffff;
	v1 =	vshrl.u32 v2, $0x3;
	s0 =	simm.s32 $0xEF00;
	s26 =	sadd.s32 $0x30C00, s7;
	[dreg:$0x2] =	wrdreg s25  }
0xe: {  	v0 =	vand.u32 $0x7, v2;
	v2 =	vor.u32 $0x8, v2;
	v1 =	vmul.u32 $0x8, v1;
	[dreg:$0x3] =	wrdreg s26;
	s25 =	simm.s32 $0xB700;
	s26 =	simm.s32 $0xBF00  }
.LBB2_8:
0xf: {  	s6 =	simm.s32 $0x5  }
0x10: {  	_ =	swait.ge [sflag:s6], $0x1000  }
0x11: {  	[sflag:s6] =	ssyncset.done $0x0  }
0x12: {  	[sflag:s6] =	ssyncadd.s32 $0xFFFFF000  }
0x13: {  	_ =	swait.ge [sflag:s6], $0x1000  }
0x14: {  	[sflag:s6] =	ssyncset.done $0x0  }
0x15: {  	[sflag:s6] =	ssyncadd.s32 $0xFFFFF000  }
0x16: {  	_ =	swait.ge [sflag:s6], $0x1000  }
0x17: {  	[sflag:s6] =	ssyncset.done $0x0  }
0x18: {  	s7 =	simm.s32 $0x6;
	[sflag:s6] =	ssyncadd.s32 $0xFFFFF000  }
0x19: {  	_ =	swait.ge [sflag:s7], $0x1000  }
0x1a: {  	[sflag:s7] =	ssyncset.done $0x0  }
0x1b: {  	[sflag:s7] =	ssyncadd.s32 $0xFFFFF000  }
0x1c: {  	_ =	swait.ge [sflag:s7], $0x1000  }
0x1d: {  	[sflag:s7] =	ssyncset.done $0x0  }
0x1e: {  	[sflag:s7] =	ssyncadd.s32 $0xFFFFF000  }
0x1f: {  	_ =	swait.ge [sflag:s7], $0x1000  }
0x20: {  	s9 =	rddreg [dreg:$0x5]  }
0x21: {  	s23 =	rddreg [dreg:$0x4];
	s9 =	sadd.s32 $0x1, s9  }
0x22: {  	p0 =	sne.s32 s9, s23  }
.Ltmp1:
0x23: {  	_ = 	snop;
	(pc) =	sbr.rel @!p0 .LBB2_9-.Ltmp1, $3  }
0x24: {  	_ =	sdelay $0x1  }
0x25: {  	[sflag:s7] =	ssyncset.done $0x0  }
0x26: {  	[sflag:s7] =	ssyncadd.s32 $0xFFFFF000  }
.LBB2_1:
0x27: {  	[dreg:$0x5] =	wrdreg s9  }
0x28: {  	s6 =	rddreg [dreg:$0x2];
	s7 =	simm.s32 $0x7  }
0x29: {  	[tilespmem:s2], [sflag:$0x7] =	stream.linear.gather [hbm4b:s6+s2], $0x2780, $0x38;
	[tilespmem:$0x12F00] =	vst v63  }
0x2a: {  	_ =	swait.ge [sflag:s7], $0x2780  }
0x2b: {  	[sflag:s7] =	ssyncset.done $0x0  }
0x2c: {  	s22 =	simm.s32 $0x2780;
	s21 =	rddreg [dreg:$0x3];
	[sflag:s7] =	ssyncadd.s32 $0xFFFFD880  }
0x2d: {  	[tilespmem:s22], [sflag:$0x7] =	stream.linear.gather [hbm4b:s21+s2], $0x2780, $0x38;
	[tilespmem:$0x12F00] =	vst v63  }
0x2e: {  	_ =	swait.ge [sflag:s7], $0x2780  }
0x2f: {  	[sflag:s7] =	ssyncset.done $0x0  }
0x30: {  	[sflag:s7] =	ssyncadd.s32 $0xFFFFD880  }
0x31: {  	v3 =	vld [tilespmem:$0x0];
	_ =	sdelay $0x4  }
0x32: {  	v4 =	vshll.u32 v3, $0x1  }
0x33: {  	v3 =	vand.u32 $0x7, v3;
	v4 =	vand.u32 $0xFFFFFFF0, v4  }
0x34: {  	v3 =	vor.u32 v3, v4  }
0x35: {  	v4 =	vperm.xlane v3, v0;
	_ =	sdelay $0x1  }
0x36: {  	v3 =	vperm.xlane v3, v2;
	v4 =	vadd.s32 v1, v4;
	_ =	sdelay $0x1  }
0x37: {  	v3 =	vadd.s32 v1, v3;
	_ =	sdelay $0x1  }
0x38: {  	s23 =	simm.s32 $0x4F00  }
0x39: {  	[tilespmem:s23], [sflag:$0x1] =	stream.indirect_vreg.gather [hbm4b:s4+s2], $0x80, v4, vm0, $0xb8;
	[tilespmem:$0x12F00] =	vst v63  }
0x3a: {  	s7 =	simm.s32 $0x5700  }
0x3b: {  	[tilespmem:s7], [sflag:$0x1] =	stream.indirect_vreg.gather [hbm4b:s4+s2], $0x80, v3, vm0, $0xb8;
	[tilespmem:$0x12F00] =	vst v63  }
0x3c: {  	v3 =	vld [tilespmem:$0x10];
	_ =	sdelay $0x4  }
0x3d: {  	v57 =	vshll.u32 v3, $0x1  }
0x3e: {  	v3 =	vand.u32 $0x7, v3;
	v4 =	vand.u32 $0xFFFFFFF0, v57  }
0x3f: {  	v3 =	vor.u32 v3, v4  }
0x40: {  	v4 =	vperm.xlane v3, v0;
	_ =	sdelay $0x1  }
0x41: {  	v3 =	vperm.xlane v3, v2;
	v4 =	vadd.s32 v1, v4;
	_ =	sdelay $0x1  }
0x42: {  	v3 =	vadd.s32 v1, v3;
	_ =	sdelay $0x1  }
0x43: {  	s9 =	simm.s32 $0x5F00  }
0x44: {  	[tilespmem:s9], [sflag:$0x1] =	stream.indirect_vreg.gather [hbm4b:s4+s2], $0x80, v4, vm0, $0xb8;
	[tilespmem:$0x12F00] =	vst v63  }
0x45: {  	s10 =	simm.s32 $0x6700  }
0x46: {  	[tilespmem:s10], [sflag:$0x1] =	stream.indirect_vreg.gather [hbm4b:s4+s2], $0x80, v3, vm0, $0xb8;
	[tilespmem:$0x12F00] =	vst v63  }
0x47: {  	v3 =	vld [tilespmem:$0x2780];
	_ =	sdelay $0x4  }
0x48: {  	v58 =	vshll.u32 v3, $0x1  }
0x49: {  	v3 =	vand.u32 $0x7, v3;
	v4 =	vand.u32 $0xFFFFFFF0, v58  }
0x4a: {  	v3 =	vor.u32 v3, v4  }
0x4b: {  	v4 =	vperm.xlane v3, v0;
	_ =	sdelay $0x1  }
0x4c: {  	v3 =	vperm.xlane v3, v2;
	v4 =	vadd.s32 v1, v4;
	_ =	sdelay $0x1  }
0x4d: {  	v3 =	vadd.s32 v1, v3;
	_ =	sdelay $0x1  }
0x4e: {  	s16 =	simm.s32 $0x6F00  }
0x4f: {  	[tilespmem:s16], [sflag:$0x2] =	stream.indirect_vreg.gather [hbm4b:s4+s2], $0x80, v4, vm0, $0xb8;
	[tilespmem:$0x12F00] =	vst v63  }
0x50: {  	s17 =	simm.s32 $0x7700  }
0x51: {  	[tilespmem:s17], [sflag:$0x2] =	stream.indirect_vreg.gather [hbm4b:s4+s2], $0x80, v3, vm0, $0xb8;
	[tilespmem:$0x12F00] =	vst v63  }
0x52: {  	v3 =	vld [tilespmem:$0x2790];
	_ =	sdelay $0x4  }
0x53: {  	v59 =	vshll.u32 v3, $0x1  }
0x54: {  	v3 =	vand.u32 $0x7, v3;
	v4 =	vand.u32 $0xFFFFFFF0, v59  }
0x55: {  	v3 =	vor.u32 v3, v4  }
0x56: {  	v4 =	vperm.xlane v3, v0;
	_ =	sdelay $0x1  }
0x57: {  	v3 =	vperm.xlane v3, v2;
	v4 =	vadd.s32 v1, v4;
	_ =	sdelay $0x1  }
0x58: {  	v3 =	vadd.s32 v1, v3;
	_ =	sdelay $0x1  }
0x59: {  	s18 =	simm.s32 $0x7F00  }
0x5a: {  	[tilespmem:s18], [sflag:$0x2] =	stream.indirect_vreg.gather [hbm4b:s4+s2], $0x80, v4, vm0, $0xb8;
	[tilespmem:$0x12F00] =	vst v63  }
0x5b: {  	s19 =	simm.s32 $0x8700  }
0x5c: {  	[tilespmem:s19], [sflag:$0x2] =	stream.indirect_vreg.gather [hbm4b:s4+s2], $0x80, v3, vm0, $0xb8;
	[tilespmem:$0x12F00] =	vst v63  }
0x5d: {  	v3 =	vld [tilespmem:$0x20];
	_ =	sdelay $0x4  }
0x5e: {  	v60 =	vshll.u32 v3, $0x1  }
0x5f: {  	v3 =	vand.u32 $0x7, v3;
	v4 =	vand.u32 $0xFFFFFFF0, v60  }
0x60: {  	v3 =	vor.u32 v3, v4  }
0x61: {  	v4 =	vperm.xlane v3, v0;
	_ =	sdelay $0x1  }
0x62: {  	v3 =	vperm.xlane v3, v2;
	v4 =	vadd.s32 v1, v4;
	_ =	sdelay $0x1  }
0x63: {  	v3 =	vadd.s32 v1, v3;
	_ =	sdelay $0x1  }
0x64: {  	s20 =	simm.s32 $0x8F00  }
0x65: {  	[tilespmem:s20], [sflag:$0x3] =	stream.indirect_vreg.gather [hbm4b:s4+s2], $0x80, v4, vm0, $0xb8;
	[tilespmem:$0x12F00] =	vst v63  }
0x66: {  	s21 =	simm.s32 $0x9700  }
0x67: {  	[tilespmem:s21], [sflag:$0x3] =	stream.indirect_vreg.gather [hbm4b:s4+s2], $0x80, v3, vm0, $0xb8;
	[tilespmem:$0x12F00] =	vst v63  }
0x68: {  	v3 =	vld [tilespmem:$0x30];
	_ =	sdelay $0x4  }
0x69: {  	v61 =	vshll.u32 v3, $0x1  }
0x6a: {  	v3 =	vand.u32 $0x7, v3;
	v4 =	vand.u32 $0xFFFFFFF0, v61  }
0x6b: {  	v3 =	vor.u32 v3, v4  }
0x6c: {  	v4 =	vperm.xlane v3, v0;
	_ =	sdelay $0x1  }
0x6d: {  	v3 =	vperm.xlane v3, v2;
	v4 =	vadd.s32 v1, v4;
	_ =	sdelay $0x1  }
0x6e: {  	v3 =	vadd.s32 v1, v3;
	_ =	sdelay $0x1  }
0x6f: {  	s22 =	simm.s32 $0x9F00  }
0x70: {  	[tilespmem:s22], [sflag:$0x3] =	stream.indirect_vreg.gather [hbm4b:s4+s2], $0x80, v4, vm0, $0xb8;
	[tilespmem:$0x12F00] =	vst v63  }
0x71: {  	s23 =	simm.s32 $0xA700  }
0x72: {  	[tilespmem:s23], [sflag:$0x3] =	stream.indirect_vreg.gather [hbm4b:s4+s2], $0x80, v3, vm0, $0xb8;
	[tilespmem:$0x12F00] =	vst v63  }
0x73: {  	v3 =	vld [tilespmem:$0x27A0];
	_ =	sdelay $0x4  }
0x74: {  	v62 =	vshll.u32 v3, $0x1  }
0x75: {  	v3 =	vand.u32 $0x7, v3;
	v4 =	vand.u32 $0xFFFFFFF0, v62  }
0x76: {  	v3 =	vor.u32 v3, v4  }
0x77: {  	v4 =	vperm.xlane v3, v0;
	_ =	sdelay $0x1  }
0x78: {  	v3 =	vperm.xlane v3, v2;
	v4 =	vadd.s32 v1, v4;
	_ =	sdelay $0x1  }
0x79: {  	v3 =	vadd.s32 v1, v3;
	_ =	sdelay $0x2  }
0x7a: {  	[tilespmem:s24], [sflag:$0x4] =	stream.indirect_vreg.gather [hbm4b:s4+s2], $0x80, v4, vm0, $0xb8;
	[tilespmem:$0x12F00] =	vst v63  }
0x7b: {  	_ = 	snop  }
0x7c: {  	[tilespmem:s25], [sflag:$0x4] =	stream.indirect_vreg.gather [hbm4b:s4+s2], $0x80, v3, vm0, $0xb8;
	[tilespmem:$0x12F00] =	vst v63  }
0x7d: {  	v3 =	vld [tilespmem:$0x27B0];
	_ =	sdelay $0x4  }
0x7e: {  	v63 =	vshll.u32 v3, $0x1  }
0x7f: {  	v3 =	vand.u32 $0x7, v3;
	v4 =	vand.u32 $0xFFFFFFF0, v63  }
0x80: {  	v3 =	vor.u32 v3, v4  }
0x81: {  	v4 =	vperm.xlane v3, v0;
	_ =	sdelay $0x1  }
0x82: {  	v3 =	vperm.xlane v3, v2;
	v4 =	vadd.s32 v1, v4;
	_ =	sdelay $0x1  }
0x83: {  	v3 =	vadd.s32 v1, v3;
	_ =	sdelay $0x2  }
0x84: {  	[tilespmem:s26], [sflag:$0x4] =	stream.indirect_vreg.gather [hbm4b:s4+s2], $0x80, v4, vm0, $0xb8;
	[tilespmem:$0x12F00] =	vst v63  }
0x85: {  	s19 =	simm.s32 $0x0  }
0x86: {  	[tilespmem:s28], [sflag:$0x4] =	stream.indirect_vreg.gather [hbm4b:s4+s2], $0x80, v3, vm0, $0xb8;
	[tilespmem:$0x12F00] =	vst v63  }
.LBB2_2:
0x87: {  	_ =	swait.ge [sflag:s29], $0x2000  }
0x88: {  	[sflag:s29] =	ssyncset.done $0x0  }
0x89: {  	[sflag:s29] =	ssyncadd.s32 $0xFFFFE000  }
0x8a: {  	_ =	swait.ge [sflag:s30], $0x2000  }
0x8b: {  	p0 =	seq.s32 s19, $0x0;
	[sflag:s30] =	ssyncset.done $0x0  }
0x8c: {  	s6 =	simm.s32 @!p0 $0x5;
	[sflag:s30] =	ssyncadd.s32 $0xFFFFE000  }
0x8d: {  	_ =	swait.ge @!p0 [sflag:s6], $0x1000  }
0x8e: {  	[sflag:s6] =	ssyncset.done @!p0 $0x0  }
0x8f: {  	[sflag:s6] =	ssyncadd.s32 @!p0 $0xFFFFF000  }
0x90: {  	_ =	swait.ge @!p0 [sflag:s6], $0x1000  }
0x91: {  	[sflag:s6] =	ssyncset.done @!p0 $0x0  }
0x92: {  	[sflag:s6] =	ssyncadd.s32 @!p0 $0xFFFFF000  }
0x93: {  	s7 =	simm.s32 $0x0;
	s9 =	simm.s32 $0x0;
	_ =	swait.ge @!p0 [sflag:s6], $0x1000  }
0x94: {  	s10 =	sand.u32 $0x1800, s7;
	s20 =	sand.u32 $0x300, s9;
	[sflag:s6] =	ssyncset.done @!p0 $0x0  }
0x95: {  	s7 =	sor.u32 s20, s10;
	[sflag:s6] =	ssyncadd.s32 @!p0 $0xFFFFF000  }
0x96: {  	v3 =	vld [tilespmem:s7+$0x4F00];
	_ =	sdelay $0x3  }
0x97: {  	s6 =	simm.s32 $0xCF80;
	v4 =	vld [tilespmem:s7+$0x7300]  }
0x98: {  	v5 =	vld [tilespmem:s7+$0x5300];
	[tilespmem:s6+$0xFFFFFF80] =	vst v3  }
0x99: {  	v3 =	vld [tilespmem:s7+$0x6F00];
	_ =	sdelay $0x3  }
0x9a: {  	s9 =	simm.s32 $0xDF80  }
0x9b: {  	[tilespmem:s9+$0xFFFFFF80] =	vst v3  }
0x9c: {  	v3 =	vld [tilespmem:s7+$0x4F10];
	_ =	sdelay $0x4  }
0x9d: {  	[tilespmem:s6+$0xFFFFFF90] =	vst v3  }
0x9e: {  	v3 =	vld [tilespmem:s7+$0x6F10];
	_ =	sdelay $0x4  }
0x9f: {  	[tilespmem:s9+$0xFFFFFF90] =	vst v3  }
0xa0: {  	v3 =	vld [tilespmem:s7+$0x4F20];
	_ =	sdelay $0x4  }
0xa1: {  	[tilespmem:s6+$0xFFFFFFA0] =	vst v3  }
0xa2: {  	v3 =	vld [tilespmem:s7+$0x6F20];
	_ =	sdelay $0x4  }
0xa3: {  	[tilespmem:s9+$0xFFFFFFA0] =	vst v3  }
0xa4: {  	v3 =	vld [tilespmem:s7+$0x4F30];
	_ =	sdelay $0x4  }
0xa5: {  	[tilespmem:s6+$0xFFFFFFB0] =	vst v3  }
0xa6: {  	v3 =	vld [tilespmem:s7+$0x6F30];
	_ =	sdelay $0x4  }
0xa7: {  	[tilespmem:s9+$0xFFFFFFB0] =	vst v3  }
0xa8: {  	v3 =	vld [tilespmem:s7+$0x4F40];
	_ =	sdelay $0x4  }
0xa9: {  	[tilespmem:s6+$0xFFFFFFC0] =	vst v3  }
0xaa: {  	v3 =	vld [tilespmem:s7+$0x6F40];
	_ =	sdelay $0x4  }
0xab: {  	[tilespmem:s9+$0xFFFFFFC0] =	vst v3  }
0xac: {  	v3 =	vld [tilespmem:s7+$0x4F50];
	_ =	sdelay $0x4  }
0xad: {  	[tilespmem:s6+$0xFFFFFFD0] =	vst v3  }
0xae: {  	v3 =	vld [tilespmem:s7+$0x6F50];
	_ =	sdelay $0x3  }
0xaf: {  	v4 =	vsub.f32 v5, v4  }
0xb0: {  	[tilespmem:s9+$0xFFFFFFD0] =	vst v3  }
0xb1: {  	v3 =	vmul.f32 v4, v4;
	v4 =	vld [tilespmem:s7+$0x4F60];
	_ =	sdelay $0x1  }
0xb2: {  	(v2sf) =	vpush v3, $0x0  }
0xb3: {  	(v2sf) =	vpush v3, $0x1;
	_ =	sdelay $0x1  }
0xb4: {  	(v2sf) =	vpush v3, $0x2;
	[tilespmem:s6+$0xFFFFFFE0] =	vst v4  }
0xb5: {  	v3 =	vld [tilespmem:s7+$0x6F60];
	_ =	sdelay $0x4  }
0xb6: {  	[tilespmem:s9+$0xFFFFFFE0] =	vst v3  }
0xb7: {  	v3 =	vld [tilespmem:s7+$0x4F70];
	_ =	sdelay $0x4  }
0xb8: {  	s16 =	spop (v2sf);
	[tilespmem:s6+$0xFFFFFFF0] =	vst v3  }
0xb9: {  	s17 =	spop (v2sf);
	v3 =	vld [tilespmem:s7+$0x6F70]  }
0xba: {  	s21 =	sadd.f32 s17, s16  }
0xbb: {  	s22 =	spop (v2sf)  }
0xbc: {  	s16 =	sadd.f32 s21, s22  }
0xbd: {  	s23 =	simm.s32 $0x80  }
0xbe: {  	s18 =	sand.u32 $0x380, s23;
	s7 =	simm.s32 $0xEF80;
	[tilespmem:s9+$0xFFFFFFF0] =	vst v3;
	v3 =	vmov s16  }
0xbf: {  	s10 =	sor.u32 s10, s18;
	[tilespmem:s7+$0xFFFFFF80] =	vst v3  }
0xc0: {  	v3 =	vld [tilespmem:s10+$0x4F00];
	_ =	sdelay $0x3  }
0xc1: {  	v4 =	vld [tilespmem:s10+$0x7300]  }
0xc2: {  	v5 =	vld [tilespmem:s10+$0x5300];
	[tilespmem:s6+$0x0] =	vst v3  }
0xc3: {  	v3 =	vld [tilespmem:s10+$0x6F00];
	_ =	sdelay $0x4  }
0xc4: {  	[tilespmem:s9+$0x0] =	vst v3  }
0xc5: {  	v3 =	vld [tilespmem:s10+$0x4F10];
	_ =	sdelay $0x4  }
0xc6: {  	[tilespmem:s6+$0x10] =	vst v3  }
0xc7: {  	v3 =	vld [tilespmem:s10+$0x6F10];
	_ =	sdelay $0x4  }
0xc8: {  	[tilespmem:s9+$0x10] =	vst v3  }
0xc9: {  	v3 =	vld [tilespmem:s10+$0x4F20];
	_ =	sdelay $0x4  }
0xca: {  	[tilespmem:s6+$0x20] =	vst v3  }
0xcb: {  	v3 =	vld [tilespmem:s10+$0x6F20];
	_ =	sdelay $0x4  }
0xcc: {  	[tilespmem:s9+$0x20] =	vst v3  }
0xcd: {  	v3 =	vld [tilespmem:s10+$0x4F30];
	_ =	sdelay $0x4  }
0xce: {  	[tilespmem:s6+$0x30] =	vst v3  }
0xcf: {  	v3 =	vld [tilespmem:s10+$0x6F30];
	_ =	sdelay $0x4  }
0xd0: {  	[tilespmem:s9+$0x30] =	vst v3  }
0xd1: {  	v3 =	vld [tilespmem:s10+$0x4F40];
	_ =	sdelay $0x4  }
0xd2: {  	[tilespmem:s6+$0x40] =	vst v3  }
0xd3: {  	v3 =	vld [tilespmem:s10+$0x6F40];
	_ =	sdelay $0x4  }
0xd4: {  	[tilespmem:s9+$0x40] =	vst v3  }
0xd5: {  	v3 =	vld [tilespmem:s10+$0x4F50];
	_ =	sdelay $0x4  }
0xd6: {  	[tilespmem:s6+$0x50] =	vst v3  }
0xd7: {  	v3 =	vld [tilespmem:s10+$0x6F50];
	_ =	sdelay $0x3  }
0xd8: {  	v4 =	vsub.f32 v5, v4  }
0xd9: {  	[tilespmem:s9+$0x50] =	vst v3  }
0xda: {  	v3 =	vmul.f32 v4, v4;
	v4 =	vld [tilespmem:s10+$0x4F60];
	_ =	sdelay $0x1  }
0xdb: {  	(v2sf) =	vpush v3, $0x0  }
0xdc: {  	(v2sf) =	vpush v3, $0x1;
	_ =	sdelay $0x1  }
0xdd: {  	(v2sf) =	vpush v3, $0x2;
	[tilespmem:s6+$0x60] =	vst v4  }
0xde: {  	v3 =	vld [tilespmem:s10+$0x6F60];
	_ =	sdelay $0x4  }
0xdf: {  	[tilespmem:s9+$0x60] =	vst v3  }
0xe0: {  	v3 =	vld [tilespmem:s10+$0x4F70];
	_ =	sdelay $0x4  }
0xe1: {  	s20 =	spop (v2sf);
	[tilespmem:s6+$0x70] =	vst v3  }
0xe2: {  	s21 =	spop (v2sf);
	v3 =	vld [tilespmem:s10+$0x6F70]  }
0xe3: {  	s22 =	sadd.f32 s21, s20  }
0xe4: {  	s18 =	simm.s32 $0x200;
	s23 =	spop (v2sf)  }
0xe5: {  	s17 =	simm.s32 $0x2;
	s16 =	simm.s32 $0x180;
	s21 =	sadd.f32 s22, s23  }
0xe6: {  	s6 =	sshll.u32 s19, $0x6;
	s10 =	simm.s32 $0xD080;
	s22 =	simm.s32 $0x100  }
0xe7: {  	s20 =	sand.u32 $0x1800, s18;
	s22 =	sand.u32 $0x300, s22;
	[tilespmem:s9+$0x70] =	vst v3;
	v3 =	vmov s21;
	s9 =	simm.s32 $0xE080  }
.LBB2_3:
0xe8: {  	s17 =	sadd.s32 $0x2, s17;
	s21 =	sor.u32 s22, s20;
	[tilespmem:s7+$0x0] =	vst v3;
	s7 =	sadd.s32 $0x100, s7  }
0xe9: {  	p1 =	slt.u32 s17, $0x1E;
	v3 =	vld [tilespmem:s21+$0x4F00];
	_ =	sdelay $0x2  }
0xea: {  	v4 =	vld [tilespmem:s21+$0x7300]  }
0xeb: {  	v5 =	vld [tilespmem:s21+$0x5300]  }
0xec: {  	[tilespmem:s10+$0xFFFFFF80] =	vst v3  }
0xed: {  	v3 =	vld [tilespmem:s21+$0x6F00];
	_ =	sdelay $0x2  }
0xee: {  	v4 =	vsub.f32 v5, v4;
	_ =	sdelay $0x1  }
0xef: {  	v4 =	vmul.f32 v4, v4;
	[tilespmem:s9+$0xFFFFFF80] =	vst v3  }
0xf0: {  	v3 =	vld [tilespmem:s21+$0x4F10]  }
0xf1: {  	(v2sf) =	vpush v4, $0x0  }
0xf2: {  	(v2sf) =	vpush v4, $0x1;
	_ =	sdelay $0x1  }
0xf3: {  	(v2sf) =	vpush v4, $0x2  }
0xf4: {  	[tilespmem:s10+$0xFFFFFF90] =	vst v3  }
0xf5: {  	v3 =	vld [tilespmem:s21+$0x6F10];
	_ =	sdelay $0x4  }
0xf6: {  	[tilespmem:s9+$0xFFFFFF90] =	vst v3  }
0xf7: {  	v3 =	vld [tilespmem:s21+$0x4F20];
	_ =	sdelay $0x3  }
0xf8: {  	s22 =	spop (v2sf)  }
0xf9: {  	[tilespmem:s10+$0xFFFFFFA0] =	vst v3;
	s23 =	spop (v2sf)  }
0xfa: {  	s22 =	sadd.f32 s23, s22;
	v3 =	vld [tilespmem:s21+$0x6F20]  }
0xfb: {  	s23 =	spop (v2sf)  }
0xfc: {  	s22 =	sadd.f32 s22, s23;
	_ =	sdelay $0x2  }
0xfd: {  	[tilespmem:s9+$0xFFFFFFA0] =	vst v3  }
0xfe: {  	v3 =	vld [tilespmem:s21+$0x4F30];
	_ =	sdelay $0x4  }
0xff: {  	[tilespmem:s10+$0xFFFFFFB0] =	vst v3  }
0x100: {  	v3 =	vld [tilespmem:s21+$0x6F30];
	_ =	sdelay $0x4  }
0x101: {  	[tilespmem:s9+$0xFFFFFFB0] =	vst v3  }
0x102: {  	v3 =	vld [tilespmem:s21+$0x4F40];
	_ =	sdelay $0x4  }
0x103: {  	[tilespmem:s10+$0xFFFFFFC0] =	vst v3  }
0x104: {  	v3 =	vld [tilespmem:s21+$0x6F40];
	_ =	sdelay $0x4  }
0x105: {  	[tilespmem:s9+$0xFFFFFFC0] =	vst v3  }
0x106: {  	v3 =	vld [tilespmem:s21+$0x4F50];
	_ =	sdelay $0x4  }
0x107: {  	[tilespmem:s10+$0xFFFFFFD0] =	vst v3  }
0x108: {  	v3 =	vld [tilespmem:s21+$0x6F50];
	_ =	sdelay $0x4  }
0x109: {  	[tilespmem:s9+$0xFFFFFFD0] =	vst v3  }
0x10a: {  	v3 =	vld [tilespmem:s21+$0x4F60];
	_ =	sdelay $0x4  }
0x10b: {  	[tilespmem:s10+$0xFFFFFFE0] =	vst v3  }
0x10c: {  	v3 =	vld [tilespmem:s21+$0x6F60];
	_ =	sdelay $0x4  }
0x10d: {  	[tilespmem:s9+$0xFFFFFFE0] =	vst v3  }
0x10e: {  	v3 =	vld [tilespmem:s21+$0x4F70];
	_ =	sdelay $0x4  }
0x10f: {  	[tilespmem:s10+$0xFFFFFFF0] =	vst v3  }
0x110: {  	v3 =	vld [tilespmem:s21+$0x6F70];
	_ =	sdelay $0x4  }
0x111: {  	s21 =	sand.u32 $0x380, s16;
	[tilespmem:s9+$0xFFFFFFF0] =	vst v3;
	v3 =	vmov s22  }
0x112: {  	s20 =	sor.u32 s20, s21;
	[tilespmem:s7+$0xFFFFFF80] =	vst v3  }
0x113: {  	v3 =	vld [tilespmem:s20+$0x4F00];
	_ =	sdelay $0x2  }
0x114: {  	v4 =	vld [tilespmem:s20+$0x7300]  }
0x115: {  	v5 =	vld [tilespmem:s20+$0x5300]  }
0x116: {  	[tilespmem:s10+$0x0] =	vst v3  }
0x117: {  	v3 =	vld [tilespmem:s20+$0x6F00];
	_ =	sdelay $0x2  }
0x118: {  	v4 =	vsub.f32 v5, v4;
	_ =	sdelay $0x1  }
0x119: {  	v4 =	vmul.f32 v4, v4;
	[tilespmem:s9+$0x0] =	vst v3  }
0x11a: {  	v3 =	vld [tilespmem:s20+$0x4F10]  }
0x11b: {  	(v2sf) =	vpush v4, $0x0  }
0x11c: {  	(v2sf) =	vpush v4, $0x1;
	_ =	sdelay $0x1  }
0x11d: {  	(v2sf) =	vpush v4, $0x2  }
0x11e: {  	[tilespmem:s10+$0x10] =	vst v3  }
0x11f: {  	v3 =	vld [tilespmem:s20+$0x6F10];
	_ =	sdelay $0x4  }
0x120: {  	[tilespmem:s9+$0x10] =	vst v3  }
0x121: {  	v3 =	vld [tilespmem:s20+$0x4F20];
	_ =	sdelay $0x3  }
0x122: {  	s21 =	spop (v2sf)  }
0x123: {  	[tilespmem:s10+$0x20] =	vst v3;
	s22 =	spop (v2sf)  }
0x124: {  	s21 =	sadd.f32 s22, s21;
	v3 =	vld [tilespmem:s20+$0x6F20]  }
0x125: {  	s22 =	spop (v2sf)  }
0x126: {  	s21 =	sadd.f32 s21, s22;
	_ =	sdelay $0x2  }
0x127: {  	[tilespmem:s9+$0x20] =	vst v3  }
0x128: {  	v3 =	vld [tilespmem:s20+$0x4F30];
	_ =	sdelay $0x4  }
0x129: {  	[tilespmem:s10+$0x30] =	vst v3  }
0x12a: {  	v3 =	vld [tilespmem:s20+$0x6F30];
	_ =	sdelay $0x4  }
0x12b: {  	[tilespmem:s9+$0x30] =	vst v3  }
0x12c: {  	v3 =	vld [tilespmem:s20+$0x4F40];
	_ =	sdelay $0x4  }
0x12d: {  	[tilespmem:s10+$0x40] =	vst v3  }
0x12e: {  	v3 =	vld [tilespmem:s20+$0x6F40];
	_ =	sdelay $0x4  }
0x12f: {  	[tilespmem:s9+$0x40] =	vst v3  }
0x130: {  	v3 =	vld [tilespmem:s20+$0x4F50];
	_ =	sdelay $0x4  }
0x131: {  	[tilespmem:s10+$0x50] =	vst v3  }
0x132: {  	v3 =	vld [tilespmem:s20+$0x6F50];
	_ =	sdelay $0x4  }
0x133: {  	[tilespmem:s9+$0x50] =	vst v3  }
0x134: {  	v3 =	vld [tilespmem:s20+$0x4F60];
	_ =	sdelay $0x4  }
0x135: {  	[tilespmem:s10+$0x60] =	vst v3  }
0x136: {  	v3 =	vld [tilespmem:s20+$0x6F60];
	_ =	sdelay $0x4  }
0x137: {  	[tilespmem:s9+$0x60] =	vst v3  }
0x138: {  	v3 =	vld [tilespmem:s20+$0x4F70];
	_ =	sdelay $0x4  }
0x139: {  	[tilespmem:s10+$0x70] =	vst v3  }
0x13a: {  	v3 =	vld [tilespmem:s20+$0x6F70]  }
.Ltmp2:
0x13b: {  	(pc) =	sbr.rel @p1 .LBB2_3-.Ltmp2, $4  }
0x13c: {  	_ = 	snop  }
0x13d: {  	s16 =	sadd.s32 $0x100, s16  }
0x13e: {  	s18 =	sadd.s32 $0x200, s18;
	s22 =	sadd.s32 $0xFFFFFF80, s16;
	s10 =	sadd.s32 $0x100, s10  }
0x13f: {  	s22 =	sand.u32 $0x300, s22;
	s20 =	sand.u32 $0x1800, s18;
	[tilespmem:s9+$0x70] =	vst v3;
	v3 =	vmov s21;
	s9 =	sadd.s32 $0x100, s9  }
0x140: {  	s17 =	sor.u32 s22, s20;
	[tilespmem:s7+$0x0] =	vst v3  }
0x141: {  	v3 =	vld [tilespmem:s17+$0x4F00];
	_ =	sdelay $0x3  }
0x142: {  	v4 =	vld [tilespmem:s17+$0x7300]  }
0x143: {  	v5 =	vld [tilespmem:s17+$0x5300];
	[tilespmem:s10+$0xFFFFFF80] =	vst v3  }
0x144: {  	v3 =	vld [tilespmem:s17+$0x6F00];
	_ =	sdelay $0x4  }
0x145: {  	[tilespmem:s9+$0xFFFFFF80] =	vst v3  }
0x146: {  	v3 =	vld [tilespmem:s17+$0x4F10];
	_ =	sdelay $0x4  }
0x147: {  	[tilespmem:s10+$0xFFFFFF90] =	vst v3  }
0x148: {  	v3 =	vld [tilespmem:s17+$0x6F10];
	_ =	sdelay $0x4  }
0x149: {  	[tilespmem:s9+$0xFFFFFF90] =	vst v3  }
0x14a: {  	v3 =	vld [tilespmem:s17+$0x4F20];
	_ =	sdelay $0x4  }
0x14b: {  	[tilespmem:s10+$0xFFFFFFA0] =	vst v3  }
0x14c: {  	v3 =	vld [tilespmem:s17+$0x6F20];
	_ =	sdelay $0x4  }
0x14d: {  	[tilespmem:s9+$0xFFFFFFA0] =	vst v3  }
0x14e: {  	v3 =	vld [tilespmem:s17+$0x4F30];
	_ =	sdelay $0x4  }
0x14f: {  	[tilespmem:s10+$0xFFFFFFB0] =	vst v3  }
0x150: {  	v3 =	vld [tilespmem:s17+$0x6F30];
	_ =	sdelay $0x4  }
0x151: {  	[tilespmem:s9+$0xFFFFFFB0] =	vst v3  }
0x152: {  	v3 =	vld [tilespmem:s17+$0x4F40];
	_ =	sdelay $0x4  }
0x153: {  	[tilespmem:s10+$0xFFFFFFC0] =	vst v3  }
0x154: {  	v3 =	vld [tilespmem:s17+$0x6F40];
	_ =	sdelay $0x4  }
0x155: {  	[tilespmem:s9+$0xFFFFFFC0] =	vst v3  }
0x156: {  	v3 =	vld [tilespmem:s17+$0x4F50];
	_ =	sdelay $0x4  }
0x157: {  	[tilespmem:s10+$0xFFFFFFD0] =	vst v3  }
0x158: {  	v3 =	vld [tilespmem:s17+$0x6F50];
	_ =	sdelay $0x3  }
0x159: {  	v4 =	vsub.f32 v5, v4  }
0x15a: {  	[tilespmem:s9+$0xFFFFFFD0] =	vst v3  }
0x15b: {  	v3 =	vmul.f32 v4, v4;
	v4 =	vld [tilespmem:s17+$0x4F60];
	_ =	sdelay $0x1  }
0x15c: {  	(v2sf) =	vpush v3, $0x0  }
0x15d: {  	(v2sf) =	vpush v3, $0x1;
	_ =	sdelay $0x1  }
0x15e: {  	(v2sf) =	vpush v3, $0x2;
	[tilespmem:s10+$0xFFFFFFE0] =	vst v4  }
0x15f: {  	v3 =	vld [tilespmem:s17+$0x6F60];
	_ =	sdelay $0x4  }
0x160: {  	[tilespmem:s9+$0xFFFFFFE0] =	vst v3  }
0x161: {  	v3 =	vld [tilespmem:s17+$0x4F70];
	_ =	sdelay $0x4  }
0x162: {  	s18 =	spop (v2sf);
	[tilespmem:s10+$0xFFFFFFF0] =	vst v3  }
0x163: {  	s21 =	spop (v2sf);
	v3 =	vld [tilespmem:s17+$0x6F70]  }
0x164: {  	s22 =	sadd.f32 s21, s18  }
0x165: {  	s23 =	spop (v2sf)  }
0x166: {  	s17 =	sadd.f32 s22, s23;
	_ =	sdelay $0x1  }
0x167: {  	s16 =	sand.u32 $0x380, s16;
	s21 =	sadd.s32 $0x100, s7;
	[tilespmem:s9+$0xFFFFFFF0] =	vst v3;
	v3 =	vmov s17  }
0x168: {  	s16 =	sor.u32 s20, s16;
	[tilespmem:s21+$0xFFFFFF80] =	vst v3  }
0x169: {  	v3 =	vld [tilespmem:s16+$0x4F00];
	_ =	sdelay $0x3  }
0x16a: {  	v4 =	vld [tilespmem:s16+$0x7300]  }
0x16b: {  	v5 =	vld [tilespmem:s16+$0x5300];
	[tilespmem:s10+$0x0] =	vst v3  }
0x16c: {  	v3 =	vld [tilespmem:s16+$0x6F00];
	_ =	sdelay $0x4  }
0x16d: {  	[tilespmem:s9+$0x0] =	vst v3  }
0x16e: {  	v3 =	vld [tilespmem:s16+$0x4F10];
	_ =	sdelay $0x4  }
0x16f: {  	[tilespmem:s10+$0x10] =	vst v3  }
0x170: {  	v3 =	vld [tilespmem:s16+$0x6F10];
	_ =	sdelay $0x4  }
0x171: {  	[tilespmem:s9+$0x10] =	vst v3  }
0x172: {  	v3 =	vld [tilespmem:s16+$0x4F20];
	_ =	sdelay $0x4  }
0x173: {  	[tilespmem:s10+$0x20] =	vst v3  }
0x174: {  	v3 =	vld [tilespmem:s16+$0x6F20];
	_ =	sdelay $0x4  }
0x175: {  	[tilespmem:s9+$0x20] =	vst v3  }
0x176: {  	v3 =	vld [tilespmem:s16+$0x4F30];
	_ =	sdelay $0x4  }
0x177: {  	[tilespmem:s10+$0x30] =	vst v3  }
0x178: {  	v3 =	vld [tilespmem:s16+$0x6F30];
	_ =	sdelay $0x4  }
0x179: {  	[tilespmem:s9+$0x30] =	vst v3  }
0x17a: {  	v3 =	vld [tilespmem:s16+$0x4F40];
	_ =	sdelay $0x4  }
0x17b: {  	[tilespmem:s10+$0x40] =	vst v3  }
0x17c: {  	v3 =	vld [tilespmem:s16+$0x6F40];
	_ =	sdelay $0x4  }
0x17d: {  	[tilespmem:s9+$0x40] =	vst v3  }
0x17e: {  	v3 =	vld [tilespmem:s16+$0x4F50];
	_ =	sdelay $0x4  }
0x17f: {  	[tilespmem:s10+$0x50] =	vst v3  }
0x180: {  	v3 =	vld [tilespmem:s16+$0x6F50];
	_ =	sdelay $0x3  }
0x181: {  	v4 =	vsub.f32 v5, v4  }
0x182: {  	[tilespmem:s9+$0x50] =	vst v3  }
0x183: {  	v3 =	vmul.f32 v4, v4;
	v4 =	vld [tilespmem:s16+$0x4F60];
	_ =	sdelay $0x1  }
0x184: {  	(v2sf) =	vpush v3, $0x0  }
0x185: {  	(v2sf) =	vpush v3, $0x1;
	_ =	sdelay $0x1  }
0x186: {  	(v2sf) =	vpush v3, $0x2;
	[tilespmem:s10+$0x60] =	vst v4  }
0x187: {  	v3 =	vld [tilespmem:s16+$0x6F60];
	_ =	sdelay $0x4  }
0x188: {  	[tilespmem:s9+$0x60] =	vst v3  }
0x189: {  	v3 =	vld [tilespmem:s16+$0x4F70];
	_ =	sdelay $0x4  }
0x18a: {  	s22 =	spop (v2sf);
	[tilespmem:s10+$0x70] =	vst v3  }
0x18b: {  	s23 =	spop (v2sf);
	v3 =	vld [tilespmem:s16+$0x6F70]  }
0x18c: {  	s10 =	sadd.f32 s23, s22  }
0x18d: {  	s17 =	spop (v2sf)  }
0x18e: {  	s18 =	sshll.u32 s19, $0xD;
	s10 =	sadd.f32 s10, s17  }
0x18f: {  	s16 =	sadd.s32 s8, s18  }
0x190: {  	s20 =	sshrl.u32 s16, $0x3;
	[tilespmem:s9+$0x70] =	vst v3;
	v3 =	vmov s10  }
0x191: {  	[tilespmem:s21+$0x0] =	vst v3;
	s21 =	sadd.s32 s5, s20  }
0x192: {  	[hbm4b:s21+s2] =	stream.linear.scatter [tilespmem:s31], [sflag:$0x5], $0x1000, $0x38;
	[tilespmem:$0x12F00] =	vst v63  }
0x193: {  	s9 =	sadd.s32 $0x4F0000, s21  }
0x194: {  	[hbm4b:s9+s2] =	stream.linear.scatter [tilespmem:s1], [sflag:$0x5], $0x1000, $0x38;
	[tilespmem:$0x12F00] =	vst v63  }
0x195: {  	p1 =	seq.s32 s19, $0x9D;
	s7 =	sadd.s32 $0x9E0000, s21  }
0x196: {  	[hbm4b:s7+s2] =	stream.linear.scatter [tilespmem:s0], [sflag:$0x5], $0x1000, $0x38;
	[tilespmem:$0x12F00] =	vst v63  }
0x197: {  	v3 =	vld @!p1 [tilespmem:s6+$0x40];
	_ =	sdelay $0x4  }
0x198: {  	v4 =	vshll.u32 @!p1 v3, $0x1  }
0x199: {  	v5 =	vlaneseq.u32 @!p1;
	v3 =	vand.u32 @!p1 $0x7, v3;
	v4 =	vand.u32 @!p1 $0xFFFFFFF0, v4  }
0x19a: {  	v6 =	vshrl.u32 @!p1 v5, $0x3;
	v3 =	vor.u32 @!p1 v3, v4;
	v4 =	vand.u32 @!p1 $0x7, v5  }
0x19b: {  	v6 =	vmul.u32 @!p1 $0x8, v6;
	v7 =	vperm.xlane @!p1 v3, v4  }
0x19c: {  	v5 =	vor.u32 @!p1 $0x8, v5  }
0x19d: {  	v3 =	vperm.xlane @!p1 v3, v5;
	v7 =	vadd.s32 @!p1 v6, v7;
	_ =	sdelay $0x1  }
0x19e: {  	v3 =	vadd.s32 @!p1 v6, v3;
	_ =	sdelay $0x1  }
0x19f: {  	vm1 =	vmmov @!p1 $0xffff;
	s9 =	simm.s32 @!p1 $0x4F00;
	s7 =	simm.s32 @!p1 $0x0  }
0x1a0: {  	[tilespmem:s9], [sflag:$0x1] =	stream.indirect_vreg.gather @!p1 [hbm4b:s4+s7], $0x80, v7, vm1, $0xb8;
	[tilespmem:$0x12F00] =	vst v63  }
0x1a1: {  	s9 =	simm.s32 @!p1 $0x5700  }
0x1a2: {  	[tilespmem:s9], [sflag:$0x1] =	stream.indirect_vreg.gather @!p1 [hbm4b:s4+s7], $0x80, v3, vm1, $0xb8;
	[tilespmem:$0x12F00] =	vst v63  }
0x1a3: {  	v3 =	vld @!p1 [tilespmem:s6+$0x50];
	_ =	sdelay $0x4  }
0x1a4: {  	v7 =	vshll.u32 @!p1 v3, $0x1  }
0x1a5: {  	v3 =	vand.u32 @!p1 $0x7, v3;
	v7 =	vand.u32 @!p1 $0xFFFFFFF0, v7  }
0x1a6: {  	v3 =	vor.u32 @!p1 v3, v7  }
0x1a7: {  	v7 =	vperm.xlane @!p1 v3, v4;
	_ =	sdelay $0x1  }
0x1a8: {  	v3 =	vperm.xlane @!p1 v3, v5;
	v7 =	vadd.s32 @!p1 v6, v7;
	_ =	sdelay $0x1  }
0x1a9: {  	v3 =	vadd.s32 @!p1 v6, v3;
	_ =	sdelay $0x1  }
0x1aa: {  	s9 =	simm.s32 @!p1 $0x5F00  }
0x1ab: {  	[tilespmem:s9], [sflag:$0x1] =	stream.indirect_vreg.gather @!p1 [hbm4b:s4+s7], $0x80, v7, vm1, $0xb8;
	[tilespmem:$0x12F00] =	vst v63  }
0x1ac: {  	s9 =	simm.s32 @!p1 $0x6700  }
0x1ad: {  	[tilespmem:s9], [sflag:$0x1] =	stream.indirect_vreg.gather @!p1 [hbm4b:s4+s7], $0x80, v3, vm1, $0xb8;
	[tilespmem:$0x12F00] =	vst v63  }
0x1ae: {  	v3 =	vld @!p1 [tilespmem:s6+$0x27C0];
	_ =	sdelay $0x4  }
0x1af: {  	v7 =	vshll.u32 @!p1 v3, $0x1  }
0x1b0: {  	v3 =	vand.u32 @!p1 $0x7, v3;
	v7 =	vand.u32 @!p1 $0xFFFFFFF0, v7  }
0x1b1: {  	v3 =	vor.u32 @!p1 v3, v7  }
0x1b2: {  	v7 =	vperm.xlane @!p1 v3, v4;
	_ =	sdelay $0x1  }
0x1b3: {  	v3 =	vperm.xlane @!p1 v3, v5;
	v7 =	vadd.s32 @!p1 v6, v7;
	_ =	sdelay $0x1  }
0x1b4: {  	v3 =	vadd.s32 @!p1 v6, v3;
	_ =	sdelay $0x1  }
0x1b5: {  	s9 =	simm.s32 @!p1 $0x6F00  }
0x1b6: {  	[tilespmem:s9], [sflag:$0x2] =	stream.indirect_vreg.gather @!p1 [hbm4b:s4+s7], $0x80, v7, vm1, $0xb8;
	[tilespmem:$0x12F00] =	vst v63  }
0x1b7: {  	s9 =	simm.s32 @!p1 $0x7700  }
0x1b8: {  	[tilespmem:s9], [sflag:$0x2] =	stream.indirect_vreg.gather @!p1 [hbm4b:s4+s7], $0x80, v3, vm1, $0xb8;
	[tilespmem:$0x12F00] =	vst v63  }
0x1b9: {  	v3 =	vld @!p1 [tilespmem:s6+$0x27D0];
	_ =	sdelay $0x4  }
0x1ba: {  	v7 =	vshll.u32 @!p1 v3, $0x1  }
0x1bb: {  	v3 =	vand.u32 @!p1 $0x7, v3;
	v7 =	vand.u32 @!p1 $0xFFFFFFF0, v7  }
0x1bc: {  	v3 =	vor.u32 @!p1 v3, v7  }
0x1bd: {  	v4 =	vperm.xlane @!p1 v3, v4;
	_ =	sdelay $0x1  }
0x1be: {  	v3 =	vperm.xlane @!p1 v3, v5;
	v4 =	vadd.s32 @!p1 v6, v4;
	_ =	sdelay $0x1  }
0x1bf: {  	v3 =	vadd.s32 @!p1 v6, v3;
	_ =	sdelay $0x1  }
0x1c0: {  	s9 =	simm.s32 @!p1 $0x7F00  }
0x1c1: {  	[tilespmem:s9], [sflag:$0x2] =	stream.indirect_vreg.gather @!p1 [hbm4b:s4+s7], $0x80, v4, vm1, $0xb8;
	[tilespmem:$0x12F00] =	vst v63  }
0x1c2: {  	s9 =	simm.s32 @!p1 $0x8700  }
0x1c3: {  	[tilespmem:s9], [sflag:$0x2] =	stream.indirect_vreg.gather @!p1 [hbm4b:s4+s7], $0x80, v3, vm1, $0xb8;
	[tilespmem:$0x12F00] =	vst v63  }
0x1c4: {  	_ =	swait.ge [sflag:s11], $0x2000  }
0x1c5: {  	[sflag:s11] =	ssyncset.done $0x0  }
0x1c6: {  	[sflag:s11] =	ssyncadd.s32 $0xFFFFE000  }
0x1c7: {  	_ =	swait.ge [sflag:s12], $0x2000  }
0x1c8: {  	[sflag:s12] =	ssyncset.done $0x0  }
0x1c9: {  	s7 =	simm.s32 @!p0 $0x6;
	[sflag:s12] =	ssyncadd.s32 $0xFFFFE000  }
0x1ca: {  	_ =	swait.ge @!p0 [sflag:s7], $0x1000  }
0x1cb: {  	[sflag:s7] =	ssyncset.done @!p0 $0x0  }
0x1cc: {  	[sflag:s7] =	ssyncadd.s32 @!p0 $0xFFFFF000  }
0x1cd: {  	_ =	swait.ge @!p0 [sflag:s7], $0x1000  }
0x1ce: {  	[sflag:s7] =	ssyncset.done @!p0 $0x0  }
0x1cf: {  	[sflag:s7] =	ssyncadd.s32 @!p0 $0xFFFFF000  }
0x1d0: {  	s22 =	simm.s32 $0x0;
	s23 =	simm.s32 $0x0;
	_ =	swait.ge @!p0 [sflag:s7], $0x1000  }
0x1d1: {  	s16 =	sand.u32 $0x1800, s22;
	s10 =	sand.u32 $0x300, s23;
	[sflag:s7] =	ssyncset.done @!p0 $0x0  }
0x1d2: {  	s17 =	sor.u32 s10, s16;
	[sflag:s7] =	ssyncadd.s32 @!p0 $0xFFFFF000  }
0x1d3: {  	v3 =	vld [tilespmem:s17+$0x8F00];
	_ =	sdelay $0x3  }
0x1d4: {  	s10 =	simm.s32 $0xFF80;
	v4 =	vld [tilespmem:s17+$0xB300]  }
0x1d5: {  	v5 =	vld [tilespmem:s17+$0x9300];
	[tilespmem:s10+$0xFFFFFF80] =	vst v3  }
0x1d6: {  	v3 =	vld [tilespmem:s17+$0xAF00];
	_ =	sdelay $0x3  }
0x1d7: {  	s9 =	simm.s32 $0x10F80  }
0x1d8: {  	[tilespmem:s9+$0xFFFFFF80] =	vst v3  }
0x1d9: {  	v3 =	vld [tilespmem:s17+$0x8F10];
	_ =	sdelay $0x4  }
0x1da: {  	[tilespmem:s10+$0xFFFFFF90] =	vst v3  }
0x1db: {  	v3 =	vld [tilespmem:s17+$0xAF10];
	_ =	sdelay $0x4  }
0x1dc: {  	[tilespmem:s9+$0xFFFFFF90] =	vst v3  }
0x1dd: {  	v3 =	vld [tilespmem:s17+$0x8F20];
	_ =	sdelay $0x4  }
0x1de: {  	[tilespmem:s10+$0xFFFFFFA0] =	vst v3  }
0x1df: {  	v3 =	vld [tilespmem:s17+$0xAF20];
	_ =	sdelay $0x4  }
0x1e0: {  	[tilespmem:s9+$0xFFFFFFA0] =	vst v3  }
0x1e1: {  	v3 =	vld [tilespmem:s17+$0x8F30];
	_ =	sdelay $0x4  }
0x1e2: {  	[tilespmem:s10+$0xFFFFFFB0] =	vst v3  }
0x1e3: {  	v3 =	vld [tilespmem:s17+$0xAF30];
	_ =	sdelay $0x4  }
0x1e4: {  	[tilespmem:s9+$0xFFFFFFB0] =	vst v3  }
0x1e5: {  	v3 =	vld [tilespmem:s17+$0x8F40];
	_ =	sdelay $0x4  }
0x1e6: {  	[tilespmem:s10+$0xFFFFFFC0] =	vst v3  }
0x1e7: {  	v3 =	vld [tilespmem:s17+$0xAF40];
	_ =	sdelay $0x4  }
0x1e8: {  	[tilespmem:s9+$0xFFFFFFC0] =	vst v3  }
0x1e9: {  	v3 =	vld [tilespmem:s17+$0x8F50];
	_ =	sdelay $0x4  }
0x1ea: {  	[tilespmem:s10+$0xFFFFFFD0] =	vst v3  }
0x1eb: {  	v3 =	vld [tilespmem:s17+$0xAF50];
	_ =	sdelay $0x3  }
0x1ec: {  	v4 =	vsub.f32 v5, v4  }
0x1ed: {  	[tilespmem:s9+$0xFFFFFFD0] =	vst v3  }
0x1ee: {  	v3 =	vmul.f32 v4, v4;
	v4 =	vld [tilespmem:s17+$0x8F60];
	_ =	sdelay $0x1  }
0x1ef: {  	(v2sf) =	vpush v3, $0x0  }
0x1f0: {  	(v2sf) =	vpush v3, $0x1;
	_ =	sdelay $0x1  }
0x1f1: {  	(v2sf) =	vpush v3, $0x2;
	[tilespmem:s10+$0xFFFFFFE0] =	vst v4  }
0x1f2: {  	v3 =	vld [tilespmem:s17+$0xAF60];
	_ =	sdelay $0x4  }
0x1f3: {  	[tilespmem:s9+$0xFFFFFFE0] =	vst v3  }
0x1f4: {  	v3 =	vld [tilespmem:s17+$0x8F70];
	_ =	sdelay $0x4  }
0x1f5: {  	s18 =	spop (v2sf);
	[tilespmem:s10+$0xFFFFFFF0] =	vst v3  }
0x1f6: {  	s20 =	spop (v2sf);
	v3 =	vld [tilespmem:s17+$0xAF70]  }
0x1f7: {  	s21 =	sadd.f32 s20, s18  }
0x1f8: {  	s22 =	spop (v2sf)  }
0x1f9: {  	s17 =	sadd.f32 s21, s22  }
0x1fa: {  	s23 =	simm.s32 $0x80  }
0x1fb: {  	s7 =	simm.s32 $0x11F80;
	s18 =	sand.u32 $0x380, s23;
	[tilespmem:s9+$0xFFFFFFF0] =	vst v3;
	v3 =	vmov s17  }
0x1fc: {  	s16 =	sor.u32 s16, s18;
	[tilespmem:s7+$0xFFFFFF80] =	vst v3  }
0x1fd: {  	v3 =	vld [tilespmem:s16+$0x8F00];
	_ =	sdelay $0x3  }
0x1fe: {  	v4 =	vld [tilespmem:s16+$0xB300]  }
0x1ff: {  	v5 =	vld [tilespmem:s16+$0x9300];
	[tilespmem:s10+$0x0] =	vst v3  }
0x200: {  	v3 =	vld [tilespmem:s16+$0xAF00];
	_ =	sdelay $0x4  }
0x201: {  	[tilespmem:s9+$0x0] =	vst v3  }
0x202: {  	v3 =	vld [tilespmem:s16+$0x8F10];
	_ =	sdelay $0x4  }
0x203: {  	[tilespmem:s10+$0x10] =	vst v3  }
0x204: {  	v3 =	vld [tilespmem:s16+$0xAF10];
	_ =	sdelay $0x4  }
0x205: {  	[tilespmem:s9+$0x10] =	vst v3  }
0x206: {  	v3 =	vld [tilespmem:s16+$0x8F20];
	_ =	sdelay $0x4  }
0x207: {  	[tilespmem:s10+$0x20] =	vst v3  }
0x208: {  	v3 =	vld [tilespmem:s16+$0xAF20];
	_ =	sdelay $0x4  }
0x209: {  	[tilespmem:s9+$0x20] =	vst v3  }
0x20a: {  	v3 =	vld [tilespmem:s16+$0x8F30];
	_ =	sdelay $0x4  }
0x20b: {  	[tilespmem:s10+$0x30] =	vst v3  }
0x20c: {  	v3 =	vld [tilespmem:s16+$0xAF30];
	_ =	sdelay $0x4  }
0x20d: {  	[tilespmem:s9+$0x30] =	vst v3  }
0x20e: {  	v3 =	vld [tilespmem:s16+$0x8F40];
	_ =	sdelay $0x4  }
0x20f: {  	[tilespmem:s10+$0x40] =	vst v3  }
0x210: {  	v3 =	vld [tilespmem:s16+$0xAF40];
	_ =	sdelay $0x4  }
0x211: {  	[tilespmem:s9+$0x40] =	vst v3  }
0x212: {  	v3 =	vld [tilespmem:s16+$0x8F50];
	_ =	sdelay $0x4  }
0x213: {  	[tilespmem:s10+$0x50] =	vst v3  }
0x214: {  	v3 =	vld [tilespmem:s16+$0xAF50];
	_ =	sdelay $0x3  }
0x215: {  	v4 =	vsub.f32 v5, v4  }
0x216: {  	[tilespmem:s9+$0x50] =	vst v3  }
0x217: {  	v3 =	vmul.f32 v4, v4;
	v4 =	vld [tilespmem:s16+$0x8F60];
	_ =	sdelay $0x1  }
0x218: {  	(v2sf) =	vpush v3, $0x0  }
0x219: {  	(v2sf) =	vpush v3, $0x1;
	_ =	sdelay $0x1  }
0x21a: {  	(v2sf) =	vpush v3, $0x2;
	[tilespmem:s10+$0x60] =	vst v4  }
0x21b: {  	v3 =	vld [tilespmem:s16+$0xAF60];
	_ =	sdelay $0x4  }
0x21c: {  	[tilespmem:s9+$0x60] =	vst v3  }
0x21d: {  	v3 =	vld [tilespmem:s16+$0x8F70];
	_ =	sdelay $0x4  }
0x21e: {  	s20 =	spop (v2sf);
	[tilespmem:s10+$0x70] =	vst v3  }
0x21f: {  	s21 =	spop (v2sf);
	v3 =	vld [tilespmem:s16+$0xAF70]  }
0x220: {  	s10 =	sadd.f32 s21, s20  }
0x221: {  	s22 =	spop (v2sf)  }
0x222: {  	s23 =	simm.s32 $0x100;
	s18 =	simm.s32 $0x200;
	s21 =	sadd.f32 s10, s22  }
0x223: {  	s17 =	simm.s32 $0x2;
	s16 =	simm.s32 $0x180;
	s20 =	sand.u32 $0x1800, s18  }
0x224: {  	s10 =	simm.s32 $0x10080;
	s22 =	sand.u32 $0x300, s23;
	[tilespmem:s9+$0x70] =	vst v3;
	v3 =	vmov s21;
	s9 =	simm.s32 $0x11080  }
.LBB2_5:
0x225: {  	s17 =	sadd.s32 $0x2, s17;
	s21 =	sor.u32 s22, s20;
	[tilespmem:s7+$0x0] =	vst v3;
	s7 =	sadd.s32 $0x100, s7  }
0x226: {  	p0 =	slt.u32 s17, $0x1E;
	v3 =	vld [tilespmem:s21+$0x8F00];
	_ =	sdelay $0x2  }
0x227: {  	v4 =	vld [tilespmem:s21+$0xB300]  }
0x228: {  	v5 =	vld [tilespmem:s21+$0x9300]  }
0x229: {  	[tilespmem:s10+$0xFFFFFF80] =	vst v3  }
0x22a: {  	v3 =	vld [tilespmem:s21+$0xAF00];
	_ =	sdelay $0x2  }
0x22b: {  	v4 =	vsub.f32 v5, v4;
	_ =	sdelay $0x1  }
0x22c: {  	v4 =	vmul.f32 v4, v4;
	[tilespmem:s9+$0xFFFFFF80] =	vst v3  }
0x22d: {  	v3 =	vld [tilespmem:s21+$0x8F10]  }
0x22e: {  	(v2sf) =	vpush v4, $0x0  }
0x22f: {  	(v2sf) =	vpush v4, $0x1;
	_ =	sdelay $0x1  }
0x230: {  	(v2sf) =	vpush v4, $0x2  }
0x231: {  	[tilespmem:s10+$0xFFFFFF90] =	vst v3  }
0x232: {  	v3 =	vld [tilespmem:s21+$0xAF10];
	_ =	sdelay $0x4  }
0x233: {  	[tilespmem:s9+$0xFFFFFF90] =	vst v3  }
0x234: {  	v3 =	vld [tilespmem:s21+$0x8F20];
	_ =	sdelay $0x3  }
0x235: {  	s22 =	spop (v2sf)  }
0x236: {  	[tilespmem:s10+$0xFFFFFFA0] =	vst v3;
	s23 =	spop (v2sf)  }
0x237: {  	s22 =	sadd.f32 s23, s22;
	v3 =	vld [tilespmem:s21+$0xAF20]  }
0x238: {  	s23 =	spop (v2sf)  }
0x239: {  	s22 =	sadd.f32 s22, s23;
	_ =	sdelay $0x2  }
0x23a: {  	[tilespmem:s9+$0xFFFFFFA0] =	vst v3  }
0x23b: {  	v3 =	vld [tilespmem:s21+$0x8F30];
	_ =	sdelay $0x4  }
0x23c: {  	[tilespmem:s10+$0xFFFFFFB0] =	vst v3  }
0x23d: {  	v3 =	vld [tilespmem:s21+$0xAF30];
	_ =	sdelay $0x4  }
0x23e: {  	[tilespmem:s9+$0xFFFFFFB0] =	vst v3  }
0x23f: {  	v3 =	vld [tilespmem:s21+$0x8F40];
	_ =	sdelay $0x4  }
0x240: {  	[tilespmem:s10+$0xFFFFFFC0] =	vst v3  }
0x241: {  	v3 =	vld [tilespmem:s21+$0xAF40];
	_ =	sdelay $0x4  }
0x242: {  	[tilespmem:s9+$0xFFFFFFC0] =	vst v3  }
0x243: {  	v3 =	vld [tilespmem:s21+$0x8F50];
	_ =	sdelay $0x4  }
0x244: {  	[tilespmem:s10+$0xFFFFFFD0] =	vst v3  }
0x245: {  	v3 =	vld [tilespmem:s21+$0xAF50];
	_ =	sdelay $0x4  }
0x246: {  	[tilespmem:s9+$0xFFFFFFD0] =	vst v3  }
0x247: {  	v3 =	vld [tilespmem:s21+$0x8F60];
	_ =	sdelay $0x4  }
0x248: {  	[tilespmem:s10+$0xFFFFFFE0] =	vst v3  }
0x249: {  	v3 =	vld [tilespmem:s21+$0xAF60];
	_ =	sdelay $0x4  }
0x24a: {  	[tilespmem:s9+$0xFFFFFFE0] =	vst v3  }
0x24b: {  	v3 =	vld [tilespmem:s21+$0x8F70];
	_ =	sdelay $0x4  }
0x24c: {  	[tilespmem:s10+$0xFFFFFFF0] =	vst v3  }
0x24d: {  	v3 =	vld [tilespmem:s21+$0xAF70];
	_ =	sdelay $0x4  }
0x24e: {  	s21 =	sand.u32 $0x380, s16;
	[tilespmem:s9+$0xFFFFFFF0] =	vst v3;
	v3 =	vmov s22  }
0x24f: {  	s20 =	sor.u32 s20, s21;
	[tilespmem:s7+$0xFFFFFF80] =	vst v3  }
0x250: {  	v3 =	vld [tilespmem:s20+$0x8F00];
	_ =	sdelay $0x2  }
0x251: {  	v4 =	vld [tilespmem:s20+$0xB300]  }
0x252: {  	v5 =	vld [tilespmem:s20+$0x9300]  }
0x253: {  	[tilespmem:s10+$0x0] =	vst v3  }
0x254: {  	v3 =	vld [tilespmem:s20+$0xAF00];
	_ =	sdelay $0x2  }
0x255: {  	v4 =	vsub.f32 v5, v4;
	_ =	sdelay $0x1  }
0x256: {  	v4 =	vmul.f32 v4, v4;
	[tilespmem:s9+$0x0] =	vst v3  }
0x257: {  	v3 =	vld [tilespmem:s20+$0x8F10]  }
0x258: {  	(v2sf) =	vpush v4, $0x0  }
0x259: {  	(v2sf) =	vpush v4, $0x1;
	_ =	sdelay $0x1  }
0x25a: {  	(v2sf) =	vpush v4, $0x2  }
0x25b: {  	[tilespmem:s10+$0x10] =	vst v3  }
0x25c: {  	v3 =	vld [tilespmem:s20+$0xAF10];
	_ =	sdelay $0x4  }
0x25d: {  	[tilespmem:s9+$0x10] =	vst v3  }
0x25e: {  	v3 =	vld [tilespmem:s20+$0x8F20];
	_ =	sdelay $0x3  }
0x25f: {  	s21 =	spop (v2sf)  }
0x260: {  	[tilespmem:s10+$0x20] =	vst v3;
	s22 =	spop (v2sf)  }
0x261: {  	s21 =	sadd.f32 s22, s21;
	v3 =	vld [tilespmem:s20+$0xAF20]  }
0x262: {  	s22 =	spop (v2sf)  }
0x263: {  	s21 =	sadd.f32 s21, s22;
	_ =	sdelay $0x2  }
0x264: {  	[tilespmem:s9+$0x20] =	vst v3  }
0x265: {  	v3 =	vld [tilespmem:s20+$0x8F30];
	_ =	sdelay $0x4  }
0x266: {  	[tilespmem:s10+$0x30] =	vst v3  }
0x267: {  	v3 =	vld [tilespmem:s20+$0xAF30];
	_ =	sdelay $0x4  }
0x268: {  	[tilespmem:s9+$0x30] =	vst v3  }
0x269: {  	v3 =	vld [tilespmem:s20+$0x8F40];
	_ =	sdelay $0x4  }
0x26a: {  	[tilespmem:s10+$0x40] =	vst v3  }
0x26b: {  	v3 =	vld [tilespmem:s20+$0xAF40];
	_ =	sdelay $0x4  }
0x26c: {  	[tilespmem:s9+$0x40] =	vst v3  }
0x26d: {  	v3 =	vld [tilespmem:s20+$0x8F50];
	_ =	sdelay $0x4  }
0x26e: {  	[tilespmem:s10+$0x50] =	vst v3  }
0x26f: {  	v3 =	vld [tilespmem:s20+$0xAF50];
	_ =	sdelay $0x4  }
0x270: {  	[tilespmem:s9+$0x50] =	vst v3  }
0x271: {  	v3 =	vld [tilespmem:s20+$0x8F60];
	_ =	sdelay $0x4  }
0x272: {  	[tilespmem:s10+$0x60] =	vst v3  }
0x273: {  	v3 =	vld [tilespmem:s20+$0xAF60];
	_ =	sdelay $0x4  }
0x274: {  	[tilespmem:s9+$0x60] =	vst v3  }
0x275: {  	v3 =	vld [tilespmem:s20+$0x8F70];
	_ =	sdelay $0x4  }
0x276: {  	[tilespmem:s10+$0x70] =	vst v3  }
0x277: {  	v3 =	vld [tilespmem:s20+$0xAF70]  }
.Ltmp3:
0x278: {  	(pc) =	sbr.rel @p0 .LBB2_5-.Ltmp3, $4  }
0x279: {  	_ = 	snop  }
0x27a: {  	s16 =	sadd.s32 $0x100, s16  }
0x27b: {  	s18 =	sadd.s32 $0x200, s18;
	s22 =	sadd.s32 $0xFFFFFF80, s16;
	s10 =	sadd.s32 $0x100, s10  }
0x27c: {  	s22 =	sand.u32 $0x300, s22;
	s20 =	sand.u32 $0x1800, s18;
	[tilespmem:s9+$0x70] =	vst v3;
	v3 =	vmov s21;
	s9 =	sadd.s32 $0x100, s9  }
0x27d: {  	s17 =	sor.u32 s22, s20;
	[tilespmem:s7+$0x0] =	vst v3  }
0x27e: {  	v3 =	vld [tilespmem:s17+$0x8F00];
	_ =	sdelay $0x3  }
0x27f: {  	v4 =	vld [tilespmem:s17+$0xB300]  }
0x280: {  	v5 =	vld [tilespmem:s17+$0x9300];
	[tilespmem:s10+$0xFFFFFF80] =	vst v3  }
0x281: {  	v3 =	vld [tilespmem:s17+$0xAF00];
	_ =	sdelay $0x4  }
0x282: {  	[tilespmem:s9+$0xFFFFFF80] =	vst v3  }
0x283: {  	v3 =	vld [tilespmem:s17+$0x8F10];
	_ =	sdelay $0x4  }
0x284: {  	[tilespmem:s10+$0xFFFFFF90] =	vst v3  }
0x285: {  	v3 =	vld [tilespmem:s17+$0xAF10];
	_ =	sdelay $0x4  }
0x286: {  	[tilespmem:s9+$0xFFFFFF90] =	vst v3  }
0x287: {  	v3 =	vld [tilespmem:s17+$0x8F20];
	_ =	sdelay $0x4  }
0x288: {  	[tilespmem:s10+$0xFFFFFFA0] =	vst v3  }
0x289: {  	v3 =	vld [tilespmem:s17+$0xAF20];
	_ =	sdelay $0x4  }
0x28a: {  	[tilespmem:s9+$0xFFFFFFA0] =	vst v3  }
0x28b: {  	v3 =	vld [tilespmem:s17+$0x8F30];
	_ =	sdelay $0x4  }
0x28c: {  	[tilespmem:s10+$0xFFFFFFB0] =	vst v3  }
0x28d: {  	v3 =	vld [tilespmem:s17+$0xAF30];
	_ =	sdelay $0x4  }
0x28e: {  	[tilespmem:s9+$0xFFFFFFB0] =	vst v3  }
0x28f: {  	v3 =	vld [tilespmem:s17+$0x8F40];
	_ =	sdelay $0x4  }
0x290: {  	[tilespmem:s10+$0xFFFFFFC0] =	vst v3  }
0x291: {  	v3 =	vld [tilespmem:s17+$0xAF40];
	_ =	sdelay $0x4  }
0x292: {  	[tilespmem:s9+$0xFFFFFFC0] =	vst v3  }
0x293: {  	v3 =	vld [tilespmem:s17+$0x8F50];
	_ =	sdelay $0x4  }
0x294: {  	[tilespmem:s10+$0xFFFFFFD0] =	vst v3  }
0x295: {  	v3 =	vld [tilespmem:s17+$0xAF50];
	_ =	sdelay $0x3  }
0x296: {  	v4 =	vsub.f32 v5, v4  }
0x297: {  	[tilespmem:s9+$0xFFFFFFD0] =	vst v3  }
0x298: {  	v3 =	vmul.f32 v4, v4;
	v61 =	vld [tilespmem:s17+$0x8F60];
	_ =	sdelay $0x1  }
0x299: {  	(v2sf) =	vpush v3, $0x0  }
0x29a: {  	(v2sf) =	vpush v3, $0x1;
	_ =	sdelay $0x1  }
0x29b: {  	(v2sf) =	vpush v3, $0x2;
	[tilespmem:s10+$0xFFFFFFE0] =	vst v61  }
0x29c: {  	v3 =	vld [tilespmem:s17+$0xAF60];
	_ =	sdelay $0x4  }
0x29d: {  	[tilespmem:s9+$0xFFFFFFE0] =	vst v3  }
0x29e: {  	v3 =	vld [tilespmem:s17+$0x8F70];
	_ =	sdelay $0x4  }
0x29f: {  	s18 =	spop (v2sf);
	[tilespmem:s10+$0xFFFFFFF0] =	vst v3  }
0x2a0: {  	s21 =	spop (v2sf);
	v3 =	vld [tilespmem:s17+$0xAF70]  }
0x2a1: {  	s22 =	sadd.f32 s21, s18  }
0x2a2: {  	s23 =	spop (v2sf)  }
0x2a3: {  	s17 =	sadd.f32 s22, s23;
	_ =	sdelay $0x1  }
0x2a4: {  	s16 =	sand.u32 $0x380, s16;
	s21 =	sadd.s32 $0x100, s7;
	[tilespmem:s9+$0xFFFFFFF0] =	vst v3;
	v3 =	vmov s17  }
0x2a5: {  	s16 =	sor.u32 s20, s16;
	[tilespmem:s21+$0xFFFFFF80] =	vst v3  }
0x2a6: {  	v3 =	vld [tilespmem:s16+$0x8F00];
	_ =	sdelay $0x3  }
0x2a7: {  	v4 =	vld [tilespmem:s16+$0xB300]  }
0x2a8: {  	v62 =	vld [tilespmem:s16+$0x9300];
	[tilespmem:s10+$0x0] =	vst v3  }
0x2a9: {  	v3 =	vld [tilespmem:s16+$0xAF00];
	_ =	sdelay $0x4  }
0x2aa: {  	[tilespmem:s9+$0x0] =	vst v3  }
0x2ab: {  	v3 =	vld [tilespmem:s16+$0x8F10];
	_ =	sdelay $0x4  }
0x2ac: {  	[tilespmem:s10+$0x10] =	vst v3  }
0x2ad: {  	v3 =	vld [tilespmem:s16+$0xAF10];
	_ =	sdelay $0x4  }
0x2ae: {  	[tilespmem:s9+$0x10] =	vst v3  }
0x2af: {  	v3 =	vld [tilespmem:s16+$0x8F20];
	_ =	sdelay $0x4  }
0x2b0: {  	[tilespmem:s10+$0x20] =	vst v3  }
0x2b1: {  	v3 =	vld [tilespmem:s16+$0xAF20];
	_ =	sdelay $0x4  }
0x2b2: {  	[tilespmem:s9+$0x20] =	vst v3  }
0x2b3: {  	v3 =	vld [tilespmem:s16+$0x8F30];
	_ =	sdelay $0x4  }
0x2b4: {  	[tilespmem:s10+$0x30] =	vst v3  }
0x2b5: {  	v3 =	vld [tilespmem:s16+$0xAF30];
	_ =	sdelay $0x4  }
0x2b6: {  	[tilespmem:s9+$0x30] =	vst v3  }
0x2b7: {  	v3 =	vld [tilespmem:s16+$0x8F40];
	_ =	sdelay $0x4  }
0x2b8: {  	[tilespmem:s10+$0x40] =	vst v3  }
0x2b9: {  	v3 =	vld [tilespmem:s16+$0xAF40];
	_ =	sdelay $0x4  }
0x2ba: {  	[tilespmem:s9+$0x40] =	vst v3  }
0x2bb: {  	v3 =	vld [tilespmem:s16+$0x8F50];
	_ =	sdelay $0x4  }
0x2bc: {  	[tilespmem:s10+$0x50] =	vst v3  }
0x2bd: {  	v3 =	vld [tilespmem:s16+$0xAF50];
	_ =	sdelay $0x3  }
0x2be: {  	v4 =	vsub.f32 v62, v4  }
0x2bf: {  	[tilespmem:s9+$0x50] =	vst v3  }
0x2c0: {  	v3 =	vmul.f32 v4, v4;
	v63 =	vld [tilespmem:s16+$0x8F60];
	_ =	sdelay $0x1  }
0x2c1: {  	(v2sf) =	vpush v3, $0x0  }
0x2c2: {  	(v2sf) =	vpush v3, $0x1;
	_ =	sdelay $0x1  }
0x2c3: {  	(v2sf) =	vpush v3, $0x2;
	[tilespmem:s10+$0x60] =	vst v63  }
0x2c4: {  	v3 =	vld [tilespmem:s16+$0xAF60];
	_ =	sdelay $0x4  }
0x2c5: {  	[tilespmem:s9+$0x60] =	vst v3  }
0x2c6: {  	v3 =	vld [tilespmem:s16+$0x8F70];
	_ =	sdelay $0x4  }
0x2c7: {  	s22 =	spop (v2sf);
	[tilespmem:s10+$0x70] =	vst v3  }
0x2c8: {  	s23 =	spop (v2sf);
	v3 =	vld [tilespmem:s16+$0xAF70]  }
0x2c9: {  	s10 =	sadd.f32 s23, s22  }
0x2ca: {  	s17 =	spop (v2sf)  }
0x2cb: {  	s18 =	sadd.s32 s6, s3;
	s10 =	sadd.f32 s10, s17  }
0x2cc: {  	s16 =	sshll.u32 s18, $0x4  }
0x2cd: {  	s20 =	sadd.s32 $0x200, s16;
	[tilespmem:s9+$0x70] =	vst v3;
	v3 =	vmov s10  }
0x2ce: {  	s22 =	sand.u32 $0x1FFFFFF0, s20;
	[tilespmem:s21+$0x0] =	vst v3;
	s21 =	sadd.s32 s5, s20  }
0x2cf: {  	[hbm4b:s21+s2] =	stream.linear.scatter [tilespmem:s13], [sflag:$0x6], $0x1000, $0x38;
	[tilespmem:$0x12F00] =	vst v63  }
.Ltmp4:
0x2d0: {  	s7 =	sadd.s32 s5, s22;
	(pc) =	sbr.rel @p1 .LBB2_8-.Ltmp4, $4  }
0x2d1: {  	s23 =	sadd.s32 $0x4F0000, s7  }
0x2d2: {  	[hbm4b:s23+s2] =	stream.linear.scatter [tilespmem:s14], [sflag:$0x6], $0x1000, $0x38;
	[tilespmem:$0x12F00] =	vst v63  }
0x2d3: {  	s7 =	sadd.s32 $0x9E0000, s7  }
0x2d4: {  	[hbm4b:s7+s2] =	stream.linear.scatter [tilespmem:s15], [sflag:$0x6], $0x1000, $0x38;
	[tilespmem:$0x12F00] =	vst v63  }
0x2d5: {  	v3 =	vld [tilespmem:s6+$0x60];
	_ =	sdelay $0x4  }
0x2d6: {  	v4 =	vshll.u32 v3, $0x1  }
0x2d7: {  	v3 =	vand.u32 $0x7, v3;
	v4 =	vand.u32 $0xFFFFFFF0, v4  }
0x2d8: {  	v3 =	vor.u32 v3, v4  }
0x2d9: {  	v4 =	vperm.xlane v3, v0;
	_ =	sdelay $0x1  }
0x2da: {  	v3 =	vperm.xlane v3, v2;
	v4 =	vadd.s32 v1, v4;
	_ =	sdelay $0x1  }
0x2db: {  	v3 =	vadd.s32 v1, v3;
	_ =	sdelay $0x1  }
0x2dc: {  	s7 =	simm.s32 $0x8F00  }
0x2dd: {  	[tilespmem:s7], [sflag:$0x3] =	stream.indirect_vreg.gather [hbm4b:s4+s2], $0x80, v4, vm0, $0xb8;
	[tilespmem:$0x12F00] =	vst v63  }
0x2de: {  	s21 =	simm.s32 $0x9700  }
0x2df: {  	[tilespmem:s21], [sflag:$0x3] =	stream.indirect_vreg.gather [hbm4b:s4+s2], $0x80, v3, vm0, $0xb8;
	[tilespmem:$0x12F00] =	vst v63  }
0x2e0: {  	v3 =	vld [tilespmem:s6+$0x70];
	_ =	sdelay $0x4  }
0x2e1: {  	v61 =	vshll.u32 v3, $0x1  }
0x2e2: {  	v3 =	vand.u32 $0x7, v3;
	v4 =	vand.u32 $0xFFFFFFF0, v61  }
0x2e3: {  	v3 =	vor.u32 v3, v4  }
0x2e4: {  	v4 =	vperm.xlane v3, v0;
	_ =	sdelay $0x1  }
0x2e5: {  	v3 =	vperm.xlane v3, v2;
	v4 =	vadd.s32 v1, v4;
	_ =	sdelay $0x1  }
0x2e6: {  	v3 =	vadd.s32 v1, v3;
	_ =	sdelay $0x1  }
0x2e7: {  	s22 =	simm.s32 $0x9F00  }
0x2e8: {  	[tilespmem:s22], [sflag:$0x3] =	stream.indirect_vreg.gather [hbm4b:s4+s2], $0x80, v4, vm0, $0xb8;
	[tilespmem:$0x12F00] =	vst v63  }
0x2e9: {  	s23 =	simm.s32 $0xA700  }
0x2ea: {  	[tilespmem:s23], [sflag:$0x3] =	stream.indirect_vreg.gather [hbm4b:s4+s2], $0x80, v3, vm0, $0xb8;
	[tilespmem:$0x12F00] =	vst v63  }
0x2eb: {  	v3 =	vld [tilespmem:s6+$0x27E0];
	_ =	sdelay $0x4  }
0x2ec: {  	v62 =	vshll.u32 v3, $0x1  }
0x2ed: {  	v3 =	vand.u32 $0x7, v3;
	v4 =	vand.u32 $0xFFFFFFF0, v62  }
0x2ee: {  	v3 =	vor.u32 v3, v4  }
0x2ef: {  	v4 =	vperm.xlane v3, v0;
	_ =	sdelay $0x1  }
0x2f0: {  	v3 =	vperm.xlane v3, v2;
	v4 =	vadd.s32 v1, v4;
	_ =	sdelay $0x1  }
0x2f1: {  	v3 =	vadd.s32 v1, v3;
	_ =	sdelay $0x2  }
0x2f2: {  	[tilespmem:s24], [sflag:$0x4] =	stream.indirect_vreg.gather [hbm4b:s4+s2], $0x80, v4, vm0, $0xb8;
	[tilespmem:$0x12F00] =	vst v63  }
0x2f3: {  	_ = 	snop  }
0x2f4: {  	[tilespmem:s25], [sflag:$0x4] =	stream.indirect_vreg.gather [hbm4b:s4+s2], $0x80, v3, vm0, $0xb8;
	[tilespmem:$0x12F00] =	vst v63  }
0x2f5: {  	v3 =	vld [tilespmem:s6+$0x27F0];
	_ =	sdelay $0x4  }
0x2f6: {  	v63 =	vshll.u32 v3, $0x1  }
0x2f7: {  	v3 =	vand.u32 $0x7, v3;
	v4 =	vand.u32 $0xFFFFFFF0, v63  }
0x2f8: {  	v3 =	vor.u32 v3, v4  }
0x2f9: {  	v4 =	vperm.xlane v3, v0;
	_ =	sdelay $0x1  }
0x2fa: {  	v3 =	vperm.xlane v3, v2;
	v4 =	vadd.s32 v1, v4;
	_ =	sdelay $0x1  }
0x2fb: {  	v3 =	vadd.s32 v1, v3  }
.Ltmp5:
0x2fc: {  	_ = 	snop;
	(pc) =	sbr.rel .LBB2_2-.Ltmp5, $4  }
0x2fd: {  	_ = 	snop  }
0x2fe: {  	[tilespmem:s26], [sflag:$0x4] =	stream.indirect_vreg.gather [hbm4b:s4+s2], $0x80, v4, vm0, $0xb8;
	[tilespmem:$0x12F00] =	vst v63  }
0x2ff: {  	s19 =	sadd.s32 $0x1, s19  }
0x300: {  	[tilespmem:s28], [sflag:$0x4] =	stream.indirect_vreg.gather [hbm4b:s4+s2], $0x80, v3, vm0, $0xb8;
	[tilespmem:$0x12F00] =	vst v63  }
.LBB2_9:
0x301: {  	_ =	sfence.sel $0x180000  }
0x302: {  	[bflag:$0x0] =	sbarrier.arrive $0xFFFF  }
0x303: {  	_ =	strace $0x9000004D  }
0x304: {  	s0 =	stileid.u32;
	[bflag:$0x2] =	sbarrier.arrive $0xFFFF  }
0x305: {  	p0 =	sne.s32 s0, $0x0;
	s0 =	rddreg [dreg:$0x1]  }
0x306: {  	s0 =	sadd.s32 @!p0 $0x100000, s0  }
0x307: {  	[sflag:s0] =	ssyncadd.tile.s32 @!p0 $0x1;
	_ =	shalt  }
.Lfunc_end2:
_tile_overlayer_lowered:
.L_overlay_start_2:
0x308: {  	(tag) =	ssettag $0x2  }
0x309: {  	s0 =	rddreg [dreg:$0x0];
	s2 =	stileid.u32  }
0x30a: {  	s1 =	rddreg [dreg:$0x1];
	p0 =	sne.s32 s2, $0x0  }
0x30b: {  	s3 =	rddreg [dreg:$0x2];
	[bflag:$0x3] =	sbarrier.arrive $0xFFFF;
	s2 =	simm.s32 @!p0 $0x1C07  }
0x30c: {  	[timem:s3], [sflag:s2] =	dma.local @!p0 [hbm:s0], s1  }
0x30d: {  	s0 =	simm.s32 @!p0 $0x7  }
0x30e: {  	_ =	swait.ge @!p0 [sflag:s0], s1  }
0x30f: {  	s1 =	ssub.s32 @!p0 $0x0, s1;
	[sflag:s0] =	ssyncset.done @!p0 $0x0  }
0x310: {  	[sflag:s0] =	ssyncadd.s32 @!p0 s1  }
0x311: {  	[bflag:$0x3] =	sbarrier.arrive $0xFFFF  }
0x312: {  	_ =	shalt  }

// kernel: kernel.21.cloned.1.call-start
scs
__scs_entry_jumppad:
0x0: {  	(pc) =	sbr.rel $0x88, $3  }
0x1: {  	(tag) =	ssettag $0x0;
	lr =	simm.s32 $0x1  }
0x2: {  	[smem:$0x3F6F] =	sst lr;
	_ =	strace $0xD0000000  }
0x3: {  	_ = 	snop  }
0x4: {  	_ = 	snop  }
0x5: {  	_ = 	snop  }
0x6: {  	_ = 	snop  }
0x7: {  	_ = 	snop  }
__scs_overlays_trampoline_lowered:
0x8: {  	[smem:$0x3F7E] =	sst s0  }
0x9: {  	[smem:$0x3F7F] =	sst s1  }
0xa: {  	[smem:$0x3F80] =	sst s2  }
0xb: {  	[smem:$0x3F81] =	sst s3  }
0xc: {  	[smem:$0x3F82] =	sst s4  }
0xd: {  	[smem:$0x3F83] =	sst s5  }
0xe: {  	[smem:$0x3F84] =	sst s6  }
0xf: {  	[smem:$0x3F85] =	sst s7  }
0x10: {  	[smem:$0x3F86] =	sst s8  }
0x11: {  	[smem:$0x3F87] =	sst s9;
	s0 =	simm.s32 @!p0 $0x0  }
0x12: {  	s1 =	sld [smem:$0x3F6D];
	s0 =	simm.s32 @p0 $0x1  }
0x13: {  	[smem:$0x3F88] =	sst s0;
	s0 =	simm.s32 @!p1 $0x0  }
0x14: {  	s2 =	sld [smem:$0x3F6C];
	s0 =	simm.s32 @p1 $0x1  }
0x15: {  	[smem:$0x3F89] =	sst s0;
	s0 =	simm.s32 @!p2 $0x0  }
0x16: {  	s3 =	sld [smem:$0x3FDB];
	s0 =	simm.s32 @p2 $0x1  }
0x17: {  	s4 =	simm.s32 $0x1BF5;
	[smem:$0x3F8B] =	sst s0  }
0x18: {  	s0 =	sld [smem:$0x3F6E];
	_ =	swait.ge [sflag:s4], $0x0  }
0x19: {  	s7 =	sld [smem:$0x3F6F]  }
0x1a: {  	s8 =	sadd.s32 $0xFFFFE003, lr  }
0x1b: {  	s9 =	sadd.s32 $0xFFFFFEF7, lr;
	s5 =	simm.s32 $0xFFFFFFFF;
	p2 =	slt.u32 s8, $0xFFFFF086  }
0x1c: {  	p1 =	slt.u32 s9, $0xF7A;
	s5 =	simm.s32 @!p2 $0x0  }
0x1d: {  	s5 =	simm.s32 @p1 $0x1;
	p0 =	seq.s32 s7, s2  }
0x1e: {  	s7 =	smul.u32 @!p0 $0xF7A, s2;
	p2 =	seq.s32 @!p0 s5, $0x0  }
0x1f: {  	s9 =	smul.u32 $0xF7A, s1;
	s8 =	simm.s32 @!p0 $0x1BF5;
	p2 =	por !p2, p0  }
0x20: {  	[sflag:s8] =	ssyncset.s32 @!p0 $0xFFFFF086;
	s6 =	sadd.s32 @!p0 s3, s7;
	s7 =	simm.s32 @!p0 $0x108  }
0x21: {  	s3 =	sadd.s32 s3, s9;
	s6 =	sadd.s32 @!p0 $0x88, s6;
	s7 =	simm.s32 @p2 $0x1082  }
0x22: {  	[simem:s7], [sflag:s8] =	dma.local @!p0 [hbm:s6], $0xF7A  }
0x23: {  	s9 =	sor.u32 $0xD0000000, s2;
	s6 =	simm.s32 $0x108;
	_ =	swait.ge @!p0 [sflag:s8], $0x0  }
0x24: {  	s3 =	sadd.s32 $0x88, s3;
	s6 =	simm.s32 @!p1 $0x1082;
	[sflag:s4] =	ssyncset.s32 $0xFFFFF086  }
0x25: {  	[simem:s6], [sflag:s4] =	dma.local [hbm:s3], $0xF7A  }
0x26: {  	[smem:$0x3F6F] =	sst s1;
	(tag) =	ssettag s2;
	_ =	strace s9  }
0x27: {  	s1 =	sld [smem:$0x3F7F]  }
0x28: {  	s2 =	sld [smem:$0x3F80]  }
0x29: {  	s4 =	sld [smem:$0x3F82]  }
0x2a: {  	p0 =	seq.s32 s5, $0x0;
	s5 =	sld [smem:$0x3F83]  }
0x2b: {  	s6 =	sld [smem:$0x3F84]  }
0x2c: {  	s7 =	sld [smem:$0x3F85]  }
0x2d: {  	s3 =	simm.s32 $0x108;
	s8 =	sld [smem:$0x3F86]  }
0x2e: {  	s3 =	simm.s32 @!p0 $0x1082;
	s9 =	sld [smem:$0x3F87]  }
0x2f: {  	lr =	sadd.s32 s0, s3;
	s0 =	sld [smem:$0x3F7E]  }
0x30: {  	s3 =	sld [smem:$0x3F81]  }
0x31: {  	[smem:$0x3F8A] =	sst s10  }
0x32: {  	s10 =	sld [smem:$0x3F88];
	_ =	sdelay $0x3  }
0x33: {  	p0 =	seq.s32 s10, $0x1;
	s10 =	sld [smem:$0x3F8A];
	_ =	sdelay $0x3  }
0x34: {  	[smem:$0x3F8A] =	sst s10  }
0x35: {  	s10 =	sld [smem:$0x3F89];
	_ =	sdelay $0x3  }
0x36: {  	p1 =	seq.s32 s10, $0x1;
	s10 =	sld [smem:$0x3F8A];
	_ =	sdelay $0x3  }
0x37: {  	[smem:$0x3F8A] =	sst s10  }
0x38: {  	s10 =	sld [smem:$0x3F8B]  }
0x39: {  	_ = 	snop;
	(pc) =	sbr.ind lr, $3  }
0x3a: {  	_ = 	snop  }
0x3b: {  	_ = 	snop  }
0x3c: {  	p2 =	seq.s32 s10, $0x1;
	s10 =	sld [smem:$0x3F8A]  }
0x3d: {  	_ =	shalt  }
0x3e: {  	_ =	shalt  }
0x3f: {  	_ =	shalt  }
0x40: {  	_ =	shalt  }
0x41: {  	_ =	shalt  }
0x42: {  	_ =	shalt  }
0x43: {  	_ =	shalt  }
0x44: {  	_ =	shalt  }
0x45: {  	_ =	shalt  }
0x46: {  	_ =	shalt  }
0x47: {  	_ =	shalt  }
0x48: {  	_ =	shalt  }
0x49: {  	_ =	shalt  }
0x4a: {  	_ =	shalt  }
0x4b: {  	_ =	shalt  }
0x4c: {  	_ =	shalt  }
0x4d: {  	_ =	shalt  }
0x4e: {  	_ =	shalt  }
0x4f: {  	_ =	shalt  }
0x50: {  	_ =	shalt  }
0x51: {  	_ =	shalt  }
0x52: {  	_ =	shalt  }
0x53: {  	_ =	shalt  }
0x54: {  	_ =	shalt  }
0x55: {  	_ =	shalt  }
0x56: {  	_ =	shalt  }
0x57: {  	_ =	shalt  }
0x58: {  	_ =	shalt  }
0x59: {  	_ =	shalt  }
0x5a: {  	_ =	shalt  }
0x5b: {  	_ =	shalt  }
0x5c: {  	_ =	shalt  }
0x5d: {  	_ =	shalt  }
0x5e: {  	_ =	shalt  }
0x5f: {  	_ =	shalt  }
0x60: {  	_ =	shalt  }
0x61: {  	_ =	shalt  }
0x62: {  	_ =	shalt  }
0x63: {  	_ =	shalt  }
0x64: {  	_ =	shalt  }
0x65: {  	_ =	shalt  }
0x66: {  	_ =	shalt  }
0x67: {  	_ =	shalt  }
0x68: {  	_ =	shalt  }
0x69: {  	_ =	shalt  }
0x6a: {  	_ =	shalt  }
0x6b: {  	_ =	shalt  }
0x6c: {  	_ =	shalt  }
0x6d: {  	_ =	shalt  }
0x6e: {  	_ =	shalt  }
0x6f: {  	_ =	shalt  }
0x70: {  	_ =	shalt  }
0x71: {  	_ =	shalt  }
0x72: {  	_ =	shalt  }
0x73: {  	_ =	shalt  }
0x74: {  	_ =	shalt  }
0x75: {  	_ =	shalt  }
0x76: {  	_ =	shalt  }
0x77: {  	_ =	shalt  }
0x78: {  	_ =	shalt  }
0x79: {  	_ =	shalt  }
0x7a: {  	_ =	shalt  }
0x7b: {  	_ =	shalt  }
0x7c: {  	_ =	shalt  }
0x7d: {  	_ =	shalt  }
0x7e: {  	_ =	shalt  }
0x7f: {  	_ =	shalt  }
0x80: {  	_ =	shalt  }
0x81: {  	_ =	shalt  }
0x82: {  	_ =	shalt  }
0x83: {  	_ =	shalt  }
0x84: {  	_ =	shalt  }
0x85: {  	_ =	shalt  }
0x86: {  	_ =	shalt  }
0x87: {  	_ =	shalt  }
.Lfunc_end0:
.L_simem_size_0:
called_computation.3_lowered:
.L_overlay_start_0:
0x88: {  	s2 =	sld [smem:$0x3FD9]  }
0x89: {  	s3 =	sld [smem:$0x3FFE];
	_ =	sdelay $0x1  }
0x8a: {  	s1 =	srdreg.scid  }
0x8b: {  	s0 =	sand.u32 $0x1, s1  }
0x8c: {  	s16 =	sshll.u32 s0, $0xA;
	s2 =	sadd.s32 s3, s2  }
0x8d: {  	s2 =	sadd.s32 s2, s16  }
0x8e: {  	[smem:$0x3F96] =	sst s2  }
0x8f: {  	_ = 	snop  }
0x90: {  	(tm) =	ssettm $0x1  }
0x91: {  	s17 =	sld [smem:$0x3FFB];
	_ =	sdelay $0x3  }
0x92: {  	_ =	strace s17  }
0x93: {  	s2 =	sld [smem:$0x3FFC];
	_ =	sdelay $0x3  }
0x94: {  	_ =	strace s2  }
0x95: {  	s2 =	sld [smem:$0x3FFD];
	_ =	sdelay $0x3  }
0x96: {  	_ =	strace s2  }
0x97: {  	_ =	strace $0x8FFFFFFF  }
0x98: {  	s18 =	sld [smem:$0x3FDB];
	_ =	sdelay $0x1  }
0x99: {  	s19 =	simm.s32 $_scs_section_size  }
0x9a: {  	s4 =	simm.s32 $_size__tile_overlayer_lowered;
	s5 =	simm.s32 $_tile_overlayer_lowered  }
0x9b: {  	s22 =	simm.s32 $0x1BFF;
	s21 =	sshll.u32 s5, $0x1;
	s2 =	sadd.s32 s19, s18  }
0x9c: {  	s6 =	simm.s32 $0x0;
	s20 =	sshll.u32 s4, $0x1;
	s4 =	sadd.s32 s21, s2  }
0x9d: {  	[timem:s6], [sflag:s22] =	dma.local [hbm:s4], s20  }
0x9e: {  	_ =	swait.ge [sflag:s22], s20  }
0x9f: {  	s3 =	ssub.s32 $0x0, s20;
	[sflag:s22] =	ssyncset.done $0x0  }
0xa0: {  	[sflag:s22] =	ssyncadd.s32 s3;
	_ =	sdelay $0x1  }
0xa1: {  	s23 =	simm.s32 $0x1B8B  }
0xa2: {  	_ =	swait.ge [sflag:s23], $0x1  }
0xa3: {  	[sflag:s23] =	ssyncset.done $0x0  }
0xa4: {  	s25 =	simm.s32 $0x1B8E;
	s24 =	sld [smem:$0x3FFE];
	[sflag:s23] =	ssyncadd.s32 $0xFFFFFFFF  }
0xa5: {  	s26 =	simm.s32 $execute0_lowered;
	[smem:$0x3FD2] =	sst s25  }
0xa6: {  	s4 =	sshll.u32 s26, $0x1;
	_ =	strace $0x8000004F;
	[dreg:$0x1] =	wrdreg $0xFFFFFFFF  }
0xa7: {  	s28 =	simm.s32 $_size_execute0_lowered;
	s2 =	sadd.s32 s2, s4;
	[dreg:$0x0] =	wrdreg $0x0  }
0xa8: {  	s4 =	sshll.u32 s28, $0x1;
	[dreg:$0x2] =	wrdreg s2  }
0xa9: {  	[dreg:$0x3] =	wrdreg s4  }
0xaa: {  	[dreg:$0x4] =	wrdreg $0xC0  }
0xab: {  	_ =	task [dreg:s6], $0x5FFFF  }
0xac: {  	[dreg:$0x1] =	wrdreg $0xFFFFFFFF  }
0xad: {  	[dreg:$0x0] =	wrdreg $0x60  }
0xae: {  	[dreg:$0x2] =	wrdreg s24  }
0xaf: {  	[dreg:$0x3] =	wrdreg $0x40800  }
0xb0: {  	[dreg:$0x4] =	wrdreg $0x9  }
0xb1: {  	_ =	task.clear_ibuf [dreg:s6], $0x5FFFF;
	_ =	strace $0x9000004F  }
0xb2: {  	s29 =	simm.s32 $0x9;
	_ =	strace $0x80000051  }
0xb3: {  	_ =	swait.ge [sflag:s29], $0x1  }
0xb4: {  	[sflag:s29] =	ssyncadd.s32 $0xFFFFFFFF  }
0xb5: {  	_ =	strace $0x90000051  }
0xb6: {  	_ =	sfence  }
0xb7: {  	s30 =	sld [smem:$0x0];
	_ =	sdelay $0x2  }
0xb8: {  	s31 =	sshll.u32 s1, $0xD;
	s1 =	sshrl.u32 s1, $0x2  }
0xb9: {  	s3 =	sand.u32 $0x4000, s31;
	s1 =	sadd.s32 s1, s30  }
0xba: {  	s0 =	sor.u32 s3, s0;
	s1 =	sshll.u32 s1, $0x11  }
0xbb: {  	s0 =	sor.u32 s1, s0  }
0xbc: {  	s0 =	sadd.s32 $0x8F2B, s0  }
0xbd: {  	[sflag:s0] =	ssyncadd.remote.s32 $0x1  }
0xbe: {  	_ =	sfence.sel $0xFFFF  }
0xbf: {  	[dreg:$0x0] =	wrdreg $0xFFFFFFFF;
	(pc) =	sbr.abs _section_cstart, $3  }
0xc0: {  	[dreg:$0x1] =	wrdreg $0xFFFFFFFF  }
0xc1: {  	_ =	task.clear_ibuf [dreg:s6], $0x2FFFF;
	_ =	strace $0x9FFFFFFF  }
0xc2: {  	(tm) =	ssettm $0x7FFFFFFF  }
0xc3: {  	_ =	shalt  }
tec
execute0_lowered:
.L_overlay_start_1:
0x0: {  	(tag) =	ssettag $0x1  }
0x1: {  	s0 =	stileid.u32;
	s1 =	srdreg.scid  }
0x2: {  	s5 =	rddreg [dreg:$0x0];
	s4 =	smul.u32 $0x4F000, s0  }
0x3: {  	s2 =	rddreg [dreg:$0x1];
	s3 =	simm.s32 $0x0;
	s7 =	smul.u32 $0x4F00, s0  }
0x4: {  	s14 =	simm.s32 $0x1;
	s17 =	simm.s32 $0x0;
	s10 =	smul.u32 $0x14000, s0  }
0x5: {  	s6 =	sand.u32 $0x1, s1;
	s1 =	rddreg [dreg:$0x2];
	s24 =	smul.u32 $0x50000, s0  }
0x6: {  	[smem:$0x7FF] =	sst s3;
	s15 =	sshll.u32 s0, $0x6;
	s8 =	smul.u32 $0x2780, s6  }
0x7: {  	s9 =	smul.u32 $0x140000, s6;
	_ =	strace $0x80000050;
	s26 =	ssub.s32 $0x2, s6  }
0x8: {  	s13 =	smul.u32 $0x27800, s6;
	s15 =	sor.u32 $0x1C01, s15;
	s11 =	sadd.s32 s4, s5  }
0x9: {  	s29 =	sshrl.u32 s26, $0x1;
	s30 =	sshrl.u32 s24, $0x2;
	s22 =	sadd.s32 s8, s7  }
0xa: {  	s23 =	sadd.s32 s10, s9;
	s31 =	ssub.s32 s26, s29;
	s11 =	sadd.s32 s13, s11  }
0xb: {  	s13 =	simm.s32 $0x80;
	s4 =	sshrl.u32 s22, $0x3;
	s25 =	sshrl.u32 s23, $0x3  }
0xc: {  	s10 =	smax.u32 s31, $0x1;
	s12 =	sadd.s32 s4, s5;
	s4 =	sadd.s32 s30, s2  }
0xd: {  	s11 =	sadd.s32 $0xFB4800, s11;
	s28 =	sadd.s32 s25, s5;
	s5 =	sadd.s32 $0x4000, s4  }
0xe: {  	s6 =	sadd.s32 $0x8000, s4;
	s7 =	sadd.s32 $0xC000, s4;
	s8 =	sadd.s32 $0x10000, s4  }
0xf: {  	v0 =	vimm.f32 $0.0e+00;
	s9 =	sadd.s32 $0x44800, s28;
	s12 =	sadd.s32 $0x3AA00, s12;
	s16 =	sshrl.u32 s4, $0x3  }
.LBB2_1:
0x10: {  	s18 =	simm.s32 $0x0;
	s19 =	simm.s32 $0x200  }
.LBB2_2:
0x11: {  	p0 =	sne.s32 s19, $0xFE00;
	[tilespmem:s18+$0xF0] =	vst v0  }
0x12: {  	[tilespmem:s18+$0x80] =	vst v0  }
0x13: {  	[tilespmem:s18+$0x90] =	vst v0  }
.Ltmp0:
0x14: {  	[tilespmem:s18+$0xA0] =	vst v0;
	(pc) =	sbr.rel @p0 .LBB2_2-.Ltmp0, $4  }
0x15: {  	[tilespmem:s18+$0xB0] =	vst v0  }
0x16: {  	[tilespmem:s18+$0xC0] =	vst v0  }
0x17: {  	[tilespmem:s18+$0xD0] =	vst v0  }
0x18: {  	[tilespmem:s18+$0xE0] =	vst v0;
	s18 =	sshra.s32 s19, $0x2;
	s19 =	sadd.s32 $0x200, s19  }
0x19: {  	[tilespmem:s18+$0xF0] =	vst v0  }
0x1a: {  	[tilespmem:s18+$0x80] =	vst v0  }
0x1b: {  	[tilespmem:s18+$0x90] =	vst v0  }
0x1c: {  	[tilespmem:s18+$0xA0] =	vst v0  }
0x1d: {  	[tilespmem:s18+$0xB0] =	vst v0  }
0x1e: {  	[tilespmem:s18+$0xC0] =	vst v0  }
0x1f: {  	[tilespmem:s18+$0xD0] =	vst v0  }
0x20: {  	[tilespmem:s18+$0xE0] =	vst v0  }
0x21: {  	[spmem:s4] =	stream.linear.scatter [tilespmem:s13], [sflag:$0x1], $0x4000, $0x38;
	[tilespmem:$0x18080] =	vst v63  }
0x22: {  	_ =	swait.ge [sflag:s14], $0x4000  }
0x23: {  	[sflag:s14] =	ssyncset.done $0x0  }
0x24: {  	[sflag:s14] =	ssyncadd.s32 $0xFFFFC000  }
0x25: {  	[spmem:s5] =	stream.linear.scatter [tilespmem:s13], [sflag:$0x1], $0x4000, $0x38;
	[tilespmem:$0x18080] =	vst v63  }
0x26: {  	_ =	swait.ge [sflag:s14], $0x4000  }
0x27: {  	[sflag:s14] =	ssyncset.done $0x0  }
0x28: {  	[sflag:s14] =	ssyncadd.s32 $0xFFFFC000  }
0x29: {  	[spmem:s6] =	stream.linear.scatter [tilespmem:s13], [sflag:$0x1], $0x4000, $0x38;
	[tilespmem:$0x18080] =	vst v63  }
0x2a: {  	_ =	swait.ge [sflag:s14], $0x4000  }
0x2b: {  	[sflag:s14] =	ssyncset.done $0x0  }
0x2c: {  	[sflag:s14] =	ssyncadd.s32 $0xFFFFC000  }
0x2d: {  	[spmem:s7] =	stream.linear.scatter [tilespmem:s13], [sflag:$0x1], $0x4000, $0x38;
	[tilespmem:$0x18080] =	vst v63  }
0x2e: {  	_ =	swait.ge [sflag:s14], $0x4000  }
0x2f: {  	[sflag:s14] =	ssyncset.done $0x0  }
0x30: {  	[sflag:s14] =	ssyncadd.s32 $0xFFFFC000  }
0x31: {  	[spmem:s8] =	stream.linear.scatter [tilespmem:s13], [sflag:$0x1], $0x4000, $0x38;
	[tilespmem:$0x18080] =	vst v63  }
0x32: {  	_ =	swait.ge [sflag:s14], $0x4000  }
0x33: {  	[sflag:s14] =	ssyncset.done $0x0  }
0x34: {  	[sflag:s14] =	ssyncadd.s32 $0xFFFFC000  }
0x35: {  	s31 =	sadd.s32 $0x0, s12;
	[bflag:$0x0] =	sbarrier.arrive $0xFFFF  }
0x36: {  	[tilespmem:s3], [sflag:$0x1] =	stream.linear.gather [hbm4b:s31+s3], $0x80, $0x38;
	[tilespmem:$0x18080] =	vst v63  }
0x37: {  	_ =	swait.ge [sflag:s14], $0x80  }
0x38: {  	[sflag:s14] =	ssyncset.done $0x0  }
0x39: {  	[sflag:s14] =	ssyncadd.s32 $0xFFFFFF80  }
0x3a: {  	[tilespmem:s13], [sflag:$0x1] =	stream.linear.gather [hbm4b:s11+s3], $0x4000, $0x38;
	[tilespmem:$0x18080] =	vst v63  }
0x3b: {  	_ =	swait.ge [sflag:s14], $0x4000  }
0x3c: {  	[sflag:s14] =	ssyncset.done $0x0  }
0x3d: {  	[sflag:s14] =	ssyncadd.s32 $0xFFFFC000  }
0x3e: {  	[spmem:s2] =	stream.indirect.scatter.add.f32 [tilespmem:s13], [sflag:$0x1], $0x80, s3, s13, $0xb8;
	[tilespmem:$0x18080] =	vst v63  }
0x3f: {  	s19 =	simm.s32 $0x10;
	_ =	swait.ge [sflag:s14], $0x4000  }
0x40: {  	s20 =	simm.s32 $0x20;
	s18 =	sadd.s32 $0x800, s11;
	[sflag:s14] =	ssyncset.done $0x0  }
.LBB2_4:
0x41: {  	s21 =	sadd.s32 s19, s12  }
0x42: {  	[sflag:s14] =	ssyncadd.s32 $0xFFFFC000;
	s19 =	smov.u32 s20;
	s22 =	sadd.s32 $0x10, s20  }
0x43: {  	[tilespmem:s3], [sflag:$0x1] =	stream.linear.gather [hbm4b:s21+s3], $0x80, $0x38;
	[tilespmem:$0x18080] =	vst v63  }
0x44: {  	p0 =	sne.s32 s20, $0x4E0;
	_ =	swait.ge [sflag:s14], $0x80  }
0x45: {  	[sflag:s14] =	ssyncset.done $0x0  }
0x46: {  	[sflag:s14] =	ssyncadd.s32 $0xFFFFFF80  }
0x47: {  	[tilespmem:s13], [sflag:$0x1] =	stream.linear.gather [hbm4b:s18+s3], $0x4000, $0x38;
	[tilespmem:$0x18080] =	vst v63  }
0x48: {  	_ =	swait.ge [sflag:s14], $0x4000  }
.Ltmp1:
0x49: {  	[sflag:s14] =	ssyncset.done $0x0;
	(pc) =	sbr.rel @p0 .LBB2_4-.Ltmp1, $4  }
0x4a: {  	[sflag:s14] =	ssyncadd.s32 $0xFFFFC000  }
0x4b: {  	[spmem:s2] =	stream.indirect.scatter.add.f32 [tilespmem:s13], [sflag:$0x1], $0x80, s3, s13, $0xb8;
	[tilespmem:$0x18080] =	vst v63  }
0x4c: {  	_ =	swait.ge [sflag:s14], $0x4000  }
0x4d: {  	s20 =	smov.u32 s22;
	s18 =	sadd.s32 $0x800, s18;
	[sflag:s14] =	ssyncset.done $0x0  }
0x4e: {  	s19 =	sadd.s32 s19, s12;
	[sflag:s14] =	ssyncadd.s32 $0xFFFFC000  }
0x4f: {  	[tilespmem:s3], [sflag:$0x1] =	stream.linear.gather [hbm4b:s19+s3], $0x80, $0x38;
	[tilespmem:$0x18080] =	vst v63  }
0x50: {  	_ =	swait.ge [sflag:s14], $0x80  }
0x51: {  	[sflag:s14] =	ssyncset.done $0x0  }
0x52: {  	[sflag:s14] =	ssyncadd.s32 $0xFFFFFF80  }
0x53: {  	[tilespmem:s13], [sflag:$0x1] =	stream.linear.gather [hbm4b:s18+s3], $0x4000, $0x38;
	[tilespmem:$0x18080] =	vst v63  }
0x54: {  	_ =	swait.ge [sflag:s14], $0x4000  }
0x55: {  	[sflag:s14] =	ssyncset.done $0x0  }
0x56: {  	[sflag:s14] =	ssyncadd.s32 $0xFFFFC000  }
0x57: {  	[spmem:s2] =	stream.indirect.scatter.add.f32 [tilespmem:s13], [sflag:$0x1], $0x80, s3, s13, $0xb8;
	[tilespmem:$0x18080] =	vst v63  }
0x58: {  	_ =	swait.ge [sflag:s14], $0x4000  }
0x59: {  	s17 =	sadd.s32 $0x1, s17;
	[sflag:s14] =	ssyncset.done $0x0  }
0x5a: {  	p0 =	sne.s32 s17, s10;
	[sflag:s14] =	ssyncadd.s32 $0xFFFFC000  }
.Ltmp2:
0x5b: {  	[bflag:$0x0] =	sbarrier.arrive $0xFFFF;
	(pc) =	sbr.rel @p0 .LBB2_1-.Ltmp2, $4  }
0x5c: {  	[hbm:s9], [sflag:s15] =	dma.local [spmem:s16], $0x2800  }
0x5d: {  	_ =	swait.ge [sflag:s14], $0x2800  }
0x5e: {  	[sflag:s14] =	ssyncset.done $0x0  }
0x5f: {  	[sflag:s14] =	ssyncadd.s32 $0xFFFFD800  }
0x60: {  	_ =	sfence.sel $0x180000  }
0x61: {  	[bflag:$0x0] =	sbarrier.arrive $0xFFFF  }
0x62: {  	p0 =	sne.s32 s0, $0x0;
	_ =	strace $0x90000050  }
0x63: {  	s0 =	sadd.s32 @!p0 $0x100000, s1;
	[bflag:$0x2] =	sbarrier.arrive $0xFFFF  }
0x64: {  	[sflag:s0] =	ssyncadd.tile.s32 @!p0 $0x1;
	_ =	shalt  }
.Lfunc_end2:
_tile_overlayer_lowered:
.L_overlay_start_2:
0x65: {  	(tag) =	ssettag $0x2  }
0x66: {  	s0 =	rddreg [dreg:$0x0];
	s2 =	stileid.u32  }
0x67: {  	s1 =	rddreg [dreg:$0x1];
	p0 =	sne.s32 s2, $0x0  }
0x68: {  	s3 =	rddreg [dreg:$0x2];
	[bflag:$0x3] =	sbarrier.arrive $0xFFFF;
	s2 =	simm.s32 @!p0 $0x1C01  }
0x69: {  	[timem:s3], [sflag:s2] =	dma.local @!p0 [hbm:s0], s1  }
0x6a: {  	s0 =	simm.s32 @!p0 $0x1  }
0x6b: {  	_ =	swait.ge @!p0 [sflag:s0], s1  }
0x6c: {  	s1 =	ssub.s32 @!p0 $0x0, s1;
	[sflag:s0] =	ssyncset.done @!p0 $0x0  }
0x6d: {  	[sflag:s0] =	ssyncadd.s32 @!p0 s1  }
0x6e: {  	[bflag:$0x3] =	sbarrier.arrive $0xFFFF  }
0x6f: {  	_ =	shalt  }

</sc_bundles>
